<compile_context>
chip_gen: v7x
topology: tpu7x:2x2x1
jax: 0.10.2.dev20260603
libtpu: 0.0.44.dev20260713+nightly
codegen_flags: <defaults>
</compile_context>

<pallas_src>
import functools
import math

import jax
import jax.numpy as jnp
from jax import lax
from jax.experimental import pallas as pl
from jax.experimental.pallas import tpu as pltpu
from jax.experimental.pallas import tpu_sc as plsc

_VOCAB = 1000000
_D = 64
_B = 4096
_H = 200
_NW = 32
_RPW = _B // _NW
_SZ = (104, 96)
_OFF = (0, 104)
_NSUB = _RPW * 2
_SCALE = math.sqrt(_D)
_NBUF = 8
_LOOK = 3


def kernel(x, lut):
    mesh = plsc.VectorSubcoreMesh(core_axis_name="c", subcore_axis_name="s")

    @functools.partial(
        pl.kernel,
        mesh=mesh,
        out_type=jax.ShapeDtypeStruct((_B, _H, _D), jnp.float32),
        scratch_types=[
            pltpu.VMEM((_RPW, _H), jnp.int32),
            [pltpu.VMEM((_SZ[s % 2], _D), jnp.float32) for s in range(_NBUF)],
            [pltpu.SemaphoreType.DMA for _ in range(_NBUF)],
            [pltpu.SemaphoreType.DMA for _ in range(_NBUF)],
        ],
        compiler_params=pltpu.CompilerParams(use_tc_tiling_on_sc=False),
    )
    def k(x_hbm, lut_hbm, out_hbm, idx_v, bufs, gsems, ssems):
        wid = lax.axis_index("s") * 2 + lax.axis_index("c")
        row0 = wid * _RPW
        pltpu.sync_copy(x_hbm.at[pl.ds(row0, _RPW), :], idx_v)

        def gather_src(r, h):
            return lut_hbm.at[idx_v.at[r, pl.ds(_OFF[h], _SZ[h])]]

        def out_dst(r, h):
            return out_hbm.at[row0 + r, pl.ds(_OFF[h], _SZ[h]), :]

        for c in range(_LOOK):
            pltpu.async_copy(gather_src(c // 2, c % 2), bufs[c], gsems[c])

        def tick(i, carry):
            c0 = i * _NBUF
            for s in range(_NBUF):
                c = c0 + s
                h = s % 2
                sg = (s + _LOOK) % _NBUF
                hg = sg % 2
                cg = c + _LOOK

                @pl.when(cg >= _NBUF)
                def _():
                    pltpu.make_async_copy(
                        bufs[sg], out_dst((cg - _NBUF) // 2, hg),
                        ssems[sg]).wait()

                @pl.when(cg < _NSUB)
                def _():
                    pltpu.async_copy(gather_src(cg // 2, hg), bufs[sg],
                                     gsems[sg])

                pltpu.make_async_copy(gather_src(c // 2, h), bufs[s],
                                      gsems[s]).wait()

                def srow(r, c2):
                    for col in range(_D // 16):
                        sl = pl.ds(col * 16, 16)
                        bufs[s][r, sl] = bufs[s][r, sl] * _SCALE
                    return c2

                lax.fori_loop(0, _SZ[h], srow, 0, unroll=4)
                pltpu.async_copy(bufs[s], out_dst(c // 2, h), ssems[s])
            return carry

        lax.fori_loop(0, _NSUB // _NBUF, tick, 0)

        for c in range(_NSUB - (_NBUF - _LOOK), _NSUB):
            s = c % _NBUF
            pltpu.make_async_copy(bufs[s], out_dst(c // 2, s % 2),
                                  ssems[s]).wait()

    return k(x, lut)

# --- scband reference (transcript-rebuilt; emitter-appended) ---
"""Pipeline reference for scband-embedding-80496277062204 (READ-ONLY COPY).

The authoritative reference and input builder live on the scoring server;
editing this copy changes nothing except your own understanding.
"""

import jax, jax.numpy as jnp
import numpy as np
import math

VOCAB = 1000000
INPUT_SIZE = 64
BATCH = 4096
HIST = 200

def setup_inputs(seed: int = 0) -> dict:
    key = jax.random.key(seed)
    k1, k2 = jax.random.split(key)
    x = jax.random.randint(k1, (BATCH, HIST), 0, VOCAB, dtype=jnp.int64 if jax.config.jax_enable_x64 else jnp.int32)
    # embedding table, same default init scale as nn.Embedding (N(0,1))
    lut = jax.random.normal(k2, (VOCAB, INPUT_SIZE), dtype=jnp.float32)
    return {"x": x, "lut": lut}

def reference(x, lut):
    # Embedding lookup (gather) scaled by sqrt(input_size)
    emb = jnp.take(lut, x, axis=0)
    return emb * math.sqrt(INPUT_SIZE)

if __name__ == "__main__":
    import jax
    _d = setup_inputs()
    print(jax.jit(kernel)(*tuple(_d.values())))

</pallas_src>

<mosaic_0001>
#map = affine_map<(d0, d1) -> (0, 0)>
#map1 = affine_map<(d0, d1) -> (0, 0, 0)>
module attributes {stable_mosaic.version = 14 : i64} {
  func.func @k(%arg0: i32, %arg1: i32, %arg2: memref<4096x200xi32, #tpu.memory_space<hbm>>, %arg3: memref<1000000x64xf32, #tpu.memory_space<hbm>>, %arg4: memref<4096x200x64xf32, #tpu.memory_space<hbm>>, %arg5: memref<128x200xi32, #tpu.memory_space<vmem>>, %arg6: memref<104x64xf32, #tpu.memory_space<vmem>>, %arg7: memref<96x64xf32, #tpu.memory_space<vmem>>, %arg8: memref<104x64xf32, #tpu.memory_space<vmem>>, %arg9: memref<96x64xf32, #tpu.memory_space<vmem>>, %arg10: memref<104x64xf32, #tpu.memory_space<vmem>>, %arg11: memref<96x64xf32, #tpu.memory_space<vmem>>, %arg12: memref<104x64xf32, #tpu.memory_space<vmem>>, %arg13: memref<96x64xf32, #tpu.memory_space<vmem>>, %arg14: memref<!tpu.dma_semaphore, #tpu.memory_space<semaphore_mem>>, %arg15: memref<!tpu.dma_semaphore, #tpu.memory_space<semaphore_mem>>, %arg16: memref<!tpu.dma_semaphore, #tpu.memory_space<semaphore_mem>>, %arg17: memref<!tpu.dma_semaphore, #tpu.memory_space<semaphore_mem>>, %arg18: memref<!tpu.dma_semaphore, #tpu.memory_space<semaphore_mem>>, %arg19: memref<!tpu.dma_semaphore, #tpu.memory_space<semaphore_mem>>, %arg20: memref<!tpu.dma_semaphore, #tpu.memory_space<semaphore_mem>>, %arg21: memref<!tpu.dma_semaphore, #tpu.memory_space<semaphore_mem>>, %arg22: memref<!tpu.dma_semaphore, #tpu.memory_space<semaphore_mem>>, %arg23: memref<!tpu.dma_semaphore, #tpu.memory_space<semaphore_mem>>, %arg24: memref<!tpu.dma_semaphore, #tpu.memory_space<semaphore_mem>>, %arg25: memref<!tpu.dma_semaphore, #tpu.memory_space<semaphore_mem>>, %arg26: memref<!tpu.dma_semaphore, #tpu.memory_space<semaphore_mem>>, %arg27: memref<!tpu.dma_semaphore, #tpu.memory_space<semaphore_mem>>, %arg28: memref<!tpu.dma_semaphore, #tpu.memory_space<semaphore_mem>>, %arg29: memref<!tpu.dma_semaphore, #tpu.memory_space<semaphore_mem>>) attributes {dimension_semantics = [#tpu.dimension_semantics<core_parallel>, #tpu.dimension_semantics<subcore_parallel>], iteration_bounds = array<i64: 2, 16>, scalar_prefetch = 0 : i64, scratch_operands = 25 : i64, tpu.core_type = #tpu.core_type<sc_vector_subcore>, window_params = [{transform_indices = #map}, {transform_indices = #map}, {transform_indices = #map1}]} {
    %mul3A = arith.constant 2 : i32
    %mul3A_0 = arith.muli %arg1, %mul3A : i32
    %add3A = arith.addi %mul3A_0, %arg0 : i32
    %mul3A_1 = arith.constant 128 : i32
    %mul3A_2 = arith.muli %add3A, %mul3A_1 : i32
    "tpu.region"() ({
      %run_scoped3A = tpu.sem_alloc : memref<!tpu.dma_semaphore, #tpu.memory_space<semaphore_mem>>
      %dma_start3A_77 = arith.constant 0 : i32
      %dma_start3A_78 = tpu.memref_slice %arg2[%mul3A_2, %dma_start3A_77] : memref<4096x200xi32, #tpu.memory_space<hbm>> -> memref<128x200xi32, #tpu.memory_space<hbm>>
      %dma_start3A_79 = arith.constant 0 : i32
      %dma_start3A_80 = tpu.memref_slice %arg2[%mul3A_2, %dma_start3A_79] : memref<4096x200xi32, #tpu.memory_space<hbm>> -> memref<128x200xi32, #tpu.memory_space<hbm>>
      tpu.enqueue_dma source(%dma_start3A_80 : memref<128x200xi32, #tpu.memory_space<hbm>>) target(%arg5 : memref<128x200xi32, #tpu.memory_space<vmem>>) target_semaphore(%run_scoped3A : memref<!tpu.dma_semaphore, #tpu.memory_space<semaphore_mem>>)
      %dma_wait3A_81 = arith.constant 0 : i32
      %dma_wait3A_82 = tpu.memref_slice %arg2[%mul3A_2, %dma_wait3A_81] : memref<4096x200xi32, #tpu.memory_space<hbm>> -> memref<128x200xi32, #tpu.memory_space<hbm>>
      %dma_wait3A_83 = arith.constant 0 : i32
      %dma_wait3A_84 = tpu.memref_slice %arg2[%mul3A_2, %dma_wait3A_83] : memref<4096x200xi32, #tpu.memory_space<hbm>> -> memref<128x200xi32, #tpu.memory_space<hbm>>
      tpu.wait_dma2 semaphore(%run_scoped3A : memref<!tpu.dma_semaphore, #tpu.memory_space<semaphore_mem>>) src(%dma_wait3A_84 : memref<128x200xi32, #tpu.memory_space<hbm>>) dst(%arg5 : memref<128x200xi32, #tpu.memory_space<vmem>>)
      tpu.yield
    }) : () -> ()
    %dma_start3A = arith.constant 0 : i32
    %dma_start3A_3 = arith.constant 0 : i32
    %dma_start3A_4 = tpu.memref_slice %arg5[%dma_start3A, %dma_start3A_3] : memref<128x200xi32, #tpu.memory_space<vmem>> -> memref<1x104xi32, #tpu.memory_space<vmem>>
    %dma_start3A_5 = tpu.memref_squeeze %dma_start3A_4 : memref<1x104xi32, #tpu.memory_space<vmem>> -> memref<104xi32, #tpu.memory_space<vmem>>
    %dma_start3A_6 = arith.constant 0 : i32
    %dma_start3A_7 = arith.constant 0 : i32
    %dma_start3A_8 = tpu.memref_slice %arg3[%dma_start3A_6, %dma_start3A_7] : memref<1000000x64xf32, #tpu.memory_space<hbm>> -> memref<1000000x64xf32, #tpu.memory_space<hbm>>
    tpu.enqueue_indirect_dma source(%dma_start3A_8 : memref<1000000x64xf32, #tpu.memory_space<hbm>>) target(%arg6 : memref<104x64xf32, #tpu.memory_space<vmem>>) offsets(%dma_start3A_5 : memref<104xi32, #tpu.memory_space<vmem>>) semaphore(%arg14 : memref<!tpu.dma_semaphore, #tpu.memory_space<semaphore_mem>>)
    %dma_start3A_9 = arith.constant 0 : i32
    %dma_start3A_10 = arith.constant 104 : i32
    %dma_start3A_11 = tpu.memref_slice %arg5[%dma_start3A_9, %dma_start3A_10] : memref<128x200xi32, #tpu.memory_space<vmem>> -> memref<1x96xi32, #tpu.memory_space<vmem>>
    %dma_start3A_12 = tpu.memref_squeeze %dma_start3A_11 : memref<1x96xi32, #tpu.memory_space<vmem>> -> memref<96xi32, #tpu.memory_space<vmem>>
    %dma_start3A_13 = arith.constant 0 : i32
    %dma_start3A_14 = arith.constant 0 : i32
    %dma_start3A_15 = tpu.memref_slice %arg3[%dma_start3A_13, %dma_start3A_14] : memref<1000000x64xf32, #tpu.memory_space<hbm>> -> memref<1000000x64xf32, #tpu.memory_space<hbm>>
    tpu.enqueue_indirect_dma source(%dma_start3A_15 : memref<1000000x64xf32, #tpu.memory_space<hbm>>) target(%arg7 : memref<96x64xf32, #tpu.memory_space<vmem>>) offsets(%dma_start3A_12 : memref<96xi32, #tpu.memory_space<vmem>>) semaphore(%arg15 : memref<!tpu.dma_semaphore, #tpu.memory_space<semaphore_mem>>)
    %dma_start3A_16 = arith.constant 1 : i32
    %dma_start3A_17 = arith.constant 0 : i32
    %dma_start3A_18 = tpu.memref_slice %arg5[%dma_start3A_16, %dma_start3A_17] : memref<128x200xi32, #tpu.memory_space<vmem>> -> memref<1x104xi32, #tpu.memory_space<vmem>>
    %dma_start3A_19 = tpu.memref_squeeze %dma_start3A_18 : memref<1x104xi32, #tpu.memory_space<vmem>> -> memref<104xi32, #tpu.memory_space<vmem>>
    %dma_start3A_20 = arith.constant 0 : i32
    %dma_start3A_21 = arith.constant 0 : i32
    %dma_start3A_22 = tpu.memref_slice %arg3[%dma_start3A_20, %dma_start3A_21] : memref<1000000x64xf32, #tpu.memory_space<hbm>> -> memref<1000000x64xf32, #tpu.memory_space<hbm>>
    tpu.enqueue_indirect_dma source(%dma_start3A_22 : memref<1000000x64xf32, #tpu.memory_space<hbm>>) target(%arg8 : memref<104x64xf32, #tpu.memory_space<vmem>>) offsets(%dma_start3A_19 : memref<104xi32, #tpu.memory_space<vmem>>) semaphore(%arg16 : memref<!tpu.dma_semaphore, #tpu.memory_space<semaphore_mem>>)
    %scan3A = arith.constant 0 : i32
    %scan3A_23 = arith.constant 0 : i32
    %scan3A_24 = arith.constant 32 : i32
    %scan3A_25 = arith.addi %scan3A_23, %scan3A_24 : i32
    %scan3A_26 = arith.constant 1 : i32
    scf.for %scan3A_77 = %scan3A_23 to %scan3A_25 step %scan3A_26  : i32 {
      %mul3A_78 = arith.constant 8 : i32
      %mul3A_79 = arith.muli %scan3A_77, %mul3A_78 : i32
      %add3A_80 = arith.constant 0 : i32
      %add3A_81 = arith.addi %mul3A_79, %add3A_80 : i32
      %add3A_82 = arith.constant 3 : i32
      %add3A_83 = arith.addi %add3A_81, %add3A_82 : i32
      %ge3A = arith.constant 8 : i32
      %ge3A_84 = arith.cmpi sge, %add3A_83, %ge3A : i32
      %convert_element_type3A = arith.extui %ge3A_84 : i1 to i32
      %cond3A = arith.constant 0 : i32
      %cond3A_85 = arith.cmpi ne, %convert_element_type3A, %cond3A : i32
      scf.if %cond3A_85 {
        %sub3A_732 = arith.constant 8 : i32
        %sub3A_733 = arith.subi %add3A_83, %sub3A_732 : i32
        %jit3A_734 = arith.constant 2 : i32
        %div3A_735 = arith.divsi %sub3A_733, %jit3A_734 : i32
        %sign3A_736 = arith.constant 0 : i32
        %sign3A_737 = arith.cmpi sgt, %sub3A_733, %sign3A_736 : i32
        %sign3A_738 = arith.extui %sign3A_737 : i1 to i32
        %sign3A_739 = arith.constant 0 : i32
        %sign3A_740 = arith.cmpi slt, %sub3A_733, %sign3A_739 : i32
        %sign3A_741 = arith.extui %sign3A_740 : i1 to i32
        %sign3A_742 = arith.subi %sign3A_738, %sign3A_741 : i32
        %sign3A_743 = arith.constant 0 : i32
        %sign3A_744 = arith.cmpi sgt, %jit3A_734, %sign3A_743 : i32
        %sign3A_745 = arith.extui %sign3A_744 : i1 to i32
        %sign3A_746 = arith.constant 0 : i32
        %sign3A_747 = arith.cmpi slt, %jit3A_734, %sign3A_746 : i32
        %sign3A_748 = arith.extui %sign3A_747 : i1 to i32
        %sign3A_749 = arith.subi %sign3A_745, %sign3A_748 : i32
        %ne3A_750 = arith.cmpi ne, %sign3A_742, %sign3A_749 : i32
        %rem3A_751 = arith.remsi %sub3A_733, %jit3A_734 : i32
        %ne3A_752 = arith.constant 0 : i32
        %ne3A_753 = arith.cmpi ne, %rem3A_751, %ne3A_752 : i32
        %and3A_754 = arith.andi %ne3A_750, %ne3A_753 : i1
        %sub3A_755 = arith.constant 1 : i32
        %sub3A_756 = arith.subi %div3A_735, %sub3A_755 : i32
        %select_n3A_757 = arith.select %and3A_754, %sub3A_756, %div3A_735 : i32
        %add3A_758 = arith.addi %mul3A_2, %select_n3A_757 : i32
        %dma_wait3A_759 = arith.constant 104 : i32
        %dma_wait3A_760 = arith.constant 0 : i32
        %dma_wait3A_761 = tpu.memref_slice %arg4[%add3A_758, %dma_wait3A_759, %dma_wait3A_760] : memref<4096x200x64xf32, #tpu.memory_space<hbm>> -> memref<1x96x64xf32, #tpu.memory_space<hbm>>
        %dma_wait3A_762 = tpu.memref_squeeze %dma_wait3A_761 : memref<1x96x64xf32, #tpu.memory_space<hbm>> -> memref<96x64xf32, #tpu.memory_space<hbm>>
        %dma_wait3A_763 = arith.constant 104 : i32
        %dma_wait3A_764 = arith.constant 0 : i32
        %dma_wait3A_765 = tpu.memref_slice %arg4[%add3A_758, %dma_wait3A_763, %dma_wait3A_764] : memref<4096x200x64xf32, #tpu.memory_space<hbm>> -> memref<1x96x64xf32, #tpu.memory_space<hbm>>
        %dma_wait3A_766 = tpu.memref_squeeze %dma_wait3A_765 : memref<1x96x64xf32, #tpu.memory_space<hbm>> -> memref<96x64xf32, #tpu.memory_space<hbm>>
        tpu.wait_dma2 semaphore(%arg25 : memref<!tpu.dma_semaphore, #tpu.memory_space<semaphore_mem>>) src(%arg9 : memref<96x64xf32, #tpu.memory_space<vmem>>) dst(%dma_wait3A_766 : memref<96x64xf32, #tpu.memory_space<hbm>>)
      } else {
      }
      %lt3A = arith.constant 256 : i32
      %lt3A_86 = arith.cmpi slt, %add3A_83, %lt3A : i32
      %convert_element_type3A_87 = arith.extui %lt3A_86 : i1 to i32
      %cond3A_88 = arith.constant 0 : i32
      %cond3A_89 = arith.cmpi ne, %convert_element_type3A_87, %cond3A_88 : i32
      scf.if %cond3A_89 {
        %jit3A_732 = arith.constant 2 : i32
        %div3A_733 = arith.divsi %add3A_83, %jit3A_732 : i32
        %sign3A_734 = arith.constant 0 : i32
        %sign3A_735 = arith.cmpi sgt, %add3A_83, %sign3A_734 : i32
        %sign3A_736 = arith.extui %sign3A_735 : i1 to i32
        %sign3A_737 = arith.constant 0 : i32
        %sign3A_738 = arith.cmpi slt, %add3A_83, %sign3A_737 : i32
        %sign3A_739 = arith.extui %sign3A_738 : i1 to i32
        %sign3A_740 = arith.subi %sign3A_736, %sign3A_739 : i32
        %sign3A_741 = arith.constant 0 : i32
        %sign3A_742 = arith.cmpi sgt, %jit3A_732, %sign3A_741 : i32
        %sign3A_743 = arith.extui %sign3A_742 : i1 to i32
        %sign3A_744 = arith.constant 0 : i32
        %sign3A_745 = arith.cmpi slt, %jit3A_732, %sign3A_744 : i32
        %sign3A_746 = arith.extui %sign3A_745 : i1 to i32
        %sign3A_747 = arith.subi %sign3A_743, %sign3A_746 : i32
        %ne3A_748 = arith.cmpi ne, %sign3A_740, %sign3A_747 : i32
        %rem3A_749 = arith.remsi %add3A_83, %jit3A_732 : i32
        %ne3A_750 = arith.constant 0 : i32
        %ne3A_751 = arith.cmpi ne, %rem3A_749, %ne3A_750 : i32
        %and3A_752 = arith.andi %ne3A_748, %ne3A_751 : i1
        %sub3A_753 = arith.constant 1 : i32
        %sub3A_754 = arith.subi %div3A_733, %sub3A_753 : i32
        %select_n3A_755 = arith.select %and3A_752, %sub3A_754, %div3A_733 : i32
        %dma_start3A_756 = arith.constant 104 : i32
        %dma_start3A_757 = tpu.memref_slice %arg5[%select_n3A_755, %dma_start3A_756] : memref<128x200xi32, #tpu.memory_space<vmem>> -> memref<1x96xi32, #tpu.memory_space<vmem>>
        %dma_start3A_758 = tpu.memref_squeeze %dma_start3A_757 : memref<1x96xi32, #tpu.memory_space<vmem>> -> memref<96xi32, #tpu.memory_space<vmem>>
        %dma_start3A_759 = arith.constant 0 : i32
        %dma_start3A_760 = arith.constant 0 : i32
        %dma_start3A_761 = tpu.memref_slice %arg3[%dma_start3A_759, %dma_start3A_760] : memref<1000000x64xf32, #tpu.memory_space<hbm>> -> memref<1000000x64xf32, #tpu.memory_space<hbm>>
        tpu.enqueue_indirect_dma source(%dma_start3A_761 : memref<1000000x64xf32, #tpu.memory_space<hbm>>) target(%arg9 : memref<96x64xf32, #tpu.memory_space<vmem>>) offsets(%dma_start3A_758 : memref<96xi32, #tpu.memory_space<vmem>>) semaphore(%arg17 : memref<!tpu.dma_semaphore, #tpu.memory_space<semaphore_mem>>)
      } else {
      }
      %jit3A = arith.constant 2 : i32
      %div3A = arith.divsi %add3A_81, %jit3A : i32
      %sign3A = arith.constant 0 : i32
      %sign3A_90 = arith.cmpi sgt, %add3A_81, %sign3A : i32
      %sign3A_91 = arith.extui %sign3A_90 : i1 to i32
      %sign3A_92 = arith.constant 0 : i32
      %sign3A_93 = arith.cmpi slt, %add3A_81, %sign3A_92 : i32
      %sign3A_94 = arith.extui %sign3A_93 : i1 to i32
      %sign3A_95 = arith.subi %sign3A_91, %sign3A_94 : i32
      %sign3A_96 = arith.constant 0 : i32
      %sign3A_97 = arith.cmpi sgt, %jit3A, %sign3A_96 : i32
      %sign3A_98 = arith.extui %sign3A_97 : i1 to i32
      %sign3A_99 = arith.constant 0 : i32
      %sign3A_100 = arith.cmpi slt, %jit3A, %sign3A_99 : i32
      %sign3A_101 = arith.extui %sign3A_100 : i1 to i32
      %sign3A_102 = arith.subi %sign3A_98, %sign3A_101 : i32
      %ne3A = arith.cmpi ne, %sign3A_95, %sign3A_102 : i32
      %rem3A = arith.remsi %add3A_81, %jit3A : i32
      %ne3A_103 = arith.constant 0 : i32
      %ne3A_104 = arith.cmpi ne, %rem3A, %ne3A_103 : i32
      %and3A = arith.andi %ne3A, %ne3A_104 : i1
      %sub3A = arith.constant 1 : i32
      %sub3A_105 = arith.subi %div3A, %sub3A : i32
      %select_n3A = arith.select %and3A, %sub3A_105, %div3A : i32
      %dma_wait3A_106 = arith.constant 0 : i32
      %dma_wait3A_107 = tpu.memref_slice %arg5[%select_n3A, %dma_wait3A_106] : memref<128x200xi32, #tpu.memory_space<vmem>> -> memref<1x104xi32, #tpu.memory_space<vmem>>
      %dma_wait3A_108 = tpu.memref_squeeze %dma_wait3A_107 : memref<1x104xi32, #tpu.memory_space<vmem>> -> memref<104xi32, #tpu.memory_space<vmem>>
      %dma_wait3A_109 = arith.constant 0 : i32
      %dma_wait3A_110 = arith.constant 0 : i32
      %dma_wait3A_111 = tpu.memref_slice %arg3[%dma_wait3A_109, %dma_wait3A_110] : memref<1000000x64xf32, #tpu.memory_space<hbm>> -> memref<1000000x64xf32, #tpu.memory_space<hbm>>
      tpu.wait_indirect_dma semaphore(%arg14 : memref<!tpu.dma_semaphore, #tpu.memory_space<semaphore_mem>>) src(%dma_wait3A_111 : memref<1000000x64xf32, #tpu.memory_space<hbm>>) dst(%arg6 : memref<104x64xf32, #tpu.memory_space<vmem>>)
      %scan3A_112 = arith.constant 0 : i32
      %scan3A_113 = arith.constant 0 : i32
      %scan3A_114 = arith.constant 104 : i32
      %scan3A_115 = arith.addi %scan3A_113, %scan3A_114 : i32
      %scan3A_116 = arith.constant 4 : i32
      scf.for %scan3A_732 = %scan3A_113 to %scan3A_115 step %scan3A_116  : i32 {
        %get3A = arith.index_cast %scan3A_732 : i32 to index
        %get3A_733 = arith.constant 0 : index
        %get3A_734 = tpu.vector_load %arg6[%get3A, %get3A_733] {strides = array<i32>} : memref<104x64xf32, #tpu.memory_space<vmem>>, vector<1x16xf32>,
        %get3A_735 = vector.shape_cast %get3A_734 : vector<1x16xf32> to vector<16xf32>
        %mul3A_736 = arith.constant 8.000000e+00 : f32
        %mul3A_737 = vector.broadcast %mul3A_736 : f32 to vector<16xf32>
        %mul3A_738 = arith.mulf %get3A_735, %mul3A_737 : vector<16xf32>
        %swap3A = arith.index_cast %scan3A_732 : i32 to index
        %swap3A_739 = arith.constant 0 : index
        %swap3A_740 = tpu.vector_load %arg6[%swap3A, %swap3A_739] {strides = array<i32>} : memref<104x64xf32, #tpu.memory_space<vmem>>, vector<1x16xf32>,
        %swap3A_741 = vector.shape_cast %swap3A_740 : vector<1x16xf32> to vector<16xf32>
        %swap3A_742 = vector.shape_cast %mul3A_738 : vector<16xf32> to vector<1x16xf32>
        tpu.vector_store %arg6[%swap3A, %swap3A_739], %swap3A_742 {strides = array<i32>} : memref<104x64xf32, #tpu.memory_space<vmem>>, vector<1x16xf32>,
        %get3A_743 = arith.index_cast %scan3A_732 : i32 to index
        %get3A_744 = arith.constant 16 : index
        %get3A_745 = tpu.vector_load %arg6[%get3A_743, %get3A_744] {strides = array<i32>} : memref<104x64xf32, #tpu.memory_space<vmem>>, vector<1x16xf32>,
        %get3A_746 = vector.shape_cast %get3A_745 : vector<1x16xf32> to vector<16xf32>
        %mul3A_747 = arith.constant 8.000000e+00 : f32
        %mul3A_748 = vector.broadcast %mul3A_747 : f32 to vector<16xf32>
        %mul3A_749 = arith.mulf %get3A_746, %mul3A_748 : vector<16xf32>
        %swap3A_750 = arith.index_cast %scan3A_732 : i32 to index
        %swap3A_751 = arith.constant 16 : index
        %swap3A_752 = tpu.vector_load %arg6[%swap3A_750, %swap3A_751] {strides = array<i32>} : memref<104x64xf32, #tpu.memory_space<vmem>>, vector<1x16xf32>,
        %swap3A_753 = vector.shape_cast %swap3A_752 : vector<1x16xf32> to vector<16xf32>
        %swap3A_754 = vector.shape_cast %mul3A_749 : vector<16xf32> to vector<1x16xf32>
        tpu.vector_store %arg6[%swap3A_750, %swap3A_751], %swap3A_754 {strides = array<i32>} : memref<104x64xf32, #tpu.memory_space<vmem>>, vector<1x16xf32>,
        %get3A_755 = arith.index_cast %scan3A_732 : i32 to index
        %get3A_756 = arith.constant 32 : index
        %get3A_757 = tpu.vector_load %arg6[%get3A_755, %get3A_756] {strides = array<i32>} : memref<104x64xf32, #tpu.memory_space<vmem>>, vector<1x16xf32>,
        %get3A_758 = vector.shape_cast %get3A_757 : vector<1x16xf32> to vector<16xf32>
        %mul3A_759 = arith.constant 8.000000e+00 : f32
        %mul3A_760 = vector.broadcast %mul3A_759 : f32 to vector<16xf32>
        %mul3A_761 = arith.mulf %get3A_758, %mul3A_760 : vector<16xf32>
        %swap3A_762 = arith.index_cast %scan3A_732 : i32 to index
        %swap3A_763 = arith.constant 32 : index
        %swap3A_764 = tpu.vector_load %arg6[%swap3A_762, %swap3A_763] {strides = array<i32>} : memref<104x64xf32, #tpu.memory_space<vmem>>, vector<1x16xf32>,
        %swap3A_765 = vector.shape_cast %swap3A_764 : vector<1x16xf32> to vector<16xf32>
        %swap3A_766 = vector.shape_cast %mul3A_761 : vector<16xf32> to vector<1x16xf32>
        tpu.vector_store %arg6[%swap3A_762, %swap3A_763], %swap3A_766 {strides = array<i32>} : memref<104x64xf32, #tpu.memory_space<vmem>>, vector<1x16xf32>,
        %get3A_767 = arith.index_cast %scan3A_732 : i32 to index
        %get3A_768 = arith.constant 48 : index
        %get3A_769 = tpu.vector_load %arg6[%get3A_767, %get3A_768] {strides = array<i32>} : memref<104x64xf32, #tpu.memory_space<vmem>>, vector<1x16xf32>,
        %get3A_770 = vector.shape_cast %get3A_769 : vector<1x16xf32> to vector<16xf32>
        %mul3A_771 = arith.constant 8.000000e+00 : f32
        %mul3A_772 = vector.broadcast %mul3A_771 : f32 to vector<16xf32>
        %mul3A_773 = arith.mulf %get3A_770, %mul3A_772 : vector<16xf32>
        %swap3A_774 = arith.index_cast %scan3A_732 : i32 to index
        %swap3A_775 = arith.constant 48 : index
        %swap3A_776 = tpu.vector_load %arg6[%swap3A_774, %swap3A_775] {strides = array<i32>} : memref<104x64xf32, #tpu.memory_space<vmem>>, vector<1x16xf32>,
        %swap3A_777 = vector.shape_cast %swap3A_776 : vector<1x16xf32> to vector<16xf32>
        %swap3A_778 = vector.shape_cast %mul3A_773 : vector<16xf32> to vector<1x16xf32>
        tpu.vector_store %arg6[%swap3A_774, %swap3A_775], %swap3A_778 {strides = array<i32>} : memref<104x64xf32, #tpu.memory_space<vmem>>, vector<1x16xf32>,
        %scan3A_779 = arith.constant 1 : i32
        %scan3A_780 = arith.addi %scan3A_732, %scan3A_779 : i32
        %get3A_781 = arith.index_cast %scan3A_780 : i32 to index
        %get3A_782 = arith.constant 0 : index
        %get3A_783 = tpu.vector_load %arg6[%get3A_781, %get3A_782] {strides = array<i32>} : memref<104x64xf32, #tpu.memory_space<vmem>>, vector<1x16xf32>,
        %get3A_784 = vector.shape_cast %get3A_783 : vector<1x16xf32> to vector<16xf32>
        %mul3A_785 = arith.constant 8.000000e+00 : f32
        %mul3A_786 = vector.broadcast %mul3A_785 : f32 to vector<16xf32>
        %mul3A_787 = arith.mulf %get3A_784, %mul3A_786 : vector<16xf32>
        %swap3A_788 = arith.index_cast %scan3A_780 : i32 to index
        %swap3A_789 = arith.constant 0 : index
        %swap3A_790 = tpu.vector_load %arg6[%swap3A_788, %swap3A_789] {strides = array<i32>} : memref<104x64xf32, #tpu.memory_space<vmem>>, vector<1x16xf32>,
        %swap3A_791 = vector.shape_cast %swap3A_790 : vector<1x16xf32> to vector<16xf32>
        %swap3A_792 = vector.shape_cast %mul3A_787 : vector<16xf32> to vector<1x16xf32>
        tpu.vector_store %arg6[%swap3A_788, %swap3A_789], %swap3A_792 {strides = array<i32>} : memref<104x64xf32, #tpu.memory_space<vmem>>, vector<1x16xf32>,
        %get3A_793 = arith.index_cast %scan3A_780 : i32 to index
        %get3A_794 = arith.constant 16 : index
        %get3A_795 = tpu.vector_load %arg6[%get3A_793, %get3A_794] {strides = array<i32>} : memref<104x64xf32, #tpu.memory_space<vmem>>, vector<1x16xf32>,
        %get3A_796 = vector.shape_cast %get3A_795 : vector<1x16xf32> to vector<16xf32>
        %mul3A_797 = arith.constant 8.000000e+00 : f32
        %mul3A_798 = vector.broadcast %mul3A_797 : f32 to vector<16xf32>
        %mul3A_799 = arith.mulf %get3A_796, %mul3A_798 : vector<16xf32>
        %swap3A_800 = arith.index_cast %scan3A_780 : i32 to index
        %swap3A_801 = arith.constant 16 : index
        %swap3A_802 = tpu.vector_load %arg6[%swap3A_800, %swap3A_801] {strides = array<i32>} : memref<104x64xf32, #tpu.memory_space<vmem>>, vector<1x16xf32>,
        %swap3A_803 = vector.shape_cast %swap3A_802 : vector<1x16xf32> to vector<16xf32>
        %swap3A_804 = vector.shape_cast %mul3A_799 : vector<16xf32> to vector<1x16xf32>
        tpu.vector_store %arg6[%swap3A_800, %swap3A_801], %swap3A_804 {strides = array<i32>} : memref<104x64xf32, #tpu.memory_space<vmem>>, vector<1x16xf32>,
        %get3A_805 = arith.index_cast %scan3A_780 : i32 to index
        %get3A_806 = arith.constant 32 : index
        %get3A_807 = tpu.vector_load %arg6[%get3A_805, %get3A_806] {strides = array<i32>} : memref<104x64xf32, #tpu.memory_space<vmem>>, vector<1x16xf32>,
        %get3A_808 = vector.shape_cast %get3A_807 : vector<1x16xf32> to vector<16xf32>
        %mul3A_809 = arith.constant 8.000000e+00 : f32
        %mul3A_810 = vector.broadcast %mul3A_809 : f32 to vector<16xf32>
        %mul3A_811 = arith.mulf %get3A_808, %mul3A_810 : vector<16xf32>
        %swap3A_812 = arith.index_cast %scan3A_780 : i32 to index
        %swap3A_813 = arith.constant 32 : index
        %swap3A_814 = tpu.vector_load %arg6[%swap3A_812, %swap3A_813] {strides = array<i32>} : memref<104x64xf32, #tpu.memory_space<vmem>>, vector<1x16xf32>,
        %swap3A_815 = vector.shape_cast %swap3A_814 : vector<1x16xf32> to vector<16xf32>
        %swap3A_816 = vector.shape_cast %mul3A_811 : vector<16xf32> to vector<1x16xf32>
        tpu.vector_store %arg6[%swap3A_812, %swap3A_813], %swap3A_816 {strides = array<i32>} : memref<104x64xf32, #tpu.memory_space<vmem>>, vector<1x16xf32>,
        %get3A_817 = arith.index_cast %scan3A_780 : i32 to index
        %get3A_818 = arith.constant 48 : index
        %get3A_819 = tpu.vector_load %arg6[%get3A_817, %get3A_818] {strides = array<i32>} : memref<104x64xf32, #tpu.memory_space<vmem>>, vector<1x16xf32>,
        %get3A_820 = vector.shape_cast %get3A_819 : vector<1x16xf32> to vector<16xf32>
        %mul3A_821 = arith.constant 8.000000e+00 : f32
        %mul3A_822 = vector.broadcast %mul3A_821 : f32 to vector<16xf32>
        %mul3A_823 = arith.mulf %get3A_820, %mul3A_822 : vector<16xf32>
        %swap3A_824 = arith.index_cast %scan3A_780 : i32 to index
        %swap3A_825 = arith.constant 48 : index
        %swap3A_826 = tpu.vector_load %arg6[%swap3A_824, %swap3A_825] {strides = array<i32>} : memref<104x64xf32, #tpu.memory_space<vmem>>, vector<1x16xf32>,
        %swap3A_827 = vector.shape_cast %swap3A_826 : vector<1x16xf32> to vector<16xf32>
        %swap3A_828 = vector.shape_cast %mul3A_823 : vector<16xf32> to vector<1x16xf32>
        tpu.vector_store %arg6[%swap3A_824, %swap3A_825], %swap3A_828 {strides = array<i32>} : memref<104x64xf32, #tpu.memory_space<vmem>>, vector<1x16xf32>,
        %scan3A_829 = arith.constant 2 : i32
        %scan3A_830 = arith.addi %scan3A_732, %scan3A_829 : i32
        %get3A_831 = arith.index_cast %scan3A_830 : i32 to index
        %get3A_832 = arith.constant 0 : index
        %get3A_833 = tpu.vector_load %arg6[%get3A_831, %get3A_832] {strides = array<i32>} : memref<104x64xf32, #tpu.memory_space<vmem>>, vector<1x16xf32>,
        %get3A_834 = vector.shape_cast %get3A_833 : vector<1x16xf32> to vector<16xf32>
        %mul3A_835 = arith.constant 8.000000e+00 : f32
        %mul3A_836 = vector.broadcast %mul3A_835 : f32 to vector<16xf32>
        %mul3A_837 = arith.mulf %get3A_834, %mul3A_836 : vector<16xf32>
        %swap3A_838 = arith.index_cast %scan3A_830 : i32 to index
        %swap3A_839 = arith.constant 0 : index
        %swap3A_840 = tpu.vector_load %arg6[%swap3A_838, %swap3A_839] {strides = array<i32>} : memref<104x64xf32, #tpu.memory_space<vmem>>, vector<1x16xf32>,
        %swap3A_841 = vector.shape_cast %swap3A_840 : vector<1x16xf32> to vector<16xf32>
        %swap3A_842 = vector.shape_cast %mul3A_837 : vector<16xf32> to vector<1x16xf32>
        tpu.vector_store %arg6[%swap3A_838, %swap3A_839], %swap3A_842 {strides = array<i32>} : memref<104x64xf32, #tpu.memory_space<vmem>>, vector<1x16xf32>,
        %get3A_843 = arith.index_cast %scan3A_830 : i32 to index
        %get3A_844 = arith.constant 16 : index
        %get3A_845 = tpu.vector_load %arg6[%get3A_843, %get3A_844] {strides = array<i32>} : memref<104x64xf32, #tpu.memory_space<vmem>>, vector<1x16xf32>,
        %get3A_846 = vector.shape_cast %get3A_845 : vector<1x16xf32> to vector<16xf32>
        %mul3A_847 = arith.constant 8.000000e+00 : f32
        %mul3A_848 = vector.broadcast %mul3A_847 : f32 to vector<16xf32>
        %mul3A_849 = arith.mulf %get3A_846, %mul3A_848 : vector<16xf32>
        %swap3A_850 = arith.index_cast %scan3A_830 : i32 to index
        %swap3A_851 = arith.constant 16 : index
        %swap3A_852 = tpu.vector_load %arg6[%swap3A_850, %swap3A_851] {strides = array<i32>} : memref<104x64xf32, #tpu.memory_space<vmem>>, vector<1x16xf32>,
        %swap3A_853 = vector.shape_cast %swap3A_852 : vector<1x16xf32> to vector<16xf32>
        %swap3A_854 = vector.shape_cast %mul3A_849 : vector<16xf32> to vector<1x16xf32>
        tpu.vector_store %arg6[%swap3A_850, %swap3A_851], %swap3A_854 {strides = array<i32>} : memref<104x64xf32, #tpu.memory_space<vmem>>, vector<1x16xf32>,
        %get3A_855 = arith.index_cast %scan3A_830 : i32 to index
        %get3A_856 = arith.constant 32 : index
        %get3A_857 = tpu.vector_load %arg6[%get3A_855, %get3A_856] {strides = array<i32>} : memref<104x64xf32, #tpu.memory_space<vmem>>, vector<1x16xf32>,
        %get3A_858 = vector.shape_cast %get3A_857 : vector<1x16xf32> to vector<16xf32>
        %mul3A_859 = arith.constant 8.000000e+00 : f32
        %mul3A_860 = vector.broadcast %mul3A_859 : f32 to vector<16xf32>
        %mul3A_861 = arith.mulf %get3A_858, %mul3A_860 : vector<16xf32>
        %swap3A_862 = arith.index_cast %scan3A_830 : i32 to index
        %swap3A_863 = arith.constant 32 : index
        %swap3A_864 = tpu.vector_load %arg6[%swap3A_862, %swap3A_863] {strides = array<i32>} : memref<104x64xf32, #tpu.memory_space<vmem>>, vector<1x16xf32>,
        %swap3A_865 = vector.shape_cast %swap3A_864 : vector<1x16xf32> to vector<16xf32>
        %swap3A_866 = vector.shape_cast %mul3A_861 : vector<16xf32> to vector<1x16xf32>
        tpu.vector_store %arg6[%swap3A_862, %swap3A_863], %swap3A_866 {strides = array<i32>} : memref<104x64xf32, #tpu.memory_space<vmem>>, vector<1x16xf32>,
        %get3A_867 = arith.index_cast %scan3A_830 : i32 to index
        %get3A_868 = arith.constant 48 : index
        %get3A_869 = tpu.vector_load %arg6[%get3A_867, %get3A_868] {strides = array<i32>} : memref<104x64xf32, #tpu.memory_space<vmem>>, vector<1x16xf32>,
        %get3A_870 = vector.shape_cast %get3A_869 : vector<1x16xf32> to vector<16xf32>
        %mul3A_871 = arith.constant 8.000000e+00 : f32
        %mul3A_872 = vector.broadcast %mul3A_871 : f32 to vector<16xf32>
        %mul3A_873 = arith.mulf %get3A_870, %mul3A_872 : vector<16xf32>
        %swap3A_874 = arith.index_cast %scan3A_830 : i32 to index
        %swap3A_875 = arith.constant 48 : index
        %swap3A_876 = tpu.vector_load %arg6[%swap3A_874, %swap3A_875] {strides = array<i32>} : memref<104x64xf32, #tpu.memory_space<vmem>>, vector<1x16xf32>,
        %swap3A_877 = vector.shape_cast %swap3A_876 : vector<1x16xf32> to vector<16xf32>
        %swap3A_878 = vector.shape_cast %mul3A_873 : vector<16xf32> to vector<1x16xf32>
        tpu.vector_store %arg6[%swap3A_874, %swap3A_875], %swap3A_878 {strides = array<i32>} : memref<104x64xf32, #tpu.memory_space<vmem>>, vector<1x16xf32>,
        %scan3A_879 = arith.constant 3 : i32
        %scan3A_880 = arith.addi %scan3A_732, %scan3A_879 : i32
        %get3A_881 = arith.index_cast %scan3A_880 : i32 to index
        %get3A_882 = arith.constant 0 : index
        %get3A_883 = tpu.vector_load %arg6[%get3A_881, %get3A_882] {strides = array<i32>} : memref<104x64xf32, #tpu.memory_space<vmem>>, vector<1x16xf32>,
        %get3A_884 = vector.shape_cast %get3A_883 : vector<1x16xf32> to vector<16xf32>
        %mul3A_885 = arith.constant 8.000000e+00 : f32
        %mul3A_886 = vector.broadcast %mul3A_885 : f32 to vector<16xf32>
        %mul3A_887 = arith.mulf %get3A_884, %mul3A_886 : vector<16xf32>
        %swap3A_888 = arith.index_cast %scan3A_880 : i32 to index
        %swap3A_889 = arith.constant 0 : index
        %swap3A_890 = tpu.vector_load %arg6[%swap3A_888, %swap3A_889] {strides = array<i32>} : memref<104x64xf32, #tpu.memory_space<vmem>>, vector<1x16xf32>,
        %swap3A_891 = vector.shape_cast %swap3A_890 : vector<1x16xf32> to vector<16xf32>
        %swap3A_892 = vector.shape_cast %mul3A_887 : vector<16xf32> to vector<1x16xf32>
        tpu.vector_store %arg6[%swap3A_888, %swap3A_889], %swap3A_892 {strides = array<i32>} : memref<104x64xf32, #tpu.memory_space<vmem>>, vector<1x16xf32>,
        %get3A_893 = arith.index_cast %scan3A_880 : i32 to index
        %get3A_894 = arith.constant 16 : index
        %get3A_895 = tpu.vector_load %arg6[%get3A_893, %get3A_894] {strides = array<i32>} : memref<104x64xf32, #tpu.memory_space<vmem>>, vector<1x16xf32>,
        %get3A_896 = vector.shape_cast %get3A_895 : vector<1x16xf32> to vector<16xf32>
        %mul3A_897 = arith.constant 8.000000e+00 : f32
        %mul3A_898 = vector.broadcast %mul3A_897 : f32 to vector<16xf32>
        %mul3A_899 = arith.mulf %get3A_896, %mul3A_898 : vector<16xf32>
        %swap3A_900 = arith.index_cast %scan3A_880 : i32 to index
        %swap3A_901 = arith.constant 16 : index
        %swap3A_902 = tpu.vector_load %arg6[%swap3A_900, %swap3A_901] {strides = array<i32>} : memref<104x64xf32, #tpu.memory_space<vmem>>, vector<1x16xf32>,
        %swap3A_903 = vector.shape_cast %swap3A_902 : vector<1x16xf32> to vector<16xf32>
        %swap3A_904 = vector.shape_cast %mul3A_899 : vector<16xf32> to vector<1x16xf32>
        tpu.vector_store %arg6[%swap3A_900, %swap3A_901], %swap3A_904 {strides = array<i32>} : memref<104x64xf32, #tpu.memory_space<vmem>>, vector<1x16xf32>,
        %get3A_905 = arith.index_cast %scan3A_880 : i32 to index
        %get3A_906 = arith.constant 32 : index
        %get3A_907 = tpu.vector_load %arg6[%get3A_905, %get3A_906] {strides = array<i32>} : memref<104x64xf32, #tpu.memory_space<vmem>>, vector<1x16xf32>,
        %get3A_908 = vector.shape_cast %get3A_907 : vector<1x16xf32> to vector<16xf32>
        %mul3A_909 = arith.constant 8.000000e+00 : f32
        %mul3A_910 = vector.broadcast %mul3A_909 : f32 to vector<16xf32>
        %mul3A_911 = arith.mulf %get3A_908, %mul3A_910 : vector<16xf32>
        %swap3A_912 = arith.index_cast %scan3A_880 : i32 to index
        %swap3A_913 = arith.constant 32 : index
        %swap3A_914 = tpu.vector_load %arg6[%swap3A_912, %swap3A_913] {strides = array<i32>} : memref<104x64xf32, #tpu.memory_space<vmem>>, vector<1x16xf32>,
        %swap3A_915 = vector.shape_cast %swap3A_914 : vector<1x16xf32> to vector<16xf32>
        %swap3A_916 = vector.shape_cast %mul3A_911 : vector<16xf32> to vector<1x16xf32>
        tpu.vector_store %arg6[%swap3A_912, %swap3A_913], %swap3A_916 {strides = array<i32>} : memref<104x64xf32, #tpu.memory_space<vmem>>, vector<1x16xf32>,
        %get3A_917 = arith.index_cast %scan3A_880 : i32 to index
        %get3A_918 = arith.constant 48 : index
        %get3A_919 = tpu.vector_load %arg6[%get3A_917, %get3A_918] {strides = array<i32>} : memref<104x64xf32, #tpu.memory_space<vmem>>, vector<1x16xf32>,
        %get3A_920 = vector.shape_cast %get3A_919 : vector<1x16xf32> to vector<16xf32>
        %mul3A_921 = arith.constant 8.000000e+00 : f32
        %mul3A_922 = vector.broadcast %mul3A_921 : f32 to vector<16xf32>
        %mul3A_923 = arith.mulf %get3A_920, %mul3A_922 : vector<16xf32>
        %swap3A_924 = arith.index_cast %scan3A_880 : i32 to index
        %swap3A_925 = arith.constant 48 : index
        %swap3A_926 = tpu.vector_load %arg6[%swap3A_924, %swap3A_925] {strides = array<i32>} : memref<104x64xf32, #tpu.memory_space<vmem>>, vector<1x16xf32>,
        %swap3A_927 = vector.shape_cast %swap3A_926 : vector<1x16xf32> to vector<16xf32>
        %swap3A_928 = vector.shape_cast %mul3A_923 : vector<16xf32> to vector<1x16xf32>
        tpu.vector_store %arg6[%swap3A_924, %swap3A_925], %swap3A_928 {strides = array<i32>} : memref<104x64xf32, #tpu.memory_space<vmem>>, vector<1x16xf32>,
      }
      %scan3A_117 = arith.constant 104 : i32
      %jit3A_118 = arith.constant 2 : i32
      %div3A_119 = arith.divsi %add3A_81, %jit3A_118 : i32
      %sign3A_120 = arith.constant 0 : i32
      %sign3A_121 = arith.cmpi sgt, %add3A_81, %sign3A_120 : i32
      %sign3A_122 = arith.extui %sign3A_121 : i1 to i32
      %sign3A_123 = arith.constant 0 : i32
      %sign3A_124 = arith.cmpi slt, %add3A_81, %sign3A_123 : i32
      %sign3A_125 = arith.extui %sign3A_124 : i1 to i32
      %sign3A_126 = arith.subi %sign3A_122, %sign3A_125 : i32
      %sign3A_127 = arith.constant 0 : i32
      %sign3A_128 = arith.cmpi sgt, %jit3A_118, %sign3A_127 : i32
      %sign3A_129 = arith.extui %sign3A_128 : i1 to i32
      %sign3A_130 = arith.constant 0 : i32
      %sign3A_131 = arith.cmpi slt, %jit3A_118, %sign3A_130 : i32
      %sign3A_132 = arith.extui %sign3A_131 : i1 to i32
      %sign3A_133 = arith.subi %sign3A_129, %sign3A_132 : i32
      %ne3A_134 = arith.cmpi ne, %sign3A_126, %sign3A_133 : i32
      %rem3A_135 = arith.remsi %add3A_81, %jit3A_118 : i32
      %ne3A_136 = arith.constant 0 : i32
      %ne3A_137 = arith.cmpi ne, %rem3A_135, %ne3A_136 : i32
      %and3A_138 = arith.andi %ne3A_134, %ne3A_137 : i1
      %sub3A_139 = arith.constant 1 : i32
      %sub3A_140 = arith.subi %div3A_119, %sub3A_139 : i32
      %select_n3A_141 = arith.select %and3A_138, %sub3A_140, %div3A_119 : i32
      %add3A_142 = arith.addi %mul3A_2, %select_n3A_141 : i32
      %dma_start3A_143 = arith.constant 0 : i32
      %dma_start3A_144 = arith.constant 0 : i32
      %dma_start3A_145 = tpu.memref_slice %arg4[%add3A_142, %dma_start3A_143, %dma_start3A_144] : memref<4096x200x64xf32, #tpu.memory_space<hbm>> -> memref<1x104x64xf32, #tpu.memory_space<hbm>>
      %dma_start3A_146 = tpu.memref_squeeze %dma_start3A_145 : memref<1x104x64xf32, #tpu.memory_space<hbm>> -> memref<104x64xf32, #tpu.memory_space<hbm>>
      %dma_start3A_147 = arith.constant 0 : i32
      %dma_start3A_148 = arith.constant 0 : i32
      %dma_start3A_149 = tpu.memref_slice %arg4[%add3A_142, %dma_start3A_147, %dma_start3A_148] : memref<4096x200x64xf32, #tpu.memory_space<hbm>> -> memref<1x104x64xf32, #tpu.memory_space<hbm>>
      %dma_start3A_150 = tpu.memref_squeeze %dma_start3A_149 : memref<1x104x64xf32, #tpu.memory_space<hbm>> -> memref<104x64xf32, #tpu.memory_space<hbm>>
      tpu.enqueue_dma source(%arg6 : memref<104x64xf32, #tpu.memory_space<vmem>>) target(%dma_start3A_150 : memref<104x64xf32, #tpu.memory_space<hbm>>) target_semaphore(%arg22 : memref<!tpu.dma_semaphore, #tpu.memory_space<semaphore_mem>>)
      %add3A_151 = arith.constant 1 : i32
      %add3A_152 = arith.addi %mul3A_79, %add3A_151 : i32
      %add3A_153 = arith.constant 3 : i32
      %add3A_154 = arith.addi %add3A_152, %add3A_153 : i32
      %ge3A_155 = arith.constant 8 : i32
      %ge3A_156 = arith.cmpi sge, %add3A_154, %ge3A_155 : i32
      %convert_element_type3A_157 = arith.extui %ge3A_156 : i1 to i32
      %cond3A_158 = arith.constant 0 : i32
      %cond3A_159 = arith.cmpi ne, %convert_element_type3A_157, %cond3A_158 : i32
      scf.if %cond3A_159 {
        %sub3A_732 = arith.constant 8 : i32
        %sub3A_733 = arith.subi %add3A_154, %sub3A_732 : i32
        %jit3A_734 = arith.constant 2 : i32
        %div3A_735 = arith.divsi %sub3A_733, %jit3A_734 : i32
        %sign3A_736 = arith.constant 0 : i32
        %sign3A_737 = arith.cmpi sgt, %sub3A_733, %sign3A_736 : i32
        %sign3A_738 = arith.extui %sign3A_737 : i1 to i32
        %sign3A_739 = arith.constant 0 : i32
        %sign3A_740 = arith.cmpi slt, %sub3A_733, %sign3A_739 : i32
        %sign3A_741 = arith.extui %sign3A_740 : i1 to i32
        %sign3A_742 = arith.subi %sign3A_738, %sign3A_741 : i32
        %sign3A_743 = arith.constant 0 : i32
        %sign3A_744 = arith.cmpi sgt, %jit3A_734, %sign3A_743 : i32
        %sign3A_745 = arith.extui %sign3A_744 : i1 to i32
        %sign3A_746 = arith.constant 0 : i32
        %sign3A_747 = arith.cmpi slt, %jit3A_734, %sign3A_746 : i32
        %sign3A_748 = arith.extui %sign3A_747 : i1 to i32
        %sign3A_749 = arith.subi %sign3A_745, %sign3A_748 : i32
        %ne3A_750 = arith.cmpi ne, %sign3A_742, %sign3A_749 : i32
        %rem3A_751 = arith.remsi %sub3A_733, %jit3A_734 : i32
        %ne3A_752 = arith.constant 0 : i32
        %ne3A_753 = arith.cmpi ne, %rem3A_751, %ne3A_752 : i32
        %and3A_754 = arith.andi %ne3A_750, %ne3A_753 : i1
        %sub3A_755 = arith.constant 1 : i32
        %sub3A_756 = arith.subi %div3A_735, %sub3A_755 : i32
        %select_n3A_757 = arith.select %and3A_754, %sub3A_756, %div3A_735 : i32
        %add3A_758 = arith.addi %mul3A_2, %select_n3A_757 : i32
        %dma_wait3A_759 = arith.constant 0 : i32
        %dma_wait3A_760 = arith.constant 0 : i32
        %dma_wait3A_761 = tpu.memref_slice %arg4[%add3A_758, %dma_wait3A_759, %dma_wait3A_760] : memref<4096x200x64xf32, #tpu.memory_space<hbm>> -> memref<1x104x64xf32, #tpu.memory_space<hbm>>
        %dma_wait3A_762 = tpu.memref_squeeze %dma_wait3A_761 : memref<1x104x64xf32, #tpu.memory_space<hbm>> -> memref<104x64xf32, #tpu.memory_space<hbm>>
        %dma_wait3A_763 = arith.constant 0 : i32
        %dma_wait3A_764 = arith.constant 0 : i32
        %dma_wait3A_765 = tpu.memref_slice %arg4[%add3A_758, %dma_wait3A_763, %dma_wait3A_764] : memref<4096x200x64xf32, #tpu.memory_space<hbm>> -> memref<1x104x64xf32, #tpu.memory_space<hbm>>
        %dma_wait3A_766 = tpu.memref_squeeze %dma_wait3A_765 : memref<1x104x64xf32, #tpu.memory_space<hbm>> -> memref<104x64xf32, #tpu.memory_space<hbm>>
        tpu.wait_dma2 semaphore(%arg26 : memref<!tpu.dma_semaphore, #tpu.memory_space<semaphore_mem>>) src(%arg10 : memref<104x64xf32, #tpu.memory_space<vmem>>) dst(%dma_wait3A_766 : memref<104x64xf32, #tpu.memory_space<hbm>>)
      } else {
      }
      %lt3A_160 = arith.constant 256 : i32
      %lt3A_161 = arith.cmpi slt, %add3A_154, %lt3A_160 : i32
      %convert_element_type3A_162 = arith.extui %lt3A_161 : i1 to i32
      %cond3A_163 = arith.constant 0 : i32
      %cond3A_164 = arith.cmpi ne, %convert_element_type3A_162, %cond3A_163 : i32
      scf.if %cond3A_164 {
        %jit3A_732 = arith.constant 2 : i32
        %div3A_733 = arith.divsi %add3A_154, %jit3A_732 : i32
        %sign3A_734 = arith.constant 0 : i32
        %sign3A_735 = arith.cmpi sgt, %add3A_154, %sign3A_734 : i32
        %sign3A_736 = arith.extui %sign3A_735 : i1 to i32
        %sign3A_737 = arith.constant 0 : i32
        %sign3A_738 = arith.cmpi slt, %add3A_154, %sign3A_737 : i32
        %sign3A_739 = arith.extui %sign3A_738 : i1 to i32
        %sign3A_740 = arith.subi %sign3A_736, %sign3A_739 : i32
        %sign3A_741 = arith.constant 0 : i32
        %sign3A_742 = arith.cmpi sgt, %jit3A_732, %sign3A_741 : i32
        %sign3A_743 = arith.extui %sign3A_742 : i1 to i32
        %sign3A_744 = arith.constant 0 : i32
        %sign3A_745 = arith.cmpi slt, %jit3A_732, %sign3A_744 : i32
        %sign3A_746 = arith.extui %sign3A_745 : i1 to i32
        %sign3A_747 = arith.subi %sign3A_743, %sign3A_746 : i32
        %ne3A_748 = arith.cmpi ne, %sign3A_740, %sign3A_747 : i32
        %rem3A_749 = arith.remsi %add3A_154, %jit3A_732 : i32
        %ne3A_750 = arith.constant 0 : i32
        %ne3A_751 = arith.cmpi ne, %rem3A_749, %ne3A_750 : i32
        %and3A_752 = arith.andi %ne3A_748, %ne3A_751 : i1
        %sub3A_753 = arith.constant 1 : i32
        %sub3A_754 = arith.subi %div3A_733, %sub3A_753 : i32
        %select_n3A_755 = arith.select %and3A_752, %sub3A_754, %div3A_733 : i32
        %dma_start3A_756 = arith.constant 0 : i32
        %dma_start3A_757 = tpu.memref_slice %arg5[%select_n3A_755, %dma_start3A_756] : memref<128x200xi32, #tpu.memory_space<vmem>> -> memref<1x104xi32, #tpu.memory_space<vmem>>
        %dma_start3A_758 = tpu.memref_squeeze %dma_start3A_757 : memref<1x104xi32, #tpu.memory_space<vmem>> -> memref<104xi32, #tpu.memory_space<vmem>>
        %dma_start3A_759 = arith.constant 0 : i32
        %dma_start3A_760 = arith.constant 0 : i32
        %dma_start3A_761 = tpu.memref_slice %arg3[%dma_start3A_759, %dma_start3A_760] : memref<1000000x64xf32, #tpu.memory_space<hbm>> -> memref<1000000x64xf32, #tpu.memory_space<hbm>>
        tpu.enqueue_indirect_dma source(%dma_start3A_761 : memref<1000000x64xf32, #tpu.memory_space<hbm>>) target(%arg10 : memref<104x64xf32, #tpu.memory_space<vmem>>) offsets(%dma_start3A_758 : memref<104xi32, #tpu.memory_space<vmem>>) semaphore(%arg18 : memref<!tpu.dma_semaphore, #tpu.memory_space<semaphore_mem>>)
      } else {
      }
      %jit3A_165 = arith.constant 2 : i32
      %div3A_166 = arith.divsi %add3A_152, %jit3A_165 : i32
      %sign3A_167 = arith.constant 0 : i32
      %sign3A_168 = arith.cmpi sgt, %add3A_152, %sign3A_167 : i32
      %sign3A_169 = arith.extui %sign3A_168 : i1 to i32
      %sign3A_170 = arith.constant 0 : i32
      %sign3A_171 = arith.cmpi slt, %add3A_152, %sign3A_170 : i32
      %sign3A_172 = arith.extui %sign3A_171 : i1 to i32
      %sign3A_173 = arith.subi %sign3A_169, %sign3A_172 : i32
      %sign3A_174 = arith.constant 0 : i32
      %sign3A_175 = arith.cmpi sgt, %jit3A_165, %sign3A_174 : i32
      %sign3A_176 = arith.extui %sign3A_175 : i1 to i32
      %sign3A_177 = arith.constant 0 : i32
      %sign3A_178 = arith.cmpi slt, %jit3A_165, %sign3A_177 : i32
      %sign3A_179 = arith.extui %sign3A_178 : i1 to i32
      %sign3A_180 = arith.subi %sign3A_176, %sign3A_179 : i32
      %ne3A_181 = arith.cmpi ne, %sign3A_173, %sign3A_180 : i32
      %rem3A_182 = arith.remsi %add3A_152, %jit3A_165 : i32
      %ne3A_183 = arith.constant 0 : i32
      %ne3A_184 = arith.cmpi ne, %rem3A_182, %ne3A_183 : i32
      %and3A_185 = arith.andi %ne3A_181, %ne3A_184 : i1
      %sub3A_186 = arith.constant 1 : i32
      %sub3A_187 = arith.subi %div3A_166, %sub3A_186 : i32
      %select_n3A_188 = arith.select %and3A_185, %sub3A_187, %div3A_166 : i32
      %dma_wait3A_189 = arith.constant 104 : i32
      %dma_wait3A_190 = tpu.memref_slice %arg5[%select_n3A_188, %dma_wait3A_189] : memref<128x200xi32, #tpu.memory_space<vmem>> -> memref<1x96xi32, #tpu.memory_space<vmem>>
      %dma_wait3A_191 = tpu.memref_squeeze %dma_wait3A_190 : memref<1x96xi32, #tpu.memory_space<vmem>> -> memref<96xi32, #tpu.memory_space<vmem>>
      %dma_wait3A_192 = arith.constant 0 : i32
      %dma_wait3A_193 = arith.constant 0 : i32
      %dma_wait3A_194 = tpu.memref_slice %arg3[%dma_wait3A_192, %dma_wait3A_193] : memref<1000000x64xf32, #tpu.memory_space<hbm>> -> memref<1000000x64xf32, #tpu.memory_space<hbm>>
      tpu.wait_indirect_dma semaphore(%arg15 : memref<!tpu.dma_semaphore, #tpu.memory_space<semaphore_mem>>) src(%dma_wait3A_194 : memref<1000000x64xf32, #tpu.memory_space<hbm>>) dst(%arg7 : memref<96x64xf32, #tpu.memory_space<vmem>>)
      %scan3A_195 = arith.constant 0 : i32
      %scan3A_196 = arith.constant 0 : i32
      %scan3A_197 = arith.constant 96 : i32
      %scan3A_198 = arith.addi %scan3A_196, %scan3A_197 : i32
      %scan3A_199 = arith.constant 4 : i32
      scf.for %scan3A_732 = %scan3A_196 to %scan3A_198 step %scan3A_199  : i32 {
        %get3A = arith.index_cast %scan3A_732 : i32 to index
        %get3A_733 = arith.constant 0 : index
        %get3A_734 = tpu.vector_load %arg7[%get3A, %get3A_733] {strides = array<i32>} : memref<96x64xf32, #tpu.memory_space<vmem>>, vector<1x16xf32>,
        %get3A_735 = vector.shape_cast %get3A_734 : vector<1x16xf32> to vector<16xf32>
        %mul3A_736 = arith.constant 8.000000e+00 : f32
        %mul3A_737 = vector.broadcast %mul3A_736 : f32 to vector<16xf32>
        %mul3A_738 = arith.mulf %get3A_735, %mul3A_737 : vector<16xf32>
        %swap3A = arith.index_cast %scan3A_732 : i32 to index
        %swap3A_739 = arith.constant 0 : index
        %swap3A_740 = tpu.vector_load %arg7[%swap3A, %swap3A_739] {strides = array<i32>} : memref<96x64xf32, #tpu.memory_space<vmem>>, vector<1x16xf32>,
        %swap3A_741 = vector.shape_cast %swap3A_740 : vector<1x16xf32> to vector<16xf32>
        %swap3A_742 = vector.shape_cast %mul3A_738 : vector<16xf32> to vector<1x16xf32>
        tpu.vector_store %arg7[%swap3A, %swap3A_739], %swap3A_742 {strides = array<i32>} : memref<96x64xf32, #tpu.memory_space<vmem>>, vector<1x16xf32>,
        %get3A_743 = arith.index_cast %scan3A_732 : i32 to index
        %get3A_744 = arith.constant 16 : index
        %get3A_745 = tpu.vector_load %arg7[%get3A_743, %get3A_744] {strides = array<i32>} : memref<96x64xf32, #tpu.memory_space<vmem>>, vector<1x16xf32>,
        %get3A_746 = vector.shape_cast %get3A_745 : vector<1x16xf32> to vector<16xf32>
        %mul3A_747 = arith.constant 8.000000e+00 : f32
        %mul3A_748 = vector.broadcast %mul3A_747 : f32 to vector<16xf32>
        %mul3A_749 = arith.mulf %get3A_746, %mul3A_748 : vector<16xf32>
        %swap3A_750 = arith.index_cast %scan3A_732 : i32 to index
        %swap3A_751 = arith.constant 16 : index
        %swap3A_752 = tpu.vector_load %arg7[%swap3A_750, %swap3A_751] {strides = array<i32>} : memref<96x64xf32, #tpu.memory_space<vmem>>, vector<1x16xf32>,
        %swap3A_753 = vector.shape_cast %swap3A_752 : vector<1x16xf32> to vector<16xf32>
        %swap3A_754 = vector.shape_cast %mul3A_749 : vector<16xf32> to vector<1x16xf32>
        tpu.vector_store %arg7[%swap3A_750, %swap3A_751], %swap3A_754 {strides = array<i32>} : memref<96x64xf32, #tpu.memory_space<vmem>>, vector<1x16xf32>,
        %get3A_755 = arith.index_cast %scan3A_732 : i32 to index
        %get3A_756 = arith.constant 32 : index
        %get3A_757 = tpu.vector_load %arg7[%get3A_755, %get3A_756] {strides = array<i32>} : memref<96x64xf32, #tpu.memory_space<vmem>>, vector<1x16xf32>,
        %get3A_758 = vector.shape_cast %get3A_757 : vector<1x16xf32> to vector<16xf32>
        %mul3A_759 = arith.constant 8.000000e+00 : f32
        %mul3A_760 = vector.broadcast %mul3A_759 : f32 to vector<16xf32>
        %mul3A_761 = arith.mulf %get3A_758, %mul3A_760 : vector<16xf32>
        %swap3A_762 = arith.index_cast %scan3A_732 : i32 to index
        %swap3A_763 = arith.constant 32 : index
        %swap3A_764 = tpu.vector_load %arg7[%swap3A_762, %swap3A_763] {strides = array<i32>} : memref<96x64xf32, #tpu.memory_space<vmem>>, vector<1x16xf32>,
        %swap3A_765 = vector.shape_cast %swap3A_764 : vector<1x16xf32> to vector<16xf32>
        %swap3A_766 = vector.shape_cast %mul3A_761 : vector<16xf32> to vector<1x16xf32>
        tpu.vector_store %arg7[%swap3A_762, %swap3A_763], %swap3A_766 {strides = array<i32>} : memref<96x64xf32, #tpu.memory_space<vmem>>, vector<1x16xf32>,
        %get3A_767 = arith.index_cast %scan3A_732 : i32 to index
        %get3A_768 = arith.constant 48 : index
        %get3A_769 = tpu.vector_load %arg7[%get3A_767, %get3A_768] {strides = array<i32>} : memref<96x64xf32, #tpu.memory_space<vmem>>, vector<1x16xf32>,
        %get3A_770 = vector.shape_cast %get3A_769 : vector<1x16xf32> to vector<16xf32>
        %mul3A_771 = arith.constant 8.000000e+00 : f32
        %mul3A_772 = vector.broadcast %mul3A_771 : f32 to vector<16xf32>
        %mul3A_773 = arith.mulf %get3A_770, %mul3A_772 : vector<16xf32>
        %swap3A_774 = arith.index_cast %scan3A_732 : i32 to index
        %swap3A_775 = arith.constant 48 : index
        %swap3A_776 = tpu.vector_load %arg7[%swap3A_774, %swap3A_775] {strides = array<i32>} : memref<96x64xf32, #tpu.memory_space<vmem>>, vector<1x16xf32>,
        %swap3A_777 = vector.shape_cast %swap3A_776 : vector<1x16xf32> to vector<16xf32>
        %swap3A_778 = vector.shape_cast %mul3A_773 : vector<16xf32> to vector<1x16xf32>
        tpu.vector_store %arg7[%swap3A_774, %swap3A_775], %swap3A_778 {strides = array<i32>} : memref<96x64xf32, #tpu.memory_space<vmem>>, vector<1x16xf32>,
        %scan3A_779 = arith.constant 1 : i32
        %scan3A_780 = arith.addi %scan3A_732, %scan3A_779 : i32
        %get3A_781 = arith.index_cast %scan3A_780 : i32 to index
        %get3A_782 = arith.constant 0 : index
        %get3A_783 = tpu.vector_load %arg7[%get3A_781, %get3A_782] {strides = array<i32>} : memref<96x64xf32, #tpu.memory_space<vmem>>, vector<1x16xf32>,
        %get3A_784 = vector.shape_cast %get3A_783 : vector<1x16xf32> to vector<16xf32>
        %mul3A_785 = arith.constant 8.000000e+00 : f32
        %mul3A_786 = vector.broadcast %mul3A_785 : f32 to vector<16xf32>
        %mul3A_787 = arith.mulf %get3A_784, %mul3A_786 : vector<16xf32>
        %swap3A_788 = arith.index_cast %scan3A_780 : i32 to index
        %swap3A_789 = arith.constant 0 : index
        %swap3A_790 = tpu.vector_load %arg7[%swap3A_788, %swap3A_789] {strides = array<i32>} : memref<96x64xf32, #tpu.memory_space<vmem>>, vector<1x16xf32>,
        %swap3A_791 = vector.shape_cast %swap3A_790 : vector<1x16xf32> to vector<16xf32>
        %swap3A_792 = vector.shape_cast %mul3A_787 : vector<16xf32> to vector<1x16xf32>
        tpu.vector_store %arg7[%swap3A_788, %swap3A_789], %swap3A_792 {strides = array<i32>} : memref<96x64xf32, #tpu.memory_space<vmem>>, vector<1x16xf32>,
        %get3A_793 = arith.index_cast %scan3A_780 : i32 to index
        %get3A_794 = arith.constant 16 : index
        %get3A_795 = tpu.vector_load %arg7[%get3A_793, %get3A_794] {strides = array<i32>} : memref<96x64xf32, #tpu.memory_space<vmem>>, vector<1x16xf32>,
        %get3A_796 = vector.shape_cast %get3A_795 : vector<1x16xf32> to vector<16xf32>
        %mul3A_797 = arith.constant 8.000000e+00 : f32
        %mul3A_798 = vector.broadcast %mul3A_797 : f32 to vector<16xf32>
        %mul3A_799 = arith.mulf %get3A_796, %mul3A_798 : vector<16xf32>
        %swap3A_800 = arith.index_cast %scan3A_780 : i32 to index
        %swap3A_801 = arith.constant 16 : index
        %swap3A_802 = tpu.vector_load %arg7[%swap3A_800, %swap3A_801] {strides = array<i32>} : memref<96x64xf32, #tpu.memory_space<vmem>>, vector<1x16xf32>,
        %swap3A_803 = vector.shape_cast %swap3A_802 : vector<1x16xf32> to vector<16xf32>
        %swap3A_804 = vector.shape_cast %mul3A_799 : vector<16xf32> to vector<1x16xf32>
        tpu.vector_store %arg7[%swap3A_800, %swap3A_801], %swap3A_804 {strides = array<i32>} : memref<96x64xf32, #tpu.memory_space<vmem>>, vector<1x16xf32>,
        %get3A_805 = arith.index_cast %scan3A_780 : i32 to index
        %get3A_806 = arith.constant 32 : index
        %get3A_807 = tpu.vector_load %arg7[%get3A_805, %get3A_806] {strides = array<i32>} : memref<96x64xf32, #tpu.memory_space<vmem>>, vector<1x16xf32>,
        %get3A_808 = vector.shape_cast %get3A_807 : vector<1x16xf32> to vector<16xf32>
        %mul3A_809 = arith.constant 8.000000e+00 : f32
        %mul3A_810 = vector.broadcast %mul3A_809 : f32 to vector<16xf32>
        %mul3A_811 = arith.mulf %get3A_808, %mul3A_810 : vector<16xf32>
        %swap3A_812 = arith.index_cast %scan3A_780 : i32 to index
        %swap3A_813 = arith.constant 32 : index
        %swap3A_814 = tpu.vector_load %arg7[%swap3A_812, %swap3A_813] {strides = array<i32>} : memref<96x64xf32, #tpu.memory_space<vmem>>, vector<1x16xf32>,
        %swap3A_815 = vector.shape_cast %swap3A_814 : vector<1x16xf32> to vector<16xf32>
        %swap3A_816 = vector.shape_cast %mul3A_811 : vector<16xf32> to vector<1x16xf32>
        tpu.vector_store %arg7[%swap3A_812, %swap3A_813], %swap3A_816 {strides = array<i32>} : memref<96x64xf32, #tpu.memory_space<vmem>>, vector<1x16xf32>,
        %get3A_817 = arith.index_cast %scan3A_780 : i32 to index
        %get3A_818 = arith.constant 48 : index
        %get3A_819 = tpu.vector_load %arg7[%get3A_817, %get3A_818] {strides = array<i32>} : memref<96x64xf32, #tpu.memory_space<vmem>>, vector<1x16xf32>,
        %get3A_820 = vector.shape_cast %get3A_819 : vector<1x16xf32> to vector<16xf32>
        %mul3A_821 = arith.constant 8.000000e+00 : f32
        %mul3A_822 = vector.broadcast %mul3A_821 : f32 to vector<16xf32>
        %mul3A_823 = arith.mulf %get3A_820, %mul3A_822 : vector<16xf32>
        %swap3A_824 = arith.index_cast %scan3A_780 : i32 to index
        %swap3A_825 = arith.constant 48 : index
        %swap3A_826 = tpu.vector_load %arg7[%swap3A_824, %swap3A_825] {strides = array<i32>} : memref<96x64xf32, #tpu.memory_space<vmem>>, vector<1x16xf32>,
        %swap3A_827 = vector.shape_cast %swap3A_826 : vector<1x16xf32> to vector<16xf32>
        %swap3A_828 = vector.shape_cast %mul3A_823 : vector<16xf32> to vector<1x16xf32>
        tpu.vector_store %arg7[%swap3A_824, %swap3A_825], %swap3A_828 {strides = array<i32>} : memref<96x64xf32, #tpu.memory_space<vmem>>, vector<1x16xf32>,
        %scan3A_829 = arith.constant 2 : i32
        %scan3A_830 = arith.addi %scan3A_732, %scan3A_829 : i32
        %get3A_831 = arith.index_cast %scan3A_830 : i32 to index
        %get3A_832 = arith.constant 0 : index
        %get3A_833 = tpu.vector_load %arg7[%get3A_831, %get3A_832] {strides = array<i32>} : memref<96x64xf32, #tpu.memory_space<vmem>>, vector<1x16xf32>,
        %get3A_834 = vector.shape_cast %get3A_833 : vector<1x16xf32> to vector<16xf32>
        %mul3A_835 = arith.constant 8.000000e+00 : f32
        %mul3A_836 = vector.broadcast %mul3A_835 : f32 to vector<16xf32>
        %mul3A_837 = arith.mulf %get3A_834, %mul3A_836 : vector<16xf32>
        %swap3A_838 = arith.index_cast %scan3A_830 : i32 to index
        %swap3A_839 = arith.constant 0 : index
        %swap3A_840 = tpu.vector_load %arg7[%swap3A_838, %swap3A_839] {strides = array<i32>} : memref<96x64xf32, #tpu.memory_space<vmem>>, vector<1x16xf32>,
        %swap3A_841 = vector.shape_cast %swap3A_840 : vector<1x16xf32> to vector<16xf32>
        %swap3A_842 = vector.shape_cast %mul3A_837 : vector<16xf32> to vector<1x16xf32>
        tpu.vector_store %arg7[%swap3A_838, %swap3A_839], %swap3A_842 {strides = array<i32>} : memref<96x64xf32, #tpu.memory_space<vmem>>, vector<1x16xf32>,
        %get3A_843 = arith.index_cast %scan3A_830 : i32 to index
        %get3A_844 = arith.constant 16 : index
        %get3A_845 = tpu.vector_load %arg7[%get3A_843, %get3A_844] {strides = array<i32>} : memref<96x64xf32, #tpu.memory_space<vmem>>, vector<1x16xf32>,
        %get3A_846 = vector.shape_cast %get3A_845 : vector<1x16xf32> to vector<16xf32>
        %mul3A_847 = arith.constant 8.000000e+00 : f32
        %mul3A_848 = vector.broadcast %mul3A_847 : f32 to vector<16xf32>
        %mul3A_849 = arith.mulf %get3A_846, %mul3A_848 : vector<16xf32>
        %swap3A_850 = arith.index_cast %scan3A_830 : i32 to index
        %swap3A_851 = arith.constant 16 : index
        %swap3A_852 = tpu.vector_load %arg7[%swap3A_850, %swap3A_851] {strides = array<i32>} : memref<96x64xf32, #tpu.memory_space<vmem>>, vector<1x16xf32>,
        %swap3A_853 = vector.shape_cast %swap3A_852 : vector<1x16xf32> to vector<16xf32>
        %swap3A_854 = vector.shape_cast %mul3A_849 : vector<16xf32> to vector<1x16xf32>
        tpu.vector_store %arg7[%swap3A_850, %swap3A_851], %swap3A_854 {strides = array<i32>} : memref<96x64xf32, #tpu.memory_space<vmem>>, vector<1x16xf32>,
        %get3A_855 = arith.index_cast %scan3A_830 : i32 to index
        %get3A_856 = arith.constant 32 : index
        %get3A_857 = tpu.vector_load %arg7[%get3A_855, %get3A_856] {strides = array<i32>} : memref<96x64xf32, #tpu.memory_space<vmem>>, vector<1x16xf32>,
        %get3A_858 = vector.shape_cast %get3A_857 : vector<1x16xf32> to vector<16xf32>
        %mul3A_859 = arith.constant 8.000000e+00 : f32
        %mul3A_860 = vector.broadcast %mul3A_859 : f32 to vector<16xf32>
        %mul3A_861 = arith.mulf %get3A_858, %mul3A_860 : vector<16xf32>
        %swap3A_862 = arith.index_cast %scan3A_830 : i32 to index
        %swap3A_863 = arith.constant 32 : index
        %swap3A_864 = tpu.vector_load %arg7[%swap3A_862, %swap3A_863] {strides = array<i32>} : memref<96x64xf32, #tpu.memory_space<vmem>>, vector<1x16xf32>,
        %swap3A_865 = vector.shape_cast %swap3A_864 : vector<1x16xf32> to vector<16xf32>
        %swap3A_866 = vector.shape_cast %mul3A_861 : vector<16xf32> to vector<1x16xf32>
        tpu.vector_store %arg7[%swap3A_862, %swap3A_863], %swap3A_866 {strides = array<i32>} : memref<96x64xf32, #tpu.memory_space<vmem>>, vector<1x16xf32>,
        %get3A_867 = arith.index_cast %scan3A_830 : i32 to index
        %get3A_868 = arith.constant 48 : index
        %get3A_869 = tpu.vector_load %arg7[%get3A_867, %get3A_868] {strides = array<i32>} : memref<96x64xf32, #tpu.memory_space<vmem>>, vector<1x16xf32>,
        %get3A_870 = vector.shape_cast %get3A_869 : vector<1x16xf32> to vector<16xf32>
        %mul3A_871 = arith.constant 8.000000e+00 : f32
        %mul3A_872 = vector.broadcast %mul3A_871 : f32 to vector<16xf32>
        %mul3A_873 = arith.mulf %get3A_870, %mul3A_872 : vector<16xf32>
        %swap3A_874 = arith.index_cast %scan3A_830 : i32 to index
        %swap3A_875 = arith.constant 48 : index
        %swap3A_876 = tpu.vector_load %arg7[%swap3A_874, %swap3A_875] {strides = array<i32>} : memref<96x64xf32, #tpu.memory_space<vmem>>, vector<1x16xf32>,
        %swap3A_877 = vector.shape_cast %swap3A_876 : vector<1x16xf32> to vector<16xf32>
        %swap3A_878 = vector.shape_cast %mul3A_873 : vector<16xf32> to vector<1x16xf32>
        tpu.vector_store %arg7[%swap3A_874, %swap3A_875], %swap3A_878 {strides = array<i32>} : memref<96x64xf32, #tpu.memory_space<vmem>>, vector<1x16xf32>,
        %scan3A_879 = arith.constant 3 : i32
        %scan3A_880 = arith.addi %scan3A_732, %scan3A_879 : i32
        %get3A_881 = arith.index_cast %scan3A_880 : i32 to index
        %get3A_882 = arith.constant 0 : index
        %get3A_883 = tpu.vector_load %arg7[%get3A_881, %get3A_882] {strides = array<i32>} : memref<96x64xf32, #tpu.memory_space<vmem>>, vector<1x16xf32>,
        %get3A_884 = vector.shape_cast %get3A_883 : vector<1x16xf32> to vector<16xf32>
        %mul3A_885 = arith.constant 8.000000e+00 : f32
        %mul3A_886 = vector.broadcast %mul3A_885 : f32 to vector<16xf32>
        %mul3A_887 = arith.mulf %get3A_884, %mul3A_886 : vector<16xf32>
        %swap3A_888 = arith.index_cast %scan3A_880 : i32 to index
        %swap3A_889 = arith.constant 0 : index
        %swap3A_890 = tpu.vector_load %arg7[%swap3A_888, %swap3A_889] {strides = array<i32>} : memref<96x64xf32, #tpu.memory_space<vmem>>, vector<1x16xf32>,
        %swap3A_891 = vector.shape_cast %swap3A_890 : vector<1x16xf32> to vector<16xf32>
        %swap3A_892 = vector.shape_cast %mul3A_887 : vector<16xf32> to vector<1x16xf32>
        tpu.vector_store %arg7[%swap3A_888, %swap3A_889], %swap3A_892 {strides = array<i32>} : memref<96x64xf32, #tpu.memory_space<vmem>>, vector<1x16xf32>,
        %get3A_893 = arith.index_cast %scan3A_880 : i32 to index
        %get3A_894 = arith.constant 16 : index
        %get3A_895 = tpu.vector_load %arg7[%get3A_893, %get3A_894] {strides = array<i32>} : memref<96x64xf32, #tpu.memory_space<vmem>>, vector<1x16xf32>,
        %get3A_896 = vector.shape_cast %get3A_895 : vector<1x16xf32> to vector<16xf32>
        %mul3A_897 = arith.constant 8.000000e+00 : f32
        %mul3A_898 = vector.broadcast %mul3A_897 : f32 to vector<16xf32>
        %mul3A_899 = arith.mulf %get3A_896, %mul3A_898 : vector<16xf32>
        %swap3A_900 = arith.index_cast %scan3A_880 : i32 to index
        %swap3A_901 = arith.constant 16 : index
        %swap3A_902 = tpu.vector_load %arg7[%swap3A_900, %swap3A_901] {strides = array<i32>} : memref<96x64xf32, #tpu.memory_space<vmem>>, vector<1x16xf32>,
        %swap3A_903 = vector.shape_cast %swap3A_902 : vector<1x16xf32> to vector<16xf32>
        %swap3A_904 = vector.shape_cast %mul3A_899 : vector<16xf32> to vector<1x16xf32>
        tpu.vector_store %arg7[%swap3A_900, %swap3A_901], %swap3A_904 {strides = array<i32>} : memref<96x64xf32, #tpu.memory_space<vmem>>, vector<1x16xf32>,
        %get3A_905 = arith.index_cast %scan3A_880 : i32 to index
        %get3A_906 = arith.constant 32 : index
        %get3A_907 = tpu.vector_load %arg7[%get3A_905, %get3A_906] {strides = array<i32>} : memref<96x64xf32, #tpu.memory_space<vmem>>, vector<1x16xf32>,
        %get3A_908 = vector.shape_cast %get3A_907 : vector<1x16xf32> to vector<16xf32>
        %mul3A_909 = arith.constant 8.000000e+00 : f32
        %mul3A_910 = vector.broadcast %mul3A_909 : f32 to vector<16xf32>
        %mul3A_911 = arith.mulf %get3A_908, %mul3A_910 : vector<16xf32>
        %swap3A_912 = arith.index_cast %scan3A_880 : i32 to index
        %swap3A_913 = arith.constant 32 : index
        %swap3A_914 = tpu.vector_load %arg7[%swap3A_912, %swap3A_913] {strides = array<i32>} : memref<96x64xf32, #tpu.memory_space<vmem>>, vector<1x16xf32>,
        %swap3A_915 = vector.shape_cast %swap3A_914 : vector<1x16xf32> to vector<16xf32>
        %swap3A_916 = vector.shape_cast %mul3A_911 : vector<16xf32> to vector<1x16xf32>
        tpu.vector_store %arg7[%swap3A_912, %swap3A_913], %swap3A_916 {strides = array<i32>} : memref<96x64xf32, #tpu.memory_space<vmem>>, vector<1x16xf32>,
        %get3A_917 = arith.index_cast %scan3A_880 : i32 to index
        %get3A_918 = arith.constant 48 : index
        %get3A_919 = tpu.vector_load %arg7[%get3A_917, %get3A_918] {strides = array<i32>} : memref<96x64xf32, #tpu.memory_space<vmem>>, vector<1x16xf32>,
        %get3A_920 = vector.shape_cast %get3A_919 : vector<1x16xf32> to vector<16xf32>
        %mul3A_921 = arith.constant 8.000000e+00 : f32
        %mul3A_922 = vector.broadcast %mul3A_921 : f32 to vector<16xf32>
        %mul3A_923 = arith.mulf %get3A_920, %mul3A_922 : vector<16xf32>
        %swap3A_924 = arith.index_cast %scan3A_880 : i32 to index
        %swap3A_925 = arith.constant 48 : index
        %swap3A_926 = tpu.vector_load %arg7[%swap3A_924, %swap3A_925] {strides = array<i32>} : memref<96x64xf32, #tpu.memory_space<vmem>>, vector<1x16xf32>,
        %swap3A_927 = vector.shape_cast %swap3A_926 : vector<1x16xf32> to vector<16xf32>
        %swap3A_928 = vector.shape_cast %mul3A_923 : vector<16xf32> to vector<1x16xf32>
        tpu.vector_store %arg7[%swap3A_924, %swap3A_925], %swap3A_928 {strides = array<i32>} : memref<96x64xf32, #tpu.memory_space<vmem>>, vector<1x16xf32>,
      }
      %scan3A_200 = arith.constant 96 : i32
      %jit3A_201 = arith.constant 2 : i32
      %div3A_202 = arith.divsi %add3A_152, %jit3A_201 : i32
      %sign3A_203 = arith.constant 0 : i32
      %sign3A_204 = arith.cmpi sgt, %add3A_152, %sign3A_203 : i32
      %sign3A_205 = arith.extui %sign3A_204 : i1 to i32
      %sign3A_206 = arith.constant 0 : i32
      %sign3A_207 = arith.cmpi slt, %add3A_152, %sign3A_206 : i32
      %sign3A_208 = arith.extui %sign3A_207 : i1 to i32
      %sign3A_209 = arith.subi %sign3A_205, %sign3A_208 : i32
      %sign3A_210 = arith.constant 0 : i32
      %sign3A_211 = arith.cmpi sgt, %jit3A_201, %sign3A_210 : i32
      %sign3A_212 = arith.extui %sign3A_211 : i1 to i32
      %sign3A_213 = arith.constant 0 : i32
      %sign3A_214 = arith.cmpi slt, %jit3A_201, %sign3A_213 : i32
      %sign3A_215 = arith.extui %sign3A_214 : i1 to i32
      %sign3A_216 = arith.subi %sign3A_212, %sign3A_215 : i32
      %ne3A_217 = arith.cmpi ne, %sign3A_209, %sign3A_216 : i32
      %rem3A_218 = arith.remsi %add3A_152, %jit3A_201 : i32
      %ne3A_219 = arith.constant 0 : i32
      %ne3A_220 = arith.cmpi ne, %rem3A_218, %ne3A_219 : i32
      %and3A_221 = arith.andi %ne3A_217, %ne3A_220 : i1
      %sub3A_222 = arith.constant 1 : i32
      %sub3A_223 = arith.subi %div3A_202, %sub3A_222 : i32
      %select_n3A_224 = arith.select %and3A_221, %sub3A_223, %div3A_202 : i32
      %add3A_225 = arith.addi %mul3A_2, %select_n3A_224 : i32
      %dma_start3A_226 = arith.constant 104 : i32
      %dma_start3A_227 = arith.constant 0 : i32
      %dma_start3A_228 = tpu.memref_slice %arg4[%add3A_225, %dma_start3A_226, %dma_start3A_227] : memref<4096x200x64xf32, #tpu.memory_space<hbm>> -> memref<1x96x64xf32, #tpu.memory_space<hbm>>
      %dma_start3A_229 = tpu.memref_squeeze %dma_start3A_228 : memref<1x96x64xf32, #tpu.memory_space<hbm>> -> memref<96x64xf32, #tpu.memory_space<hbm>>
      %dma_start3A_230 = arith.constant 104 : i32
      %dma_start3A_231 = arith.constant 0 : i32
      %dma_start3A_232 = tpu.memref_slice %arg4[%add3A_225, %dma_start3A_230, %dma_start3A_231] : memref<4096x200x64xf32, #tpu.memory_space<hbm>> -> memref<1x96x64xf32, #tpu.memory_space<hbm>>
      %dma_start3A_233 = tpu.memref_squeeze %dma_start3A_232 : memref<1x96x64xf32, #tpu.memory_space<hbm>> -> memref<96x64xf32, #tpu.memory_space<hbm>>
      tpu.enqueue_dma source(%arg7 : memref<96x64xf32, #tpu.memory_space<vmem>>) target(%dma_start3A_233 : memref<96x64xf32, #tpu.memory_space<hbm>>) target_semaphore(%arg23 : memref<!tpu.dma_semaphore, #tpu.memory_space<semaphore_mem>>)
      %add3A_234 = arith.constant 2 : i32
      %add3A_235 = arith.addi %mul3A_79, %add3A_234 : i32
      %add3A_236 = arith.constant 3 : i32
      %add3A_237 = arith.addi %add3A_235, %add3A_236 : i32
      %ge3A_238 = arith.constant 8 : i32
      %ge3A_239 = arith.cmpi sge, %add3A_237, %ge3A_238 : i32
      %convert_element_type3A_240 = arith.extui %ge3A_239 : i1 to i32
      %cond3A_241 = arith.constant 0 : i32
      %cond3A_242 = arith.cmpi ne, %convert_element_type3A_240, %cond3A_241 : i32
      scf.if %cond3A_242 {
        %sub3A_732 = arith.constant 8 : i32
        %sub3A_733 = arith.subi %add3A_237, %sub3A_732 : i32
        %jit3A_734 = arith.constant 2 : i32
        %div3A_735 = arith.divsi %sub3A_733, %jit3A_734 : i32
        %sign3A_736 = arith.constant 0 : i32
        %sign3A_737 = arith.cmpi sgt, %sub3A_733, %sign3A_736 : i32
        %sign3A_738 = arith.extui %sign3A_737 : i1 to i32
        %sign3A_739 = arith.constant 0 : i32
        %sign3A_740 = arith.cmpi slt, %sub3A_733, %sign3A_739 : i32
        %sign3A_741 = arith.extui %sign3A_740 : i1 to i32
        %sign3A_742 = arith.subi %sign3A_738, %sign3A_741 : i32
        %sign3A_743 = arith.constant 0 : i32
        %sign3A_744 = arith.cmpi sgt, %jit3A_734, %sign3A_743 : i32
        %sign3A_745 = arith.extui %sign3A_744 : i1 to i32
        %sign3A_746 = arith.constant 0 : i32
        %sign3A_747 = arith.cmpi slt, %jit3A_734, %sign3A_746 : i32
        %sign3A_748 = arith.extui %sign3A_747 : i1 to i32
        %sign3A_749 = arith.subi %sign3A_745, %sign3A_748 : i32
        %ne3A_750 = arith.cmpi ne, %sign3A_742, %sign3A_749 : i32
        %rem3A_751 = arith.remsi %sub3A_733, %jit3A_734 : i32
        %ne3A_752 = arith.constant 0 : i32
        %ne3A_753 = arith.cmpi ne, %rem3A_751, %ne3A_752 : i32
        %and3A_754 = arith.andi %ne3A_750, %ne3A_753 : i1
        %sub3A_755 = arith.constant 1 : i32
        %sub3A_756 = arith.subi %div3A_735, %sub3A_755 : i32
        %select_n3A_757 = arith.select %and3A_754, %sub3A_756, %div3A_735 : i32
        %add3A_758 = arith.addi %mul3A_2, %select_n3A_757 : i32
        %dma_wait3A_759 = arith.constant 104 : i32
        %dma_wait3A_760 = arith.constant 0 : i32
        %dma_wait3A_761 = tpu.memref_slice %arg4[%add3A_758, %dma_wait3A_759, %dma_wait3A_760] : memref<4096x200x64xf32, #tpu.memory_space<hbm>> -> memref<1x96x64xf32, #tpu.memory_space<hbm>>
        %dma_wait3A_762 = tpu.memref_squeeze %dma_wait3A_761 : memref<1x96x64xf32, #tpu.memory_space<hbm>> -> memref<96x64xf32, #tpu.memory_space<hbm>>
        %dma_wait3A_763 = arith.constant 104 : i32
        %dma_wait3A_764 = arith.constant 0 : i32
        %dma_wait3A_765 = tpu.memref_slice %arg4[%add3A_758, %dma_wait3A_763, %dma_wait3A_764] : memref<4096x200x64xf32, #tpu.memory_space<hbm>> -> memref<1x96x64xf32, #tpu.memory_space<hbm>>
        %dma_wait3A_766 = tpu.memref_squeeze %dma_wait3A_765 : memref<1x96x64xf32, #tpu.memory_space<hbm>> -> memref<96x64xf32, #tpu.memory_space<hbm>>
        tpu.wait_dma2 semaphore(%arg27 : memref<!tpu.dma_semaphore, #tpu.memory_space<semaphore_mem>>) src(%arg11 : memref<96x64xf32, #tpu.memory_space<vmem>>) dst(%dma_wait3A_766 : memref<96x64xf32, #tpu.memory_space<hbm>>)
      } else {
      }
      %lt3A_243 = arith.constant 256 : i32
      %lt3A_244 = arith.cmpi slt, %add3A_237, %lt3A_243 : i32
      %convert_element_type3A_245 = arith.extui %lt3A_244 : i1 to i32
      %cond3A_246 = arith.constant 0 : i32
      %cond3A_247 = arith.cmpi ne, %convert_element_type3A_245, %cond3A_246 : i32
      scf.if %cond3A_247 {
        %jit3A_732 = arith.constant 2 : i32
        %div3A_733 = arith.divsi %add3A_237, %jit3A_732 : i32
        %sign3A_734 = arith.constant 0 : i32
        %sign3A_735 = arith.cmpi sgt, %add3A_237, %sign3A_734 : i32
        %sign3A_736 = arith.extui %sign3A_735 : i1 to i32
        %sign3A_737 = arith.constant 0 : i32
        %sign3A_738 = arith.cmpi slt, %add3A_237, %sign3A_737 : i32
        %sign3A_739 = arith.extui %sign3A_738 : i1 to i32
        %sign3A_740 = arith.subi %sign3A_736, %sign3A_739 : i32
        %sign3A_741 = arith.constant 0 : i32
        %sign3A_742 = arith.cmpi sgt, %jit3A_732, %sign3A_741 : i32
        %sign3A_743 = arith.extui %sign3A_742 : i1 to i32
        %sign3A_744 = arith.constant 0 : i32
        %sign3A_745 = arith.cmpi slt, %jit3A_732, %sign3A_744 : i32
        %sign3A_746 = arith.extui %sign3A_745 : i1 to i32
        %sign3A_747 = arith.subi %sign3A_743, %sign3A_746 : i32
        %ne3A_748 = arith.cmpi ne, %sign3A_740, %sign3A_747 : i32
        %rem3A_749 = arith.remsi %add3A_237, %jit3A_732 : i32
        %ne3A_750 = arith.constant 0 : i32
        %ne3A_751 = arith.cmpi ne, %rem3A_749, %ne3A_750 : i32
        %and3A_752 = arith.andi %ne3A_748, %ne3A_751 : i1
        %sub3A_753 = arith.constant 1 : i32
        %sub3A_754 = arith.subi %div3A_733, %sub3A_753 : i32
        %select_n3A_755 = arith.select %and3A_752, %sub3A_754, %div3A_733 : i32
        %dma_start3A_756 = arith.constant 104 : i32
        %dma_start3A_757 = tpu.memref_slice %arg5[%select_n3A_755, %dma_start3A_756] : memref<128x200xi32, #tpu.memory_space<vmem>> -> memref<1x96xi32, #tpu.memory_space<vmem>>
        %dma_start3A_758 = tpu.memref_squeeze %dma_start3A_757 : memref<1x96xi32, #tpu.memory_space<vmem>> -> memref<96xi32, #tpu.memory_space<vmem>>
        %dma_start3A_759 = arith.constant 0 : i32
        %dma_start3A_760 = arith.constant 0 : i32
        %dma_start3A_761 = tpu.memref_slice %arg3[%dma_start3A_759, %dma_start3A_760] : memref<1000000x64xf32, #tpu.memory_space<hbm>> -> memref<1000000x64xf32, #tpu.memory_space<hbm>>
        tpu.enqueue_indirect_dma source(%dma_start3A_761 : memref<1000000x64xf32, #tpu.memory_space<hbm>>) target(%arg11 : memref<96x64xf32, #tpu.memory_space<vmem>>) offsets(%dma_start3A_758 : memref<96xi32, #tpu.memory_space<vmem>>) semaphore(%arg19 : memref<!tpu.dma_semaphore, #tpu.memory_space<semaphore_mem>>)
      } else {
      }
      %jit3A_248 = arith.constant 2 : i32
      %div3A_249 = arith.divsi %add3A_235, %jit3A_248 : i32
      %sign3A_250 = arith.constant 0 : i32
      %sign3A_251 = arith.cmpi sgt, %add3A_235, %sign3A_250 : i32
      %sign3A_252 = arith.extui %sign3A_251 : i1 to i32
      %sign3A_253 = arith.constant 0 : i32
      %sign3A_254 = arith.cmpi slt, %add3A_235, %sign3A_253 : i32
      %sign3A_255 = arith.extui %sign3A_254 : i1 to i32
      %sign3A_256 = arith.subi %sign3A_252, %sign3A_255 : i32
      %sign3A_257 = arith.constant 0 : i32
      %sign3A_258 = arith.cmpi sgt, %jit3A_248, %sign3A_257 : i32
      %sign3A_259 = arith.extui %sign3A_258 : i1 to i32
      %sign3A_260 = arith.constant 0 : i32
      %sign3A_261 = arith.cmpi slt, %jit3A_248, %sign3A_260 : i32
      %sign3A_262 = arith.extui %sign3A_261 : i1 to i32
      %sign3A_263 = arith.subi %sign3A_259, %sign3A_262 : i32
      %ne3A_264 = arith.cmpi ne, %sign3A_256, %sign3A_263 : i32
      %rem3A_265 = arith.remsi %add3A_235, %jit3A_248 : i32
      %ne3A_266 = arith.constant 0 : i32
      %ne3A_267 = arith.cmpi ne, %rem3A_265, %ne3A_266 : i32
      %and3A_268 = arith.andi %ne3A_264, %ne3A_267 : i1
      %sub3A_269 = arith.constant 1 : i32
      %sub3A_270 = arith.subi %div3A_249, %sub3A_269 : i32
      %select_n3A_271 = arith.select %and3A_268, %sub3A_270, %div3A_249 : i32
      %dma_wait3A_272 = arith.constant 0 : i32
      %dma_wait3A_273 = tpu.memref_slice %arg5[%select_n3A_271, %dma_wait3A_272] : memref<128x200xi32, #tpu.memory_space<vmem>> -> memref<1x104xi32, #tpu.memory_space<vmem>>
      %dma_wait3A_274 = tpu.memref_squeeze %dma_wait3A_273 : memref<1x104xi32, #tpu.memory_space<vmem>> -> memref<104xi32, #tpu.memory_space<vmem>>
      %dma_wait3A_275 = arith.constant 0 : i32
      %dma_wait3A_276 = arith.constant 0 : i32
      %dma_wait3A_277 = tpu.memref_slice %arg3[%dma_wait3A_275, %dma_wait3A_276] : memref<1000000x64xf32, #tpu.memory_space<hbm>> -> memref<1000000x64xf32, #tpu.memory_space<hbm>>
      tpu.wait_indirect_dma semaphore(%arg16 : memref<!tpu.dma_semaphore, #tpu.memory_space<semaphore_mem>>) src(%dma_wait3A_277 : memref<1000000x64xf32, #tpu.memory_space<hbm>>) dst(%arg8 : memref<104x64xf32, #tpu.memory_space<vmem>>)
      %scan3A_278 = arith.constant 0 : i32
      %scan3A_279 = arith.constant 0 : i32
      %scan3A_280 = arith.constant 104 : i32
      %scan3A_281 = arith.addi %scan3A_279, %scan3A_280 : i32
      %scan3A_282 = arith.constant 4 : i32
      scf.for %scan3A_732 = %scan3A_279 to %scan3A_281 step %scan3A_282  : i32 {
        %get3A = arith.index_cast %scan3A_732 : i32 to index
        %get3A_733 = arith.constant 0 : index
        %get3A_734 = tpu.vector_load %arg8[%get3A, %get3A_733] {strides = array<i32>} : memref<104x64xf32, #tpu.memory_space<vmem>>, vector<1x16xf32>,
        %get3A_735 = vector.shape_cast %get3A_734 : vector<1x16xf32> to vector<16xf32>
        %mul3A_736 = arith.constant 8.000000e+00 : f32
        %mul3A_737 = vector.broadcast %mul3A_736 : f32 to vector<16xf32>
        %mul3A_738 = arith.mulf %get3A_735, %mul3A_737 : vector<16xf32>
        %swap3A = arith.index_cast %scan3A_732 : i32 to index
        %swap3A_739 = arith.constant 0 : index
        %swap3A_740 = tpu.vector_load %arg8[%swap3A, %swap3A_739] {strides = array<i32>} : memref<104x64xf32, #tpu.memory_space<vmem>>, vector<1x16xf32>,
        %swap3A_741 = vector.shape_cast %swap3A_740 : vector<1x16xf32> to vector<16xf32>
        %swap3A_742 = vector.shape_cast %mul3A_738 : vector<16xf32> to vector<1x16xf32>
        tpu.vector_store %arg8[%swap3A, %swap3A_739], %swap3A_742 {strides = array<i32>} : memref<104x64xf32, #tpu.memory_space<vmem>>, vector<1x16xf32>,
        %get3A_743 = arith.index_cast %scan3A_732 : i32 to index
        %get3A_744 = arith.constant 16 : index
        %get3A_745 = tpu.vector_load %arg8[%get3A_743, %get3A_744] {strides = array<i32>} : memref<104x64xf32, #tpu.memory_space<vmem>>, vector<1x16xf32>,
        %get3A_746 = vector.shape_cast %get3A_745 : vector<1x16xf32> to vector<16xf32>
        %mul3A_747 = arith.constant 8.000000e+00 : f32
        %mul3A_748 = vector.broadcast %mul3A_747 : f32 to vector<16xf32>
        %mul3A_749 = arith.mulf %get3A_746, %mul3A_748 : vector<16xf32>
        %swap3A_750 = arith.index_cast %scan3A_732 : i32 to index
        %swap3A_751 = arith.constant 16 : index
        %swap3A_752 = tpu.vector_load %arg8[%swap3A_750, %swap3A_751] {strides = array<i32>} : memref<104x64xf32, #tpu.memory_space<vmem>>, vector<1x16xf32>,
        %swap3A_753 = vector.shape_cast %swap3A_752 : vector<1x16xf32> to vector<16xf32>
        %swap3A_754 = vector.shape_cast %mul3A_749 : vector<16xf32> to vector<1x16xf32>
        tpu.vector_store %arg8[%swap3A_750, %swap3A_751], %swap3A_754 {strides = array<i32>} : memref<104x64xf32, #tpu.memory_space<vmem>>, vector<1x16xf32>,
        %get3A_755 = arith.index_cast %scan3A_732 : i32 to index
        %get3A_756 = arith.constant 32 : index
        %get3A_757 = tpu.vector_load %arg8[%get3A_755, %get3A_756] {strides = array<i32>} : memref<104x64xf32, #tpu.memory_space<vmem>>, vector<1x16xf32>,
        %get3A_758 = vector.shape_cast %get3A_757 : vector<1x16xf32> to vector<16xf32>
        %mul3A_759 = arith.constant 8.000000e+00 : f32
        %mul3A_760 = vector.broadcast %mul3A_759 : f32 to vector<16xf32>
        %mul3A_761 = arith.mulf %get3A_758, %mul3A_760 : vector<16xf32>
        %swap3A_762 = arith.index_cast %scan3A_732 : i32 to index
        %swap3A_763 = arith.constant 32 : index
        %swap3A_764 = tpu.vector_load %arg8[%swap3A_762, %swap3A_763] {strides = array<i32>} : memref<104x64xf32, #tpu.memory_space<vmem>>, vector<1x16xf32>,
        %swap3A_765 = vector.shape_cast %swap3A_764 : vector<1x16xf32> to vector<16xf32>
        %swap3A_766 = vector.shape_cast %mul3A_761 : vector<16xf32> to vector<1x16xf32>
        tpu.vector_store %arg8[%swap3A_762, %swap3A_763], %swap3A_766 {strides = array<i32>} : memref<104x64xf32, #tpu.memory_space<vmem>>, vector<1x16xf32>,
        %get3A_767 = arith.index_cast %scan3A_732 : i32 to index
        %get3A_768 = arith.constant 48 : index
        %get3A_769 = tpu.vector_load %arg8[%get3A_767, %get3A_768] {strides = array<i32>} : memref<104x64xf32, #tpu.memory_space<vmem>>, vector<1x16xf32>,
        %get3A_770 = vector.shape_cast %get3A_769 : vector<1x16xf32> to vector<16xf32>
        %mul3A_771 = arith.constant 8.000000e+00 : f32
        %mul3A_772 = vector.broadcast %mul3A_771 : f32 to vector<16xf32>
        %mul3A_773 = arith.mulf %get3A_770, %mul3A_772 : vector<16xf32>
        %swap3A_774 = arith.index_cast %scan3A_732 : i32 to index
        %swap3A_775 = arith.constant 48 : index
        %swap3A_776 = tpu.vector_load %arg8[%swap3A_774, %swap3A_775] {strides = array<i32>} : memref<104x64xf32, #tpu.memory_space<vmem>>, vector<1x16xf32>,
        %swap3A_777 = vector.shape_cast %swap3A_776 : vector<1x16xf32> to vector<16xf32>
        %swap3A_778 = vector.shape_cast %mul3A_773 : vector<16xf32> to vector<1x16xf32>
        tpu.vector_store %arg8[%swap3A_774, %swap3A_775], %swap3A_778 {strides = array<i32>} : memref<104x64xf32, #tpu.memory_space<vmem>>, vector<1x16xf32>,
        %scan3A_779 = arith.constant 1 : i32
        %scan3A_780 = arith.addi %scan3A_732, %scan3A_779 : i32
        %get3A_781 = arith.index_cast %scan3A_780 : i32 to index
        %get3A_782 = arith.constant 0 : index
        %get3A_783 = tpu.vector_load %arg8[%get3A_781, %get3A_782] {strides = array<i32>} : memref<104x64xf32, #tpu.memory_space<vmem>>, vector<1x16xf32>,
        %get3A_784 = vector.shape_cast %get3A_783 : vector<1x16xf32> to vector<16xf32>
        %mul3A_785 = arith.constant 8.000000e+00 : f32
        %mul3A_786 = vector.broadcast %mul3A_785 : f32 to vector<16xf32>
        %mul3A_787 = arith.mulf %get3A_784, %mul3A_786 : vector<16xf32>
        %swap3A_788 = arith.index_cast %scan3A_780 : i32 to index
        %swap3A_789 = arith.constant 0 : index
        %swap3A_790 = tpu.vector_load %arg8[%swap3A_788, %swap3A_789] {strides = array<i32>} : memref<104x64xf32, #tpu.memory_space<vmem>>, vector<1x16xf32>,
        %swap3A_791 = vector.shape_cast %swap3A_790 : vector<1x16xf32> to vector<16xf32>
        %swap3A_792 = vector.shape_cast %mul3A_787 : vector<16xf32> to vector<1x16xf32>
        tpu.vector_store %arg8[%swap3A_788, %swap3A_789], %swap3A_792 {strides = array<i32>} : memref<104x64xf32, #tpu.memory_space<vmem>>, vector<1x16xf32>,
        %get3A_793 = arith.index_cast %scan3A_780 : i32 to index
        %get3A_794 = arith.constant 16 : index
        %get3A_795 = tpu.vector_load %arg8[%get3A_793, %get3A_794] {strides = array<i32>} : memref<104x64xf32, #tpu.memory_space<vmem>>, vector<1x16xf32>,
        %get3A_796 = vector.shape_cast %get3A_795 : vector<1x16xf32> to vector<16xf32>
        %mul3A_797 = arith.constant 8.000000e+00 : f32
        %mul3A_798 = vector.broadcast %mul3A_797 : f32 to vector<16xf32>
        %mul3A_799 = arith.mulf %get3A_796, %mul3A_798 : vector<16xf32>
        %swap3A_800 = arith.index_cast %scan3A_780 : i32 to index
        %swap3A_801 = arith.constant 16 : index
        %swap3A_802 = tpu.vector_load %arg8[%swap3A_800, %swap3A_801] {strides = array<i32>} : memref<104x64xf32, #tpu.memory_space<vmem>>, vector<1x16xf32>,
        %swap3A_803 = vector.shape_cast %swap3A_802 : vector<1x16xf32> to vector<16xf32>
        %swap3A_804 = vector.shape_cast %mul3A_799 : vector<16xf32> to vector<1x16xf32>
        tpu.vector_store %arg8[%swap3A_800, %swap3A_801], %swap3A_804 {strides = array<i32>} : memref<104x64xf32, #tpu.memory_space<vmem>>, vector<1x16xf32>,
        %get3A_805 = arith.index_cast %scan3A_780 : i32 to index
        %get3A_806 = arith.constant 32 : index
        %get3A_807 = tpu.vector_load %arg8[%get3A_805, %get3A_806] {strides = array<i32>} : memref<104x64xf32, #tpu.memory_space<vmem>>, vector<1x16xf32>,
        %get3A_808 = vector.shape_cast %get3A_807 : vector<1x16xf32> to vector<16xf32>
        %mul3A_809 = arith.constant 8.000000e+00 : f32
        %mul3A_810 = vector.broadcast %mul3A_809 : f32 to vector<16xf32>
        %mul3A_811 = arith.mulf %get3A_808, %mul3A_810 : vector<16xf32>
        %swap3A_812 = arith.index_cast %scan3A_780 : i32 to index
        %swap3A_813 = arith.constant 32 : index
        %swap3A_814 = tpu.vector_load %arg8[%swap3A_812, %swap3A_813] {strides = array<i32>} : memref<104x64xf32, #tpu.memory_space<vmem>>, vector<1x16xf32>,
        %swap3A_815 = vector.shape_cast %swap3A_814 : vector<1x16xf32> to vector<16xf32>
        %swap3A_816 = vector.shape_cast %mul3A_811 : vector<16xf32> to vector<1x16xf32>
        tpu.vector_store %arg8[%swap3A_812, %swap3A_813], %swap3A_816 {strides = array<i32>} : memref<104x64xf32, #tpu.memory_space<vmem>>, vector<1x16xf32>,
        %get3A_817 = arith.index_cast %scan3A_780 : i32 to index
        %get3A_818 = arith.constant 48 : index
        %get3A_819 = tpu.vector_load %arg8[%get3A_817, %get3A_818] {strides = array<i32>} : memref<104x64xf32, #tpu.memory_space<vmem>>, vector<1x16xf32>,
        %get3A_820 = vector.shape_cast %get3A_819 : vector<1x16xf32> to vector<16xf32>
        %mul3A_821 = arith.constant 8.000000e+00 : f32
        %mul3A_822 = vector.broadcast %mul3A_821 : f32 to vector<16xf32>
        %mul3A_823 = arith.mulf %get3A_820, %mul3A_822 : vector<16xf32>
        %swap3A_824 = arith.index_cast %scan3A_780 : i32 to index
        %swap3A_825 = arith.constant 48 : index
        %swap3A_826 = tpu.vector_load %arg8[%swap3A_824, %swap3A_825] {strides = array<i32>} : memref<104x64xf32, #tpu.memory_space<vmem>>, vector<1x16xf32>,
        %swap3A_827 = vector.shape_cast %swap3A_826 : vector<1x16xf32> to vector<16xf32>
        %swap3A_828 = vector.shape_cast %mul3A_823 : vector<16xf32> to vector<1x16xf32>
        tpu.vector_store %arg8[%swap3A_824, %swap3A_825], %swap3A_828 {strides = array<i32>} : memref<104x64xf32, #tpu.memory_space<vmem>>, vector<1x16xf32>,
        %scan3A_829 = arith.constant 2 : i32
        %scan3A_830 = arith.addi %scan3A_732, %scan3A_829 : i32
        %get3A_831 = arith.index_cast %scan3A_830 : i32 to index
        %get3A_832 = arith.constant 0 : index
        %get3A_833 = tpu.vector_load %arg8[%get3A_831, %get3A_832] {strides = array<i32>} : memref<104x64xf32, #tpu.memory_space<vmem>>, vector<1x16xf32>,
        %get3A_834 = vector.shape_cast %get3A_833 : vector<1x16xf32> to vector<16xf32>
        %mul3A_835 = arith.constant 8.000000e+00 : f32
        %mul3A_836 = vector.broadcast %mul3A_835 : f32 to vector<16xf32>
        %mul3A_837 = arith.mulf %get3A_834, %mul3A_836 : vector<16xf32>
        %swap3A_838 = arith.index_cast %scan3A_830 : i32 to index
        %swap3A_839 = arith.constant 0 : index
        %swap3A_840 = tpu.vector_load %arg8[%swap3A_838, %swap3A_839] {strides = array<i32>} : memref<104x64xf32, #tpu.memory_space<vmem>>, vector<1x16xf32>,
        %swap3A_841 = vector.shape_cast %swap3A_840 : vector<1x16xf32> to vector<16xf32>
        %swap3A_842 = vector.shape_cast %mul3A_837 : vector<16xf32> to vector<1x16xf32>
        tpu.vector_store %arg8[%swap3A_838, %swap3A_839], %swap3A_842 {strides = array<i32>} : memref<104x64xf32, #tpu.memory_space<vmem>>, vector<1x16xf32>,
        %get3A_843 = arith.index_cast %scan3A_830 : i32 to index
        %get3A_844 = arith.constant 16 : index
        %get3A_845 = tpu.vector_load %arg8[%get3A_843, %get3A_844] {strides = array<i32>} : memref<104x64xf32, #tpu.memory_space<vmem>>, vector<1x16xf32>,
        %get3A_846 = vector.shape_cast %get3A_845 : vector<1x16xf32> to vector<16xf32>
        %mul3A_847 = arith.constant 8.000000e+00 : f32
        %mul3A_848 = vector.broadcast %mul3A_847 : f32 to vector<16xf32>
        %mul3A_849 = arith.mulf %get3A_846, %mul3A_848 : vector<16xf32>
        %swap3A_850 = arith.index_cast %scan3A_830 : i32 to index
        %swap3A_851 = arith.constant 16 : index
        %swap3A_852 = tpu.vector_load %arg8[%swap3A_850, %swap3A_851] {strides = array<i32>} : memref<104x64xf32, #tpu.memory_space<vmem>>, vector<1x16xf32>,
        %swap3A_853 = vector.shape_cast %swap3A_852 : vector<1x16xf32> to vector<16xf32>
        %swap3A_854 = vector.shape_cast %mul3A_849 : vector<16xf32> to vector<1x16xf32>
        tpu.vector_store %arg8[%swap3A_850, %swap3A_851], %swap3A_854 {strides = array<i32>} : memref<104x64xf32, #tpu.memory_space<vmem>>, vector<1x16xf32>,
        %get3A_855 = arith.index_cast %scan3A_830 : i32 to index
        %get3A_856 = arith.constant 32 : index
        %get3A_857 = tpu.vector_load %arg8[%get3A_855, %get3A_856] {strides = array<i32>} : memref<104x64xf32, #tpu.memory_space<vmem>>, vector<1x16xf32>,
        %get3A_858 = vector.shape_cast %get3A_857 : vector<1x16xf32> to vector<16xf32>
        %mul3A_859 = arith.constant 8.000000e+00 : f32
        %mul3A_860 = vector.broadcast %mul3A_859 : f32 to vector<16xf32>
        %mul3A_861 = arith.mulf %get3A_858, %mul3A_860 : vector<16xf32>
        %swap3A_862 = arith.index_cast %scan3A_830 : i32 to index
        %swap3A_863 = arith.constant 32 : index
        %swap3A_864 = tpu.vector_load %arg8[%swap3A_862, %swap3A_863] {strides = array<i32>} : memref<104x64xf32, #tpu.memory_space<vmem>>, vector<1x16xf32>,
        %swap3A_865 = vector.shape_cast %swap3A_864 : vector<1x16xf32> to vector<16xf32>
        %swap3A_866 = vector.shape_cast %mul3A_861 : vector<16xf32> to vector<1x16xf32>
        tpu.vector_store %arg8[%swap3A_862, %swap3A_863], %swap3A_866 {strides = array<i32>} : memref<104x64xf32, #tpu.memory_space<vmem>>, vector<1x16xf32>,
        %get3A_867 = arith.index_cast %scan3A_830 : i32 to index
        %get3A_868 = arith.constant 48 : index
        %get3A_869 = tpu.vector_load %arg8[%get3A_867, %get3A_868] {strides = array<i32>} : memref<104x64xf32, #tpu.memory_space<vmem>>, vector<1x16xf32>,
        %get3A_870 = vector.shape_cast %get3A_869 : vector<1x16xf32> to vector<16xf32>
        %mul3A_871 = arith.constant 8.000000e+00 : f32
        %mul3A_872 = vector.broadcast %mul3A_871 : f32 to vector<16xf32>
        %mul3A_873 = arith.mulf %get3A_870, %mul3A_872 : vector<16xf32>
        %swap3A_874 = arith.index_cast %scan3A_830 : i32 to index
        %swap3A_875 = arith.constant 48 : index
        %swap3A_876 = tpu.vector_load %arg8[%swap3A_874, %swap3A_875] {strides = array<i32>} : memref<104x64xf32, #tpu.memory_space<vmem>>, vector<1x16xf32>,
        %swap3A_877 = vector.shape_cast %swap3A_876 : vector<1x16xf32> to vector<16xf32>
        %swap3A_878 = vector.shape_cast %mul3A_873 : vector<16xf32> to vector<1x16xf32>
        tpu.vector_store %arg8[%swap3A_874, %swap3A_875], %swap3A_878 {strides = array<i32>} : memref<104x64xf32, #tpu.memory_space<vmem>>, vector<1x16xf32>,
        %scan3A_879 = arith.constant 3 : i32
        %scan3A_880 = arith.addi %scan3A_732, %scan3A_879 : i32
        %get3A_881 = arith.index_cast %scan3A_880 : i32 to index
        %get3A_882 = arith.constant 0 : index
        %get3A_883 = tpu.vector_load %arg8[%get3A_881, %get3A_882] {strides = array<i32>} : memref<104x64xf32, #tpu.memory_space<vmem>>, vector<1x16xf32>,
        %get3A_884 = vector.shape_cast %get3A_883 : vector<1x16xf32> to vector<16xf32>
        %mul3A_885 = arith.constant 8.000000e+00 : f32
        %mul3A_886 = vector.broadcast %mul3A_885 : f32 to vector<16xf32>
        %mul3A_887 = arith.mulf %get3A_884, %mul3A_886 : vector<16xf32>
        %swap3A_888 = arith.index_cast %scan3A_880 : i32 to index
        %swap3A_889 = arith.constant 0 : index
        %swap3A_890 = tpu.vector_load %arg8[%swap3A_888, %swap3A_889] {strides = array<i32>} : memref<104x64xf32, #tpu.memory_space<vmem>>, vector<1x16xf32>,
        %swap3A_891 = vector.shape_cast %swap3A_890 : vector<1x16xf32> to vector<16xf32>
        %swap3A_892 = vector.shape_cast %mul3A_887 : vector<16xf32> to vector<1x16xf32>
        tpu.vector_store %arg8[%swap3A_888, %swap3A_889], %swap3A_892 {strides = array<i32>} : memref<104x64xf32, #tpu.memory_space<vmem>>, vector<1x16xf32>,
        %get3A_893 = arith.index_cast %scan3A_880 : i32 to index
        %get3A_894 = arith.constant 16 : index
        %get3A_895 = tpu.vector_load %arg8[%get3A_893, %get3A_894] {strides = array<i32>} : memref<104x64xf32, #tpu.memory_space<vmem>>, vector<1x16xf32>,
        %get3A_896 = vector.shape_cast %get3A_895 : vector<1x16xf32> to vector<16xf32>
        %mul3A_897 = arith.constant 8.000000e+00 : f32
        %mul3A_898 = vector.broadcast %mul3A_897 : f32 to vector<16xf32>
        %mul3A_899 = arith.mulf %get3A_896, %mul3A_898 : vector<16xf32>
        %swap3A_900 = arith.index_cast %scan3A_880 : i32 to index
        %swap3A_901 = arith.constant 16 : index
        %swap3A_902 = tpu.vector_load %arg8[%swap3A_900, %swap3A_901] {strides = array<i32>} : memref<104x64xf32, #tpu.memory_space<vmem>>, vector<1x16xf32>,
        %swap3A_903 = vector.shape_cast %swap3A_902 : vector<1x16xf32> to vector<16xf32>
        %swap3A_904 = vector.shape_cast %mul3A_899 : vector<16xf32> to vector<1x16xf32>
        tpu.vector_store %arg8[%swap3A_900, %swap3A_901], %swap3A_904 {strides = array<i32>} : memref<104x64xf32, #tpu.memory_space<vmem>>, vector<1x16xf32>,
        %get3A_905 = arith.index_cast %scan3A_880 : i32 to index
        %get3A_906 = arith.constant 32 : index
        %get3A_907 = tpu.vector_load %arg8[%get3A_905, %get3A_906] {strides = array<i32>} : memref<104x64xf32, #tpu.memory_space<vmem>>, vector<1x16xf32>,
        %get3A_908 = vector.shape_cast %get3A_907 : vector<1x16xf32> to vector<16xf32>
        %mul3A_909 = arith.constant 8.000000e+00 : f32
        %mul3A_910 = vector.broadcast %mul3A_909 : f32 to vector<16xf32>
        %mul3A_911 = arith.mulf %get3A_908, %mul3A_910 : vector<16xf32>
        %swap3A_912 = arith.index_cast %scan3A_880 : i32 to index
        %swap3A_913 = arith.constant 32 : index
        %swap3A_914 = tpu.vector_load %arg8[%swap3A_912, %swap3A_913] {strides = array<i32>} : memref<104x64xf32, #tpu.memory_space<vmem>>, vector<1x16xf32>,
        %swap3A_915 = vector.shape_cast %swap3A_914 : vector<1x16xf32> to vector<16xf32>
        %swap3A_916 = vector.shape_cast %mul3A_911 : vector<16xf32> to vector<1x16xf32>
        tpu.vector_store %arg8[%swap3A_912, %swap3A_913], %swap3A_916 {strides = array<i32>} : memref<104x64xf32, #tpu.memory_space<vmem>>, vector<1x16xf32>,
        %get3A_917 = arith.index_cast %scan3A_880 : i32 to index
        %get3A_918 = arith.constant 48 : index
        %get3A_919 = tpu.vector_load %arg8[%get3A_917, %get3A_918] {strides = array<i32>} : memref<104x64xf32, #tpu.memory_space<vmem>>, vector<1x16xf32>,
        %get3A_920 = vector.shape_cast %get3A_919 : vector<1x16xf32> to vector<16xf32>
        %mul3A_921 = arith.constant 8.000000e+00 : f32
        %mul3A_922 = vector.broadcast %mul3A_921 : f32 to vector<16xf32>
        %mul3A_923 = arith.mulf %get3A_920, %mul3A_922 : vector<16xf32>
        %swap3A_924 = arith.index_cast %scan3A_880 : i32 to index
        %swap3A_925 = arith.constant 48 : index
        %swap3A_926 = tpu.vector_load %arg8[%swap3A_924, %swap3A_925] {strides = array<i32>} : memref<104x64xf32, #tpu.memory_space<vmem>>, vector<1x16xf32>,
        %swap3A_927 = vector.shape_cast %swap3A_926 : vector<1x16xf32> to vector<16xf32>
        %swap3A_928 = vector.shape_cast %mul3A_923 : vector<16xf32> to vector<1x16xf32>
        tpu.vector_store %arg8[%swap3A_924, %swap3A_925], %swap3A_928 {strides = array<i32>} : memref<104x64xf32, #tpu.memory_space<vmem>>, vector<1x16xf32>,
      }
      %scan3A_283 = arith.constant 104 : i32
      %jit3A_284 = arith.constant 2 : i32
      %div3A_285 = arith.divsi %add3A_235, %jit3A_284 : i32
      %sign3A_286 = arith.constant 0 : i32
      %sign3A_287 = arith.cmpi sgt, %add3A_235, %sign3A_286 : i32
      %sign3A_288 = arith.extui %sign3A_287 : i1 to i32
      %sign3A_289 = arith.constant 0 : i32
      %sign3A_290 = arith.cmpi slt, %add3A_235, %sign3A_289 : i32
      %sign3A_291 = arith.extui %sign3A_290 : i1 to i32
      %sign3A_292 = arith.subi %sign3A_288, %sign3A_291 : i32
      %sign3A_293 = arith.constant 0 : i32
      %sign3A_294 = arith.cmpi sgt, %jit3A_284, %sign3A_293 : i32
      %sign3A_295 = arith.extui %sign3A_294 : i1 to i32
      %sign3A_296 = arith.constant 0 : i32
      %sign3A_297 = arith.cmpi slt, %jit3A_284, %sign3A_296 : i32
      %sign3A_298 = arith.extui %sign3A_297 : i1 to i32
      %sign3A_299 = arith.subi %sign3A_295, %sign3A_298 : i32
      %ne3A_300 = arith.cmpi ne, %sign3A_292, %sign3A_299 : i32
      %rem3A_301 = arith.remsi %add3A_235, %jit3A_284 : i32
      %ne3A_302 = arith.constant 0 : i32
      %ne3A_303 = arith.cmpi ne, %rem3A_301, %ne3A_302 : i32
      %and3A_304 = arith.andi %ne3A_300, %ne3A_303 : i1
      %sub3A_305 = arith.constant 1 : i32
      %sub3A_306 = arith.subi %div3A_285, %sub3A_305 : i32
      %select_n3A_307 = arith.select %and3A_304, %sub3A_306, %div3A_285 : i32
      %add3A_308 = arith.addi %mul3A_2, %select_n3A_307 : i32
      %dma_start3A_309 = arith.constant 0 : i32
      %dma_start3A_310 = arith.constant 0 : i32
      %dma_start3A_311 = tpu.memref_slice %arg4[%add3A_308, %dma_start3A_309, %dma_start3A_310] : memref<4096x200x64xf32, #tpu.memory_space<hbm>> -> memref<1x104x64xf32, #tpu.memory_space<hbm>>
      %dma_start3A_312 = tpu.memref_squeeze %dma_start3A_311 : memref<1x104x64xf32, #tpu.memory_space<hbm>> -> memref<104x64xf32, #tpu.memory_space<hbm>>
      %dma_start3A_313 = arith.constant 0 : i32
      %dma_start3A_314 = arith.constant 0 : i32
      %dma_start3A_315 = tpu.memref_slice %arg4[%add3A_308, %dma_start3A_313, %dma_start3A_314] : memref<4096x200x64xf32, #tpu.memory_space<hbm>> -> memref<1x104x64xf32, #tpu.memory_space<hbm>>
      %dma_start3A_316 = tpu.memref_squeeze %dma_start3A_315 : memref<1x104x64xf32, #tpu.memory_space<hbm>> -> memref<104x64xf32, #tpu.memory_space<hbm>>
      tpu.enqueue_dma source(%arg8 : memref<104x64xf32, #tpu.memory_space<vmem>>) target(%dma_start3A_316 : memref<104x64xf32, #tpu.memory_space<hbm>>) target_semaphore(%arg24 : memref<!tpu.dma_semaphore, #tpu.memory_space<semaphore_mem>>)
      %add3A_317 = arith.constant 3 : i32
      %add3A_318 = arith.addi %mul3A_79, %add3A_317 : i32
      %add3A_319 = arith.constant 3 : i32
      %add3A_320 = arith.addi %add3A_318, %add3A_319 : i32
      %ge3A_321 = arith.constant 8 : i32
      %ge3A_322 = arith.cmpi sge, %add3A_320, %ge3A_321 : i32
      %convert_element_type3A_323 = arith.extui %ge3A_322 : i1 to i32
      %cond3A_324 = arith.constant 0 : i32
      %cond3A_325 = arith.cmpi ne, %convert_element_type3A_323, %cond3A_324 : i32
      scf.if %cond3A_325 {
        %sub3A_732 = arith.constant 8 : i32
        %sub3A_733 = arith.subi %add3A_320, %sub3A_732 : i32
        %jit3A_734 = arith.constant 2 : i32
        %div3A_735 = arith.divsi %sub3A_733, %jit3A_734 : i32
        %sign3A_736 = arith.constant 0 : i32
        %sign3A_737 = arith.cmpi sgt, %sub3A_733, %sign3A_736 : i32
        %sign3A_738 = arith.extui %sign3A_737 : i1 to i32
        %sign3A_739 = arith.constant 0 : i32
        %sign3A_740 = arith.cmpi slt, %sub3A_733, %sign3A_739 : i32
        %sign3A_741 = arith.extui %sign3A_740 : i1 to i32
        %sign3A_742 = arith.subi %sign3A_738, %sign3A_741 : i32
        %sign3A_743 = arith.constant 0 : i32
        %sign3A_744 = arith.cmpi sgt, %jit3A_734, %sign3A_743 : i32
        %sign3A_745 = arith.extui %sign3A_744 : i1 to i32
        %sign3A_746 = arith.constant 0 : i32
        %sign3A_747 = arith.cmpi slt, %jit3A_734, %sign3A_746 : i32
        %sign3A_748 = arith.extui %sign3A_747 : i1 to i32
        %sign3A_749 = arith.subi %sign3A_745, %sign3A_748 : i32
        %ne3A_750 = arith.cmpi ne, %sign3A_742, %sign3A_749 : i32
        %rem3A_751 = arith.remsi %sub3A_733, %jit3A_734 : i32
        %ne3A_752 = arith.constant 0 : i32
        %ne3A_753 = arith.cmpi ne, %rem3A_751, %ne3A_752 : i32
        %and3A_754 = arith.andi %ne3A_750, %ne3A_753 : i1
        %sub3A_755 = arith.constant 1 : i32
        %sub3A_756 = arith.subi %div3A_735, %sub3A_755 : i32
        %select_n3A_757 = arith.select %and3A_754, %sub3A_756, %div3A_735 : i32
        %add3A_758 = arith.addi %mul3A_2, %select_n3A_757 : i32
        %dma_wait3A_759 = arith.constant 0 : i32
        %dma_wait3A_760 = arith.constant 0 : i32
        %dma_wait3A_761 = tpu.memref_slice %arg4[%add3A_758, %dma_wait3A_759, %dma_wait3A_760] : memref<4096x200x64xf32, #tpu.memory_space<hbm>> -> memref<1x104x64xf32, #tpu.memory_space<hbm>>
        %dma_wait3A_762 = tpu.memref_squeeze %dma_wait3A_761 : memref<1x104x64xf32, #tpu.memory_space<hbm>> -> memref<104x64xf32, #tpu.memory_space<hbm>>
        %dma_wait3A_763 = arith.constant 0 : i32
        %dma_wait3A_764 = arith.constant 0 : i32
        %dma_wait3A_765 = tpu.memref_slice %arg4[%add3A_758, %dma_wait3A_763, %dma_wait3A_764] : memref<4096x200x64xf32, #tpu.memory_space<hbm>> -> memref<1x104x64xf32, #tpu.memory_space<hbm>>
        %dma_wait3A_766 = tpu.memref_squeeze %dma_wait3A_765 : memref<1x104x64xf32, #tpu.memory_space<hbm>> -> memref<104x64xf32, #tpu.memory_space<hbm>>
        tpu.wait_dma2 semaphore(%arg28 : memref<!tpu.dma_semaphore, #tpu.memory_space<semaphore_mem>>) src(%arg12 : memref<104x64xf32, #tpu.memory_space<vmem>>) dst(%dma_wait3A_766 : memref<104x64xf32, #tpu.memory_space<hbm>>)
      } else {
      }
      %lt3A_326 = arith.constant 256 : i32
      %lt3A_327 = arith.cmpi slt, %add3A_320, %lt3A_326 : i32
      %convert_element_type3A_328 = arith.extui %lt3A_327 : i1 to i32
      %cond3A_329 = arith.constant 0 : i32
      %cond3A_330 = arith.cmpi ne, %convert_element_type3A_328, %cond3A_329 : i32
      scf.if %cond3A_330 {
        %jit3A_732 = arith.constant 2 : i32
        %div3A_733 = arith.divsi %add3A_320, %jit3A_732 : i32
        %sign3A_734 = arith.constant 0 : i32
        %sign3A_735 = arith.cmpi sgt, %add3A_320, %sign3A_734 : i32
        %sign3A_736 = arith.extui %sign3A_735 : i1 to i32
        %sign3A_737 = arith.constant 0 : i32
        %sign3A_738 = arith.cmpi slt, %add3A_320, %sign3A_737 : i32
        %sign3A_739 = arith.extui %sign3A_738 : i1 to i32
        %sign3A_740 = arith.subi %sign3A_736, %sign3A_739 : i32
        %sign3A_741 = arith.constant 0 : i32
        %sign3A_742 = arith.cmpi sgt, %jit3A_732, %sign3A_741 : i32
        %sign3A_743 = arith.extui %sign3A_742 : i1 to i32
        %sign3A_744 = arith.constant 0 : i32
        %sign3A_745 = arith.cmpi slt, %jit3A_732, %sign3A_744 : i32
        %sign3A_746 = arith.extui %sign3A_745 : i1 to i32
        %sign3A_747 = arith.subi %sign3A_743, %sign3A_746 : i32
        %ne3A_748 = arith.cmpi ne, %sign3A_740, %sign3A_747 : i32
        %rem3A_749 = arith.remsi %add3A_320, %jit3A_732 : i32
        %ne3A_750 = arith.constant 0 : i32
        %ne3A_751 = arith.cmpi ne, %rem3A_749, %ne3A_750 : i32
        %and3A_752 = arith.andi %ne3A_748, %ne3A_751 : i1
        %sub3A_753 = arith.constant 1 : i32
        %sub3A_754 = arith.subi %div3A_733, %sub3A_753 : i32
        %select_n3A_755 = arith.select %and3A_752, %sub3A_754, %div3A_733 : i32
        %dma_start3A_756 = arith.constant 0 : i32
        %dma_start3A_757 = tpu.memref_slice %arg5[%select_n3A_755, %dma_start3A_756] : memref<128x200xi32, #tpu.memory_space<vmem>> -> memref<1x104xi32, #tpu.memory_space<vmem>>
        %dma_start3A_758 = tpu.memref_squeeze %dma_start3A_757 : memref<1x104xi32, #tpu.memory_space<vmem>> -> memref<104xi32, #tpu.memory_space<vmem>>
        %dma_start3A_759 = arith.constant 0 : i32
        %dma_start3A_760 = arith.constant 0 : i32
        %dma_start3A_761 = tpu.memref_slice %arg3[%dma_start3A_759, %dma_start3A_760] : memref<1000000x64xf32, #tpu.memory_space<hbm>> -> memref<1000000x64xf32, #tpu.memory_space<hbm>>
        tpu.enqueue_indirect_dma source(%dma_start3A_761 : memref<1000000x64xf32, #tpu.memory_space<hbm>>) target(%arg12 : memref<104x64xf32, #tpu.memory_space<vmem>>) offsets(%dma_start3A_758 : memref<104xi32, #tpu.memory_space<vmem>>) semaphore(%arg20 : memref<!tpu.dma_semaphore, #tpu.memory_space<semaphore_mem>>)
      } else {
      }
      %jit3A_331 = arith.constant 2 : i32
      %div3A_332 = arith.divsi %add3A_318, %jit3A_331 : i32
      %sign3A_333 = arith.constant 0 : i32
      %sign3A_334 = arith.cmpi sgt, %add3A_318, %sign3A_333 : i32
      %sign3A_335 = arith.extui %sign3A_334 : i1 to i32
      %sign3A_336 = arith.constant 0 : i32
      %sign3A_337 = arith.cmpi slt, %add3A_318, %sign3A_336 : i32
      %sign3A_338 = arith.extui %sign3A_337 : i1 to i32
      %sign3A_339 = arith.subi %sign3A_335, %sign3A_338 : i32
      %sign3A_340 = arith.constant 0 : i32
      %sign3A_341 = arith.cmpi sgt, %jit3A_331, %sign3A_340 : i32
      %sign3A_342 = arith.extui %sign3A_341 : i1 to i32
      %sign3A_343 = arith.constant 0 : i32
      %sign3A_344 = arith.cmpi slt, %jit3A_331, %sign3A_343 : i32
      %sign3A_345 = arith.extui %sign3A_344 : i1 to i32
      %sign3A_346 = arith.subi %sign3A_342, %sign3A_345 : i32
      %ne3A_347 = arith.cmpi ne, %sign3A_339, %sign3A_346 : i32
      %rem3A_348 = arith.remsi %add3A_318, %jit3A_331 : i32
      %ne3A_349 = arith.constant 0 : i32
      %ne3A_350 = arith.cmpi ne, %rem3A_348, %ne3A_349 : i32
      %and3A_351 = arith.andi %ne3A_347, %ne3A_350 : i1
      %sub3A_352 = arith.constant 1 : i32
      %sub3A_353 = arith.subi %div3A_332, %sub3A_352 : i32
      %select_n3A_354 = arith.select %and3A_351, %sub3A_353, %div3A_332 : i32
      %dma_wait3A_355 = arith.constant 104 : i32
      %dma_wait3A_356 = tpu.memref_slice %arg5[%select_n3A_354, %dma_wait3A_355] : memref<128x200xi32, #tpu.memory_space<vmem>> -> memref<1x96xi32, #tpu.memory_space<vmem>>
      %dma_wait3A_357 = tpu.memref_squeeze %dma_wait3A_356 : memref<1x96xi32, #tpu.memory_space<vmem>> -> memref<96xi32, #tpu.memory_space<vmem>>
      %dma_wait3A_358 = arith.constant 0 : i32
      %dma_wait3A_359 = arith.constant 0 : i32
      %dma_wait3A_360 = tpu.memref_slice %arg3[%dma_wait3A_358, %dma_wait3A_359] : memref<1000000x64xf32, #tpu.memory_space<hbm>> -> memref<1000000x64xf32, #tpu.memory_space<hbm>>
      tpu.wait_indirect_dma semaphore(%arg17 : memref<!tpu.dma_semaphore, #tpu.memory_space<semaphore_mem>>) src(%dma_wait3A_360 : memref<1000000x64xf32, #tpu.memory_space<hbm>>) dst(%arg9 : memref<96x64xf32, #tpu.memory_space<vmem>>)
      %scan3A_361 = arith.constant 0 : i32
      %scan3A_362 = arith.constant 0 : i32
      %scan3A_363 = arith.constant 96 : i32
      %scan3A_364 = arith.addi %scan3A_362, %scan3A_363 : i32
      %scan3A_365 = arith.constant 4 : i32
      scf.for %scan3A_732 = %scan3A_362 to %scan3A_364 step %scan3A_365  : i32 {
        %get3A = arith.index_cast %scan3A_732 : i32 to index
        %get3A_733 = arith.constant 0 : index
        %get3A_734 = tpu.vector_load %arg9[%get3A, %get3A_733] {strides = array<i32>} : memref<96x64xf32, #tpu.memory_space<vmem>>, vector<1x16xf32>,
        %get3A_735 = vector.shape_cast %get3A_734 : vector<1x16xf32> to vector<16xf32>
        %mul3A_736 = arith.constant 8.000000e+00 : f32
        %mul3A_737 = vector.broadcast %mul3A_736 : f32 to vector<16xf32>
        %mul3A_738 = arith.mulf %get3A_735, %mul3A_737 : vector<16xf32>
        %swap3A = arith.index_cast %scan3A_732 : i32 to index
        %swap3A_739 = arith.constant 0 : index
        %swap3A_740 = tpu.vector_load %arg9[%swap3A, %swap3A_739] {strides = array<i32>} : memref<96x64xf32, #tpu.memory_space<vmem>>, vector<1x16xf32>,
        %swap3A_741 = vector.shape_cast %swap3A_740 : vector<1x16xf32> to vector<16xf32>
        %swap3A_742 = vector.shape_cast %mul3A_738 : vector<16xf32> to vector<1x16xf32>
        tpu.vector_store %arg9[%swap3A, %swap3A_739], %swap3A_742 {strides = array<i32>} : memref<96x64xf32, #tpu.memory_space<vmem>>, vector<1x16xf32>,
        %get3A_743 = arith.index_cast %scan3A_732 : i32 to index
        %get3A_744 = arith.constant 16 : index
        %get3A_745 = tpu.vector_load %arg9[%get3A_743, %get3A_744] {strides = array<i32>} : memref<96x64xf32, #tpu.memory_space<vmem>>, vector<1x16xf32>,
        %get3A_746 = vector.shape_cast %get3A_745 : vector<1x16xf32> to vector<16xf32>
        %mul3A_747 = arith.constant 8.000000e+00 : f32
        %mul3A_748 = vector.broadcast %mul3A_747 : f32 to vector<16xf32>
        %mul3A_749 = arith.mulf %get3A_746, %mul3A_748 : vector<16xf32>
        %swap3A_750 = arith.index_cast %scan3A_732 : i32 to index
        %swap3A_751 = arith.constant 16 : index
        %swap3A_752 = tpu.vector_load %arg9[%swap3A_750, %swap3A_751] {strides = array<i32>} : memref<96x64xf32, #tpu.memory_space<vmem>>, vector<1x16xf32>,
        %swap3A_753 = vector.shape_cast %swap3A_752 : vector<1x16xf32> to vector<16xf32>
        %swap3A_754 = vector.shape_cast %mul3A_749 : vector<16xf32> to vector<1x16xf32>
        tpu.vector_store %arg9[%swap3A_750, %swap3A_751], %swap3A_754 {strides = array<i32>} : memref<96x64xf32, #tpu.memory_space<vmem>>, vector<1x16xf32>,
        %get3A_755 = arith.index_cast %scan3A_732 : i32 to index
        %get3A_756 = arith.constant 32 : index
        %get3A_757 = tpu.vector_load %arg9[%get3A_755, %get3A_756] {strides = array<i32>} : memref<96x64xf32, #tpu.memory_space<vmem>>, vector<1x16xf32>,
        %get3A_758 = vector.shape_cast %get3A_757 : vector<1x16xf32> to vector<16xf32>
        %mul3A_759 = arith.constant 8.000000e+00 : f32
        %mul3A_760 = vector.broadcast %mul3A_759 : f32 to vector<16xf32>
        %mul3A_761 = arith.mulf %get3A_758, %mul3A_760 : vector<16xf32>
        %swap3A_762 = arith.index_cast %scan3A_732 : i32 to index
        %swap3A_763 = arith.constant 32 : index
        %swap3A_764 = tpu.vector_load %arg9[%swap3A_762, %swap3A_763] {strides = array<i32>} : memref<96x64xf32, #tpu.memory_space<vmem>>, vector<1x16xf32>,
        %swap3A_765 = vector.shape_cast %swap3A_764 : vector<1x16xf32> to vector<16xf32>
        %swap3A_766 = vector.shape_cast %mul3A_761 : vector<16xf32> to vector<1x16xf32>
        tpu.vector_store %arg9[%swap3A_762, %swap3A_763], %swap3A_766 {strides = array<i32>} : memref<96x64xf32, #tpu.memory_space<vmem>>, vector<1x16xf32>,
        %get3A_767 = arith.index_cast %scan3A_732 : i32 to index
        %get3A_768 = arith.constant 48 : index
        %get3A_769 = tpu.vector_load %arg9[%get3A_767, %get3A_768] {strides = array<i32>} : memref<96x64xf32, #tpu.memory_space<vmem>>, vector<1x16xf32>,
        %get3A_770 = vector.shape_cast %get3A_769 : vector<1x16xf32> to vector<16xf32>
        %mul3A_771 = arith.constant 8.000000e+00 : f32
        %mul3A_772 = vector.broadcast %mul3A_771 : f32 to vector<16xf32>
        %mul3A_773 = arith.mulf %get3A_770, %mul3A_772 : vector<16xf32>
        %swap3A_774 = arith.index_cast %scan3A_732 : i32 to index
        %swap3A_775 = arith.constant 48 : index
        %swap3A_776 = tpu.vector_load %arg9[%swap3A_774, %swap3A_775] {strides = array<i32>} : memref<96x64xf32, #tpu.memory_space<vmem>>, vector<1x16xf32>,
        %swap3A_777 = vector.shape_cast %swap3A_776 : vector<1x16xf32> to vector<16xf32>
        %swap3A_778 = vector.shape_cast %mul3A_773 : vector<16xf32> to vector<1x16xf32>
        tpu.vector_store %arg9[%swap3A_774, %swap3A_775], %swap3A_778 {strides = array<i32>} : memref<96x64xf32, #tpu.memory_space<vmem>>, vector<1x16xf32>,
        %scan3A_779 = arith.constant 1 : i32
        %scan3A_780 = arith.addi %scan3A_732, %scan3A_779 : i32
        %get3A_781 = arith.index_cast %scan3A_780 : i32 to index
        %get3A_782 = arith.constant 0 : index
        %get3A_783 = tpu.vector_load %arg9[%get3A_781, %get3A_782] {strides = array<i32>} : memref<96x64xf32, #tpu.memory_space<vmem>>, vector<1x16xf32>,
        %get3A_784 = vector.shape_cast %get3A_783 : vector<1x16xf32> to vector<16xf32>
        %mul3A_785 = arith.constant 8.000000e+00 : f32
        %mul3A_786 = vector.broadcast %mul3A_785 : f32 to vector<16xf32>
        %mul3A_787 = arith.mulf %get3A_784, %mul3A_786 : vector<16xf32>
        %swap3A_788 = arith.index_cast %scan3A_780 : i32 to index
        %swap3A_789 = arith.constant 0 : index
        %swap3A_790 = tpu.vector_load %arg9[%swap3A_788, %swap3A_789] {strides = array<i32>} : memref<96x64xf32, #tpu.memory_space<vmem>>, vector<1x16xf32>,
        %swap3A_791 = vector.shape_cast %swap3A_790 : vector<1x16xf32> to vector<16xf32>
        %swap3A_792 = vector.shape_cast %mul3A_787 : vector<16xf32> to vector<1x16xf32>
        tpu.vector_store %arg9[%swap3A_788, %swap3A_789], %swap3A_792 {strides = array<i32>} : memref<96x64xf32, #tpu.memory_space<vmem>>, vector<1x16xf32>,
        %get3A_793 = arith.index_cast %scan3A_780 : i32 to index
        %get3A_794 = arith.constant 16 : index
        %get3A_795 = tpu.vector_load %arg9[%get3A_793, %get3A_794] {strides = array<i32>} : memref<96x64xf32, #tpu.memory_space<vmem>>, vector<1x16xf32>,
        %get3A_796 = vector.shape_cast %get3A_795 : vector<1x16xf32> to vector<16xf32>
        %mul3A_797 = arith.constant 8.000000e+00 : f32
        %mul3A_798 = vector.broadcast %mul3A_797 : f32 to vector<16xf32>
        %mul3A_799 = arith.mulf %get3A_796, %mul3A_798 : vector<16xf32>
        %swap3A_800 = arith.index_cast %scan3A_780 : i32 to index
        %swap3A_801 = arith.constant 16 : index
        %swap3A_802 = tpu.vector_load %arg9[%swap3A_800, %swap3A_801] {strides = array<i32>} : memref<96x64xf32, #tpu.memory_space<vmem>>, vector<1x16xf32>,
        %swap3A_803 = vector.shape_cast %swap3A_802 : vector<1x16xf32> to vector<16xf32>
        %swap3A_804 = vector.shape_cast %mul3A_799 : vector<16xf32> to vector<1x16xf32>
        tpu.vector_store %arg9[%swap3A_800, %swap3A_801], %swap3A_804 {strides = array<i32>} : memref<96x64xf32, #tpu.memory_space<vmem>>, vector<1x16xf32>,
        %get3A_805 = arith.index_cast %scan3A_780 : i32 to index
        %get3A_806 = arith.constant 32 : index
        %get3A_807 = tpu.vector_load %arg9[%get3A_805, %get3A_806] {strides = array<i32>} : memref<96x64xf32, #tpu.memory_space<vmem>>, vector<1x16xf32>,
        %get3A_808 = vector.shape_cast %get3A_807 : vector<1x16xf32> to vector<16xf32>
        %mul3A_809 = arith.constant 8.000000e+00 : f32
        %mul3A_810 = vector.broadcast %mul3A_809 : f32 to vector<16xf32>
        %mul3A_811 = arith.mulf %get3A_808, %mul3A_810 : vector<16xf32>
        %swap3A_812 = arith.index_cast %scan3A_780 : i32 to index
        %swap3A_813 = arith.constant 32 : index
        %swap3A_814 = tpu.vector_load %arg9[%swap3A_812, %swap3A_813] {strides = array<i32>} : memref<96x64xf32, #tpu.memory_space<vmem>>, vector<1x16xf32>,
        %swap3A_815 = vector.shape_cast %swap3A_814 : vector<1x16xf32> to vector<16xf32>
        %swap3A_816 = vector.shape_cast %mul3A_811 : vector<16xf32> to vector<1x16xf32>
        tpu.vector_store %arg9[%swap3A_812, %swap3A_813], %swap3A_816 {strides = array<i32>} : memref<96x64xf32, #tpu.memory_space<vmem>>, vector<1x16xf32>,
        %get3A_817 = arith.index_cast %scan3A_780 : i32 to index
        %get3A_818 = arith.constant 48 : index
        %get3A_819 = tpu.vector_load %arg9[%get3A_817, %get3A_818] {strides = array<i32>} : memref<96x64xf32, #tpu.memory_space<vmem>>, vector<1x16xf32>,
        %get3A_820 = vector.shape_cast %get3A_819 : vector<1x16xf32> to vector<16xf32>
        %mul3A_821 = arith.constant 8.000000e+00 : f32
        %mul3A_822 = vector.broadcast %mul3A_821 : f32 to vector<16xf32>
        %mul3A_823 = arith.mulf %get3A_820, %mul3A_822 : vector<16xf32>
        %swap3A_824 = arith.index_cast %scan3A_780 : i32 to index
        %swap3A_825 = arith.constant 48 : index
        %swap3A_826 = tpu.vector_load %arg9[%swap3A_824, %swap3A_825] {strides = array<i32>} : memref<96x64xf32, #tpu.memory_space<vmem>>, vector<1x16xf32>,
        %swap3A_827 = vector.shape_cast %swap3A_826 : vector<1x16xf32> to vector<16xf32>
        %swap3A_828 = vector.shape_cast %mul3A_823 : vector<16xf32> to vector<1x16xf32>
        tpu.vector_store %arg9[%swap3A_824, %swap3A_825], %swap3A_828 {strides = array<i32>} : memref<96x64xf32, #tpu.memory_space<vmem>>, vector<1x16xf32>,
        %scan3A_829 = arith.constant 2 : i32
        %scan3A_830 = arith.addi %scan3A_732, %scan3A_829 : i32
        %get3A_831 = arith.index_cast %scan3A_830 : i32 to index
        %get3A_832 = arith.constant 0 : index
        %get3A_833 = tpu.vector_load %arg9[%get3A_831, %get3A_832] {strides = array<i32>} : memref<96x64xf32, #tpu.memory_space<vmem>>, vector<1x16xf32>,
        %get3A_834 = vector.shape_cast %get3A_833 : vector<1x16xf32> to vector<16xf32>
        %mul3A_835 = arith.constant 8.000000e+00 : f32
        %mul3A_836 = vector.broadcast %mul3A_835 : f32 to vector<16xf32>
        %mul3A_837 = arith.mulf %get3A_834, %mul3A_836 : vector<16xf32>
        %swap3A_838 = arith.index_cast %scan3A_830 : i32 to index
        %swap3A_839 = arith.constant 0 : index
        %swap3A_840 = tpu.vector_load %arg9[%swap3A_838, %swap3A_839] {strides = array<i32>} : memref<96x64xf32, #tpu.memory_space<vmem>>, vector<1x16xf32>,
        %swap3A_841 = vector.shape_cast %swap3A_840 : vector<1x16xf32> to vector<16xf32>
        %swap3A_842 = vector.shape_cast %mul3A_837 : vector<16xf32> to vector<1x16xf32>
        tpu.vector_store %arg9[%swap3A_838, %swap3A_839], %swap3A_842 {strides = array<i32>} : memref<96x64xf32, #tpu.memory_space<vmem>>, vector<1x16xf32>,
        %get3A_843 = arith.index_cast %scan3A_830 : i32 to index
        %get3A_844 = arith.constant 16 : index
        %get3A_845 = tpu.vector_load %arg9[%get3A_843, %get3A_844] {strides = array<i32>} : memref<96x64xf32, #tpu.memory_space<vmem>>, vector<1x16xf32>,
        %get3A_846 = vector.shape_cast %get3A_845 : vector<1x16xf32> to vector<16xf32>
        %mul3A_847 = arith.constant 8.000000e+00 : f32
        %mul3A_848 = vector.broadcast %mul3A_847 : f32 to vector<16xf32>
        %mul3A_849 = arith.mulf %get3A_846, %mul3A_848 : vector<16xf32>
        %swap3A_850 = arith.index_cast %scan3A_830 : i32 to index
        %swap3A_851 = arith.constant 16 : index
        %swap3A_852 = tpu.vector_load %arg9[%swap3A_850, %swap3A_851] {strides = array<i32>} : memref<96x64xf32, #tpu.memory_space<vmem>>, vector<1x16xf32>,
        %swap3A_853 = vector.shape_cast %swap3A_852 : vector<1x16xf32> to vector<16xf32>
        %swap3A_854 = vector.shape_cast %mul3A_849 : vector<16xf32> to vector<1x16xf32>
        tpu.vector_store %arg9[%swap3A_850, %swap3A_851], %swap3A_854 {strides = array<i32>} : memref<96x64xf32, #tpu.memory_space<vmem>>, vector<1x16xf32>,
        %get3A_855 = arith.index_cast %scan3A_830 : i32 to index
        %get3A_856 = arith.constant 32 : index
        %get3A_857 = tpu.vector_load %arg9[%get3A_855, %get3A_856] {strides = array<i32>} : memref<96x64xf32, #tpu.memory_space<vmem>>, vector<1x16xf32>,
        %get3A_858 = vector.shape_cast %get3A_857 : vector<1x16xf32> to vector<16xf32>
        %mul3A_859 = arith.constant 8.000000e+00 : f32
        %mul3A_860 = vector.broadcast %mul3A_859 : f32 to vector<16xf32>
        %mul3A_861 = arith.mulf %get3A_858, %mul3A_860 : vector<16xf32>
        %swap3A_862 = arith.index_cast %scan3A_830 : i32 to index
        %swap3A_863 = arith.constant 32 : index
        %swap3A_864 = tpu.vector_load %arg9[%swap3A_862, %swap3A_863] {strides = array<i32>} : memref<96x64xf32, #tpu.memory_space<vmem>>, vector<1x16xf32>,
        %swap3A_865 = vector.shape_cast %swap3A_864 : vector<1x16xf32> to vector<16xf32>
        %swap3A_866 = vector.shape_cast %mul3A_861 : vector<16xf32> to vector<1x16xf32>
        tpu.vector_store %arg9[%swap3A_862, %swap3A_863], %swap3A_866 {strides = array<i32>} : memref<96x64xf32, #tpu.memory_space<vmem>>, vector<1x16xf32>,
        %get3A_867 = arith.index_cast %scan3A_830 : i32 to index
        %get3A_868 = arith.constant 48 : index
        %get3A_869 = tpu.vector_load %arg9[%get3A_867, %get3A_868] {strides = array<i32>} : memref<96x64xf32, #tpu.memory_space<vmem>>, vector<1x16xf32>,
        %get3A_870 = vector.shape_cast %get3A_869 : vector<1x16xf32> to vector<16xf32>
        %mul3A_871 = arith.constant 8.000000e+00 : f32
        %mul3A_872 = vector.broadcast %mul3A_871 : f32 to vector<16xf32>
        %mul3A_873 = arith.mulf %get3A_870, %mul3A_872 : vector<16xf32>
        %swap3A_874 = arith.index_cast %scan3A_830 : i32 to index
        %swap3A_875 = arith.constant 48 : index
        %swap3A_876 = tpu.vector_load %arg9[%swap3A_874, %swap3A_875] {strides = array<i32>} : memref<96x64xf32, #tpu.memory_space<vmem>>, vector<1x16xf32>,
        %swap3A_877 = vector.shape_cast %swap3A_876 : vector<1x16xf32> to vector<16xf32>
        %swap3A_878 = vector.shape_cast %mul3A_873 : vector<16xf32> to vector<1x16xf32>
        tpu.vector_store %arg9[%swap3A_874, %swap3A_875], %swap3A_878 {strides = array<i32>} : memref<96x64xf32, #tpu.memory_space<vmem>>, vector<1x16xf32>,
        %scan3A_879 = arith.constant 3 : i32
        %scan3A_880 = arith.addi %scan3A_732, %scan3A_879 : i32
        %get3A_881 = arith.index_cast %scan3A_880 : i32 to index
        %get3A_882 = arith.constant 0 : index
        %get3A_883 = tpu.vector_load %arg9[%get3A_881, %get3A_882] {strides = array<i32>} : memref<96x64xf32, #tpu.memory_space<vmem>>, vector<1x16xf32>,
        %get3A_884 = vector.shape_cast %get3A_883 : vector<1x16xf32> to vector<16xf32>
        %mul3A_885 = arith.constant 8.000000e+00 : f32
        %mul3A_886 = vector.broadcast %mul3A_885 : f32 to vector<16xf32>
        %mul3A_887 = arith.mulf %get3A_884, %mul3A_886 : vector<16xf32>
        %swap3A_888 = arith.index_cast %scan3A_880 : i32 to index
        %swap3A_889 = arith.constant 0 : index
        %swap3A_890 = tpu.vector_load %arg9[%swap3A_888, %swap3A_889] {strides = array<i32>} : memref<96x64xf32, #tpu.memory_space<vmem>>, vector<1x16xf32>,
        %swap3A_891 = vector.shape_cast %swap3A_890 : vector<1x16xf32> to vector<16xf32>
        %swap3A_892 = vector.shape_cast %mul3A_887 : vector<16xf32> to vector<1x16xf32>
        tpu.vector_store %arg9[%swap3A_888, %swap3A_889], %swap3A_892 {strides = array<i32>} : memref<96x64xf32, #tpu.memory_space<vmem>>, vector<1x16xf32>,
        %get3A_893 = arith.index_cast %scan3A_880 : i32 to index
        %get3A_894 = arith.constant 16 : index
        %get3A_895 = tpu.vector_load %arg9[%get3A_893, %get3A_894] {strides = array<i32>} : memref<96x64xf32, #tpu.memory_space<vmem>>, vector<1x16xf32>,
        %get3A_896 = vector.shape_cast %get3A_895 : vector<1x16xf32> to vector<16xf32>
        %mul3A_897 = arith.constant 8.000000e+00 : f32
        %mul3A_898 = vector.broadcast %mul3A_897 : f32 to vector<16xf32>
        %mul3A_899 = arith.mulf %get3A_896, %mul3A_898 : vector<16xf32>
        %swap3A_900 = arith.index_cast %scan3A_880 : i32 to index
        %swap3A_901 = arith.constant 16 : index
        %swap3A_902 = tpu.vector_load %arg9[%swap3A_900, %swap3A_901] {strides = array<i32>} : memref<96x64xf32, #tpu.memory_space<vmem>>, vector<1x16xf32>,
        %swap3A_903 = vector.shape_cast %swap3A_902 : vector<1x16xf32> to vector<16xf32>
        %swap3A_904 = vector.shape_cast %mul3A_899 : vector<16xf32> to vector<1x16xf32>
        tpu.vector_store %arg9[%swap3A_900, %swap3A_901], %swap3A_904 {strides = array<i32>} : memref<96x64xf32, #tpu.memory_space<vmem>>, vector<1x16xf32>,
        %get3A_905 = arith.index_cast %scan3A_880 : i32 to index
        %get3A_906 = arith.constant 32 : index
        %get3A_907 = tpu.vector_load %arg9[%get3A_905, %get3A_906] {strides = array<i32>} : memref<96x64xf32, #tpu.memory_space<vmem>>, vector<1x16xf32>,
        %get3A_908 = vector.shape_cast %get3A_907 : vector<1x16xf32> to vector<16xf32>
        %mul3A_909 = arith.constant 8.000000e+00 : f32
        %mul3A_910 = vector.broadcast %mul3A_909 : f32 to vector<16xf32>
        %mul3A_911 = arith.mulf %get3A_908, %mul3A_910 : vector<16xf32>
        %swap3A_912 = arith.index_cast %scan3A_880 : i32 to index
        %swap3A_913 = arith.constant 32 : index
        %swap3A_914 = tpu.vector_load %arg9[%swap3A_912, %swap3A_913] {strides = array<i32>} : memref<96x64xf32, #tpu.memory_space<vmem>>, vector<1x16xf32>,
        %swap3A_915 = vector.shape_cast %swap3A_914 : vector<1x16xf32> to vector<16xf32>
        %swap3A_916 = vector.shape_cast %mul3A_911 : vector<16xf32> to vector<1x16xf32>
        tpu.vector_store %arg9[%swap3A_912, %swap3A_913], %swap3A_916 {strides = array<i32>} : memref<96x64xf32, #tpu.memory_space<vmem>>, vector<1x16xf32>,
        %get3A_917 = arith.index_cast %scan3A_880 : i32 to index
        %get3A_918 = arith.constant 48 : index
        %get3A_919 = tpu.vector_load %arg9[%get3A_917, %get3A_918] {strides = array<i32>} : memref<96x64xf32, #tpu.memory_space<vmem>>, vector<1x16xf32>,
        %get3A_920 = vector.shape_cast %get3A_919 : vector<1x16xf32> to vector<16xf32>
        %mul3A_921 = arith.constant 8.000000e+00 : f32
        %mul3A_922 = vector.broadcast %mul3A_921 : f32 to vector<16xf32>
        %mul3A_923 = arith.mulf %get3A_920, %mul3A_922 : vector<16xf32>
        %swap3A_924 = arith.index_cast %scan3A_880 : i32 to index
        %swap3A_925 = arith.constant 48 : index
        %swap3A_926 = tpu.vector_load %arg9[%swap3A_924, %swap3A_925] {strides = array<i32>} : memref<96x64xf32, #tpu.memory_space<vmem>>, vector<1x16xf32>,
        %swap3A_927 = vector.shape_cast %swap3A_926 : vector<1x16xf32> to vector<16xf32>
        %swap3A_928 = vector.shape_cast %mul3A_923 : vector<16xf32> to vector<1x16xf32>
        tpu.vector_store %arg9[%swap3A_924, %swap3A_925], %swap3A_928 {strides = array<i32>} : memref<96x64xf32, #tpu.memory_space<vmem>>, vector<1x16xf32>,
      }
      %scan3A_366 = arith.constant 96 : i32
      %jit3A_367 = arith.constant 2 : i32
      %div3A_368 = arith.divsi %add3A_318, %jit3A_367 : i32
      %sign3A_369 = arith.constant 0 : i32
      %sign3A_370 = arith.cmpi sgt, %add3A_318, %sign3A_369 : i32
      %sign3A_371 = arith.extui %sign3A_370 : i1 to i32
      %sign3A_372 = arith.constant 0 : i32
      %sign3A_373 = arith.cmpi slt, %add3A_318, %sign3A_372 : i32
      %sign3A_374 = arith.extui %sign3A_373 : i1 to i32
      %sign3A_375 = arith.subi %sign3A_371, %sign3A_374 : i32
      %sign3A_376 = arith.constant 0 : i32
      %sign3A_377 = arith.cmpi sgt, %jit3A_367, %sign3A_376 : i32
      %sign3A_378 = arith.extui %sign3A_377 : i1 to i32
      %sign3A_379 = arith.constant 0 : i32
      %sign3A_380 = arith.cmpi slt, %jit3A_367, %sign3A_379 : i32
      %sign3A_381 = arith.extui %sign3A_380 : i1 to i32
      %sign3A_382 = arith.subi %sign3A_378, %sign3A_381 : i32
      %ne3A_383 = arith.cmpi ne, %sign3A_375, %sign3A_382 : i32
      %rem3A_384 = arith.remsi %add3A_318, %jit3A_367 : i32
      %ne3A_385 = arith.constant 0 : i32
      %ne3A_386 = arith.cmpi ne, %rem3A_384, %ne3A_385 : i32
      %and3A_387 = arith.andi %ne3A_383, %ne3A_386 : i1
      %sub3A_388 = arith.constant 1 : i32
      %sub3A_389 = arith.subi %div3A_368, %sub3A_388 : i32
      %select_n3A_390 = arith.select %and3A_387, %sub3A_389, %div3A_368 : i32
      %add3A_391 = arith.addi %mul3A_2, %select_n3A_390 : i32
      %dma_start3A_392 = arith.constant 104 : i32
      %dma_start3A_393 = arith.constant 0 : i32
      %dma_start3A_394 = tpu.memref_slice %arg4[%add3A_391, %dma_start3A_392, %dma_start3A_393] : memref<4096x200x64xf32, #tpu.memory_space<hbm>> -> memref<1x96x64xf32, #tpu.memory_space<hbm>>
      %dma_start3A_395 = tpu.memref_squeeze %dma_start3A_394 : memref<1x96x64xf32, #tpu.memory_space<hbm>> -> memref<96x64xf32, #tpu.memory_space<hbm>>
      %dma_start3A_396 = arith.constant 104 : i32
      %dma_start3A_397 = arith.constant 0 : i32
      %dma_start3A_398 = tpu.memref_slice %arg4[%add3A_391, %dma_start3A_396, %dma_start3A_397] : memref<4096x200x64xf32, #tpu.memory_space<hbm>> -> memref<1x96x64xf32, #tpu.memory_space<hbm>>
      %dma_start3A_399 = tpu.memref_squeeze %dma_start3A_398 : memref<1x96x64xf32, #tpu.memory_space<hbm>> -> memref<96x64xf32, #tpu.memory_space<hbm>>
      tpu.enqueue_dma source(%arg9 : memref<96x64xf32, #tpu.memory_space<vmem>>) target(%dma_start3A_399 : memref<96x64xf32, #tpu.memory_space<hbm>>) target_semaphore(%arg25 : memref<!tpu.dma_semaphore, #tpu.memory_space<semaphore_mem>>)
      %add3A_400 = arith.constant 4 : i32
      %add3A_401 = arith.addi %mul3A_79, %add3A_400 : i32
      %add3A_402 = arith.constant 3 : i32
      %add3A_403 = arith.addi %add3A_401, %add3A_402 : i32
      %ge3A_404 = arith.constant 8 : i32
      %ge3A_405 = arith.cmpi sge, %add3A_403, %ge3A_404 : i32
      %convert_element_type3A_406 = arith.extui %ge3A_405 : i1 to i32
      %cond3A_407 = arith.constant 0 : i32
      %cond3A_408 = arith.cmpi ne, %convert_element_type3A_406, %cond3A_407 : i32
      scf.if %cond3A_408 {
        %sub3A_732 = arith.constant 8 : i32
        %sub3A_733 = arith.subi %add3A_403, %sub3A_732 : i32
        %jit3A_734 = arith.constant 2 : i32
        %div3A_735 = arith.divsi %sub3A_733, %jit3A_734 : i32
        %sign3A_736 = arith.constant 0 : i32
        %sign3A_737 = arith.cmpi sgt, %sub3A_733, %sign3A_736 : i32
        %sign3A_738 = arith.extui %sign3A_737 : i1 to i32
        %sign3A_739 = arith.constant 0 : i32
        %sign3A_740 = arith.cmpi slt, %sub3A_733, %sign3A_739 : i32
        %sign3A_741 = arith.extui %sign3A_740 : i1 to i32
        %sign3A_742 = arith.subi %sign3A_738, %sign3A_741 : i32
        %sign3A_743 = arith.constant 0 : i32
        %sign3A_744 = arith.cmpi sgt, %jit3A_734, %sign3A_743 : i32
        %sign3A_745 = arith.extui %sign3A_744 : i1 to i32
        %sign3A_746 = arith.constant 0 : i32
        %sign3A_747 = arith.cmpi slt, %jit3A_734, %sign3A_746 : i32
        %sign3A_748 = arith.extui %sign3A_747 : i1 to i32
        %sign3A_749 = arith.subi %sign3A_745, %sign3A_748 : i32
        %ne3A_750 = arith.cmpi ne, %sign3A_742, %sign3A_749 : i32
        %rem3A_751 = arith.remsi %sub3A_733, %jit3A_734 : i32
        %ne3A_752 = arith.constant 0 : i32
        %ne3A_753 = arith.cmpi ne, %rem3A_751, %ne3A_752 : i32
        %and3A_754 = arith.andi %ne3A_750, %ne3A_753 : i1
        %sub3A_755 = arith.constant 1 : i32
        %sub3A_756 = arith.subi %div3A_735, %sub3A_755 : i32
        %select_n3A_757 = arith.select %and3A_754, %sub3A_756, %div3A_735 : i32
        %add3A_758 = arith.addi %mul3A_2, %select_n3A_757 : i32
        %dma_wait3A_759 = arith.constant 104 : i32
        %dma_wait3A_760 = arith.constant 0 : i32
        %dma_wait3A_761 = tpu.memref_slice %arg4[%add3A_758, %dma_wait3A_759, %dma_wait3A_760] : memref<4096x200x64xf32, #tpu.memory_space<hbm>> -> memref<1x96x64xf32, #tpu.memory_space<hbm>>
        %dma_wait3A_762 = tpu.memref_squeeze %dma_wait3A_761 : memref<1x96x64xf32, #tpu.memory_space<hbm>> -> memref<96x64xf32, #tpu.memory_space<hbm>>
        %dma_wait3A_763 = arith.constant 104 : i32
        %dma_wait3A_764 = arith.constant 0 : i32
        %dma_wait3A_765 = tpu.memref_slice %arg4[%add3A_758, %dma_wait3A_763, %dma_wait3A_764] : memref<4096x200x64xf32, #tpu.memory_space<hbm>> -> memref<1x96x64xf32, #tpu.memory_space<hbm>>
        %dma_wait3A_766 = tpu.memref_squeeze %dma_wait3A_765 : memref<1x96x64xf32, #tpu.memory_space<hbm>> -> memref<96x64xf32, #tpu.memory_space<hbm>>
        tpu.wait_dma2 semaphore(%arg29 : memref<!tpu.dma_semaphore, #tpu.memory_space<semaphore_mem>>) src(%arg13 : memref<96x64xf32, #tpu.memory_space<vmem>>) dst(%dma_wait3A_766 : memref<96x64xf32, #tpu.memory_space<hbm>>)
      } else {
      }
      %lt3A_409 = arith.constant 256 : i32
      %lt3A_410 = arith.cmpi slt, %add3A_403, %lt3A_409 : i32
      %convert_element_type3A_411 = arith.extui %lt3A_410 : i1 to i32
      %cond3A_412 = arith.constant 0 : i32
      %cond3A_413 = arith.cmpi ne, %convert_element_type3A_411, %cond3A_412 : i32
      scf.if %cond3A_413 {
        %jit3A_732 = arith.constant 2 : i32
        %div3A_733 = arith.divsi %add3A_403, %jit3A_732 : i32
        %sign3A_734 = arith.constant 0 : i32
        %sign3A_735 = arith.cmpi sgt, %add3A_403, %sign3A_734 : i32
        %sign3A_736 = arith.extui %sign3A_735 : i1 to i32
        %sign3A_737 = arith.constant 0 : i32
        %sign3A_738 = arith.cmpi slt, %add3A_403, %sign3A_737 : i32
        %sign3A_739 = arith.extui %sign3A_738 : i1 to i32
        %sign3A_740 = arith.subi %sign3A_736, %sign3A_739 : i32
        %sign3A_741 = arith.constant 0 : i32
        %sign3A_742 = arith.cmpi sgt, %jit3A_732, %sign3A_741 : i32
        %sign3A_743 = arith.extui %sign3A_742 : i1 to i32
        %sign3A_744 = arith.constant 0 : i32
        %sign3A_745 = arith.cmpi slt, %jit3A_732, %sign3A_744 : i32
        %sign3A_746 = arith.extui %sign3A_745 : i1 to i32
        %sign3A_747 = arith.subi %sign3A_743, %sign3A_746 : i32
        %ne3A_748 = arith.cmpi ne, %sign3A_740, %sign3A_747 : i32
        %rem3A_749 = arith.remsi %add3A_403, %jit3A_732 : i32
        %ne3A_750 = arith.constant 0 : i32
        %ne3A_751 = arith.cmpi ne, %rem3A_749, %ne3A_750 : i32
        %and3A_752 = arith.andi %ne3A_748, %ne3A_751 : i1
        %sub3A_753 = arith.constant 1 : i32
        %sub3A_754 = arith.subi %div3A_733, %sub3A_753 : i32
        %select_n3A_755 = arith.select %and3A_752, %sub3A_754, %div3A_733 : i32
        %dma_start3A_756 = arith.constant 104 : i32
        %dma_start3A_757 = tpu.memref_slice %arg5[%select_n3A_755, %dma_start3A_756] : memref<128x200xi32, #tpu.memory_space<vmem>> -> memref<1x96xi32, #tpu.memory_space<vmem>>
        %dma_start3A_758 = tpu.memref_squeeze %dma_start3A_757 : memref<1x96xi32, #tpu.memory_space<vmem>> -> memref<96xi32, #tpu.memory_space<vmem>>
        %dma_start3A_759 = arith.constant 0 : i32
        %dma_start3A_760 = arith.constant 0 : i32
        %dma_start3A_761 = tpu.memref_slice %arg3[%dma_start3A_759, %dma_start3A_760] : memref<1000000x64xf32, #tpu.memory_space<hbm>> -> memref<1000000x64xf32, #tpu.memory_space<hbm>>
        tpu.enqueue_indirect_dma source(%dma_start3A_761 : memref<1000000x64xf32, #tpu.memory_space<hbm>>) target(%arg13 : memref<96x64xf32, #tpu.memory_space<vmem>>) offsets(%dma_start3A_758 : memref<96xi32, #tpu.memory_space<vmem>>) semaphore(%arg21 : memref<!tpu.dma_semaphore, #tpu.memory_space<semaphore_mem>>)
      } else {
      }
      %jit3A_414 = arith.constant 2 : i32
      %div3A_415 = arith.divsi %add3A_401, %jit3A_414 : i32
      %sign3A_416 = arith.constant 0 : i32
      %sign3A_417 = arith.cmpi sgt, %add3A_401, %sign3A_416 : i32
      %sign3A_418 = arith.extui %sign3A_417 : i1 to i32
      %sign3A_419 = arith.constant 0 : i32
      %sign3A_420 = arith.cmpi slt, %add3A_401, %sign3A_419 : i32
      %sign3A_421 = arith.extui %sign3A_420 : i1 to i32
      %sign3A_422 = arith.subi %sign3A_418, %sign3A_421 : i32
      %sign3A_423 = arith.constant 0 : i32
      %sign3A_424 = arith.cmpi sgt, %jit3A_414, %sign3A_423 : i32
      %sign3A_425 = arith.extui %sign3A_424 : i1 to i32
      %sign3A_426 = arith.constant 0 : i32
      %sign3A_427 = arith.cmpi slt, %jit3A_414, %sign3A_426 : i32
      %sign3A_428 = arith.extui %sign3A_427 : i1 to i32
      %sign3A_429 = arith.subi %sign3A_425, %sign3A_428 : i32
      %ne3A_430 = arith.cmpi ne, %sign3A_422, %sign3A_429 : i32
      %rem3A_431 = arith.remsi %add3A_401, %jit3A_414 : i32
      %ne3A_432 = arith.constant 0 : i32
      %ne3A_433 = arith.cmpi ne, %rem3A_431, %ne3A_432 : i32
      %and3A_434 = arith.andi %ne3A_430, %ne3A_433 : i1
      %sub3A_435 = arith.constant 1 : i32
      %sub3A_436 = arith.subi %div3A_415, %sub3A_435 : i32
      %select_n3A_437 = arith.select %and3A_434, %sub3A_436, %div3A_415 : i32
      %dma_wait3A_438 = arith.constant 0 : i32
      %dma_wait3A_439 = tpu.memref_slice %arg5[%select_n3A_437, %dma_wait3A_438] : memref<128x200xi32, #tpu.memory_space<vmem>> -> memref<1x104xi32, #tpu.memory_space<vmem>>
      %dma_wait3A_440 = tpu.memref_squeeze %dma_wait3A_439 : memref<1x104xi32, #tpu.memory_space<vmem>> -> memref<104xi32, #tpu.memory_space<vmem>>
      %dma_wait3A_441 = arith.constant 0 : i32
      %dma_wait3A_442 = arith.constant 0 : i32
      %dma_wait3A_443 = tpu.memref_slice %arg3[%dma_wait3A_441, %dma_wait3A_442] : memref<1000000x64xf32, #tpu.memory_space<hbm>> -> memref<1000000x64xf32, #tpu.memory_space<hbm>>
      tpu.wait_indirect_dma semaphore(%arg18 : memref<!tpu.dma_semaphore, #tpu.memory_space<semaphore_mem>>) src(%dma_wait3A_443 : memref<1000000x64xf32, #tpu.memory_space<hbm>>) dst(%arg10 : memref<104x64xf32, #tpu.memory_space<vmem>>)
      %scan3A_444 = arith.constant 0 : i32
      %scan3A_445 = arith.constant 0 : i32
      %scan3A_446 = arith.constant 104 : i32
      %scan3A_447 = arith.addi %scan3A_445, %scan3A_446 : i32
      %scan3A_448 = arith.constant 4 : i32
      scf.for %scan3A_732 = %scan3A_445 to %scan3A_447 step %scan3A_448  : i32 {
        %get3A = arith.index_cast %scan3A_732 : i32 to index
        %get3A_733 = arith.constant 0 : index
        %get3A_734 = tpu.vector_load %arg10[%get3A, %get3A_733] {strides = array<i32>} : memref<104x64xf32, #tpu.memory_space<vmem>>, vector<1x16xf32>,
        %get3A_735 = vector.shape_cast %get3A_734 : vector<1x16xf32> to vector<16xf32>
        %mul3A_736 = arith.constant 8.000000e+00 : f32
        %mul3A_737 = vector.broadcast %mul3A_736 : f32 to vector<16xf32>
        %mul3A_738 = arith.mulf %get3A_735, %mul3A_737 : vector<16xf32>
        %swap3A = arith.index_cast %scan3A_732 : i32 to index
        %swap3A_739 = arith.constant 0 : index
        %swap3A_740 = tpu.vector_load %arg10[%swap3A, %swap3A_739] {strides = array<i32>} : memref<104x64xf32, #tpu.memory_space<vmem>>, vector<1x16xf32>,
        %swap3A_741 = vector.shape_cast %swap3A_740 : vector<1x16xf32> to vector<16xf32>
        %swap3A_742 = vector.shape_cast %mul3A_738 : vector<16xf32> to vector<1x16xf32>
        tpu.vector_store %arg10[%swap3A, %swap3A_739], %swap3A_742 {strides = array<i32>} : memref<104x64xf32, #tpu.memory_space<vmem>>, vector<1x16xf32>,
        %get3A_743 = arith.index_cast %scan3A_732 : i32 to index
        %get3A_744 = arith.constant 16 : index
        %get3A_745 = tpu.vector_load %arg10[%get3A_743, %get3A_744] {strides = array<i32>} : memref<104x64xf32, #tpu.memory_space<vmem>>, vector<1x16xf32>,
        %get3A_746 = vector.shape_cast %get3A_745 : vector<1x16xf32> to vector<16xf32>
        %mul3A_747 = arith.constant 8.000000e+00 : f32
        %mul3A_748 = vector.broadcast %mul3A_747 : f32 to vector<16xf32>
        %mul3A_749 = arith.mulf %get3A_746, %mul3A_748 : vector<16xf32>
        %swap3A_750 = arith.index_cast %scan3A_732 : i32 to index
        %swap3A_751 = arith.constant 16 : index
        %swap3A_752 = tpu.vector_load %arg10[%swap3A_750, %swap3A_751] {strides = array<i32>} : memref<104x64xf32, #tpu.memory_space<vmem>>, vector<1x16xf32>,
        %swap3A_753 = vector.shape_cast %swap3A_752 : vector<1x16xf32> to vector<16xf32>
        %swap3A_754 = vector.shape_cast %mul3A_749 : vector<16xf32> to vector<1x16xf32>
        tpu.vector_store %arg10[%swap3A_750, %swap3A_751], %swap3A_754 {strides = array<i32>} : memref<104x64xf32, #tpu.memory_space<vmem>>, vector<1x16xf32>,
        %get3A_755 = arith.index_cast %scan3A_732 : i32 to index
        %get3A_756 = arith.constant 32 : index
        %get3A_757 = tpu.vector_load %arg10[%get3A_755, %get3A_756] {strides = array<i32>} : memref<104x64xf32, #tpu.memory_space<vmem>>, vector<1x16xf32>,
        %get3A_758 = vector.shape_cast %get3A_757 : vector<1x16xf32> to vector<16xf32>
        %mul3A_759 = arith.constant 8.000000e+00 : f32
        %mul3A_760 = vector.broadcast %mul3A_759 : f32 to vector<16xf32>
        %mul3A_761 = arith.mulf %get3A_758, %mul3A_760 : vector<16xf32>
        %swap3A_762 = arith.index_cast %scan3A_732 : i32 to index
        %swap3A_763 = arith.constant 32 : index
        %swap3A_764 = tpu.vector_load %arg10[%swap3A_762, %swap3A_763] {strides = array<i32>} : memref<104x64xf32, #tpu.memory_space<vmem>>, vector<1x16xf32>,
        %swap3A_765 = vector.shape_cast %swap3A_764 : vector<1x16xf32> to vector<16xf32>
        %swap3A_766 = vector.shape_cast %mul3A_761 : vector<16xf32> to vector<1x16xf32>
        tpu.vector_store %arg10[%swap3A_762, %swap3A_763], %swap3A_766 {strides = array<i32>} : memref<104x64xf32, #tpu.memory_space<vmem>>, vector<1x16xf32>,
        %get3A_767 = arith.index_cast %scan3A_732 : i32 to index
        %get3A_768 = arith.constant 48 : index
        %get3A_769 = tpu.vector_load %arg10[%get3A_767, %get3A_768] {strides = array<i32>} : memref<104x64xf32, #tpu.memory_space<vmem>>, vector<1x16xf32>,
        %get3A_770 = vector.shape_cast %get3A_769 : vector<1x16xf32> to vector<16xf32>
        %mul3A_771 = arith.constant 8.000000e+00 : f32
        %mul3A_772 = vector.broadcast %mul3A_771 : f32 to vector<16xf32>
        %mul3A_773 = arith.mulf %get3A_770, %mul3A_772 : vector<16xf32>
        %swap3A_774 = arith.index_cast %scan3A_732 : i32 to index
        %swap3A_775 = arith.constant 48 : index
        %swap3A_776 = tpu.vector_load %arg10[%swap3A_774, %swap3A_775] {strides = array<i32>} : memref<104x64xf32, #tpu.memory_space<vmem>>, vector<1x16xf32>,
        %swap3A_777 = vector.shape_cast %swap3A_776 : vector<1x16xf32> to vector<16xf32>
        %swap3A_778 = vector.shape_cast %mul3A_773 : vector<16xf32> to vector<1x16xf32>
        tpu.vector_store %arg10[%swap3A_774, %swap3A_775], %swap3A_778 {strides = array<i32>} : memref<104x64xf32, #tpu.memory_space<vmem>>, vector<1x16xf32>,
        %scan3A_779 = arith.constant 1 : i32
        %scan3A_780 = arith.addi %scan3A_732, %scan3A_779 : i32
        %get3A_781 = arith.index_cast %scan3A_780 : i32 to index
        %get3A_782 = arith.constant 0 : index
        %get3A_783 = tpu.vector_load %arg10[%get3A_781, %get3A_782] {strides = array<i32>} : memref<104x64xf32, #tpu.memory_space<vmem>>, vector<1x16xf32>,
        %get3A_784 = vector.shape_cast %get3A_783 : vector<1x16xf32> to vector<16xf32>
        %mul3A_785 = arith.constant 8.000000e+00 : f32
        %mul3A_786 = vector.broadcast %mul3A_785 : f32 to vector<16xf32>
        %mul3A_787 = arith.mulf %get3A_784, %mul3A_786 : vector<16xf32>
        %swap3A_788 = arith.index_cast %scan3A_780 : i32 to index
        %swap3A_789 = arith.constant 0 : index
        %swap3A_790 = tpu.vector_load %arg10[%swap3A_788, %swap3A_789] {strides = array<i32>} : memref<104x64xf32, #tpu.memory_space<vmem>>, vector<1x16xf32>,
        %swap3A_791 = vector.shape_cast %swap3A_790 : vector<1x16xf32> to vector<16xf32>
        %swap3A_792 = vector.shape_cast %mul3A_787 : vector<16xf32> to vector<1x16xf32>
        tpu.vector_store %arg10[%swap3A_788, %swap3A_789], %swap3A_792 {strides = array<i32>} : memref<104x64xf32, #tpu.memory_space<vmem>>, vector<1x16xf32>,
        %get3A_793 = arith.index_cast %scan3A_780 : i32 to index
        %get3A_794 = arith.constant 16 : index
        %get3A_795 = tpu.vector_load %arg10[%get3A_793, %get3A_794] {strides = array<i32>} : memref<104x64xf32, #tpu.memory_space<vmem>>, vector<1x16xf32>,
        %get3A_796 = vector.shape_cast %get3A_795 : vector<1x16xf32> to vector<16xf32>
        %mul3A_797 = arith.constant 8.000000e+00 : f32
        %mul3A_798 = vector.broadcast %mul3A_797 : f32 to vector<16xf32>
        %mul3A_799 = arith.mulf %get3A_796, %mul3A_798 : vector<16xf32>
        %swap3A_800 = arith.index_cast %scan3A_780 : i32 to index
        %swap3A_801 = arith.constant 16 : index
        %swap3A_802 = tpu.vector_load %arg10[%swap3A_800, %swap3A_801] {strides = array<i32>} : memref<104x64xf32, #tpu.memory_space<vmem>>, vector<1x16xf32>,
        %swap3A_803 = vector.shape_cast %swap3A_802 : vector<1x16xf32> to vector<16xf32>
        %swap3A_804 = vector.shape_cast %mul3A_799 : vector<16xf32> to vector<1x16xf32>
        tpu.vector_store %arg10[%swap3A_800, %swap3A_801], %swap3A_804 {strides = array<i32>} : memref<104x64xf32, #tpu.memory_space<vmem>>, vector<1x16xf32>,
        %get3A_805 = arith.index_cast %scan3A_780 : i32 to index
        %get3A_806 = arith.constant 32 : index
        %get3A_807 = tpu.vector_load %arg10[%get3A_805, %get3A_806] {strides = array<i32>} : memref<104x64xf32, #tpu.memory_space<vmem>>, vector<1x16xf32>,
        %get3A_808 = vector.shape_cast %get3A_807 : vector<1x16xf32> to vector<16xf32>
        %mul3A_809 = arith.constant 8.000000e+00 : f32
        %mul3A_810 = vector.broadcast %mul3A_809 : f32 to vector<16xf32>
        %mul3A_811 = arith.mulf %get3A_808, %mul3A_810 : vector<16xf32>
        %swap3A_812 = arith.index_cast %scan3A_780 : i32 to index
        %swap3A_813 = arith.constant 32 : index
        %swap3A_814 = tpu.vector_load %arg10[%swap3A_812, %swap3A_813] {strides = array<i32>} : memref<104x64xf32, #tpu.memory_space<vmem>>, vector<1x16xf32>,
        %swap3A_815 = vector.shape_cast %swap3A_814 : vector<1x16xf32> to vector<16xf32>
        %swap3A_816 = vector.shape_cast %mul3A_811 : vector<16xf32> to vector<1x16xf32>
        tpu.vector_store %arg10[%swap3A_812, %swap3A_813], %swap3A_816 {strides = array<i32>} : memref<104x64xf32, #tpu.memory_space<vmem>>, vector<1x16xf32>,
        %get3A_817 = arith.index_cast %scan3A_780 : i32 to index
        %get3A_818 = arith.constant 48 : index
        %get3A_819 = tpu.vector_load %arg10[%get3A_817, %get3A_818] {strides = array<i32>} : memref<104x64xf32, #tpu.memory_space<vmem>>, vector<1x16xf32>,
        %get3A_820 = vector.shape_cast %get3A_819 : vector<1x16xf32> to vector<16xf32>
        %mul3A_821 = arith.constant 8.000000e+00 : f32
        %mul3A_822 = vector.broadcast %mul3A_821 : f32 to vector<16xf32>
        %mul3A_823 = arith.mulf %get3A_820, %mul3A_822 : vector<16xf32>
        %swap3A_824 = arith.index_cast %scan3A_780 : i32 to index
        %swap3A_825 = arith.constant 48 : index
        %swap3A_826 = tpu.vector_load %arg10[%swap3A_824, %swap3A_825] {strides = array<i32>} : memref<104x64xf32, #tpu.memory_space<vmem>>, vector<1x16xf32>,
        %swap3A_827 = vector.shape_cast %swap3A_826 : vector<1x16xf32> to vector<16xf32>
        %swap3A_828 = vector.shape_cast %mul3A_823 : vector<16xf32> to vector<1x16xf32>
        tpu.vector_store %arg10[%swap3A_824, %swap3A_825], %swap3A_828 {strides = array<i32>} : memref<104x64xf32, #tpu.memory_space<vmem>>, vector<1x16xf32>,
        %scan3A_829 = arith.constant 2 : i32
        %scan3A_830 = arith.addi %scan3A_732, %scan3A_829 : i32
        %get3A_831 = arith.index_cast %scan3A_830 : i32 to index
        %get3A_832 = arith.constant 0 : index
        %get3A_833 = tpu.vector_load %arg10[%get3A_831, %get3A_832] {strides = array<i32>} : memref<104x64xf32, #tpu.memory_space<vmem>>, vector<1x16xf32>,
        %get3A_834 = vector.shape_cast %get3A_833 : vector<1x16xf32> to vector<16xf32>
        %mul3A_835 = arith.constant 8.000000e+00 : f32
        %mul3A_836 = vector.broadcast %mul3A_835 : f32 to vector<16xf32>
        %mul3A_837 = arith.mulf %get3A_834, %mul3A_836 : vector<16xf32>
        %swap3A_838 = arith.index_cast %scan3A_830 : i32 to index
        %swap3A_839 = arith.constant 0 : index
        %swap3A_840 = tpu.vector_load %arg10[%swap3A_838, %swap3A_839] {strides = array<i32>} : memref<104x64xf32, #tpu.memory_space<vmem>>, vector<1x16xf32>,
        %swap3A_841 = vector.shape_cast %swap3A_840 : vector<1x16xf32> to vector<16xf32>
        %swap3A_842 = vector.shape_cast %mul3A_837 : vector<16xf32> to vector<1x16xf32>
        tpu.vector_store %arg10[%swap3A_838, %swap3A_839], %swap3A_842 {strides = array<i32>} : memref<104x64xf32, #tpu.memory_space<vmem>>, vector<1x16xf32>,
        %get3A_843 = arith.index_cast %scan3A_830 : i32 to index
        %get3A_844 = arith.constant 16 : index
        %get3A_845 = tpu.vector_load %arg10[%get3A_843, %get3A_844] {strides = array<i32>} : memref<104x64xf32, #tpu.memory_space<vmem>>, vector<1x16xf32>,
        %get3A_846 = vector.shape_cast %get3A_845 : vector<1x16xf32> to vector<16xf32>
        %mul3A_847 = arith.constant 8.000000e+00 : f32
        %mul3A_848 = vector.broadcast %mul3A_847 : f32 to vector<16xf32>
        %mul3A_849 = arith.mulf %get3A_846, %mul3A_848 : vector<16xf32>
        %swap3A_850 = arith.index_cast %scan3A_830 : i32 to index
        %swap3A_851 = arith.constant 16 : index
        %swap3A_852 = tpu.vector_load %arg10[%swap3A_850, %swap3A_851] {strides = array<i32>} : memref<104x64xf32, #tpu.memory_space<vmem>>, vector<1x16xf32>,
        %swap3A_853 = vector.shape_cast %swap3A_852 : vector<1x16xf32> to vector<16xf32>
        %swap3A_854 = vector.shape_cast %mul3A_849 : vector<16xf32> to vector<1x16xf32>
        tpu.vector_store %arg10[%swap3A_850, %swap3A_851], %swap3A_854 {strides = array<i32>} : memref<104x64xf32, #tpu.memory_space<vmem>>, vector<1x16xf32>,
        %get3A_855 = arith.index_cast %scan3A_830 : i32 to index
        %get3A_856 = arith.constant 32 : index
        %get3A_857 = tpu.vector_load %arg10[%get3A_855, %get3A_856] {strides = array<i32>} : memref<104x64xf32, #tpu.memory_space<vmem>>, vector<1x16xf32>,
        %get3A_858 = vector.shape_cast %get3A_857 : vector<1x16xf32> to vector<16xf32>
        %mul3A_859 = arith.constant 8.000000e+00 : f32
        %mul3A_860 = vector.broadcast %mul3A_859 : f32 to vector<16xf32>
        %mul3A_861 = arith.mulf %get3A_858, %mul3A_860 : vector<16xf32>
        %swap3A_862 = arith.index_cast %scan3A_830 : i32 to index
        %swap3A_863 = arith.constant 32 : index
        %swap3A_864 = tpu.vector_load %arg10[%swap3A_862, %swap3A_863] {strides = array<i32>} : memref<104x64xf32, #tpu.memory_space<vmem>>, vector<1x16xf32>,
        %swap3A_865 = vector.shape_cast %swap3A_864 : vector<1x16xf32> to vector<16xf32>
        %swap3A_866 = vector.shape_cast %mul3A_861 : vector<16xf32> to vector<1x16xf32>
        tpu.vector_store %arg10[%swap3A_862, %swap3A_863], %swap3A_866 {strides = array<i32>} : memref<104x64xf32, #tpu.memory_space<vmem>>, vector<1x16xf32>,
        %get3A_867 = arith.index_cast %scan3A_830 : i32 to index
        %get3A_868 = arith.constant 48 : index
        %get3A_869 = tpu.vector_load %arg10[%get3A_867, %get3A_868] {strides = array<i32>} : memref<104x64xf32, #tpu.memory_space<vmem>>, vector<1x16xf32>,
        %get3A_870 = vector.shape_cast %get3A_869 : vector<1x16xf32> to vector<16xf32>
        %mul3A_871 = arith.constant 8.000000e+00 : f32
        %mul3A_872 = vector.broadcast %mul3A_871 : f32 to vector<16xf32>
        %mul3A_873 = arith.mulf %get3A_870, %mul3A_872 : vector<16xf32>
        %swap3A_874 = arith.index_cast %scan3A_830 : i32 to index
        %swap3A_875 = arith.constant 48 : index
        %swap3A_876 = tpu.vector_load %arg10[%swap3A_874, %swap3A_875] {strides = array<i32>} : memref<104x64xf32, #tpu.memory_space<vmem>>, vector<1x16xf32>,
        %swap3A_877 = vector.shape_cast %swap3A_876 : vector<1x16xf32> to vector<16xf32>
        %swap3A_878 = vector.shape_cast %mul3A_873 : vector<16xf32> to vector<1x16xf32>
        tpu.vector_store %arg10[%swap3A_874, %swap3A_875], %swap3A_878 {strides = array<i32>} : memref<104x64xf32, #tpu.memory_space<vmem>>, vector<1x16xf32>,
        %scan3A_879 = arith.constant 3 : i32
        %scan3A_880 = arith.addi %scan3A_732, %scan3A_879 : i32
        %get3A_881 = arith.index_cast %scan3A_880 : i32 to index
        %get3A_882 = arith.constant 0 : index
        %get3A_883 = tpu.vector_load %arg10[%get3A_881, %get3A_882] {strides = array<i32>} : memref<104x64xf32, #tpu.memory_space<vmem>>, vector<1x16xf32>,
        %get3A_884 = vector.shape_cast %get3A_883 : vector<1x16xf32> to vector<16xf32>
        %mul3A_885 = arith.constant 8.000000e+00 : f32
        %mul3A_886 = vector.broadcast %mul3A_885 : f32 to vector<16xf32>
        %mul3A_887 = arith.mulf %get3A_884, %mul3A_886 : vector<16xf32>
        %swap3A_888 = arith.index_cast %scan3A_880 : i32 to index
        %swap3A_889 = arith.constant 0 : index
        %swap3A_890 = tpu.vector_load %arg10[%swap3A_888, %swap3A_889] {strides = array<i32>} : memref<104x64xf32, #tpu.memory_space<vmem>>, vector<1x16xf32>,
        %swap3A_891 = vector.shape_cast %swap3A_890 : vector<1x16xf32> to vector<16xf32>
        %swap3A_892 = vector.shape_cast %mul3A_887 : vector<16xf32> to vector<1x16xf32>
        tpu.vector_store %arg10[%swap3A_888, %swap3A_889], %swap3A_892 {strides = array<i32>} : memref<104x64xf32, #tpu.memory_space<vmem>>, vector<1x16xf32>,
        %get3A_893 = arith.index_cast %scan3A_880 : i32 to index
        %get3A_894 = arith.constant 16 : index
        %get3A_895 = tpu.vector_load %arg10[%get3A_893, %get3A_894] {strides = array<i32>} : memref<104x64xf32, #tpu.memory_space<vmem>>, vector<1x16xf32>,
        %get3A_896 = vector.shape_cast %get3A_895 : vector<1x16xf32> to vector<16xf32>
        %mul3A_897 = arith.constant 8.000000e+00 : f32
        %mul3A_898 = vector.broadcast %mul3A_897 : f32 to vector<16xf32>
        %mul3A_899 = arith.mulf %get3A_896, %mul3A_898 : vector<16xf32>
        %swap3A_900 = arith.index_cast %scan3A_880 : i32 to index
        %swap3A_901 = arith.constant 16 : index
        %swap3A_902 = tpu.vector_load %arg10[%swap3A_900, %swap3A_901] {strides = array<i32>} : memref<104x64xf32, #tpu.memory_space<vmem>>, vector<1x16xf32>,
        %swap3A_903 = vector.shape_cast %swap3A_902 : vector<1x16xf32> to vector<16xf32>
        %swap3A_904 = vector.shape_cast %mul3A_899 : vector<16xf32> to vector<1x16xf32>
        tpu.vector_store %arg10[%swap3A_900, %swap3A_901], %swap3A_904 {strides = array<i32>} : memref<104x64xf32, #tpu.memory_space<vmem>>, vector<1x16xf32>,
        %get3A_905 = arith.index_cast %scan3A_880 : i32 to index
        %get3A_906 = arith.constant 32 : index
        %get3A_907 = tpu.vector_load %arg10[%get3A_905, %get3A_906] {strides = array<i32>} : memref<104x64xf32, #tpu.memory_space<vmem>>, vector<1x16xf32>,
        %get3A_908 = vector.shape_cast %get3A_907 : vector<1x16xf32> to vector<16xf32>
        %mul3A_909 = arith.constant 8.000000e+00 : f32
        %mul3A_910 = vector.broadcast %mul3A_909 : f32 to vector<16xf32>
        %mul3A_911 = arith.mulf %get3A_908, %mul3A_910 : vector<16xf32>
        %swap3A_912 = arith.index_cast %scan3A_880 : i32 to index
        %swap3A_913 = arith.constant 32 : index
        %swap3A_914 = tpu.vector_load %arg10[%swap3A_912, %swap3A_913] {strides = array<i32>} : memref<104x64xf32, #tpu.memory_space<vmem>>, vector<1x16xf32>,
        %swap3A_915 = vector.shape_cast %swap3A_914 : vector<1x16xf32> to vector<16xf32>
        %swap3A_916 = vector.shape_cast %mul3A_911 : vector<16xf32> to vector<1x16xf32>
        tpu.vector_store %arg10[%swap3A_912, %swap3A_913], %swap3A_916 {strides = array<i32>} : memref<104x64xf32, #tpu.memory_space<vmem>>, vector<1x16xf32>,
        %get3A_917 = arith.index_cast %scan3A_880 : i32 to index
        %get3A_918 = arith.constant 48 : index
        %get3A_919 = tpu.vector_load %arg10[%get3A_917, %get3A_918] {strides = array<i32>} : memref<104x64xf32, #tpu.memory_space<vmem>>, vector<1x16xf32>,
        %get3A_920 = vector.shape_cast %get3A_919 : vector<1x16xf32> to vector<16xf32>
        %mul3A_921 = arith.constant 8.000000e+00 : f32
        %mul3A_922 = vector.broadcast %mul3A_921 : f32 to vector<16xf32>
        %mul3A_923 = arith.mulf %get3A_920, %mul3A_922 : vector<16xf32>
        %swap3A_924 = arith.index_cast %scan3A_880 : i32 to index
        %swap3A_925 = arith.constant 48 : index
        %swap3A_926 = tpu.vector_load %arg10[%swap3A_924, %swap3A_925] {strides = array<i32>} : memref<104x64xf32, #tpu.memory_space<vmem>>, vector<1x16xf32>,
        %swap3A_927 = vector.shape_cast %swap3A_926 : vector<1x16xf32> to vector<16xf32>
        %swap3A_928 = vector.shape_cast %mul3A_923 : vector<16xf32> to vector<1x16xf32>
        tpu.vector_store %arg10[%swap3A_924, %swap3A_925], %swap3A_928 {strides = array<i32>} : memref<104x64xf32, #tpu.memory_space<vmem>>, vector<1x16xf32>,
      }
      %scan3A_449 = arith.constant 104 : i32
      %jit3A_450 = arith.constant 2 : i32
      %div3A_451 = arith.divsi %add3A_401, %jit3A_450 : i32
      %sign3A_452 = arith.constant 0 : i32
      %sign3A_453 = arith.cmpi sgt, %add3A_401, %sign3A_452 : i32
      %sign3A_454 = arith.extui %sign3A_453 : i1 to i32
      %sign3A_455 = arith.constant 0 : i32
      %sign3A_456 = arith.cmpi slt, %add3A_401, %sign3A_455 : i32
      %sign3A_457 = arith.extui %sign3A_456 : i1 to i32
      %sign3A_458 = arith.subi %sign3A_454, %sign3A_457 : i32
      %sign3A_459 = arith.constant 0 : i32
      %sign3A_460 = arith.cmpi sgt, %jit3A_450, %sign3A_459 : i32
      %sign3A_461 = arith.extui %sign3A_460 : i1 to i32
      %sign3A_462 = arith.constant 0 : i32
      %sign3A_463 = arith.cmpi slt, %jit3A_450, %sign3A_462 : i32
      %sign3A_464 = arith.extui %sign3A_463 : i1 to i32
      %sign3A_465 = arith.subi %sign3A_461, %sign3A_464 : i32
      %ne3A_466 = arith.cmpi ne, %sign3A_458, %sign3A_465 : i32
      %rem3A_467 = arith.remsi %add3A_401, %jit3A_450 : i32
      %ne3A_468 = arith.constant 0 : i32
      %ne3A_469 = arith.cmpi ne, %rem3A_467, %ne3A_468 : i32
      %and3A_470 = arith.andi %ne3A_466, %ne3A_469 : i1
      %sub3A_471 = arith.constant 1 : i32
      %sub3A_472 = arith.subi %div3A_451, %sub3A_471 : i32
      %select_n3A_473 = arith.select %and3A_470, %sub3A_472, %div3A_451 : i32
      %add3A_474 = arith.addi %mul3A_2, %select_n3A_473 : i32
      %dma_start3A_475 = arith.constant 0 : i32
      %dma_start3A_476 = arith.constant 0 : i32
      %dma_start3A_477 = tpu.memref_slice %arg4[%add3A_474, %dma_start3A_475, %dma_start3A_476] : memref<4096x200x64xf32, #tpu.memory_space<hbm>> -> memref<1x104x64xf32, #tpu.memory_space<hbm>>
      %dma_start3A_478 = tpu.memref_squeeze %dma_start3A_477 : memref<1x104x64xf32, #tpu.memory_space<hbm>> -> memref<104x64xf32, #tpu.memory_space<hbm>>
      %dma_start3A_479 = arith.constant 0 : i32
      %dma_start3A_480 = arith.constant 0 : i32
      %dma_start3A_481 = tpu.memref_slice %arg4[%add3A_474, %dma_start3A_479, %dma_start3A_480] : memref<4096x200x64xf32, #tpu.memory_space<hbm>> -> memref<1x104x64xf32, #tpu.memory_space<hbm>>
      %dma_start3A_482 = tpu.memref_squeeze %dma_start3A_481 : memref<1x104x64xf32, #tpu.memory_space<hbm>> -> memref<104x64xf32, #tpu.memory_space<hbm>>
      tpu.enqueue_dma source(%arg10 : memref<104x64xf32, #tpu.memory_space<vmem>>) target(%dma_start3A_482 : memref<104x64xf32, #tpu.memory_space<hbm>>) target_semaphore(%arg26 : memref<!tpu.dma_semaphore, #tpu.memory_space<semaphore_mem>>)
      %add3A_483 = arith.constant 5 : i32
      %add3A_484 = arith.addi %mul3A_79, %add3A_483 : i32
      %add3A_485 = arith.constant 3 : i32
      %add3A_486 = arith.addi %add3A_484, %add3A_485 : i32
      %ge3A_487 = arith.constant 8 : i32
      %ge3A_488 = arith.cmpi sge, %add3A_486, %ge3A_487 : i32
      %convert_element_type3A_489 = arith.extui %ge3A_488 : i1 to i32
      %cond3A_490 = arith.constant 0 : i32
      %cond3A_491 = arith.cmpi ne, %convert_element_type3A_489, %cond3A_490 : i32
      scf.if %cond3A_491 {
        %sub3A_732 = arith.constant 8 : i32
        %sub3A_733 = arith.subi %add3A_486, %sub3A_732 : i32
        %jit3A_734 = arith.constant 2 : i32
        %div3A_735 = arith.divsi %sub3A_733, %jit3A_734 : i32
        %sign3A_736 = arith.constant 0 : i32
        %sign3A_737 = arith.cmpi sgt, %sub3A_733, %sign3A_736 : i32
        %sign3A_738 = arith.extui %sign3A_737 : i1 to i32
        %sign3A_739 = arith.constant 0 : i32
        %sign3A_740 = arith.cmpi slt, %sub3A_733, %sign3A_739 : i32
        %sign3A_741 = arith.extui %sign3A_740 : i1 to i32
        %sign3A_742 = arith.subi %sign3A_738, %sign3A_741 : i32
        %sign3A_743 = arith.constant 0 : i32
        %sign3A_744 = arith.cmpi sgt, %jit3A_734, %sign3A_743 : i32
        %sign3A_745 = arith.extui %sign3A_744 : i1 to i32
        %sign3A_746 = arith.constant 0 : i32
        %sign3A_747 = arith.cmpi slt, %jit3A_734, %sign3A_746 : i32
        %sign3A_748 = arith.extui %sign3A_747 : i1 to i32
        %sign3A_749 = arith.subi %sign3A_745, %sign3A_748 : i32
        %ne3A_750 = arith.cmpi ne, %sign3A_742, %sign3A_749 : i32
        %rem3A_751 = arith.remsi %sub3A_733, %jit3A_734 : i32
        %ne3A_752 = arith.constant 0 : i32
        %ne3A_753 = arith.cmpi ne, %rem3A_751, %ne3A_752 : i32
        %and3A_754 = arith.andi %ne3A_750, %ne3A_753 : i1
        %sub3A_755 = arith.constant 1 : i32
        %sub3A_756 = arith.subi %div3A_735, %sub3A_755 : i32
        %select_n3A_757 = arith.select %and3A_754, %sub3A_756, %div3A_735 : i32
        %add3A_758 = arith.addi %mul3A_2, %select_n3A_757 : i32
        %dma_wait3A_759 = arith.constant 0 : i32
        %dma_wait3A_760 = arith.constant 0 : i32
        %dma_wait3A_761 = tpu.memref_slice %arg4[%add3A_758, %dma_wait3A_759, %dma_wait3A_760] : memref<4096x200x64xf32, #tpu.memory_space<hbm>> -> memref<1x104x64xf32, #tpu.memory_space<hbm>>
        %dma_wait3A_762 = tpu.memref_squeeze %dma_wait3A_761 : memref<1x104x64xf32, #tpu.memory_space<hbm>> -> memref<104x64xf32, #tpu.memory_space<hbm>>
        %dma_wait3A_763 = arith.constant 0 : i32
        %dma_wait3A_764 = arith.constant 0 : i32
        %dma_wait3A_765 = tpu.memref_slice %arg4[%add3A_758, %dma_wait3A_763, %dma_wait3A_764] : memref<4096x200x64xf32, #tpu.memory_space<hbm>> -> memref<1x104x64xf32, #tpu.memory_space<hbm>>
        %dma_wait3A_766 = tpu.memref_squeeze %dma_wait3A_765 : memref<1x104x64xf32, #tpu.memory_space<hbm>> -> memref<104x64xf32, #tpu.memory_space<hbm>>
        tpu.wait_dma2 semaphore(%arg22 : memref<!tpu.dma_semaphore, #tpu.memory_space<semaphore_mem>>) src(%arg6 : memref<104x64xf32, #tpu.memory_space<vmem>>) dst(%dma_wait3A_766 : memref<104x64xf32, #tpu.memory_space<hbm>>)
      } else {
      }
      %lt3A_492 = arith.constant 256 : i32
      %lt3A_493 = arith.cmpi slt, %add3A_486, %lt3A_492 : i32
      %convert_element_type3A_494 = arith.extui %lt3A_493 : i1 to i32
      %cond3A_495 = arith.constant 0 : i32
      %cond3A_496 = arith.cmpi ne, %convert_element_type3A_494, %cond3A_495 : i32
      scf.if %cond3A_496 {
        %jit3A_732 = arith.constant 2 : i32
        %div3A_733 = arith.divsi %add3A_486, %jit3A_732 : i32
        %sign3A_734 = arith.constant 0 : i32
        %sign3A_735 = arith.cmpi sgt, %add3A_486, %sign3A_734 : i32
        %sign3A_736 = arith.extui %sign3A_735 : i1 to i32
        %sign3A_737 = arith.constant 0 : i32
        %sign3A_738 = arith.cmpi slt, %add3A_486, %sign3A_737 : i32
        %sign3A_739 = arith.extui %sign3A_738 : i1 to i32
        %sign3A_740 = arith.subi %sign3A_736, %sign3A_739 : i32
        %sign3A_741 = arith.constant 0 : i32
        %sign3A_742 = arith.cmpi sgt, %jit3A_732, %sign3A_741 : i32
        %sign3A_743 = arith.extui %sign3A_742 : i1 to i32
        %sign3A_744 = arith.constant 0 : i32
        %sign3A_745 = arith.cmpi slt, %jit3A_732, %sign3A_744 : i32
        %sign3A_746 = arith.extui %sign3A_745 : i1 to i32
        %sign3A_747 = arith.subi %sign3A_743, %sign3A_746 : i32
        %ne3A_748 = arith.cmpi ne, %sign3A_740, %sign3A_747 : i32
        %rem3A_749 = arith.remsi %add3A_486, %jit3A_732 : i32
        %ne3A_750 = arith.constant 0 : i32
        %ne3A_751 = arith.cmpi ne, %rem3A_749, %ne3A_750 : i32
        %and3A_752 = arith.andi %ne3A_748, %ne3A_751 : i1
        %sub3A_753 = arith.constant 1 : i32
        %sub3A_754 = arith.subi %div3A_733, %sub3A_753 : i32
        %select_n3A_755 = arith.select %and3A_752, %sub3A_754, %div3A_733 : i32
        %dma_start3A_756 = arith.constant 0 : i32
        %dma_start3A_757 = tpu.memref_slice %arg5[%select_n3A_755, %dma_start3A_756] : memref<128x200xi32, #tpu.memory_space<vmem>> -> memref<1x104xi32, #tpu.memory_space<vmem>>
        %dma_start3A_758 = tpu.memref_squeeze %dma_start3A_757 : memref<1x104xi32, #tpu.memory_space<vmem>> -> memref<104xi32, #tpu.memory_space<vmem>>
        %dma_start3A_759 = arith.constant 0 : i32
        %dma_start3A_760 = arith.constant 0 : i32
        %dma_start3A_761 = tpu.memref_slice %arg3[%dma_start3A_759, %dma_start3A_760] : memref<1000000x64xf32, #tpu.memory_space<hbm>> -> memref<1000000x64xf32, #tpu.memory_space<hbm>>
        tpu.enqueue_indirect_dma source(%dma_start3A_761 : memref<1000000x64xf32, #tpu.memory_space<hbm>>) target(%arg6 : memref<104x64xf32, #tpu.memory_space<vmem>>) offsets(%dma_start3A_758 : memref<104xi32, #tpu.memory_space<vmem>>) semaphore(%arg14 : memref<!tpu.dma_semaphore, #tpu.memory_space<semaphore_mem>>)
      } else {
      }
      %jit3A_497 = arith.constant 2 : i32
      %div3A_498 = arith.divsi %add3A_484, %jit3A_497 : i32
      %sign3A_499 = arith.constant 0 : i32
      %sign3A_500 = arith.cmpi sgt, %add3A_484, %sign3A_499 : i32
      %sign3A_501 = arith.extui %sign3A_500 : i1 to i32
      %sign3A_502 = arith.constant 0 : i32
      %sign3A_503 = arith.cmpi slt, %add3A_484, %sign3A_502 : i32
      %sign3A_504 = arith.extui %sign3A_503 : i1 to i32
      %sign3A_505 = arith.subi %sign3A_501, %sign3A_504 : i32
      %sign3A_506 = arith.constant 0 : i32
      %sign3A_507 = arith.cmpi sgt, %jit3A_497, %sign3A_506 : i32
      %sign3A_508 = arith.extui %sign3A_507 : i1 to i32
      %sign3A_509 = arith.constant 0 : i32
      %sign3A_510 = arith.cmpi slt, %jit3A_497, %sign3A_509 : i32
      %sign3A_511 = arith.extui %sign3A_510 : i1 to i32
      %sign3A_512 = arith.subi %sign3A_508, %sign3A_511 : i32
      %ne3A_513 = arith.cmpi ne, %sign3A_505, %sign3A_512 : i32
      %rem3A_514 = arith.remsi %add3A_484, %jit3A_497 : i32
      %ne3A_515 = arith.constant 0 : i32
      %ne3A_516 = arith.cmpi ne, %rem3A_514, %ne3A_515 : i32
      %and3A_517 = arith.andi %ne3A_513, %ne3A_516 : i1
      %sub3A_518 = arith.constant 1 : i32
      %sub3A_519 = arith.subi %div3A_498, %sub3A_518 : i32
      %select_n3A_520 = arith.select %and3A_517, %sub3A_519, %div3A_498 : i32
      %dma_wait3A_521 = arith.constant 104 : i32
      %dma_wait3A_522 = tpu.memref_slice %arg5[%select_n3A_520, %dma_wait3A_521] : memref<128x200xi32, #tpu.memory_space<vmem>> -> memref<1x96xi32, #tpu.memory_space<vmem>>
      %dma_wait3A_523 = tpu.memref_squeeze %dma_wait3A_522 : memref<1x96xi32, #tpu.memory_space<vmem>> -> memref<96xi32, #tpu.memory_space<vmem>>
      %dma_wait3A_524 = arith.constant 0 : i32
      %dma_wait3A_525 = arith.constant 0 : i32
      %dma_wait3A_526 = tpu.memref_slice %arg3[%dma_wait3A_524, %dma_wait3A_525] : memref<1000000x64xf32, #tpu.memory_space<hbm>> -> memref<1000000x64xf32, #tpu.memory_space<hbm>>
      tpu.wait_indirect_dma semaphore(%arg19 : memref<!tpu.dma_semaphore, #tpu.memory_space<semaphore_mem>>) src(%dma_wait3A_526 : memref<1000000x64xf32, #tpu.memory_space<hbm>>) dst(%arg11 : memref<96x64xf32, #tpu.memory_space<vmem>>)
      %scan3A_527 = arith.constant 0 : i32
      %scan3A_528 = arith.constant 0 : i32
      %scan3A_529 = arith.constant 96 : i32
      %scan3A_530 = arith.addi %scan3A_528, %scan3A_529 : i32
      %scan3A_531 = arith.constant 4 : i32
      scf.for %scan3A_732 = %scan3A_528 to %scan3A_530 step %scan3A_531  : i32 {
        %get3A = arith.index_cast %scan3A_732 : i32 to index
        %get3A_733 = arith.constant 0 : index
        %get3A_734 = tpu.vector_load %arg11[%get3A, %get3A_733] {strides = array<i32>} : memref<96x64xf32, #tpu.memory_space<vmem>>, vector<1x16xf32>,
        %get3A_735 = vector.shape_cast %get3A_734 : vector<1x16xf32> to vector<16xf32>
        %mul3A_736 = arith.constant 8.000000e+00 : f32
        %mul3A_737 = vector.broadcast %mul3A_736 : f32 to vector<16xf32>
        %mul3A_738 = arith.mulf %get3A_735, %mul3A_737 : vector<16xf32>
        %swap3A = arith.index_cast %scan3A_732 : i32 to index
        %swap3A_739 = arith.constant 0 : index
        %swap3A_740 = tpu.vector_load %arg11[%swap3A, %swap3A_739] {strides = array<i32>} : memref<96x64xf32, #tpu.memory_space<vmem>>, vector<1x16xf32>,
        %swap3A_741 = vector.shape_cast %swap3A_740 : vector<1x16xf32> to vector<16xf32>
        %swap3A_742 = vector.shape_cast %mul3A_738 : vector<16xf32> to vector<1x16xf32>
        tpu.vector_store %arg11[%swap3A, %swap3A_739], %swap3A_742 {strides = array<i32>} : memref<96x64xf32, #tpu.memory_space<vmem>>, vector<1x16xf32>,
        %get3A_743 = arith.index_cast %scan3A_732 : i32 to index
        %get3A_744 = arith.constant 16 : index
        %get3A_745 = tpu.vector_load %arg11[%get3A_743, %get3A_744] {strides = array<i32>} : memref<96x64xf32, #tpu.memory_space<vmem>>, vector<1x16xf32>,
        %get3A_746 = vector.shape_cast %get3A_745 : vector<1x16xf32> to vector<16xf32>
        %mul3A_747 = arith.constant 8.000000e+00 : f32
        %mul3A_748 = vector.broadcast %mul3A_747 : f32 to vector<16xf32>
        %mul3A_749 = arith.mulf %get3A_746, %mul3A_748 : vector<16xf32>
        %swap3A_750 = arith.index_cast %scan3A_732 : i32 to index
        %swap3A_751 = arith.constant 16 : index
        %swap3A_752 = tpu.vector_load %arg11[%swap3A_750, %swap3A_751] {strides = array<i32>} : memref<96x64xf32, #tpu.memory_space<vmem>>, vector<1x16xf32>,
        %swap3A_753 = vector.shape_cast %swap3A_752 : vector<1x16xf32> to vector<16xf32>
        %swap3A_754 = vector.shape_cast %mul3A_749 : vector<16xf32> to vector<1x16xf32>
        tpu.vector_store %arg11[%swap3A_750, %swap3A_751], %swap3A_754 {strides = array<i32>} : memref<96x64xf32, #tpu.memory_space<vmem>>, vector<1x16xf32>,
        %get3A_755 = arith.index_cast %scan3A_732 : i32 to index
        %get3A_756 = arith.constant 32 : index
        %get3A_757 = tpu.vector_load %arg11[%get3A_755, %get3A_756] {strides = array<i32>} : memref<96x64xf32, #tpu.memory_space<vmem>>, vector<1x16xf32>,
        %get3A_758 = vector.shape_cast %get3A_757 : vector<1x16xf32> to vector<16xf32>
        %mul3A_759 = arith.constant 8.000000e+00 : f32
        %mul3A_760 = vector.broadcast %mul3A_759 : f32 to vector<16xf32>
        %mul3A_761 = arith.mulf %get3A_758, %mul3A_760 : vector<16xf32>
        %swap3A_762 = arith.index_cast %scan3A_732 : i32 to index
        %swap3A_763 = arith.constant 32 : index
        %swap3A_764 = tpu.vector_load %arg11[%swap3A_762, %swap3A_763] {strides = array<i32>} : memref<96x64xf32, #tpu.memory_space<vmem>>, vector<1x16xf32>,
        %swap3A_765 = vector.shape_cast %swap3A_764 : vector<1x16xf32> to vector<16xf32>
        %swap3A_766 = vector.shape_cast %mul3A_761 : vector<16xf32> to vector<1x16xf32>
        tpu.vector_store %arg11[%swap3A_762, %swap3A_763], %swap3A_766 {strides = array<i32>} : memref<96x64xf32, #tpu.memory_space<vmem>>, vector<1x16xf32>,
        %get3A_767 = arith.index_cast %scan3A_732 : i32 to index
        %get3A_768 = arith.constant 48 : index
        %get3A_769 = tpu.vector_load %arg11[%get3A_767, %get3A_768] {strides = array<i32>} : memref<96x64xf32, #tpu.memory_space<vmem>>, vector<1x16xf32>,
        %get3A_770 = vector.shape_cast %get3A_769 : vector<1x16xf32> to vector<16xf32>
        %mul3A_771 = arith.constant 8.000000e+00 : f32
        %mul3A_772 = vector.broadcast %mul3A_771 : f32 to vector<16xf32>
        %mul3A_773 = arith.mulf %get3A_770, %mul3A_772 : vector<16xf32>
        %swap3A_774 = arith.index_cast %scan3A_732 : i32 to index
        %swap3A_775 = arith.constant 48 : index
        %swap3A_776 = tpu.vector_load %arg11[%swap3A_774, %swap3A_775] {strides = array<i32>} : memref<96x64xf32, #tpu.memory_space<vmem>>, vector<1x16xf32>,
        %swap3A_777 = vector.shape_cast %swap3A_776 : vector<1x16xf32> to vector<16xf32>
        %swap3A_778 = vector.shape_cast %mul3A_773 : vector<16xf32> to vector<1x16xf32>
        tpu.vector_store %arg11[%swap3A_774, %swap3A_775], %swap3A_778 {strides = array<i32>} : memref<96x64xf32, #tpu.memory_space<vmem>>, vector<1x16xf32>,
        %scan3A_779 = arith.constant 1 : i32
        %scan3A_780 = arith.addi %scan3A_732, %scan3A_779 : i32
        %get3A_781 = arith.index_cast %scan3A_780 : i32 to index
        %get3A_782 = arith.constant 0 : index
        %get3A_783 = tpu.vector_load %arg11[%get3A_781, %get3A_782] {strides = array<i32>} : memref<96x64xf32, #tpu.memory_space<vmem>>, vector<1x16xf32>,
        %get3A_784 = vector.shape_cast %get3A_783 : vector<1x16xf32> to vector<16xf32>
        %mul3A_785 = arith.constant 8.000000e+00 : f32
        %mul3A_786 = vector.broadcast %mul3A_785 : f32 to vector<16xf32>
        %mul3A_787 = arith.mulf %get3A_784, %mul3A_786 : vector<16xf32>
        %swap3A_788 = arith.index_cast %scan3A_780 : i32 to index
        %swap3A_789 = arith.constant 0 : index
        %swap3A_790 = tpu.vector_load %arg11[%swap3A_788, %swap3A_789] {strides = array<i32>} : memref<96x64xf32, #tpu.memory_space<vmem>>, vector<1x16xf32>,
        %swap3A_791 = vector.shape_cast %swap3A_790 : vector<1x16xf32> to vector<16xf32>
        %swap3A_792 = vector.shape_cast %mul3A_787 : vector<16xf32> to vector<1x16xf32>
        tpu.vector_store %arg11[%swap3A_788, %swap3A_789], %swap3A_792 {strides = array<i32>} : memref<96x64xf32, #tpu.memory_space<vmem>>, vector<1x16xf32>,
        %get3A_793 = arith.index_cast %scan3A_780 : i32 to index
        %get3A_794 = arith.constant 16 : index
        %get3A_795 = tpu.vector_load %arg11[%get3A_793, %get3A_794] {strides = array<i32>} : memref<96x64xf32, #tpu.memory_space<vmem>>, vector<1x16xf32>,
        %get3A_796 = vector.shape_cast %get3A_795 : vector<1x16xf32> to vector<16xf32>
        %mul3A_797 = arith.constant 8.000000e+00 : f32
        %mul3A_798 = vector.broadcast %mul3A_797 : f32 to vector<16xf32>
        %mul3A_799 = arith.mulf %get3A_796, %mul3A_798 : vector<16xf32>
        %swap3A_800 = arith.index_cast %scan3A_780 : i32 to index
        %swap3A_801 = arith.constant 16 : index
        %swap3A_802 = tpu.vector_load %arg11[%swap3A_800, %swap3A_801] {strides = array<i32>} : memref<96x64xf32, #tpu.memory_space<vmem>>, vector<1x16xf32>,
        %swap3A_803 = vector.shape_cast %swap3A_802 : vector<1x16xf32> to vector<16xf32>
        %swap3A_804 = vector.shape_cast %mul3A_799 : vector<16xf32> to vector<1x16xf32>
        tpu.vector_store %arg11[%swap3A_800, %swap3A_801], %swap3A_804 {strides = array<i32>} : memref<96x64xf32, #tpu.memory_space<vmem>>, vector<1x16xf32>,
        %get3A_805 = arith.index_cast %scan3A_780 : i32 to index
        %get3A_806 = arith.constant 32 : index
        %get3A_807 = tpu.vector_load %arg11[%get3A_805, %get3A_806] {strides = array<i32>} : memref<96x64xf32, #tpu.memory_space<vmem>>, vector<1x16xf32>,
        %get3A_808 = vector.shape_cast %get3A_807 : vector<1x16xf32> to vector<16xf32>
        %mul3A_809 = arith.constant 8.000000e+00 : f32
        %mul3A_810 = vector.broadcast %mul3A_809 : f32 to vector<16xf32>
        %mul3A_811 = arith.mulf %get3A_808, %mul3A_810 : vector<16xf32>
        %swap3A_812 = arith.index_cast %scan3A_780 : i32 to index
        %swap3A_813 = arith.constant 32 : index
        %swap3A_814 = tpu.vector_load %arg11[%swap3A_812, %swap3A_813] {strides = array<i32>} : memref<96x64xf32, #tpu.memory_space<vmem>>, vector<1x16xf32>,
        %swap3A_815 = vector.shape_cast %swap3A_814 : vector<1x16xf32> to vector<16xf32>
        %swap3A_816 = vector.shape_cast %mul3A_811 : vector<16xf32> to vector<1x16xf32>
        tpu.vector_store %arg11[%swap3A_812, %swap3A_813], %swap3A_816 {strides = array<i32>} : memref<96x64xf32, #tpu.memory_space<vmem>>, vector<1x16xf32>,
        %get3A_817 = arith.index_cast %scan3A_780 : i32 to index
        %get3A_818 = arith.constant 48 : index
        %get3A_819 = tpu.vector_load %arg11[%get3A_817, %get3A_818] {strides = array<i32>} : memref<96x64xf32, #tpu.memory_space<vmem>>, vector<1x16xf32>,
        %get3A_820 = vector.shape_cast %get3A_819 : vector<1x16xf32> to vector<16xf32>
        %mul3A_821 = arith.constant 8.000000e+00 : f32
        %mul3A_822 = vector.broadcast %mul3A_821 : f32 to vector<16xf32>
        %mul3A_823 = arith.mulf %get3A_820, %mul3A_822 : vector<16xf32>
        %swap3A_824 = arith.index_cast %scan3A_780 : i32 to index
        %swap3A_825 = arith.constant 48 : index
        %swap3A_826 = tpu.vector_load %arg11[%swap3A_824, %swap3A_825] {strides = array<i32>} : memref<96x64xf32, #tpu.memory_space<vmem>>, vector<1x16xf32>,
        %swap3A_827 = vector.shape_cast %swap3A_826 : vector<1x16xf32> to vector<16xf32>
        %swap3A_828 = vector.shape_cast %mul3A_823 : vector<16xf32> to vector<1x16xf32>
        tpu.vector_store %arg11[%swap3A_824, %swap3A_825], %swap3A_828 {strides = array<i32>} : memref<96x64xf32, #tpu.memory_space<vmem>>, vector<1x16xf32>,
        %scan3A_829 = arith.constant 2 : i32
        %scan3A_830 = arith.addi %scan3A_732, %scan3A_829 : i32
        %get3A_831 = arith.index_cast %scan3A_830 : i32 to index
        %get3A_832 = arith.constant 0 : index
        %get3A_833 = tpu.vector_load %arg11[%get3A_831, %get3A_832] {strides = array<i32>} : memref<96x64xf32, #tpu.memory_space<vmem>>, vector<1x16xf32>,
        %get3A_834 = vector.shape_cast %get3A_833 : vector<1x16xf32> to vector<16xf32>
        %mul3A_835 = arith.constant 8.000000e+00 : f32
        %mul3A_836 = vector.broadcast %mul3A_835 : f32 to vector<16xf32>
        %mul3A_837 = arith.mulf %get3A_834, %mul3A_836 : vector<16xf32>
        %swap3A_838 = arith.index_cast %scan3A_830 : i32 to index
        %swap3A_839 = arith.constant 0 : index
        %swap3A_840 = tpu.vector_load %arg11[%swap3A_838, %swap3A_839] {strides = array<i32>} : memref<96x64xf32, #tpu.memory_space<vmem>>, vector<1x16xf32>,
        %swap3A_841 = vector.shape_cast %swap3A_840 : vector<1x16xf32> to vector<16xf32>
        %swap3A_842 = vector.shape_cast %mul3A_837 : vector<16xf32> to vector<1x16xf32>
        tpu.vector_store %arg11[%swap3A_838, %swap3A_839], %swap3A_842 {strides = array<i32>} : memref<96x64xf32, #tpu.memory_space<vmem>>, vector<1x16xf32>,
        %get3A_843 = arith.index_cast %scan3A_830 : i32 to index
        %get3A_844 = arith.constant 16 : index
        %get3A_845 = tpu.vector_load %arg11[%get3A_843, %get3A_844] {strides = array<i32>} : memref<96x64xf32, #tpu.memory_space<vmem>>, vector<1x16xf32>,
        %get3A_846 = vector.shape_cast %get3A_845 : vector<1x16xf32> to vector<16xf32>
        %mul3A_847 = arith.constant 8.000000e+00 : f32
        %mul3A_848 = vector.broadcast %mul3A_847 : f32 to vector<16xf32>
        %mul3A_849 = arith.mulf %get3A_846, %mul3A_848 : vector<16xf32>
        %swap3A_850 = arith.index_cast %scan3A_830 : i32 to index
        %swap3A_851 = arith.constant 16 : index
        %swap3A_852 = tpu.vector_load %arg11[%swap3A_850, %swap3A_851] {strides = array<i32>} : memref<96x64xf32, #tpu.memory_space<vmem>>, vector<1x16xf32>,
        %swap3A_853 = vector.shape_cast %swap3A_852 : vector<1x16xf32> to vector<16xf32>
        %swap3A_854 = vector.shape_cast %mul3A_849 : vector<16xf32> to vector<1x16xf32>
        tpu.vector_store %arg11[%swap3A_850, %swap3A_851], %swap3A_854 {strides = array<i32>} : memref<96x64xf32, #tpu.memory_space<vmem>>, vector<1x16xf32>,
        %get3A_855 = arith.index_cast %scan3A_830 : i32 to index
        %get3A_856 = arith.constant 32 : index
        %get3A_857 = tpu.vector_load %arg11[%get3A_855, %get3A_856] {strides = array<i32>} : memref<96x64xf32, #tpu.memory_space<vmem>>, vector<1x16xf32>,
        %get3A_858 = vector.shape_cast %get3A_857 : vector<1x16xf32> to vector<16xf32>
        %mul3A_859 = arith.constant 8.000000e+00 : f32
        %mul3A_860 = vector.broadcast %mul3A_859 : f32 to vector<16xf32>
        %mul3A_861 = arith.mulf %get3A_858, %mul3A_860 : vector<16xf32>
        %swap3A_862 = arith.index_cast %scan3A_830 : i32 to index
        %swap3A_863 = arith.constant 32 : index
        %swap3A_864 = tpu.vector_load %arg11[%swap3A_862, %swap3A_863] {strides = array<i32>} : memref<96x64xf32, #tpu.memory_space<vmem>>, vector<1x16xf32>,
        %swap3A_865 = vector.shape_cast %swap3A_864 : vector<1x16xf32> to vector<16xf32>
        %swap3A_866 = vector.shape_cast %mul3A_861 : vector<16xf32> to vector<1x16xf32>
        tpu.vector_store %arg11[%swap3A_862, %swap3A_863], %swap3A_866 {strides = array<i32>} : memref<96x64xf32, #tpu.memory_space<vmem>>, vector<1x16xf32>,
        %get3A_867 = arith.index_cast %scan3A_830 : i32 to index
        %get3A_868 = arith.constant 48 : index
        %get3A_869 = tpu.vector_load %arg11[%get3A_867, %get3A_868] {strides = array<i32>} : memref<96x64xf32, #tpu.memory_space<vmem>>, vector<1x16xf32>,
        %get3A_870 = vector.shape_cast %get3A_869 : vector<1x16xf32> to vector<16xf32>
        %mul3A_871 = arith.constant 8.000000e+00 : f32
        %mul3A_872 = vector.broadcast %mul3A_871 : f32 to vector<16xf32>
        %mul3A_873 = arith.mulf %get3A_870, %mul3A_872 : vector<16xf32>
        %swap3A_874 = arith.index_cast %scan3A_830 : i32 to index
        %swap3A_875 = arith.constant 48 : index
        %swap3A_876 = tpu.vector_load %arg11[%swap3A_874, %swap3A_875] {strides = array<i32>} : memref<96x64xf32, #tpu.memory_space<vmem>>, vector<1x16xf32>,
        %swap3A_877 = vector.shape_cast %swap3A_876 : vector<1x16xf32> to vector<16xf32>
        %swap3A_878 = vector.shape_cast %mul3A_873 : vector<16xf32> to vector<1x16xf32>
        tpu.vector_store %arg11[%swap3A_874, %swap3A_875], %swap3A_878 {strides = array<i32>} : memref<96x64xf32, #tpu.memory_space<vmem>>, vector<1x16xf32>,
        %scan3A_879 = arith.constant 3 : i32
        %scan3A_880 = arith.addi %scan3A_732, %scan3A_879 : i32
        %get3A_881 = arith.index_cast %scan3A_880 : i32 to index
        %get3A_882 = arith.constant 0 : index
        %get3A_883 = tpu.vector_load %arg11[%get3A_881, %get3A_882] {strides = array<i32>} : memref<96x64xf32, #tpu.memory_space<vmem>>, vector<1x16xf32>,
        %get3A_884 = vector.shape_cast %get3A_883 : vector<1x16xf32> to vector<16xf32>
        %mul3A_885 = arith.constant 8.000000e+00 : f32
        %mul3A_886 = vector.broadcast %mul3A_885 : f32 to vector<16xf32>
        %mul3A_887 = arith.mulf %get3A_884, %mul3A_886 : vector<16xf32>
        %swap3A_888 = arith.index_cast %scan3A_880 : i32 to index
        %swap3A_889 = arith.constant 0 : index
        %swap3A_890 = tpu.vector_load %arg11[%swap3A_888, %swap3A_889] {strides = array<i32>} : memref<96x64xf32, #tpu.memory_space<vmem>>, vector<1x16xf32>,
        %swap3A_891 = vector.shape_cast %swap3A_890 : vector<1x16xf32> to vector<16xf32>
        %swap3A_892 = vector.shape_cast %mul3A_887 : vector<16xf32> to vector<1x16xf32>
        tpu.vector_store %arg11[%swap3A_888, %swap3A_889], %swap3A_892 {strides = array<i32>} : memref<96x64xf32, #tpu.memory_space<vmem>>, vector<1x16xf32>,
        %get3A_893 = arith.index_cast %scan3A_880 : i32 to index
        %get3A_894 = arith.constant 16 : index
        %get3A_895 = tpu.vector_load %arg11[%get3A_893, %get3A_894] {strides = array<i32>} : memref<96x64xf32, #tpu.memory_space<vmem>>, vector<1x16xf32>,
        %get3A_896 = vector.shape_cast %get3A_895 : vector<1x16xf32> to vector<16xf32>
        %mul3A_897 = arith.constant 8.000000e+00 : f32
        %mul3A_898 = vector.broadcast %mul3A_897 : f32 to vector<16xf32>
        %mul3A_899 = arith.mulf %get3A_896, %mul3A_898 : vector<16xf32>
        %swap3A_900 = arith.index_cast %scan3A_880 : i32 to index
        %swap3A_901 = arith.constant 16 : index
        %swap3A_902 = tpu.vector_load %arg11[%swap3A_900, %swap3A_901] {strides = array<i32>} : memref<96x64xf32, #tpu.memory_space<vmem>>, vector<1x16xf32>,
        %swap3A_903 = vector.shape_cast %swap3A_902 : vector<1x16xf32> to vector<16xf32>
        %swap3A_904 = vector.shape_cast %mul3A_899 : vector<16xf32> to vector<1x16xf32>
        tpu.vector_store %arg11[%swap3A_900, %swap3A_901], %swap3A_904 {strides = array<i32>} : memref<96x64xf32, #tpu.memory_space<vmem>>, vector<1x16xf32>,
        %get3A_905 = arith.index_cast %scan3A_880 : i32 to index
        %get3A_906 = arith.constant 32 : index
        %get3A_907 = tpu.vector_load %arg11[%get3A_905, %get3A_906] {strides = array<i32>} : memref<96x64xf32, #tpu.memory_space<vmem>>, vector<1x16xf32>,
        %get3A_908 = vector.shape_cast %get3A_907 : vector<1x16xf32> to vector<16xf32>
        %mul3A_909 = arith.constant 8.000000e+00 : f32
        %mul3A_910 = vector.broadcast %mul3A_909 : f32 to vector<16xf32>
        %mul3A_911 = arith.mulf %get3A_908, %mul3A_910 : vector<16xf32>
        %swap3A_912 = arith.index_cast %scan3A_880 : i32 to index
        %swap3A_913 = arith.constant 32 : index
        %swap3A_914 = tpu.vector_load %arg11[%swap3A_912, %swap3A_913] {strides = array<i32>} : memref<96x64xf32, #tpu.memory_space<vmem>>, vector<1x16xf32>,
        %swap3A_915 = vector.shape_cast %swap3A_914 : vector<1x16xf32> to vector<16xf32>
        %swap3A_916 = vector.shape_cast %mul3A_911 : vector<16xf32> to vector<1x16xf32>
        tpu.vector_store %arg11[%swap3A_912, %swap3A_913], %swap3A_916 {strides = array<i32>} : memref<96x64xf32, #tpu.memory_space<vmem>>, vector<1x16xf32>,
        %get3A_917 = arith.index_cast %scan3A_880 : i32 to index
        %get3A_918 = arith.constant 48 : index
        %get3A_919 = tpu.vector_load %arg11[%get3A_917, %get3A_918] {strides = array<i32>} : memref<96x64xf32, #tpu.memory_space<vmem>>, vector<1x16xf32>,
        %get3A_920 = vector.shape_cast %get3A_919 : vector<1x16xf32> to vector<16xf32>
        %mul3A_921 = arith.constant 8.000000e+00 : f32
        %mul3A_922 = vector.broadcast %mul3A_921 : f32 to vector<16xf32>
        %mul3A_923 = arith.mulf %get3A_920, %mul3A_922 : vector<16xf32>
        %swap3A_924 = arith.index_cast %scan3A_880 : i32 to index
        %swap3A_925 = arith.constant 48 : index
        %swap3A_926 = tpu.vector_load %arg11[%swap3A_924, %swap3A_925] {strides = array<i32>} : memref<96x64xf32, #tpu.memory_space<vmem>>, vector<1x16xf32>,
        %swap3A_927 = vector.shape_cast %swap3A_926 : vector<1x16xf32> to vector<16xf32>
        %swap3A_928 = vector.shape_cast %mul3A_923 : vector<16xf32> to vector<1x16xf32>
        tpu.vector_store %arg11[%swap3A_924, %swap3A_925], %swap3A_928 {strides = array<i32>} : memref<96x64xf32, #tpu.memory_space<vmem>>, vector<1x16xf32>,
      }
      %scan3A_532 = arith.constant 96 : i32
      %jit3A_533 = arith.constant 2 : i32
      %div3A_534 = arith.divsi %add3A_484, %jit3A_533 : i32
      %sign3A_535 = arith.constant 0 : i32
      %sign3A_536 = arith.cmpi sgt, %add3A_484, %sign3A_535 : i32
      %sign3A_537 = arith.extui %sign3A_536 : i1 to i32
      %sign3A_538 = arith.constant 0 : i32
      %sign3A_539 = arith.cmpi slt, %add3A_484, %sign3A_538 : i32
      %sign3A_540 = arith.extui %sign3A_539 : i1 to i32
      %sign3A_541 = arith.subi %sign3A_537, %sign3A_540 : i32
      %sign3A_542 = arith.constant 0 : i32
      %sign3A_543 = arith.cmpi sgt, %jit3A_533, %sign3A_542 : i32
      %sign3A_544 = arith.extui %sign3A_543 : i1 to i32
      %sign3A_545 = arith.constant 0 : i32
      %sign3A_546 = arith.cmpi slt, %jit3A_533, %sign3A_545 : i32
      %sign3A_547 = arith.extui %sign3A_546 : i1 to i32
      %sign3A_548 = arith.subi %sign3A_544, %sign3A_547 : i32
      %ne3A_549 = arith.cmpi ne, %sign3A_541, %sign3A_548 : i32
      %rem3A_550 = arith.remsi %add3A_484, %jit3A_533 : i32
      %ne3A_551 = arith.constant 0 : i32
      %ne3A_552 = arith.cmpi ne, %rem3A_550, %ne3A_551 : i32
      %and3A_553 = arith.andi %ne3A_549, %ne3A_552 : i1
      %sub3A_554 = arith.constant 1 : i32
      %sub3A_555 = arith.subi %div3A_534, %sub3A_554 : i32
      %select_n3A_556 = arith.select %and3A_553, %sub3A_555, %div3A_534 : i32
      %add3A_557 = arith.addi %mul3A_2, %select_n3A_556 : i32
      %dma_start3A_558 = arith.constant 104 : i32
      %dma_start3A_559 = arith.constant 0 : i32
      %dma_start3A_560 = tpu.memref_slice %arg4[%add3A_557, %dma_start3A_558, %dma_start3A_559] : memref<4096x200x64xf32, #tpu.memory_space<hbm>> -> memref<1x96x64xf32, #tpu.memory_space<hbm>>
      %dma_start3A_561 = tpu.memref_squeeze %dma_start3A_560 : memref<1x96x64xf32, #tpu.memory_space<hbm>> -> memref<96x64xf32, #tpu.memory_space<hbm>>
      %dma_start3A_562 = arith.constant 104 : i32
      %dma_start3A_563 = arith.constant 0 : i32
      %dma_start3A_564 = tpu.memref_slice %arg4[%add3A_557, %dma_start3A_562, %dma_start3A_563] : memref<4096x200x64xf32, #tpu.memory_space<hbm>> -> memref<1x96x64xf32, #tpu.memory_space<hbm>>
      %dma_start3A_565 = tpu.memref_squeeze %dma_start3A_564 : memref<1x96x64xf32, #tpu.memory_space<hbm>> -> memref<96x64xf32, #tpu.memory_space<hbm>>
      tpu.enqueue_dma source(%arg11 : memref<96x64xf32, #tpu.memory_space<vmem>>) target(%dma_start3A_565 : memref<96x64xf32, #tpu.memory_space<hbm>>) target_semaphore(%arg27 : memref<!tpu.dma_semaphore, #tpu.memory_space<semaphore_mem>>)
      %add3A_566 = arith.constant 6 : i32
      %add3A_567 = arith.addi %mul3A_79, %add3A_566 : i32
      %add3A_568 = arith.constant 3 : i32
      %add3A_569 = arith.addi %add3A_567, %add3A_568 : i32
      %ge3A_570 = arith.constant 8 : i32
      %ge3A_571 = arith.cmpi sge, %add3A_569, %ge3A_570 : i32
      %convert_element_type3A_572 = arith.extui %ge3A_571 : i1 to i32
      %cond3A_573 = arith.constant 0 : i32
      %cond3A_574 = arith.cmpi ne, %convert_element_type3A_572, %cond3A_573 : i32
      scf.if %cond3A_574 {
        %sub3A_732 = arith.constant 8 : i32
        %sub3A_733 = arith.subi %add3A_569, %sub3A_732 : i32
        %jit3A_734 = arith.constant 2 : i32
        %div3A_735 = arith.divsi %sub3A_733, %jit3A_734 : i32
        %sign3A_736 = arith.constant 0 : i32
        %sign3A_737 = arith.cmpi sgt, %sub3A_733, %sign3A_736 : i32
        %sign3A_738 = arith.extui %sign3A_737 : i1 to i32
        %sign3A_739 = arith.constant 0 : i32
        %sign3A_740 = arith.cmpi slt, %sub3A_733, %sign3A_739 : i32
        %sign3A_741 = arith.extui %sign3A_740 : i1 to i32
        %sign3A_742 = arith.subi %sign3A_738, %sign3A_741 : i32
        %sign3A_743 = arith.constant 0 : i32
        %sign3A_744 = arith.cmpi sgt, %jit3A_734, %sign3A_743 : i32
        %sign3A_745 = arith.extui %sign3A_744 : i1 to i32
        %sign3A_746 = arith.constant 0 : i32
        %sign3A_747 = arith.cmpi slt, %jit3A_734, %sign3A_746 : i32
        %sign3A_748 = arith.extui %sign3A_747 : i1 to i32
        %sign3A_749 = arith.subi %sign3A_745, %sign3A_748 : i32
        %ne3A_750 = arith.cmpi ne, %sign3A_742, %sign3A_749 : i32
        %rem3A_751 = arith.remsi %sub3A_733, %jit3A_734 : i32
        %ne3A_752 = arith.constant 0 : i32
        %ne3A_753 = arith.cmpi ne, %rem3A_751, %ne3A_752 : i32
        %and3A_754 = arith.andi %ne3A_750, %ne3A_753 : i1
        %sub3A_755 = arith.constant 1 : i32
        %sub3A_756 = arith.subi %div3A_735, %sub3A_755 : i32
        %select_n3A_757 = arith.select %and3A_754, %sub3A_756, %div3A_735 : i32
        %add3A_758 = arith.addi %mul3A_2, %select_n3A_757 : i32
        %dma_wait3A_759 = arith.constant 104 : i32
        %dma_wait3A_760 = arith.constant 0 : i32
        %dma_wait3A_761 = tpu.memref_slice %arg4[%add3A_758, %dma_wait3A_759, %dma_wait3A_760] : memref<4096x200x64xf32, #tpu.memory_space<hbm>> -> memref<1x96x64xf32, #tpu.memory_space<hbm>>
        %dma_wait3A_762 = tpu.memref_squeeze %dma_wait3A_761 : memref<1x96x64xf32, #tpu.memory_space<hbm>> -> memref<96x64xf32, #tpu.memory_space<hbm>>
        %dma_wait3A_763 = arith.constant 104 : i32
        %dma_wait3A_764 = arith.constant 0 : i32
        %dma_wait3A_765 = tpu.memref_slice %arg4[%add3A_758, %dma_wait3A_763, %dma_wait3A_764] : memref<4096x200x64xf32, #tpu.memory_space<hbm>> -> memref<1x96x64xf32, #tpu.memory_space<hbm>>
        %dma_wait3A_766 = tpu.memref_squeeze %dma_wait3A_765 : memref<1x96x64xf32, #tpu.memory_space<hbm>> -> memref<96x64xf32, #tpu.memory_space<hbm>>
        tpu.wait_dma2 semaphore(%arg23 : memref<!tpu.dma_semaphore, #tpu.memory_space<semaphore_mem>>) src(%arg7 : memref<96x64xf32, #tpu.memory_space<vmem>>) dst(%dma_wait3A_766 : memref<96x64xf32, #tpu.memory_space<hbm>>)
      } else {
      }
      %lt3A_575 = arith.constant 256 : i32
      %lt3A_576 = arith.cmpi slt, %add3A_569, %lt3A_575 : i32
      %convert_element_type3A_577 = arith.extui %lt3A_576 : i1 to i32
      %cond3A_578 = arith.constant 0 : i32
      %cond3A_579 = arith.cmpi ne, %convert_element_type3A_577, %cond3A_578 : i32
      scf.if %cond3A_579 {
        %jit3A_732 = arith.constant 2 : i32
        %div3A_733 = arith.divsi %add3A_569, %jit3A_732 : i32
        %sign3A_734 = arith.constant 0 : i32
        %sign3A_735 = arith.cmpi sgt, %add3A_569, %sign3A_734 : i32
        %sign3A_736 = arith.extui %sign3A_735 : i1 to i32
        %sign3A_737 = arith.constant 0 : i32
        %sign3A_738 = arith.cmpi slt, %add3A_569, %sign3A_737 : i32
        %sign3A_739 = arith.extui %sign3A_738 : i1 to i32
        %sign3A_740 = arith.subi %sign3A_736, %sign3A_739 : i32
        %sign3A_741 = arith.constant 0 : i32
        %sign3A_742 = arith.cmpi sgt, %jit3A_732, %sign3A_741 : i32
        %sign3A_743 = arith.extui %sign3A_742 : i1 to i32
        %sign3A_744 = arith.constant 0 : i32
        %sign3A_745 = arith.cmpi slt, %jit3A_732, %sign3A_744 : i32
        %sign3A_746 = arith.extui %sign3A_745 : i1 to i32
        %sign3A_747 = arith.subi %sign3A_743, %sign3A_746 : i32
        %ne3A_748 = arith.cmpi ne, %sign3A_740, %sign3A_747 : i32
        %rem3A_749 = arith.remsi %add3A_569, %jit3A_732 : i32
        %ne3A_750 = arith.constant 0 : i32
        %ne3A_751 = arith.cmpi ne, %rem3A_749, %ne3A_750 : i32
        %and3A_752 = arith.andi %ne3A_748, %ne3A_751 : i1
        %sub3A_753 = arith.constant 1 : i32
        %sub3A_754 = arith.subi %div3A_733, %sub3A_753 : i32
        %select_n3A_755 = arith.select %and3A_752, %sub3A_754, %div3A_733 : i32
        %dma_start3A_756 = arith.constant 104 : i32
        %dma_start3A_757 = tpu.memref_slice %arg5[%select_n3A_755, %dma_start3A_756] : memref<128x200xi32, #tpu.memory_space<vmem>> -> memref<1x96xi32, #tpu.memory_space<vmem>>
        %dma_start3A_758 = tpu.memref_squeeze %dma_start3A_757 : memref<1x96xi32, #tpu.memory_space<vmem>> -> memref<96xi32, #tpu.memory_space<vmem>>
        %dma_start3A_759 = arith.constant 0 : i32
        %dma_start3A_760 = arith.constant 0 : i32
        %dma_start3A_761 = tpu.memref_slice %arg3[%dma_start3A_759, %dma_start3A_760] : memref<1000000x64xf32, #tpu.memory_space<hbm>> -> memref<1000000x64xf32, #tpu.memory_space<hbm>>
        tpu.enqueue_indirect_dma source(%dma_start3A_761 : memref<1000000x64xf32, #tpu.memory_space<hbm>>) target(%arg7 : memref<96x64xf32, #tpu.memory_space<vmem>>) offsets(%dma_start3A_758 : memref<96xi32, #tpu.memory_space<vmem>>) semaphore(%arg15 : memref<!tpu.dma_semaphore, #tpu.memory_space<semaphore_mem>>)
      } else {
      }
      %jit3A_580 = arith.constant 2 : i32
      %div3A_581 = arith.divsi %add3A_567, %jit3A_580 : i32
      %sign3A_582 = arith.constant 0 : i32
      %sign3A_583 = arith.cmpi sgt, %add3A_567, %sign3A_582 : i32
      %sign3A_584 = arith.extui %sign3A_583 : i1 to i32
      %sign3A_585 = arith.constant 0 : i32
      %sign3A_586 = arith.cmpi slt, %add3A_567, %sign3A_585 : i32
      %sign3A_587 = arith.extui %sign3A_586 : i1 to i32
      %sign3A_588 = arith.subi %sign3A_584, %sign3A_587 : i32
      %sign3A_589 = arith.constant 0 : i32
      %sign3A_590 = arith.cmpi sgt, %jit3A_580, %sign3A_589 : i32
      %sign3A_591 = arith.extui %sign3A_590 : i1 to i32
      %sign3A_592 = arith.constant 0 : i32
      %sign3A_593 = arith.cmpi slt, %jit3A_580, %sign3A_592 : i32
      %sign3A_594 = arith.extui %sign3A_593 : i1 to i32
      %sign3A_595 = arith.subi %sign3A_591, %sign3A_594 : i32
      %ne3A_596 = arith.cmpi ne, %sign3A_588, %sign3A_595 : i32
      %rem3A_597 = arith.remsi %add3A_567, %jit3A_580 : i32
      %ne3A_598 = arith.constant 0 : i32
      %ne3A_599 = arith.cmpi ne, %rem3A_597, %ne3A_598 : i32
      %and3A_600 = arith.andi %ne3A_596, %ne3A_599 : i1
      %sub3A_601 = arith.constant 1 : i32
      %sub3A_602 = arith.subi %div3A_581, %sub3A_601 : i32
      %select_n3A_603 = arith.select %and3A_600, %sub3A_602, %div3A_581 : i32
      %dma_wait3A_604 = arith.constant 0 : i32
      %dma_wait3A_605 = tpu.memref_slice %arg5[%select_n3A_603, %dma_wait3A_604] : memref<128x200xi32, #tpu.memory_space<vmem>> -> memref<1x104xi32, #tpu.memory_space<vmem>>
      %dma_wait3A_606 = tpu.memref_squeeze %dma_wait3A_605 : memref<1x104xi32, #tpu.memory_space<vmem>> -> memref<104xi32, #tpu.memory_space<vmem>>
      %dma_wait3A_607 = arith.constant 0 : i32
      %dma_wait3A_608 = arith.constant 0 : i32
      %dma_wait3A_609 = tpu.memref_slice %arg3[%dma_wait3A_607, %dma_wait3A_608] : memref<1000000x64xf32, #tpu.memory_space<hbm>> -> memref<1000000x64xf32, #tpu.memory_space<hbm>>
      tpu.wait_indirect_dma semaphore(%arg20 : memref<!tpu.dma_semaphore, #tpu.memory_space<semaphore_mem>>) src(%dma_wait3A_609 : memref<1000000x64xf32, #tpu.memory_space<hbm>>) dst(%arg12 : memref<104x64xf32, #tpu.memory_space<vmem>>)
      %scan3A_610 = arith.constant 0 : i32
      %scan3A_611 = arith.constant 0 : i32
      %scan3A_612 = arith.constant 104 : i32
      %scan3A_613 = arith.addi %scan3A_611, %scan3A_612 : i32
      %scan3A_614 = arith.constant 4 : i32
      scf.for %scan3A_732 = %scan3A_611 to %scan3A_613 step %scan3A_614  : i32 {
        %get3A = arith.index_cast %scan3A_732 : i32 to index
        %get3A_733 = arith.constant 0 : index
        %get3A_734 = tpu.vector_load %arg12[%get3A, %get3A_733] {strides = array<i32>} : memref<104x64xf32, #tpu.memory_space<vmem>>, vector<1x16xf32>,
        %get3A_735 = vector.shape_cast %get3A_734 : vector<1x16xf32> to vector<16xf32>
        %mul3A_736 = arith.constant 8.000000e+00 : f32
        %mul3A_737 = vector.broadcast %mul3A_736 : f32 to vector<16xf32>
        %mul3A_738 = arith.mulf %get3A_735, %mul3A_737 : vector<16xf32>
        %swap3A = arith.index_cast %scan3A_732 : i32 to index
        %swap3A_739 = arith.constant 0 : index
        %swap3A_740 = tpu.vector_load %arg12[%swap3A, %swap3A_739] {strides = array<i32>} : memref<104x64xf32, #tpu.memory_space<vmem>>, vector<1x16xf32>,
        %swap3A_741 = vector.shape_cast %swap3A_740 : vector<1x16xf32> to vector<16xf32>
        %swap3A_742 = vector.shape_cast %mul3A_738 : vector<16xf32> to vector<1x16xf32>
        tpu.vector_store %arg12[%swap3A, %swap3A_739], %swap3A_742 {strides = array<i32>} : memref<104x64xf32, #tpu.memory_space<vmem>>, vector<1x16xf32>,
        %get3A_743 = arith.index_cast %scan3A_732 : i32 to index
        %get3A_744 = arith.constant 16 : index
        %get3A_745 = tpu.vector_load %arg12[%get3A_743, %get3A_744] {strides = array<i32>} : memref<104x64xf32, #tpu.memory_space<vmem>>, vector<1x16xf32>,
        %get3A_746 = vector.shape_cast %get3A_745 : vector<1x16xf32> to vector<16xf32>
        %mul3A_747 = arith.constant 8.000000e+00 : f32
        %mul3A_748 = vector.broadcast %mul3A_747 : f32 to vector<16xf32>
        %mul3A_749 = arith.mulf %get3A_746, %mul3A_748 : vector<16xf32>
        %swap3A_750 = arith.index_cast %scan3A_732 : i32 to index
        %swap3A_751 = arith.constant 16 : index
        %swap3A_752 = tpu.vector_load %arg12[%swap3A_750, %swap3A_751] {strides = array<i32>} : memref<104x64xf32, #tpu.memory_space<vmem>>, vector<1x16xf32>,
        %swap3A_753 = vector.shape_cast %swap3A_752 : vector<1x16xf32> to vector<16xf32>
        %swap3A_754 = vector.shape_cast %mul3A_749 : vector<16xf32> to vector<1x16xf32>
        tpu.vector_store %arg12[%swap3A_750, %swap3A_751], %swap3A_754 {strides = array<i32>} : memref<104x64xf32, #tpu.memory_space<vmem>>, vector<1x16xf32>,
        %get3A_755 = arith.index_cast %scan3A_732 : i32 to index
        %get3A_756 = arith.constant 32 : index
        %get3A_757 = tpu.vector_load %arg12[%get3A_755, %get3A_756] {strides = array<i32>} : memref<104x64xf32, #tpu.memory_space<vmem>>, vector<1x16xf32>,
        %get3A_758 = vector.shape_cast %get3A_757 : vector<1x16xf32> to vector<16xf32>
        %mul3A_759 = arith.constant 8.000000e+00 : f32
        %mul3A_760 = vector.broadcast %mul3A_759 : f32 to vector<16xf32>
        %mul3A_761 = arith.mulf %get3A_758, %mul3A_760 : vector<16xf32>
        %swap3A_762 = arith.index_cast %scan3A_732 : i32 to index
        %swap3A_763 = arith.constant 32 : index
        %swap3A_764 = tpu.vector_load %arg12[%swap3A_762, %swap3A_763] {strides = array<i32>} : memref<104x64xf32, #tpu.memory_space<vmem>>, vector<1x16xf32>,
        %swap3A_765 = vector.shape_cast %swap3A_764 : vector<1x16xf32> to vector<16xf32>
        %swap3A_766 = vector.shape_cast %mul3A_761 : vector<16xf32> to vector<1x16xf32>
        tpu.vector_store %arg12[%swap3A_762, %swap3A_763], %swap3A_766 {strides = array<i32>} : memref<104x64xf32, #tpu.memory_space<vmem>>, vector<1x16xf32>,
        %get3A_767 = arith.index_cast %scan3A_732 : i32 to index
        %get3A_768 = arith.constant 48 : index
        %get3A_769 = tpu.vector_load %arg12[%get3A_767, %get3A_768] {strides = array<i32>} : memref<104x64xf32, #tpu.memory_space<vmem>>, vector<1x16xf32>,
        %get3A_770 = vector.shape_cast %get3A_769 : vector<1x16xf32> to vector<16xf32>
        %mul3A_771 = arith.constant 8.000000e+00 : f32
        %mul3A_772 = vector.broadcast %mul3A_771 : f32 to vector<16xf32>
        %mul3A_773 = arith.mulf %get3A_770, %mul3A_772 : vector<16xf32>
        %swap3A_774 = arith.index_cast %scan3A_732 : i32 to index
        %swap3A_775 = arith.constant 48 : index
        %swap3A_776 = tpu.vector_load %arg12[%swap3A_774, %swap3A_775] {strides = array<i32>} : memref<104x64xf32, #tpu.memory_space<vmem>>, vector<1x16xf32>,
        %swap3A_777 = vector.shape_cast %swap3A_776 : vector<1x16xf32> to vector<16xf32>
        %swap3A_778 = vector.shape_cast %mul3A_773 : vector<16xf32> to vector<1x16xf32>
        tpu.vector_store %arg12[%swap3A_774, %swap3A_775], %swap3A_778 {strides = array<i32>} : memref<104x64xf32, #tpu.memory_space<vmem>>, vector<1x16xf32>,
        %scan3A_779 = arith.constant 1 : i32
        %scan3A_780 = arith.addi %scan3A_732, %scan3A_779 : i32
        %get3A_781 = arith.index_cast %scan3A_780 : i32 to index
        %get3A_782 = arith.constant 0 : index
        %get3A_783 = tpu.vector_load %arg12[%get3A_781, %get3A_782] {strides = array<i32>} : memref<104x64xf32, #tpu.memory_space<vmem>>, vector<1x16xf32>,
        %get3A_784 = vector.shape_cast %get3A_783 : vector<1x16xf32> to vector<16xf32>
        %mul3A_785 = arith.constant 8.000000e+00 : f32
        %mul3A_786 = vector.broadcast %mul3A_785 : f32 to vector<16xf32>
        %mul3A_787 = arith.mulf %get3A_784, %mul3A_786 : vector<16xf32>
        %swap3A_788 = arith.index_cast %scan3A_780 : i32 to index
        %swap3A_789 = arith.constant 0 : index
        %swap3A_790 = tpu.vector_load %arg12[%swap3A_788, %swap3A_789] {strides = array<i32>} : memref<104x64xf32, #tpu.memory_space<vmem>>, vector<1x16xf32>,
        %swap3A_791 = vector.shape_cast %swap3A_790 : vector<1x16xf32> to vector<16xf32>
        %swap3A_792 = vector.shape_cast %mul3A_787 : vector<16xf32> to vector<1x16xf32>
        tpu.vector_store %arg12[%swap3A_788, %swap3A_789], %swap3A_792 {strides = array<i32>} : memref<104x64xf32, #tpu.memory_space<vmem>>, vector<1x16xf32>,
        %get3A_793 = arith.index_cast %scan3A_780 : i32 to index
        %get3A_794 = arith.constant 16 : index
        %get3A_795 = tpu.vector_load %arg12[%get3A_793, %get3A_794] {strides = array<i32>} : memref<104x64xf32, #tpu.memory_space<vmem>>, vector<1x16xf32>,
        %get3A_796 = vector.shape_cast %get3A_795 : vector<1x16xf32> to vector<16xf32>
        %mul3A_797 = arith.constant 8.000000e+00 : f32
        %mul3A_798 = vector.broadcast %mul3A_797 : f32 to vector<16xf32>
        %mul3A_799 = arith.mulf %get3A_796, %mul3A_798 : vector<16xf32>
        %swap3A_800 = arith.index_cast %scan3A_780 : i32 to index
        %swap3A_801 = arith.constant 16 : index
        %swap3A_802 = tpu.vector_load %arg12[%swap3A_800, %swap3A_801] {strides = array<i32>} : memref<104x64xf32, #tpu.memory_space<vmem>>, vector<1x16xf32>,
        %swap3A_803 = vector.shape_cast %swap3A_802 : vector<1x16xf32> to vector<16xf32>
        %swap3A_804 = vector.shape_cast %mul3A_799 : vector<16xf32> to vector<1x16xf32>
        tpu.vector_store %arg12[%swap3A_800, %swap3A_801], %swap3A_804 {strides = array<i32>} : memref<104x64xf32, #tpu.memory_space<vmem>>, vector<1x16xf32>,
        %get3A_805 = arith.index_cast %scan3A_780 : i32 to index
        %get3A_806 = arith.constant 32 : index
        %get3A_807 = tpu.vector_load %arg12[%get3A_805, %get3A_806] {strides = array<i32>} : memref<104x64xf32, #tpu.memory_space<vmem>>, vector<1x16xf32>,
        %get3A_808 = vector.shape_cast %get3A_807 : vector<1x16xf32> to vector<16xf32>
        %mul3A_809 = arith.constant 8.000000e+00 : f32
        %mul3A_810 = vector.broadcast %mul3A_809 : f32 to vector<16xf32>
        %mul3A_811 = arith.mulf %get3A_808, %mul3A_810 : vector<16xf32>
        %swap3A_812 = arith.index_cast %scan3A_780 : i32 to index
        %swap3A_813 = arith.constant 32 : index
        %swap3A_814 = tpu.vector_load %arg12[%swap3A_812, %swap3A_813] {strides = array<i32>} : memref<104x64xf32, #tpu.memory_space<vmem>>, vector<1x16xf32>,
        %swap3A_815 = vector.shape_cast %swap3A_814 : vector<1x16xf32> to vector<16xf32>
        %swap3A_816 = vector.shape_cast %mul3A_811 : vector<16xf32> to vector<1x16xf32>
        tpu.vector_store %arg12[%swap3A_812, %swap3A_813], %swap3A_816 {strides = array<i32>} : memref<104x64xf32, #tpu.memory_space<vmem>>, vector<1x16xf32>,
        %get3A_817 = arith.index_cast %scan3A_780 : i32 to index
        %get3A_818 = arith.constant 48 : index
        %get3A_819 = tpu.vector_load %arg12[%get3A_817, %get3A_818] {strides = array<i32>} : memref<104x64xf32, #tpu.memory_space<vmem>>, vector<1x16xf32>,
        %get3A_820 = vector.shape_cast %get3A_819 : vector<1x16xf32> to vector<16xf32>
        %mul3A_821 = arith.constant 8.000000e+00 : f32
        %mul3A_822 = vector.broadcast %mul3A_821 : f32 to vector<16xf32>
        %mul3A_823 = arith.mulf %get3A_820, %mul3A_822 : vector<16xf32>
        %swap3A_824 = arith.index_cast %scan3A_780 : i32 to index
        %swap3A_825 = arith.constant 48 : index
        %swap3A_826 = tpu.vector_load %arg12[%swap3A_824, %swap3A_825] {strides = array<i32>} : memref<104x64xf32, #tpu.memory_space<vmem>>, vector<1x16xf32>,
        %swap3A_827 = vector.shape_cast %swap3A_826 : vector<1x16xf32> to vector<16xf32>
        %swap3A_828 = vector.shape_cast %mul3A_823 : vector<16xf32> to vector<1x16xf32>
        tpu.vector_store %arg12[%swap3A_824, %swap3A_825], %swap3A_828 {strides = array<i32>} : memref<104x64xf32, #tpu.memory_space<vmem>>, vector<1x16xf32>,
        %scan3A_829 = arith.constant 2 : i32
        %scan3A_830 = arith.addi %scan3A_732, %scan3A_829 : i32
        %get3A_831 = arith.index_cast %scan3A_830 : i32 to index
        %get3A_832 = arith.constant 0 : index
        %get3A_833 = tpu.vector_load %arg12[%get3A_831, %get3A_832] {strides = array<i32>} : memref<104x64xf32, #tpu.memory_space<vmem>>, vector<1x16xf32>,
        %get3A_834 = vector.shape_cast %get3A_833 : vector<1x16xf32> to vector<16xf32>
        %mul3A_835 = arith.constant 8.000000e+00 : f32
        %mul3A_836 = vector.broadcast %mul3A_835 : f32 to vector<16xf32>
        %mul3A_837 = arith.mulf %get3A_834, %mul3A_836 : vector<16xf32>
        %swap3A_838 = arith.index_cast %scan3A_830 : i32 to index
        %swap3A_839 = arith.constant 0 : index
        %swap3A_840 = tpu.vector_load %arg12[%swap3A_838, %swap3A_839] {strides = array<i32>} : memref<104x64xf32, #tpu.memory_space<vmem>>, vector<1x16xf32>,
        %swap3A_841 = vector.shape_cast %swap3A_840 : vector<1x16xf32> to vector<16xf32>
        %swap3A_842 = vector.shape_cast %mul3A_837 : vector<16xf32> to vector<1x16xf32>
        tpu.vector_store %arg12[%swap3A_838, %swap3A_839], %swap3A_842 {strides = array<i32>} : memref<104x64xf32, #tpu.memory_space<vmem>>, vector<1x16xf32>,
        %get3A_843 = arith.index_cast %scan3A_830 : i32 to index
        %get3A_844 = arith.constant 16 : index
        %get3A_845 = tpu.vector_load %arg12[%get3A_843, %get3A_844] {strides = array<i32>} : memref<104x64xf32, #tpu.memory_space<vmem>>, vector<1x16xf32>,
        %get3A_846 = vector.shape_cast %get3A_845 : vector<1x16xf32> to vector<16xf32>
        %mul3A_847 = arith.constant 8.000000e+00 : f32
        %mul3A_848 = vector.broadcast %mul3A_847 : f32 to vector<16xf32>
        %mul3A_849 = arith.mulf %get3A_846, %mul3A_848 : vector<16xf32>
        %swap3A_850 = arith.index_cast %scan3A_830 : i32 to index
        %swap3A_851 = arith.constant 16 : index
        %swap3A_852 = tpu.vector_load %arg12[%swap3A_850, %swap3A_851] {strides = array<i32>} : memref<104x64xf32, #tpu.memory_space<vmem>>, vector<1x16xf32>,
        %swap3A_853 = vector.shape_cast %swap3A_852 : vector<1x16xf32> to vector<16xf32>
        %swap3A_854 = vector.shape_cast %mul3A_849 : vector<16xf32> to vector<1x16xf32>
        tpu.vector_store %arg12[%swap3A_850, %swap3A_851], %swap3A_854 {strides = array<i32>} : memref<104x64xf32, #tpu.memory_space<vmem>>, vector<1x16xf32>,
        %get3A_855 = arith.index_cast %scan3A_830 : i32 to index
        %get3A_856 = arith.constant 32 : index
        %get3A_857 = tpu.vector_load %arg12[%get3A_855, %get3A_856] {strides = array<i32>} : memref<104x64xf32, #tpu.memory_space<vmem>>, vector<1x16xf32>,
        %get3A_858 = vector.shape_cast %get3A_857 : vector<1x16xf32> to vector<16xf32>
        %mul3A_859 = arith.constant 8.000000e+00 : f32
        %mul3A_860 = vector.broadcast %mul3A_859 : f32 to vector<16xf32>
        %mul3A_861 = arith.mulf %get3A_858, %mul3A_860 : vector<16xf32>
        %swap3A_862 = arith.index_cast %scan3A_830 : i32 to index
        %swap3A_863 = arith.constant 32 : index
        %swap3A_864 = tpu.vector_load %arg12[%swap3A_862, %swap3A_863] {strides = array<i32>} : memref<104x64xf32, #tpu.memory_space<vmem>>, vector<1x16xf32>,
        %swap3A_865 = vector.shape_cast %swap3A_864 : vector<1x16xf32> to vector<16xf32>
        %swap3A_866 = vector.shape_cast %mul3A_861 : vector<16xf32> to vector<1x16xf32>
        tpu.vector_store %arg12[%swap3A_862, %swap3A_863], %swap3A_866 {strides = array<i32>} : memref<104x64xf32, #tpu.memory_space<vmem>>, vector<1x16xf32>,
        %get3A_867 = arith.index_cast %scan3A_830 : i32 to index
        %get3A_868 = arith.constant 48 : index
        %get3A_869 = tpu.vector_load %arg12[%get3A_867, %get3A_868] {strides = array<i32>} : memref<104x64xf32, #tpu.memory_space<vmem>>, vector<1x16xf32>,
        %get3A_870 = vector.shape_cast %get3A_869 : vector<1x16xf32> to vector<16xf32>
        %mul3A_871 = arith.constant 8.000000e+00 : f32
        %mul3A_872 = vector.broadcast %mul3A_871 : f32 to vector<16xf32>
        %mul3A_873 = arith.mulf %get3A_870, %mul3A_872 : vector<16xf32>
        %swap3A_874 = arith.index_cast %scan3A_830 : i32 to index
        %swap3A_875 = arith.constant 48 : index
        %swap3A_876 = tpu.vector_load %arg12[%swap3A_874, %swap3A_875] {strides = array<i32>} : memref<104x64xf32, #tpu.memory_space<vmem>>, vector<1x16xf32>,
        %swap3A_877 = vector.shape_cast %swap3A_876 : vector<1x16xf32> to vector<16xf32>
        %swap3A_878 = vector.shape_cast %mul3A_873 : vector<16xf32> to vector<1x16xf32>
        tpu.vector_store %arg12[%swap3A_874, %swap3A_875], %swap3A_878 {strides = array<i32>} : memref<104x64xf32, #tpu.memory_space<vmem>>, vector<1x16xf32>,
        %scan3A_879 = arith.constant 3 : i32
        %scan3A_880 = arith.addi %scan3A_732, %scan3A_879 : i32
        %get3A_881 = arith.index_cast %scan3A_880 : i32 to index
        %get3A_882 = arith.constant 0 : index
        %get3A_883 = tpu.vector_load %arg12[%get3A_881, %get3A_882] {strides = array<i32>} : memref<104x64xf32, #tpu.memory_space<vmem>>, vector<1x16xf32>,
        %get3A_884 = vector.shape_cast %get3A_883 : vector<1x16xf32> to vector<16xf32>
        %mul3A_885 = arith.constant 8.000000e+00 : f32
        %mul3A_886 = vector.broadcast %mul3A_885 : f32 to vector<16xf32>
        %mul3A_887 = arith.mulf %get3A_884, %mul3A_886 : vector<16xf32>
        %swap3A_888 = arith.index_cast %scan3A_880 : i32 to index
        %swap3A_889 = arith.constant 0 : index
        %swap3A_890 = tpu.vector_load %arg12[%swap3A_888, %swap3A_889] {strides = array<i32>} : memref<104x64xf32, #tpu.memory_space<vmem>>, vector<1x16xf32>,
        %swap3A_891 = vector.shape_cast %swap3A_890 : vector<1x16xf32> to vector<16xf32>
        %swap3A_892 = vector.shape_cast %mul3A_887 : vector<16xf32> to vector<1x16xf32>
        tpu.vector_store %arg12[%swap3A_888, %swap3A_889], %swap3A_892 {strides = array<i32>} : memref<104x64xf32, #tpu.memory_space<vmem>>, vector<1x16xf32>,
        %get3A_893 = arith.index_cast %scan3A_880 : i32 to index
        %get3A_894 = arith.constant 16 : index
        %get3A_895 = tpu.vector_load %arg12[%get3A_893, %get3A_894] {strides = array<i32>} : memref<104x64xf32, #tpu.memory_space<vmem>>, vector<1x16xf32>,
        %get3A_896 = vector.shape_cast %get3A_895 : vector<1x16xf32> to vector<16xf32>
        %mul3A_897 = arith.constant 8.000000e+00 : f32
        %mul3A_898 = vector.broadcast %mul3A_897 : f32 to vector<16xf32>
        %mul3A_899 = arith.mulf %get3A_896, %mul3A_898 : vector<16xf32>
        %swap3A_900 = arith.index_cast %scan3A_880 : i32 to index
        %swap3A_901 = arith.constant 16 : index
        %swap3A_902 = tpu.vector_load %arg12[%swap3A_900, %swap3A_901] {strides = array<i32>} : memref<104x64xf32, #tpu.memory_space<vmem>>, vector<1x16xf32>,
        %swap3A_903 = vector.shape_cast %swap3A_902 : vector<1x16xf32> to vector<16xf32>
        %swap3A_904 = vector.shape_cast %mul3A_899 : vector<16xf32> to vector<1x16xf32>
        tpu.vector_store %arg12[%swap3A_900, %swap3A_901], %swap3A_904 {strides = array<i32>} : memref<104x64xf32, #tpu.memory_space<vmem>>, vector<1x16xf32>,
        %get3A_905 = arith.index_cast %scan3A_880 : i32 to index
        %get3A_906 = arith.constant 32 : index
        %get3A_907 = tpu.vector_load %arg12[%get3A_905, %get3A_906] {strides = array<i32>} : memref<104x64xf32, #tpu.memory_space<vmem>>, vector<1x16xf32>,
        %get3A_908 = vector.shape_cast %get3A_907 : vector<1x16xf32> to vector<16xf32>
        %mul3A_909 = arith.constant 8.000000e+00 : f32
        %mul3A_910 = vector.broadcast %mul3A_909 : f32 to vector<16xf32>
        %mul3A_911 = arith.mulf %get3A_908, %mul3A_910 : vector<16xf32>
        %swap3A_912 = arith.index_cast %scan3A_880 : i32 to index
        %swap3A_913 = arith.constant 32 : index
        %swap3A_914 = tpu.vector_load %arg12[%swap3A_912, %swap3A_913] {strides = array<i32>} : memref<104x64xf32, #tpu.memory_space<vmem>>, vector<1x16xf32>,
        %swap3A_915 = vector.shape_cast %swap3A_914 : vector<1x16xf32> to vector<16xf32>
        %swap3A_916 = vector.shape_cast %mul3A_911 : vector<16xf32> to vector<1x16xf32>
        tpu.vector_store %arg12[%swap3A_912, %swap3A_913], %swap3A_916 {strides = array<i32>} : memref<104x64xf32, #tpu.memory_space<vmem>>, vector<1x16xf32>,
        %get3A_917 = arith.index_cast %scan3A_880 : i32 to index
        %get3A_918 = arith.constant 48 : index
        %get3A_919 = tpu.vector_load %arg12[%get3A_917, %get3A_918] {strides = array<i32>} : memref<104x64xf32, #tpu.memory_space<vmem>>, vector<1x16xf32>,
        %get3A_920 = vector.shape_cast %get3A_919 : vector<1x16xf32> to vector<16xf32>
        %mul3A_921 = arith.constant 8.000000e+00 : f32
        %mul3A_922 = vector.broadcast %mul3A_921 : f32 to vector<16xf32>
        %mul3A_923 = arith.mulf %get3A_920, %mul3A_922 : vector<16xf32>
        %swap3A_924 = arith.index_cast %scan3A_880 : i32 to index
        %swap3A_925 = arith.constant 48 : index
        %swap3A_926 = tpu.vector_load %arg12[%swap3A_924, %swap3A_925] {strides = array<i32>} : memref<104x64xf32, #tpu.memory_space<vmem>>, vector<1x16xf32>,
        %swap3A_927 = vector.shape_cast %swap3A_926 : vector<1x16xf32> to vector<16xf32>
        %swap3A_928 = vector.shape_cast %mul3A_923 : vector<16xf32> to vector<1x16xf32>
        tpu.vector_store %arg12[%swap3A_924, %swap3A_925], %swap3A_928 {strides = array<i32>} : memref<104x64xf32, #tpu.memory_space<vmem>>, vector<1x16xf32>,
      }
      %scan3A_615 = arith.constant 104 : i32
      %jit3A_616 = arith.constant 2 : i32
      %div3A_617 = arith.divsi %add3A_567, %jit3A_616 : i32
      %sign3A_618 = arith.constant 0 : i32
      %sign3A_619 = arith.cmpi sgt, %add3A_567, %sign3A_618 : i32
      %sign3A_620 = arith.extui %sign3A_619 : i1 to i32
      %sign3A_621 = arith.constant 0 : i32
      %sign3A_622 = arith.cmpi slt, %add3A_567, %sign3A_621 : i32
      %sign3A_623 = arith.extui %sign3A_622 : i1 to i32
      %sign3A_624 = arith.subi %sign3A_620, %sign3A_623 : i32
      %sign3A_625 = arith.constant 0 : i32
      %sign3A_626 = arith.cmpi sgt, %jit3A_616, %sign3A_625 : i32
      %sign3A_627 = arith.extui %sign3A_626 : i1 to i32
      %sign3A_628 = arith.constant 0 : i32
      %sign3A_629 = arith.cmpi slt, %jit3A_616, %sign3A_628 : i32
      %sign3A_630 = arith.extui %sign3A_629 : i1 to i32
      %sign3A_631 = arith.subi %sign3A_627, %sign3A_630 : i32
      %ne3A_632 = arith.cmpi ne, %sign3A_624, %sign3A_631 : i32
      %rem3A_633 = arith.remsi %add3A_567, %jit3A_616 : i32
      %ne3A_634 = arith.constant 0 : i32
      %ne3A_635 = arith.cmpi ne, %rem3A_633, %ne3A_634 : i32
      %and3A_636 = arith.andi %ne3A_632, %ne3A_635 : i1
      %sub3A_637 = arith.constant 1 : i32
      %sub3A_638 = arith.subi %div3A_617, %sub3A_637 : i32
      %select_n3A_639 = arith.select %and3A_636, %sub3A_638, %div3A_617 : i32
      %add3A_640 = arith.addi %mul3A_2, %select_n3A_639 : i32
      %dma_start3A_641 = arith.constant 0 : i32
      %dma_start3A_642 = arith.constant 0 : i32
      %dma_start3A_643 = tpu.memref_slice %arg4[%add3A_640, %dma_start3A_641, %dma_start3A_642] : memref<4096x200x64xf32, #tpu.memory_space<hbm>> -> memref<1x104x64xf32, #tpu.memory_space<hbm>>
      %dma_start3A_644 = tpu.memref_squeeze %dma_start3A_643 : memref<1x104x64xf32, #tpu.memory_space<hbm>> -> memref<104x64xf32, #tpu.memory_space<hbm>>
      %dma_start3A_645 = arith.constant 0 : i32
      %dma_start3A_646 = arith.constant 0 : i32
      %dma_start3A_647 = tpu.memref_slice %arg4[%add3A_640, %dma_start3A_645, %dma_start3A_646] : memref<4096x200x64xf32, #tpu.memory_space<hbm>> -> memref<1x104x64xf32, #tpu.memory_space<hbm>>
      %dma_start3A_648 = tpu.memref_squeeze %dma_start3A_647 : memref<1x104x64xf32, #tpu.memory_space<hbm>> -> memref<104x64xf32, #tpu.memory_space<hbm>>
      tpu.enqueue_dma source(%arg12 : memref<104x64xf32, #tpu.memory_space<vmem>>) target(%dma_start3A_648 : memref<104x64xf32, #tpu.memory_space<hbm>>) target_semaphore(%arg28 : memref<!tpu.dma_semaphore, #tpu.memory_space<semaphore_mem>>)
      %add3A_649 = arith.constant 7 : i32
      %add3A_650 = arith.addi %mul3A_79, %add3A_649 : i32
      %add3A_651 = arith.constant 3 : i32
      %add3A_652 = arith.addi %add3A_650, %add3A_651 : i32
      %ge3A_653 = arith.constant 8 : i32
      %ge3A_654 = arith.cmpi sge, %add3A_652, %ge3A_653 : i32
      %convert_element_type3A_655 = arith.extui %ge3A_654 : i1 to i32
      %cond3A_656 = arith.constant 0 : i32
      %cond3A_657 = arith.cmpi ne, %convert_element_type3A_655, %cond3A_656 : i32
      scf.if %cond3A_657 {
        %sub3A_732 = arith.constant 8 : i32
        %sub3A_733 = arith.subi %add3A_652, %sub3A_732 : i32
        %jit3A_734 = arith.constant 2 : i32
        %div3A_735 = arith.divsi %sub3A_733, %jit3A_734 : i32
        %sign3A_736 = arith.constant 0 : i32
        %sign3A_737 = arith.cmpi sgt, %sub3A_733, %sign3A_736 : i32
        %sign3A_738 = arith.extui %sign3A_737 : i1 to i32
        %sign3A_739 = arith.constant 0 : i32
        %sign3A_740 = arith.cmpi slt, %sub3A_733, %sign3A_739 : i32
        %sign3A_741 = arith.extui %sign3A_740 : i1 to i32
        %sign3A_742 = arith.subi %sign3A_738, %sign3A_741 : i32
        %sign3A_743 = arith.constant 0 : i32
        %sign3A_744 = arith.cmpi sgt, %jit3A_734, %sign3A_743 : i32
        %sign3A_745 = arith.extui %sign3A_744 : i1 to i32
        %sign3A_746 = arith.constant 0 : i32
        %sign3A_747 = arith.cmpi slt, %jit3A_734, %sign3A_746 : i32
        %sign3A_748 = arith.extui %sign3A_747 : i1 to i32
        %sign3A_749 = arith.subi %sign3A_745, %sign3A_748 : i32
        %ne3A_750 = arith.cmpi ne, %sign3A_742, %sign3A_749 : i32
        %rem3A_751 = arith.remsi %sub3A_733, %jit3A_734 : i32
        %ne3A_752 = arith.constant 0 : i32
        %ne3A_753 = arith.cmpi ne, %rem3A_751, %ne3A_752 : i32
        %and3A_754 = arith.andi %ne3A_750, %ne3A_753 : i1
        %sub3A_755 = arith.constant 1 : i32
        %sub3A_756 = arith.subi %div3A_735, %sub3A_755 : i32
        %select_n3A_757 = arith.select %and3A_754, %sub3A_756, %div3A_735 : i32
        %add3A_758 = arith.addi %mul3A_2, %select_n3A_757 : i32
        %dma_wait3A_759 = arith.constant 0 : i32
        %dma_wait3A_760 = arith.constant 0 : i32
        %dma_wait3A_761 = tpu.memref_slice %arg4[%add3A_758, %dma_wait3A_759, %dma_wait3A_760] : memref<4096x200x64xf32, #tpu.memory_space<hbm>> -> memref<1x104x64xf32, #tpu.memory_space<hbm>>
        %dma_wait3A_762 = tpu.memref_squeeze %dma_wait3A_761 : memref<1x104x64xf32, #tpu.memory_space<hbm>> -> memref<104x64xf32, #tpu.memory_space<hbm>>
        %dma_wait3A_763 = arith.constant 0 : i32
        %dma_wait3A_764 = arith.constant 0 : i32
        %dma_wait3A_765 = tpu.memref_slice %arg4[%add3A_758, %dma_wait3A_763, %dma_wait3A_764] : memref<4096x200x64xf32, #tpu.memory_space<hbm>> -> memref<1x104x64xf32, #tpu.memory_space<hbm>>
        %dma_wait3A_766 = tpu.memref_squeeze %dma_wait3A_765 : memref<1x104x64xf32, #tpu.memory_space<hbm>> -> memref<104x64xf32, #tpu.memory_space<hbm>>
        tpu.wait_dma2 semaphore(%arg24 : memref<!tpu.dma_semaphore, #tpu.memory_space<semaphore_mem>>) src(%arg8 : memref<104x64xf32, #tpu.memory_space<vmem>>) dst(%dma_wait3A_766 : memref<104x64xf32, #tpu.memory_space<hbm>>)
      } else {
      }
      %lt3A_658 = arith.constant 256 : i32
      %lt3A_659 = arith.cmpi slt, %add3A_652, %lt3A_658 : i32
      %convert_element_type3A_660 = arith.extui %lt3A_659 : i1 to i32
      %cond3A_661 = arith.constant 0 : i32
      %cond3A_662 = arith.cmpi ne, %convert_element_type3A_660, %cond3A_661 : i32
      scf.if %cond3A_662 {
        %jit3A_732 = arith.constant 2 : i32
        %div3A_733 = arith.divsi %add3A_652, %jit3A_732 : i32
        %sign3A_734 = arith.constant 0 : i32
        %sign3A_735 = arith.cmpi sgt, %add3A_652, %sign3A_734 : i32
        %sign3A_736 = arith.extui %sign3A_735 : i1 to i32
        %sign3A_737 = arith.constant 0 : i32
        %sign3A_738 = arith.cmpi slt, %add3A_652, %sign3A_737 : i32
        %sign3A_739 = arith.extui %sign3A_738 : i1 to i32
        %sign3A_740 = arith.subi %sign3A_736, %sign3A_739 : i32
        %sign3A_741 = arith.constant 0 : i32
        %sign3A_742 = arith.cmpi sgt, %jit3A_732, %sign3A_741 : i32
        %sign3A_743 = arith.extui %sign3A_742 : i1 to i32
        %sign3A_744 = arith.constant 0 : i32
        %sign3A_745 = arith.cmpi slt, %jit3A_732, %sign3A_744 : i32
        %sign3A_746 = arith.extui %sign3A_745 : i1 to i32
        %sign3A_747 = arith.subi %sign3A_743, %sign3A_746 : i32
        %ne3A_748 = arith.cmpi ne, %sign3A_740, %sign3A_747 : i32
        %rem3A_749 = arith.remsi %add3A_652, %jit3A_732 : i32
        %ne3A_750 = arith.constant 0 : i32
        %ne3A_751 = arith.cmpi ne, %rem3A_749, %ne3A_750 : i32
        %and3A_752 = arith.andi %ne3A_748, %ne3A_751 : i1
        %sub3A_753 = arith.constant 1 : i32
        %sub3A_754 = arith.subi %div3A_733, %sub3A_753 : i32
        %select_n3A_755 = arith.select %and3A_752, %sub3A_754, %div3A_733 : i32
        %dma_start3A_756 = arith.constant 0 : i32
        %dma_start3A_757 = tpu.memref_slice %arg5[%select_n3A_755, %dma_start3A_756] : memref<128x200xi32, #tpu.memory_space<vmem>> -> memref<1x104xi32, #tpu.memory_space<vmem>>
        %dma_start3A_758 = tpu.memref_squeeze %dma_start3A_757 : memref<1x104xi32, #tpu.memory_space<vmem>> -> memref<104xi32, #tpu.memory_space<vmem>>
        %dma_start3A_759 = arith.constant 0 : i32
        %dma_start3A_760 = arith.constant 0 : i32
        %dma_start3A_761 = tpu.memref_slice %arg3[%dma_start3A_759, %dma_start3A_760] : memref<1000000x64xf32, #tpu.memory_space<hbm>> -> memref<1000000x64xf32, #tpu.memory_space<hbm>>
        tpu.enqueue_indirect_dma source(%dma_start3A_761 : memref<1000000x64xf32, #tpu.memory_space<hbm>>) target(%arg8 : memref<104x64xf32, #tpu.memory_space<vmem>>) offsets(%dma_start3A_758 : memref<104xi32, #tpu.memory_space<vmem>>) semaphore(%arg16 : memref<!tpu.dma_semaphore, #tpu.memory_space<semaphore_mem>>)
      } else {
      }
      %jit3A_663 = arith.constant 2 : i32
      %div3A_664 = arith.divsi %add3A_650, %jit3A_663 : i32
      %sign3A_665 = arith.constant 0 : i32
      %sign3A_666 = arith.cmpi sgt, %add3A_650, %sign3A_665 : i32
      %sign3A_667 = arith.extui %sign3A_666 : i1 to i32
      %sign3A_668 = arith.constant 0 : i32
      %sign3A_669 = arith.cmpi slt, %add3A_650, %sign3A_668 : i32
      %sign3A_670 = arith.extui %sign3A_669 : i1 to i32
      %sign3A_671 = arith.subi %sign3A_667, %sign3A_670 : i32
      %sign3A_672 = arith.constant 0 : i32
      %sign3A_673 = arith.cmpi sgt, %jit3A_663, %sign3A_672 : i32
      %sign3A_674 = arith.extui %sign3A_673 : i1 to i32
      %sign3A_675 = arith.constant 0 : i32
      %sign3A_676 = arith.cmpi slt, %jit3A_663, %sign3A_675 : i32
      %sign3A_677 = arith.extui %sign3A_676 : i1 to i32
      %sign3A_678 = arith.subi %sign3A_674, %sign3A_677 : i32
      %ne3A_679 = arith.cmpi ne, %sign3A_671, %sign3A_678 : i32
      %rem3A_680 = arith.remsi %add3A_650, %jit3A_663 : i32
      %ne3A_681 = arith.constant 0 : i32
      %ne3A_682 = arith.cmpi ne, %rem3A_680, %ne3A_681 : i32
      %and3A_683 = arith.andi %ne3A_679, %ne3A_682 : i1
      %sub3A_684 = arith.constant 1 : i32
      %sub3A_685 = arith.subi %div3A_664, %sub3A_684 : i32
      %select_n3A_686 = arith.select %and3A_683, %sub3A_685, %div3A_664 : i32
      %dma_wait3A_687 = arith.constant 104 : i32
      %dma_wait3A_688 = tpu.memref_slice %arg5[%select_n3A_686, %dma_wait3A_687] : memref<128x200xi32, #tpu.memory_space<vmem>> -> memref<1x96xi32, #tpu.memory_space<vmem>>
      %dma_wait3A_689 = tpu.memref_squeeze %dma_wait3A_688 : memref<1x96xi32, #tpu.memory_space<vmem>> -> memref<96xi32, #tpu.memory_space<vmem>>
      %dma_wait3A_690 = arith.constant 0 : i32
      %dma_wait3A_691 = arith.constant 0 : i32
      %dma_wait3A_692 = tpu.memref_slice %arg3[%dma_wait3A_690, %dma_wait3A_691] : memref<1000000x64xf32, #tpu.memory_space<hbm>> -> memref<1000000x64xf32, #tpu.memory_space<hbm>>
      tpu.wait_indirect_dma semaphore(%arg21 : memref<!tpu.dma_semaphore, #tpu.memory_space<semaphore_mem>>) src(%dma_wait3A_692 : memref<1000000x64xf32, #tpu.memory_space<hbm>>) dst(%arg13 : memref<96x64xf32, #tpu.memory_space<vmem>>)
      %scan3A_693 = arith.constant 0 : i32
      %scan3A_694 = arith.constant 0 : i32
      %scan3A_695 = arith.constant 96 : i32
      %scan3A_696 = arith.addi %scan3A_694, %scan3A_695 : i32
      %scan3A_697 = arith.constant 4 : i32
      scf.for %scan3A_732 = %scan3A_694 to %scan3A_696 step %scan3A_697  : i32 {
        %get3A = arith.index_cast %scan3A_732 : i32 to index
        %get3A_733 = arith.constant 0 : index
        %get3A_734 = tpu.vector_load %arg13[%get3A, %get3A_733] {strides = array<i32>} : memref<96x64xf32, #tpu.memory_space<vmem>>, vector<1x16xf32>,
        %get3A_735 = vector.shape_cast %get3A_734 : vector<1x16xf32> to vector<16xf32>
        %mul3A_736 = arith.constant 8.000000e+00 : f32
        %mul3A_737 = vector.broadcast %mul3A_736 : f32 to vector<16xf32>
        %mul3A_738 = arith.mulf %get3A_735, %mul3A_737 : vector<16xf32>
        %swap3A = arith.index_cast %scan3A_732 : i32 to index
        %swap3A_739 = arith.constant 0 : index
        %swap3A_740 = tpu.vector_load %arg13[%swap3A, %swap3A_739] {strides = array<i32>} : memref<96x64xf32, #tpu.memory_space<vmem>>, vector<1x16xf32>,
        %swap3A_741 = vector.shape_cast %swap3A_740 : vector<1x16xf32> to vector<16xf32>
        %swap3A_742 = vector.shape_cast %mul3A_738 : vector<16xf32> to vector<1x16xf32>
        tpu.vector_store %arg13[%swap3A, %swap3A_739], %swap3A_742 {strides = array<i32>} : memref<96x64xf32, #tpu.memory_space<vmem>>, vector<1x16xf32>,
        %get3A_743 = arith.index_cast %scan3A_732 : i32 to index
        %get3A_744 = arith.constant 16 : index
        %get3A_745 = tpu.vector_load %arg13[%get3A_743, %get3A_744] {strides = array<i32>} : memref<96x64xf32, #tpu.memory_space<vmem>>, vector<1x16xf32>,
        %get3A_746 = vector.shape_cast %get3A_745 : vector<1x16xf32> to vector<16xf32>
        %mul3A_747 = arith.constant 8.000000e+00 : f32
        %mul3A_748 = vector.broadcast %mul3A_747 : f32 to vector<16xf32>
        %mul3A_749 = arith.mulf %get3A_746, %mul3A_748 : vector<16xf32>
        %swap3A_750 = arith.index_cast %scan3A_732 : i32 to index
        %swap3A_751 = arith.constant 16 : index
        %swap3A_752 = tpu.vector_load %arg13[%swap3A_750, %swap3A_751] {strides = array<i32>} : memref<96x64xf32, #tpu.memory_space<vmem>>, vector<1x16xf32>,
        %swap3A_753 = vector.shape_cast %swap3A_752 : vector<1x16xf32> to vector<16xf32>
        %swap3A_754 = vector.shape_cast %mul3A_749 : vector<16xf32> to vector<1x16xf32>
        tpu.vector_store %arg13[%swap3A_750, %swap3A_751], %swap3A_754 {strides = array<i32>} : memref<96x64xf32, #tpu.memory_space<vmem>>, vector<1x16xf32>,
        %get3A_755 = arith.index_cast %scan3A_732 : i32 to index
        %get3A_756 = arith.constant 32 : index
        %get3A_757 = tpu.vector_load %arg13[%get3A_755, %get3A_756] {strides = array<i32>} : memref<96x64xf32, #tpu.memory_space<vmem>>, vector<1x16xf32>,
        %get3A_758 = vector.shape_cast %get3A_757 : vector<1x16xf32> to vector<16xf32>
        %mul3A_759 = arith.constant 8.000000e+00 : f32
        %mul3A_760 = vector.broadcast %mul3A_759 : f32 to vector<16xf32>
        %mul3A_761 = arith.mulf %get3A_758, %mul3A_760 : vector<16xf32>
        %swap3A_762 = arith.index_cast %scan3A_732 : i32 to index
        %swap3A_763 = arith.constant 32 : index
        %swap3A_764 = tpu.vector_load %arg13[%swap3A_762, %swap3A_763] {strides = array<i32>} : memref<96x64xf32, #tpu.memory_space<vmem>>, vector<1x16xf32>,
        %swap3A_765 = vector.shape_cast %swap3A_764 : vector<1x16xf32> to vector<16xf32>
        %swap3A_766 = vector.shape_cast %mul3A_761 : vector<16xf32> to vector<1x16xf32>
        tpu.vector_store %arg13[%swap3A_762, %swap3A_763], %swap3A_766 {strides = array<i32>} : memref<96x64xf32, #tpu.memory_space<vmem>>, vector<1x16xf32>,
        %get3A_767 = arith.index_cast %scan3A_732 : i32 to index
        %get3A_768 = arith.constant 48 : index
        %get3A_769 = tpu.vector_load %arg13[%get3A_767, %get3A_768] {strides = array<i32>} : memref<96x64xf32, #tpu.memory_space<vmem>>, vector<1x16xf32>,
        %get3A_770 = vector.shape_cast %get3A_769 : vector<1x16xf32> to vector<16xf32>
        %mul3A_771 = arith.constant 8.000000e+00 : f32
        %mul3A_772 = vector.broadcast %mul3A_771 : f32 to vector<16xf32>
        %mul3A_773 = arith.mulf %get3A_770, %mul3A_772 : vector<16xf32>
        %swap3A_774 = arith.index_cast %scan3A_732 : i32 to index
        %swap3A_775 = arith.constant 48 : index
        %swap3A_776 = tpu.vector_load %arg13[%swap3A_774, %swap3A_775] {strides = array<i32>} : memref<96x64xf32, #tpu.memory_space<vmem>>, vector<1x16xf32>,
        %swap3A_777 = vector.shape_cast %swap3A_776 : vector<1x16xf32> to vector<16xf32>
        %swap3A_778 = vector.shape_cast %mul3A_773 : vector<16xf32> to vector<1x16xf32>
        tpu.vector_store %arg13[%swap3A_774, %swap3A_775], %swap3A_778 {strides = array<i32>} : memref<96x64xf32, #tpu.memory_space<vmem>>, vector<1x16xf32>,
        %scan3A_779 = arith.constant 1 : i32
        %scan3A_780 = arith.addi %scan3A_732, %scan3A_779 : i32
        %get3A_781 = arith.index_cast %scan3A_780 : i32 to index
        %get3A_782 = arith.constant 0 : index
        %get3A_783 = tpu.vector_load %arg13[%get3A_781, %get3A_782] {strides = array<i32>} : memref<96x64xf32, #tpu.memory_space<vmem>>, vector<1x16xf32>,
        %get3A_784 = vector.shape_cast %get3A_783 : vector<1x16xf32> to vector<16xf32>
        %mul3A_785 = arith.constant 8.000000e+00 : f32
        %mul3A_786 = vector.broadcast %mul3A_785 : f32 to vector<16xf32>
        %mul3A_787 = arith.mulf %get3A_784, %mul3A_786 : vector<16xf32>
        %swap3A_788 = arith.index_cast %scan3A_780 : i32 to index
        %swap3A_789 = arith.constant 0 : index
        %swap3A_790 = tpu.vector_load %arg13[%swap3A_788, %swap3A_789] {strides = array<i32>} : memref<96x64xf32, #tpu.memory_space<vmem>>, vector<1x16xf32>,
        %swap3A_791 = vector.shape_cast %swap3A_790 : vector<1x16xf32> to vector<16xf32>
        %swap3A_792 = vector.shape_cast %mul3A_787 : vector<16xf32> to vector<1x16xf32>
        tpu.vector_store %arg13[%swap3A_788, %swap3A_789], %swap3A_792 {strides = array<i32>} : memref<96x64xf32, #tpu.memory_space<vmem>>, vector<1x16xf32>,
        %get3A_793 = arith.index_cast %scan3A_780 : i32 to index
        %get3A_794 = arith.constant 16 : index
        %get3A_795 = tpu.vector_load %arg13[%get3A_793, %get3A_794] {strides = array<i32>} : memref<96x64xf32, #tpu.memory_space<vmem>>, vector<1x16xf32>,
        %get3A_796 = vector.shape_cast %get3A_795 : vector<1x16xf32> to vector<16xf32>
        %mul3A_797 = arith.constant 8.000000e+00 : f32
        %mul3A_798 = vector.broadcast %mul3A_797 : f32 to vector<16xf32>
        %mul3A_799 = arith.mulf %get3A_796, %mul3A_798 : vector<16xf32>
        %swap3A_800 = arith.index_cast %scan3A_780 : i32 to index
        %swap3A_801 = arith.constant 16 : index
        %swap3A_802 = tpu.vector_load %arg13[%swap3A_800, %swap3A_801] {strides = array<i32>} : memref<96x64xf32, #tpu.memory_space<vmem>>, vector<1x16xf32>,
        %swap3A_803 = vector.shape_cast %swap3A_802 : vector<1x16xf32> to vector<16xf32>
        %swap3A_804 = vector.shape_cast %mul3A_799 : vector<16xf32> to vector<1x16xf32>
        tpu.vector_store %arg13[%swap3A_800, %swap3A_801], %swap3A_804 {strides = array<i32>} : memref<96x64xf32, #tpu.memory_space<vmem>>, vector<1x16xf32>,
        %get3A_805 = arith.index_cast %scan3A_780 : i32 to index
        %get3A_806 = arith.constant 32 : index
        %get3A_807 = tpu.vector_load %arg13[%get3A_805, %get3A_806] {strides = array<i32>} : memref<96x64xf32, #tpu.memory_space<vmem>>, vector<1x16xf32>,
        %get3A_808 = vector.shape_cast %get3A_807 : vector<1x16xf32> to vector<16xf32>
        %mul3A_809 = arith.constant 8.000000e+00 : f32
        %mul3A_810 = vector.broadcast %mul3A_809 : f32 to vector<16xf32>
        %mul3A_811 = arith.mulf %get3A_808, %mul3A_810 : vector<16xf32>
        %swap3A_812 = arith.index_cast %scan3A_780 : i32 to index
        %swap3A_813 = arith.constant 32 : index
        %swap3A_814 = tpu.vector_load %arg13[%swap3A_812, %swap3A_813] {strides = array<i32>} : memref<96x64xf32, #tpu.memory_space<vmem>>, vector<1x16xf32>,
        %swap3A_815 = vector.shape_cast %swap3A_814 : vector<1x16xf32> to vector<16xf32>
        %swap3A_816 = vector.shape_cast %mul3A_811 : vector<16xf32> to vector<1x16xf32>
        tpu.vector_store %arg13[%swap3A_812, %swap3A_813], %swap3A_816 {strides = array<i32>} : memref<96x64xf32, #tpu.memory_space<vmem>>, vector<1x16xf32>,
        %get3A_817 = arith.index_cast %scan3A_780 : i32 to index
        %get3A_818 = arith.constant 48 : index
        %get3A_819 = tpu.vector_load %arg13[%get3A_817, %get3A_818] {strides = array<i32>} : memref<96x64xf32, #tpu.memory_space<vmem>>, vector<1x16xf32>,
        %get3A_820 = vector.shape_cast %get3A_819 : vector<1x16xf32> to vector<16xf32>
        %mul3A_821 = arith.constant 8.000000e+00 : f32
        %mul3A_822 = vector.broadcast %mul3A_821 : f32 to vector<16xf32>
        %mul3A_823 = arith.mulf %get3A_820, %mul3A_822 : vector<16xf32>
        %swap3A_824 = arith.index_cast %scan3A_780 : i32 to index
        %swap3A_825 = arith.constant 48 : index
        %swap3A_826 = tpu.vector_load %arg13[%swap3A_824, %swap3A_825] {strides = array<i32>} : memref<96x64xf32, #tpu.memory_space<vmem>>, vector<1x16xf32>,
        %swap3A_827 = vector.shape_cast %swap3A_826 : vector<1x16xf32> to vector<16xf32>
        %swap3A_828 = vector.shape_cast %mul3A_823 : vector<16xf32> to vector<1x16xf32>
        tpu.vector_store %arg13[%swap3A_824, %swap3A_825], %swap3A_828 {strides = array<i32>} : memref<96x64xf32, #tpu.memory_space<vmem>>, vector<1x16xf32>,
        %scan3A_829 = arith.constant 2 : i32
        %scan3A_830 = arith.addi %scan3A_732, %scan3A_829 : i32
        %get3A_831 = arith.index_cast %scan3A_830 : i32 to index
        %get3A_832 = arith.constant 0 : index
        %get3A_833 = tpu.vector_load %arg13[%get3A_831, %get3A_832] {strides = array<i32>} : memref<96x64xf32, #tpu.memory_space<vmem>>, vector<1x16xf32>,
        %get3A_834 = vector.shape_cast %get3A_833 : vector<1x16xf32> to vector<16xf32>
        %mul3A_835 = arith.constant 8.000000e+00 : f32
        %mul3A_836 = vector.broadcast %mul3A_835 : f32 to vector<16xf32>
        %mul3A_837 = arith.mulf %get3A_834, %mul3A_836 : vector<16xf32>
        %swap3A_838 = arith.index_cast %scan3A_830 : i32 to index
        %swap3A_839 = arith.constant 0 : index
        %swap3A_840 = tpu.vector_load %arg13[%swap3A_838, %swap3A_839] {strides = array<i32>} : memref<96x64xf32, #tpu.memory_space<vmem>>, vector<1x16xf32>,
        %swap3A_841 = vector.shape_cast %swap3A_840 : vector<1x16xf32> to vector<16xf32>
        %swap3A_842 = vector.shape_cast %mul3A_837 : vector<16xf32> to vector<1x16xf32>
        tpu.vector_store %arg13[%swap3A_838, %swap3A_839], %swap3A_842 {strides = array<i32>} : memref<96x64xf32, #tpu.memory_space<vmem>>, vector<1x16xf32>,
        %get3A_843 = arith.index_cast %scan3A_830 : i32 to index
        %get3A_844 = arith.constant 16 : index
        %get3A_845 = tpu.vector_load %arg13[%get3A_843, %get3A_844] {strides = array<i32>} : memref<96x64xf32, #tpu.memory_space<vmem>>, vector<1x16xf32>,
        %get3A_846 = vector.shape_cast %get3A_845 : vector<1x16xf32> to vector<16xf32>
        %mul3A_847 = arith.constant 8.000000e+00 : f32
        %mul3A_848 = vector.broadcast %mul3A_847 : f32 to vector<16xf32>
        %mul3A_849 = arith.mulf %get3A_846, %mul3A_848 : vector<16xf32>
        %swap3A_850 = arith.index_cast %scan3A_830 : i32 to index
        %swap3A_851 = arith.constant 16 : index
        %swap3A_852 = tpu.vector_load %arg13[%swap3A_850, %swap3A_851] {strides = array<i32>} : memref<96x64xf32, #tpu.memory_space<vmem>>, vector<1x16xf32>,
        %swap3A_853 = vector.shape_cast %swap3A_852 : vector<1x16xf32> to vector<16xf32>
        %swap3A_854 = vector.shape_cast %mul3A_849 : vector<16xf32> to vector<1x16xf32>
        tpu.vector_store %arg13[%swap3A_850, %swap3A_851], %swap3A_854 {strides = array<i32>} : memref<96x64xf32, #tpu.memory_space<vmem>>, vector<1x16xf32>,
        %get3A_855 = arith.index_cast %scan3A_830 : i32 to index
        %get3A_856 = arith.constant 32 : index
        %get3A_857 = tpu.vector_load %arg13[%get3A_855, %get3A_856] {strides = array<i32>} : memref<96x64xf32, #tpu.memory_space<vmem>>, vector<1x16xf32>,
        %get3A_858 = vector.shape_cast %get3A_857 : vector<1x16xf32> to vector<16xf32>
        %mul3A_859 = arith.constant 8.000000e+00 : f32
        %mul3A_860 = vector.broadcast %mul3A_859 : f32 to vector<16xf32>
        %mul3A_861 = arith.mulf %get3A_858, %mul3A_860 : vector<16xf32>
        %swap3A_862 = arith.index_cast %scan3A_830 : i32 to index
        %swap3A_863 = arith.constant 32 : index
        %swap3A_864 = tpu.vector_load %arg13[%swap3A_862, %swap3A_863] {strides = array<i32>} : memref<96x64xf32, #tpu.memory_space<vmem>>, vector<1x16xf32>,
        %swap3A_865 = vector.shape_cast %swap3A_864 : vector<1x16xf32> to vector<16xf32>
        %swap3A_866 = vector.shape_cast %mul3A_861 : vector<16xf32> to vector<1x16xf32>
        tpu.vector_store %arg13[%swap3A_862, %swap3A_863], %swap3A_866 {strides = array<i32>} : memref<96x64xf32, #tpu.memory_space<vmem>>, vector<1x16xf32>,
        %get3A_867 = arith.index_cast %scan3A_830 : i32 to index
        %get3A_868 = arith.constant 48 : index
        %get3A_869 = tpu.vector_load %arg13[%get3A_867, %get3A_868] {strides = array<i32>} : memref<96x64xf32, #tpu.memory_space<vmem>>, vector<1x16xf32>,
        %get3A_870 = vector.shape_cast %get3A_869 : vector<1x16xf32> to vector<16xf32>
        %mul3A_871 = arith.constant 8.000000e+00 : f32
        %mul3A_872 = vector.broadcast %mul3A_871 : f32 to vector<16xf32>
        %mul3A_873 = arith.mulf %get3A_870, %mul3A_872 : vector<16xf32>
        %swap3A_874 = arith.index_cast %scan3A_830 : i32 to index
        %swap3A_875 = arith.constant 48 : index
        %swap3A_876 = tpu.vector_load %arg13[%swap3A_874, %swap3A_875] {strides = array<i32>} : memref<96x64xf32, #tpu.memory_space<vmem>>, vector<1x16xf32>,
        %swap3A_877 = vector.shape_cast %swap3A_876 : vector<1x16xf32> to vector<16xf32>
        %swap3A_878 = vector.shape_cast %mul3A_873 : vector<16xf32> to vector<1x16xf32>
        tpu.vector_store %arg13[%swap3A_874, %swap3A_875], %swap3A_878 {strides = array<i32>} : memref<96x64xf32, #tpu.memory_space<vmem>>, vector<1x16xf32>,
        %scan3A_879 = arith.constant 3 : i32
        %scan3A_880 = arith.addi %scan3A_732, %scan3A_879 : i32
        %get3A_881 = arith.index_cast %scan3A_880 : i32 to index
        %get3A_882 = arith.constant 0 : index
        %get3A_883 = tpu.vector_load %arg13[%get3A_881, %get3A_882] {strides = array<i32>} : memref<96x64xf32, #tpu.memory_space<vmem>>, vector<1x16xf32>,
        %get3A_884 = vector.shape_cast %get3A_883 : vector<1x16xf32> to vector<16xf32>
        %mul3A_885 = arith.constant 8.000000e+00 : f32
        %mul3A_886 = vector.broadcast %mul3A_885 : f32 to vector<16xf32>
        %mul3A_887 = arith.mulf %get3A_884, %mul3A_886 : vector<16xf32>
        %swap3A_888 = arith.index_cast %scan3A_880 : i32 to index
        %swap3A_889 = arith.constant 0 : index
        %swap3A_890 = tpu.vector_load %arg13[%swap3A_888, %swap3A_889] {strides = array<i32>} : memref<96x64xf32, #tpu.memory_space<vmem>>, vector<1x16xf32>,
        %swap3A_891 = vector.shape_cast %swap3A_890 : vector<1x16xf32> to vector<16xf32>
        %swap3A_892 = vector.shape_cast %mul3A_887 : vector<16xf32> to vector<1x16xf32>
        tpu.vector_store %arg13[%swap3A_888, %swap3A_889], %swap3A_892 {strides = array<i32>} : memref<96x64xf32, #tpu.memory_space<vmem>>, vector<1x16xf32>,
        %get3A_893 = arith.index_cast %scan3A_880 : i32 to index
        %get3A_894 = arith.constant 16 : index
        %get3A_895 = tpu.vector_load %arg13[%get3A_893, %get3A_894] {strides = array<i32>} : memref<96x64xf32, #tpu.memory_space<vmem>>, vector<1x16xf32>,
        %get3A_896 = vector.shape_cast %get3A_895 : vector<1x16xf32> to vector<16xf32>
        %mul3A_897 = arith.constant 8.000000e+00 : f32
        %mul3A_898 = vector.broadcast %mul3A_897 : f32 to vector<16xf32>
        %mul3A_899 = arith.mulf %get3A_896, %mul3A_898 : vector<16xf32>
        %swap3A_900 = arith.index_cast %scan3A_880 : i32 to index
        %swap3A_901 = arith.constant 16 : index
        %swap3A_902 = tpu.vector_load %arg13[%swap3A_900, %swap3A_901] {strides = array<i32>} : memref<96x64xf32, #tpu.memory_space<vmem>>, vector<1x16xf32>,
        %swap3A_903 = vector.shape_cast %swap3A_902 : vector<1x16xf32> to vector<16xf32>
        %swap3A_904 = vector.shape_cast %mul3A_899 : vector<16xf32> to vector<1x16xf32>
        tpu.vector_store %arg13[%swap3A_900, %swap3A_901], %swap3A_904 {strides = array<i32>} : memref<96x64xf32, #tpu.memory_space<vmem>>, vector<1x16xf32>,
        %get3A_905 = arith.index_cast %scan3A_880 : i32 to index
        %get3A_906 = arith.constant 32 : index
        %get3A_907 = tpu.vector_load %arg13[%get3A_905, %get3A_906] {strides = array<i32>} : memref<96x64xf32, #tpu.memory_space<vmem>>, vector<1x16xf32>,
        %get3A_908 = vector.shape_cast %get3A_907 : vector<1x16xf32> to vector<16xf32>
        %mul3A_909 = arith.constant 8.000000e+00 : f32
        %mul3A_910 = vector.broadcast %mul3A_909 : f32 to vector<16xf32>
        %mul3A_911 = arith.mulf %get3A_908, %mul3A_910 : vector<16xf32>
        %swap3A_912 = arith.index_cast %scan3A_880 : i32 to index
        %swap3A_913 = arith.constant 32 : index
        %swap3A_914 = tpu.vector_load %arg13[%swap3A_912, %swap3A_913] {strides = array<i32>} : memref<96x64xf32, #tpu.memory_space<vmem>>, vector<1x16xf32>,
        %swap3A_915 = vector.shape_cast %swap3A_914 : vector<1x16xf32> to vector<16xf32>
        %swap3A_916 = vector.shape_cast %mul3A_911 : vector<16xf32> to vector<1x16xf32>
        tpu.vector_store %arg13[%swap3A_912, %swap3A_913], %swap3A_916 {strides = array<i32>} : memref<96x64xf32, #tpu.memory_space<vmem>>, vector<1x16xf32>,
        %get3A_917 = arith.index_cast %scan3A_880 : i32 to index
        %get3A_918 = arith.constant 48 : index
        %get3A_919 = tpu.vector_load %arg13[%get3A_917, %get3A_918] {strides = array<i32>} : memref<96x64xf32, #tpu.memory_space<vmem>>, vector<1x16xf32>,
        %get3A_920 = vector.shape_cast %get3A_919 : vector<1x16xf32> to vector<16xf32>
        %mul3A_921 = arith.constant 8.000000e+00 : f32
        %mul3A_922 = vector.broadcast %mul3A_921 : f32 to vector<16xf32>
        %mul3A_923 = arith.mulf %get3A_920, %mul3A_922 : vector<16xf32>
        %swap3A_924 = arith.index_cast %scan3A_880 : i32 to index
        %swap3A_925 = arith.constant 48 : index
        %swap3A_926 = tpu.vector_load %arg13[%swap3A_924, %swap3A_925] {strides = array<i32>} : memref<96x64xf32, #tpu.memory_space<vmem>>, vector<1x16xf32>,
        %swap3A_927 = vector.shape_cast %swap3A_926 : vector<1x16xf32> to vector<16xf32>
        %swap3A_928 = vector.shape_cast %mul3A_923 : vector<16xf32> to vector<1x16xf32>
        tpu.vector_store %arg13[%swap3A_924, %swap3A_925], %swap3A_928 {strides = array<i32>} : memref<96x64xf32, #tpu.memory_space<vmem>>, vector<1x16xf32>,
      }
      %scan3A_698 = arith.constant 96 : i32
      %jit3A_699 = arith.constant 2 : i32
      %div3A_700 = arith.divsi %add3A_650, %jit3A_699 : i32
      %sign3A_701 = arith.constant 0 : i32
      %sign3A_702 = arith.cmpi sgt, %add3A_650, %sign3A_701 : i32
      %sign3A_703 = arith.extui %sign3A_702 : i1 to i32
      %sign3A_704 = arith.constant 0 : i32
      %sign3A_705 = arith.cmpi slt, %add3A_650, %sign3A_704 : i32
      %sign3A_706 = arith.extui %sign3A_705 : i1 to i32
      %sign3A_707 = arith.subi %sign3A_703, %sign3A_706 : i32
      %sign3A_708 = arith.constant 0 : i32
      %sign3A_709 = arith.cmpi sgt, %jit3A_699, %sign3A_708 : i32
      %sign3A_710 = arith.extui %sign3A_709 : i1 to i32
      %sign3A_711 = arith.constant 0 : i32
      %sign3A_712 = arith.cmpi slt, %jit3A_699, %sign3A_711 : i32
      %sign3A_713 = arith.extui %sign3A_712 : i1 to i32
      %sign3A_714 = arith.subi %sign3A_710, %sign3A_713 : i32
      %ne3A_715 = arith.cmpi ne, %sign3A_707, %sign3A_714 : i32
      %rem3A_716 = arith.remsi %add3A_650, %jit3A_699 : i32
      %ne3A_717 = arith.constant 0 : i32
      %ne3A_718 = arith.cmpi ne, %rem3A_716, %ne3A_717 : i32
      %and3A_719 = arith.andi %ne3A_715, %ne3A_718 : i1
      %sub3A_720 = arith.constant 1 : i32
      %sub3A_721 = arith.subi %div3A_700, %sub3A_720 : i32
      %select_n3A_722 = arith.select %and3A_719, %sub3A_721, %div3A_700 : i32
      %add3A_723 = arith.addi %mul3A_2, %select_n3A_722 : i32
      %dma_start3A_724 = arith.constant 104 : i32
      %dma_start3A_725 = arith.constant 0 : i32
      %dma_start3A_726 = tpu.memref_slice %arg4[%add3A_723, %dma_start3A_724, %dma_start3A_725] : memref<4096x200x64xf32, #tpu.memory_space<hbm>> -> memref<1x96x64xf32, #tpu.memory_space<hbm>>
      %dma_start3A_727 = tpu.memref_squeeze %dma_start3A_726 : memref<1x96x64xf32, #tpu.memory_space<hbm>> -> memref<96x64xf32, #tpu.memory_space<hbm>>
      %dma_start3A_728 = arith.constant 104 : i32
      %dma_start3A_729 = arith.constant 0 : i32
      %dma_start3A_730 = tpu.memref_slice %arg4[%add3A_723, %dma_start3A_728, %dma_start3A_729] : memref<4096x200x64xf32, #tpu.memory_space<hbm>> -> memref<1x96x64xf32, #tpu.memory_space<hbm>>
      %dma_start3A_731 = tpu.memref_squeeze %dma_start3A_730 : memref<1x96x64xf32, #tpu.memory_space<hbm>> -> memref<96x64xf32, #tpu.memory_space<hbm>>
      tpu.enqueue_dma source(%arg13 : memref<96x64xf32, #tpu.memory_space<vmem>>) target(%dma_start3A_731 : memref<96x64xf32, #tpu.memory_space<hbm>>) target_semaphore(%arg29 : memref<!tpu.dma_semaphore, #tpu.memory_space<semaphore_mem>>)
    }
    %scan3A_27 = arith.constant 32 : i32
    %add3A_28 = arith.constant 125 : i32
    %add3A_29 = arith.addi %mul3A_2, %add3A_28 : i32
    %dma_wait3A = arith.constant 104 : i32
    %dma_wait3A_30 = arith.constant 0 : i32
    %dma_wait3A_31 = tpu.memref_slice %arg4[%add3A_29, %dma_wait3A, %dma_wait3A_30] : memref<4096x200x64xf32, #tpu.memory_space<hbm>> -> memref<1x96x64xf32, #tpu.memory_space<hbm>>
    %dma_wait3A_32 = tpu.memref_squeeze %dma_wait3A_31 : memref<1x96x64xf32, #tpu.memory_space<hbm>> -> memref<96x64xf32, #tpu.memory_space<hbm>>
    %dma_wait3A_33 = arith.constant 104 : i32
    %dma_wait3A_34 = arith.constant 0 : i32
    %dma_wait3A_35 = tpu.memref_slice %arg4[%add3A_29, %dma_wait3A_33, %dma_wait3A_34] : memref<4096x200x64xf32, #tpu.memory_space<hbm>> -> memref<1x96x64xf32, #tpu.memory_space<hbm>>
    %dma_wait3A_36 = tpu.memref_squeeze %dma_wait3A_35 : memref<1x96x64xf32, #tpu.memory_space<hbm>> -> memref<96x64xf32, #tpu.memory_space<hbm>>
    tpu.wait_dma2 semaphore(%arg25 : memref<!tpu.dma_semaphore, #tpu.memory_space<semaphore_mem>>) src(%arg9 : memref<96x64xf32, #tpu.memory_space<vmem>>) dst(%dma_wait3A_36 : memref<96x64xf32, #tpu.memory_space<hbm>>)
    %add3A_37 = arith.constant 126 : i32
    %add3A_38 = arith.addi %mul3A_2, %add3A_37 : i32
    %dma_wait3A_39 = arith.constant 0 : i32
    %dma_wait3A_40 = arith.constant 0 : i32
    %dma_wait3A_41 = tpu.memref_slice %arg4[%add3A_38, %dma_wait3A_39, %dma_wait3A_40] : memref<4096x200x64xf32, #tpu.memory_space<hbm>> -> memref<1x104x64xf32, #tpu.memory_space<hbm>>
    %dma_wait3A_42 = tpu.memref_squeeze %dma_wait3A_41 : memref<1x104x64xf32, #tpu.memory_space<hbm>> -> memref<104x64xf32, #tpu.memory_space<hbm>>
    %dma_wait3A_43 = arith.constant 0 : i32
    %dma_wait3A_44 = arith.constant 0 : i32
    %dma_wait3A_45 = tpu.memref_slice %arg4[%add3A_38, %dma_wait3A_43, %dma_wait3A_44] : memref<4096x200x64xf32, #tpu.memory_space<hbm>> -> memref<1x104x64xf32, #tpu.memory_space<hbm>>
    %dma_wait3A_46 = tpu.memref_squeeze %dma_wait3A_45 : memref<1x104x64xf32, #tpu.memory_space<hbm>> -> memref<104x64xf32, #tpu.memory_space<hbm>>
    tpu.wait_dma2 semaphore(%arg26 : memref<!tpu.dma_semaphore, #tpu.memory_space<semaphore_mem>>) src(%arg10 : memref<104x64xf32, #tpu.memory_space<vmem>>) dst(%dma_wait3A_46 : memref<104x64xf32, #tpu.memory_space<hbm>>)
    %add3A_47 = arith.constant 126 : i32
    %add3A_48 = arith.addi %mul3A_2, %add3A_47 : i32
    %dma_wait3A_49 = arith.constant 104 : i32
    %dma_wait3A_50 = arith.constant 0 : i32
    %dma_wait3A_51 = tpu.memref_slice %arg4[%add3A_48, %dma_wait3A_49, %dma_wait3A_50] : memref<4096x200x64xf32, #tpu.memory_space<hbm>> -> memref<1x96x64xf32, #tpu.memory_space<hbm>>
    %dma_wait3A_52 = tpu.memref_squeeze %dma_wait3A_51 : memref<1x96x64xf32, #tpu.memory_space<hbm>> -> memref<96x64xf32, #tpu.memory_space<hbm>>
    %dma_wait3A_53 = arith.constant 104 : i32
    %dma_wait3A_54 = arith.constant 0 : i32
    %dma_wait3A_55 = tpu.memref_slice %arg4[%add3A_48, %dma_wait3A_53, %dma_wait3A_54] : memref<4096x200x64xf32, #tpu.memory_space<hbm>> -> memref<1x96x64xf32, #tpu.memory_space<hbm>>
    %dma_wait3A_56 = tpu.memref_squeeze %dma_wait3A_55 : memref<1x96x64xf32, #tpu.memory_space<hbm>> -> memref<96x64xf32, #tpu.memory_space<hbm>>
    tpu.wait_dma2 semaphore(%arg27 : memref<!tpu.dma_semaphore, #tpu.memory_space<semaphore_mem>>) src(%arg11 : memref<96x64xf32, #tpu.memory_space<vmem>>) dst(%dma_wait3A_56 : memref<96x64xf32, #tpu.memory_space<hbm>>)
    %add3A_57 = arith.constant 127 : i32
    %add3A_58 = arith.addi %mul3A_2, %add3A_57 : i32
    %dma_wait3A_59 = arith.constant 0 : i32
    %dma_wait3A_60 = arith.constant 0 : i32
    %dma_wait3A_61 = tpu.memref_slice %arg4[%add3A_58, %dma_wait3A_59, %dma_wait3A_60] : memref<4096x200x64xf32, #tpu.memory_space<hbm>> -> memref<1x104x64xf32, #tpu.memory_space<hbm>>
    %dma_wait3A_62 = tpu.memref_squeeze %dma_wait3A_61 : memref<1x104x64xf32, #tpu.memory_space<hbm>> -> memref<104x64xf32, #tpu.memory_space<hbm>>
    %dma_wait3A_63 = arith.constant 0 : i32
    %dma_wait3A_64 = arith.constant 0 : i32
    %dma_wait3A_65 = tpu.memref_slice %arg4[%add3A_58, %dma_wait3A_63, %dma_wait3A_64] : memref<4096x200x64xf32, #tpu.memory_space<hbm>> -> memref<1x104x64xf32, #tpu.memory_space<hbm>>
    %dma_wait3A_66 = tpu.memref_squeeze %dma_wait3A_65 : memref<1x104x64xf32, #tpu.memory_space<hbm>> -> memref<104x64xf32, #tpu.memory_space<hbm>>
    tpu.wait_dma2 semaphore(%arg28 : memref<!tpu.dma_semaphore, #tpu.memory_space<semaphore_mem>>) src(%arg12 : memref<104x64xf32, #tpu.memory_space<vmem>>) dst(%dma_wait3A_66 : memref<104x64xf32, #tpu.memory_space<hbm>>)
    %add3A_67 = arith.constant 127 : i32
    %add3A_68 = arith.addi %mul3A_2, %add3A_67 : i32
    %dma_wait3A_69 = arith.constant 104 : i32
    %dma_wait3A_70 = arith.constant 0 : i32
    %dma_wait3A_71 = tpu.memref_slice %arg4[%add3A_68, %dma_wait3A_69, %dma_wait3A_70] : memref<4096x200x64xf32, #tpu.memory_space<hbm>> -> memref<1x96x64xf32, #tpu.memory_space<hbm>>
    %dma_wait3A_72 = tpu.memref_squeeze %dma_wait3A_71 : memref<1x96x64xf32, #tpu.memory_space<hbm>> -> memref<96x64xf32, #tpu.memory_space<hbm>>
    %dma_wait3A_73 = arith.constant 104 : i32
    %dma_wait3A_74 = arith.constant 0 : i32
    %dma_wait3A_75 = tpu.memref_slice %arg4[%add3A_68, %dma_wait3A_73, %dma_wait3A_74] : memref<4096x200x64xf32, #tpu.memory_space<hbm>> -> memref<1x96x64xf32, #tpu.memory_space<hbm>>
    %dma_wait3A_76 = tpu.memref_squeeze %dma_wait3A_75 : memref<1x96x64xf32, #tpu.memory_space<hbm>> -> memref<96x64xf32, #tpu.memory_space<hbm>>
    tpu.wait_dma2 semaphore(%arg29 : memref<!tpu.dma_semaphore, #tpu.memory_space<semaphore_mem>>) src(%arg13 : memref<96x64xf32, #tpu.memory_space<vmem>>) dst(%dma_wait3A_76 : memref<96x64xf32, #tpu.memory_space<hbm>>)
    return
  }
}

</mosaic_0001>

<sc_bundles>
// kernel: kernel.3.cloned.1.call-start
scs
__scs_entry_jumppad:
0x0: {  	(pc) =	sbr.rel $0x88, $3  }
0x1: {  	(tag) =	ssettag $0x0;
	lr =	simm.s32 $0x1  }
0x2: {  	[smem:$0x3F9F] =	sst lr;
	_ =	strace $0xD0000000  }
0x3: {  	_ = 	snop  }
0x4: {  	_ = 	snop  }
0x5: {  	_ = 	snop  }
0x6: {  	_ = 	snop  }
0x7: {  	_ = 	snop  }
__scs_overlays_trampoline_lowered:
0x8: {  	[smem:$0x3FAE] =	sst s0  }
0x9: {  	[smem:$0x3FAF] =	sst s1  }
0xa: {  	[smem:$0x3FB0] =	sst s2  }
0xb: {  	[smem:$0x3FB1] =	sst s3  }
0xc: {  	[smem:$0x3FB2] =	sst s4  }
0xd: {  	[smem:$0x3FB3] =	sst s5  }
0xe: {  	[smem:$0x3FB4] =	sst s6  }
0xf: {  	[smem:$0x3FB5] =	sst s7  }
0x10: {  	[smem:$0x3FB6] =	sst s8  }
0x11: {  	[smem:$0x3FB7] =	sst s9;
	s0 =	simm.s32 @!p0 $0x0  }
0x12: {  	s1 =	sld [smem:$0x3F9D];
	s0 =	simm.s32 @p0 $0x1  }
0x13: {  	[smem:$0x3FB8] =	sst s0;
	s0 =	simm.s32 @!p1 $0x0  }
0x14: {  	s2 =	sld [smem:$0x3F9C];
	s0 =	simm.s32 @p1 $0x1  }
0x15: {  	[smem:$0x3FB9] =	sst s0;
	s0 =	simm.s32 @!p2 $0x0  }
0x16: {  	s3 =	sld [smem:$0x3FDB];
	s0 =	simm.s32 @p2 $0x1  }
0x17: {  	s4 =	simm.s32 $0x1BF5;
	[smem:$0x3FBB] =	sst s0  }
0x18: {  	s0 =	sld [smem:$0x3F9E];
	_ =	swait.ge [sflag:s4], $0x0  }
0x19: {  	s7 =	sld [smem:$0x3F9F]  }
0x1a: {  	s8 =	sadd.s32 $0xFFFFE003, lr  }
0x1b: {  	s9 =	sadd.s32 $0xFFFFFEF7, lr;
	s5 =	simm.s32 $0xFFFFFFFF;
	p2 =	slt.u32 s8, $0xFFFFF086  }
0x1c: {  	p1 =	slt.u32 s9, $0xF7A;
	s5 =	simm.s32 @!p2 $0x0  }
0x1d: {  	s5 =	simm.s32 @p1 $0x1;
	p0 =	seq.s32 s7, s2  }
0x1e: {  	s7 =	smul.u32 @!p0 $0xF7A, s2;
	p2 =	seq.s32 @!p0 s5, $0x0  }
0x1f: {  	s9 =	smul.u32 $0xF7A, s1;
	s8 =	simm.s32 @!p0 $0x1BF5;
	p2 =	por !p2, p0  }
0x20: {  	[sflag:s8] =	ssyncset.s32 @!p0 $0xFFFFF086;
	s6 =	sadd.s32 @!p0 s3, s7;
	s7 =	simm.s32 @!p0 $0x108  }
0x21: {  	s3 =	sadd.s32 s3, s9;
	s6 =	sadd.s32 @!p0 $0x88, s6;
	s7 =	simm.s32 @p2 $0x1082  }
0x22: {  	[simem:s7], [sflag:s8] =	dma.local @!p0 [hbm:s6], $0xF7A  }
0x23: {  	s9 =	sor.u32 $0xD0000000, s2;
	s6 =	simm.s32 $0x108;
	_ =	swait.ge @!p0 [sflag:s8], $0x0  }
0x24: {  	s3 =	sadd.s32 $0x88, s3;
	s6 =	simm.s32 @!p1 $0x1082;
	[sflag:s4] =	ssyncset.s32 $0xFFFFF086  }
0x25: {  	[simem:s6], [sflag:s4] =	dma.local [hbm:s3], $0xF7A  }
0x26: {  	[smem:$0x3F9F] =	sst s1;
	(tag) =	ssettag s2;
	_ =	strace s9  }
0x27: {  	s1 =	sld [smem:$0x3FAF]  }
0x28: {  	s2 =	sld [smem:$0x3FB0]  }
0x29: {  	s4 =	sld [smem:$0x3FB2]  }
0x2a: {  	p0 =	seq.s32 s5, $0x0;
	s5 =	sld [smem:$0x3FB3]  }
0x2b: {  	s6 =	sld [smem:$0x3FB4]  }
0x2c: {  	s7 =	sld [smem:$0x3FB5]  }
0x2d: {  	s3 =	simm.s32 $0x108;
	s8 =	sld [smem:$0x3FB6]  }
0x2e: {  	s3 =	simm.s32 @!p0 $0x1082;
	s9 =	sld [smem:$0x3FB7]  }
0x2f: {  	lr =	sadd.s32 s0, s3;
	s0 =	sld [smem:$0x3FAE]  }
0x30: {  	s3 =	sld [smem:$0x3FB1]  }
0x31: {  	[smem:$0x3FBA] =	sst s10  }
0x32: {  	s10 =	sld [smem:$0x3FB8];
	_ =	sdelay $0x3  }
0x33: {  	p0 =	seq.s32 s10, $0x1;
	s10 =	sld [smem:$0x3FBA];
	_ =	sdelay $0x3  }
0x34: {  	[smem:$0x3FBA] =	sst s10  }
0x35: {  	s10 =	sld [smem:$0x3FB9];
	_ =	sdelay $0x3  }
0x36: {  	p1 =	seq.s32 s10, $0x1;
	s10 =	sld [smem:$0x3FBA];
	_ =	sdelay $0x3  }
0x37: {  	[smem:$0x3FBA] =	sst s10  }
0x38: {  	s10 =	sld [smem:$0x3FBB]  }
0x39: {  	_ = 	snop;
	(pc) =	sbr.ind lr, $3  }
0x3a: {  	_ = 	snop  }
0x3b: {  	_ = 	snop  }
0x3c: {  	p2 =	seq.s32 s10, $0x1;
	s10 =	sld [smem:$0x3FBA]  }
0x3d: {  	_ =	shalt  }
0x3e: {  	_ =	shalt  }
0x3f: {  	_ =	shalt  }
0x40: {  	_ =	shalt  }
0x41: {  	_ =	shalt  }
0x42: {  	_ =	shalt  }
0x43: {  	_ =	shalt  }
0x44: {  	_ =	shalt  }
0x45: {  	_ =	shalt  }
0x46: {  	_ =	shalt  }
0x47: {  	_ =	shalt  }
0x48: {  	_ =	shalt  }
0x49: {  	_ =	shalt  }
0x4a: {  	_ =	shalt  }
0x4b: {  	_ =	shalt  }
0x4c: {  	_ =	shalt  }
0x4d: {  	_ =	shalt  }
0x4e: {  	_ =	shalt  }
0x4f: {  	_ =	shalt  }
0x50: {  	_ =	shalt  }
0x51: {  	_ =	shalt  }
0x52: {  	_ =	shalt  }
0x53: {  	_ =	shalt  }
0x54: {  	_ =	shalt  }
0x55: {  	_ =	shalt  }
0x56: {  	_ =	shalt  }
0x57: {  	_ =	shalt  }
0x58: {  	_ =	shalt  }
0x59: {  	_ =	shalt  }
0x5a: {  	_ =	shalt  }
0x5b: {  	_ =	shalt  }
0x5c: {  	_ =	shalt  }
0x5d: {  	_ =	shalt  }
0x5e: {  	_ =	shalt  }
0x5f: {  	_ =	shalt  }
0x60: {  	_ =	shalt  }
0x61: {  	_ =	shalt  }
0x62: {  	_ =	shalt  }
0x63: {  	_ =	shalt  }
0x64: {  	_ =	shalt  }
0x65: {  	_ =	shalt  }
0x66: {  	_ =	shalt  }
0x67: {  	_ =	shalt  }
0x68: {  	_ =	shalt  }
0x69: {  	_ =	shalt  }
0x6a: {  	_ =	shalt  }
0x6b: {  	_ =	shalt  }
0x6c: {  	_ =	shalt  }
0x6d: {  	_ =	shalt  }
0x6e: {  	_ =	shalt  }
0x6f: {  	_ =	shalt  }
0x70: {  	_ =	shalt  }
0x71: {  	_ =	shalt  }
0x72: {  	_ =	shalt  }
0x73: {  	_ =	shalt  }
0x74: {  	_ =	shalt  }
0x75: {  	_ =	shalt  }
0x76: {  	_ =	shalt  }
0x77: {  	_ =	shalt  }
0x78: {  	_ =	shalt  }
0x79: {  	_ =	shalt  }
0x7a: {  	_ =	shalt  }
0x7b: {  	_ =	shalt  }
0x7c: {  	_ =	shalt  }
0x7d: {  	_ =	shalt  }
0x7e: {  	_ =	shalt  }
0x7f: {  	_ =	shalt  }
0x80: {  	_ =	shalt  }
0x81: {  	_ =	shalt  }
0x82: {  	_ =	shalt  }
0x83: {  	_ =	shalt  }
0x84: {  	_ =	shalt  }
0x85: {  	_ =	shalt  }
0x86: {  	_ =	shalt  }
0x87: {  	_ =	shalt  }
.Lfunc_end0:
.L_simem_size_0:
called_computation.1_lowered:
.L_overlay_start_0:
0x88: {  	s2 =	sld [smem:$0x3FD9]  }
0x89: {  	s3 =	sld [smem:$0x3FFE];
	_ =	sdelay $0x1  }
0x8a: {  	s1 =	srdreg.scid  }
0x8b: {  	s0 =	sand.u32 $0x1, s1  }
0x8c: {  	s17 =	sshll.u32 s0, $0xA;
	s2 =	sadd.s32 s3, s2  }
0x8d: {  	s2 =	sadd.s32 s2, s17  }
0x8e: {  	[smem:$0x3FC6] =	sst s2  }
0x8f: {  	_ = 	snop  }
0x90: {  	s2 =	sld [smem:$0x3FD0];
	(tm) =	ssettm $0x1  }
0x91: {  	s18 =	sld [smem:$0x3FFB];
	_ =	sdelay $0x3  }
0x92: {  	_ =	strace s18  }
0x93: {  	s3 =	sld [smem:$0x3FFC];
	_ =	sdelay $0x3  }
0x94: {  	_ =	strace s3  }
0x95: {  	s3 =	sld [smem:$0x3FFD];
	_ =	sdelay $0x3  }
0x96: {  	_ =	strace s3  }
0x97: {  	_ =	strace $0x8FFFFFFF  }
0x98: {  	s19 =	sld [smem:$0x3FDB];
	_ =	sdelay $0x1  }
0x99: {  	s4 =	simm.s32 $_scs_section_size  }
0x9a: {  	s5 =	simm.s32 $_size__tile_overlayer_lowered;
	s6 =	simm.s32 $_tile_overlayer_lowered  }
0x9b: {  	s22 =	simm.s32 $0x1BFF;
	s21 =	sshll.u32 s6, $0x1;
	s3 =	sadd.s32 s4, s19  }
0x9c: {  	s7 =	simm.s32 $0x0;
	s20 =	sshll.u32 s5, $0x1;
	s5 =	sadd.s32 s21, s3  }
0x9d: {  	[timem:s7], [sflag:s22] =	dma.local [hbm:s5], s20  }
0x9e: {  	_ =	swait.ge [sflag:s22], s20  }
0x9f: {  	s4 =	ssub.s32 $0x0, s20;
	[sflag:s22] =	ssyncset.done $0x0  }
0xa0: {  	[sflag:s22] =	ssyncadd.s32 s4;
	_ =	sdelay $0x1  }
0xa1: {  	s23 =	simm.s32 $0x1B8B  }
0xa2: {  	_ =	swait.ge [sflag:s23], $0x1  }
0xa3: {  	[sflag:s23] =	ssyncset.done $0x0  }
0xa4: {  	s25 =	simm.s32 $0x1B8E;
	s24 =	sld [smem:$0x3FFE];
	[sflag:s23] =	ssyncadd.s32 $0xFFFFFFFF  }
0xa5: {  	s26 =	simm.s32 $execute0_lowered;
	[smem:$0x3FD2] =	sst s25  }
0xa6: {  	s5 =	sshll.u32 s26, $0x1;
	_ =	strace $0x80000046;
	[dreg:$0x1] =	wrdreg $0xFFFFFFFF  }
0xa7: {  	s28 =	simm.s32 $_size_execute0_lowered;
	s3 =	sadd.s32 s3, s5;
	[dreg:$0x0] =	wrdreg $0x0  }
0xa8: {  	s5 =	sshll.u32 s28, $0x1;
	[dreg:$0x2] =	wrdreg s3  }
0xa9: {  	[dreg:$0x3] =	wrdreg s5  }
0xaa: {  	[dreg:$0x4] =	wrdreg $0xC0  }
0xab: {  	_ =	task [dreg:s7], $0x5FFFF  }
0xac: {  	[dreg:$0x1] =	wrdreg $0xFFFFFFFF  }
0xad: {  	[dreg:$0x0] =	wrdreg $0x60  }
0xae: {  	[dreg:$0x2] =	wrdreg s24  }
0xaf: {  	[dreg:$0x3] =	wrdreg s2  }
0xb0: {  	[dreg:$0x4] =	wrdreg $0x9  }
0xb1: {  	_ =	task.clear_ibuf [dreg:s7], $0x5FFFF;
	_ =	strace $0x90000046  }
0xb2: {  	s29 =	simm.s32 $0x9;
	_ =	strace $0x80000048  }
0xb3: {  	_ =	swait.ge [sflag:s29], $0x1  }
0xb4: {  	[sflag:s29] =	ssyncadd.s32 $0xFFFFFFFF  }
0xb5: {  	_ =	strace $0x90000048  }
0xb6: {  	_ =	sfence  }
0xb7: {  	s30 =	sld [smem:$0x0];
	_ =	sdelay $0x2  }
0xb8: {  	s31 =	sshll.u32 s1, $0xD;
	s1 =	sshrl.u32 s1, $0x2  }
0xb9: {  	s3 =	sand.u32 $0x4000, s31;
	s1 =	sadd.s32 s1, s30  }
0xba: {  	s0 =	sor.u32 s3, s0;
	s1 =	sshll.u32 s1, $0x11  }
0xbb: {  	s0 =	sor.u32 s1, s0  }
0xbc: {  	s0 =	sadd.s32 $0x8F2B, s0  }
0xbd: {  	[sflag:s0] =	ssyncadd.remote.s32 $0x1  }
0xbe: {  	_ =	sfence.sel $0xFFFF  }
0xbf: {  	[dreg:$0x0] =	wrdreg $0xFFFFFFFF;
	(pc) =	sbr.abs _section_cstart, $3  }
0xc0: {  	[dreg:$0x1] =	wrdreg $0xFFFFFFFF  }
0xc1: {  	_ =	task.clear_ibuf [dreg:s7], $0x2FFFF;
	_ =	strace $0x9FFFFFFF  }
0xc2: {  	(tm) =	ssettm $0x7FFFFFFF  }
0xc3: {  	_ =	shalt  }
tec
execute0_lowered:
.L_overlay_start_1:
0x0: {  	(tag) =	ssettag $0x1  }
0x1: {  	s0 =	srdreg.scid  }
0x2: {  	s2 =	stileid.u32;
	s1 =	rddreg [dreg:$0x0];
	s9 =	simm.s32 $0x68  }
0x3: {  	s11 =	simm.s32 $0x60;
	s14 =	simm.s32 $0xB000;
	s16 =	simm.s32 $0x1  }
0x4: {  	s17 =	simm.s32 $0xC800;
	s18 =	simm.s32 $0x2;
	s19 =	simm.s32 $0xE200  }
0x5: {  	s20 =	simm.s32 $0x3;
	s21 =	simm.s32 $0xFA00;
	s22 =	simm.s32 $0x4  }
0x6: {  	s23 =	simm.s32 $0x11400;
	s24 =	simm.s32 $0x5;
	s25 =	simm.s32 $0x9  }
0x7: {  	s28 =	simm.s32 $0xA;
	s29 =	simm.s32 $0x7;
	s0 =	sand.u32 $0x1, s0  }
0x8: {  	s30 =	simm.s32 $0xB;
	s3 =	sshll.u32 s2, $0x8;
	s4 =	sshll.u32 s0, $0x7  }
0x9: {  	s2 =	rddreg [dreg:$0x1];
	s0 =	ssub.s32 $0x2, s0;
	s3 =	sor.u32 s4, s3  }
0xa: {  	s4 =	simm.s32 $0x0;
	s7 =	sshrl.u32 s0, $0x1;
	s5 =	smul.u32 $0x19, s3  }
0xb: {  	s31 =	simm.s32 $0x8;
	[smem:$0x7FF] =	sst s4;
	s0 =	ssub.s32 s0, s7  }
0xc: {  	_ =	strace $0x80000047;
	s0 =	smax.u32 s0, $0x1;
	s6 =	sadd.s32 s5, s1  }
0xd: {  	s5 =	sadd.s32 $0xF42E00, s1;
	[dreg:$0x4] =	wrdreg s0;
	s26 =	sadd.s32 $0xA00, s6  }
0xe: {  	s6 =	simm.s32 $0x0;
	[dreg:$0x3] =	wrdreg s26;
	s26 =	simm.s32 $0x6  }
.LBB2_1:
0xf: {  	[dreg:$0x5] =	wrdreg s6  }
0x10: {  	s0 =	rddreg [dreg:$0x3];
	s10 =	simm.s32 $0x11  }
0x11: {  	[tilespmem:s4], [sflag:$0x11] =	stream.linear.gather [hbm4b:s0+s4], $0x6400, $0x38;
	[tilespmem:$0x12C00] =	vst v63  }
0x12: {  	_ =	swait.ge [sflag:s10], $0x6400  }
0x13: {  	[sflag:s10] =	ssyncset.done $0x0  }
0x14: {  	s12 =	simm.s32 $0x6400;
	[sflag:s10] =	ssyncadd.s32 $0xFFFF9C00  }
0x15: {  	[tilespmem:s12], [sflag:$0x1] =	stream.indirect.gather [hbm4b:s5+s9], $0x40, s4, s9, $0xb8;
	[tilespmem:$0x12C00] =	vst v63  }
0x16: {  	s13 =	simm.s32 $0x7E00  }
0x17: {  	[tilespmem:s13], [sflag:$0x2] =	stream.indirect.gather [hbm4b:s5+s11], $0x40, s9, s11, $0xb8;
	[tilespmem:$0x12C00] =	vst v63  }
0x18: {  	s15 =	simm.s32 $0xC8;
	s1 =	simm.s32 $0x9600  }
0x19: {  	[tilespmem:s1], [sflag:$0x3] =	stream.indirect.gather [hbm4b:s5+s9], $0x40, s15, s9, $0xb8;
	[tilespmem:$0x12C00] =	vst v63  }
0x1a: {  	s1 =	simm.s32 $0x0  }
.LBB2_2:
0x1b: {  	s13 =	sshll.u32 s1, $0x2  }
0x1c: {  	p0 =	seq.s32 s1, $0x0;
	s7 =	sor.u32 $0x1, s13  }
0x1d: {  	s0 =	simm.s32 @!p0 $0xC;
	s6 =	smul.u32 $0x320, s7  }
0x1e: {  	_ =	swait.ge @!p0 [sflag:s0], $0x1800  }
0x1f: {  	[sflag:s0] =	ssyncset.done @!p0 $0x0;
	s6 =	sshra.s32 s6, $0x2  }
0x20: {  	[sflag:s0] =	ssyncadd.s32 @!p0 $0xFFFFE800;
	s15 =	sadd.s32 $0x68, s6  }
0x21: {  	[tilespmem:s14], [sflag:$0x4] =	stream.indirect.gather [hbm4b:s5+s11], $0x40, s15, s11, $0xb8;
	[tilespmem:$0x12C00] =	vst v63  }
0x22: {  	_ =	swait.ge [sflag:s16], $0x1A00  }
0x23: {  	[sflag:s16] =	ssyncset.done $0x0  }
0x24: {  	s6 =	simm.s32 $0x6480;
	[sflag:s16] =	ssyncadd.s32 $0xFFFFE600  }
0x25: {  	v0 =	vld [tilespmem:s6+$0xFFFFFF80]  }
0x26: {  	v1 =	vld [tilespmem:s6+$0xFFFFFF90]  }
0x27: {  	v2 =	vld [tilespmem:s6+$0xFFFFFFA0]  }
0x28: {  	v3 =	vld [tilespmem:s6+$0xFFFFFFB0]  }
0x29: {  	v4 =	vld [tilespmem:s6+$0xFFFFFFC0]  }
0x2a: {  	v5 =	vld [tilespmem:s6+$0xFFFFFFD0];
	v0 =	vmul.f32 $8.000000000e+00, v0  }
0x2b: {  	v6 =	vld [tilespmem:s6+$0xFFFFFFE0];
	v1 =	vmul.f32 $8.000000000e+00, v1  }
0x2c: {  	[tilespmem:s6+$0xFFFFFF80] =	vst v0;
	v0 =	vmul.f32 $8.000000000e+00, v2;
	v2 =	vld [tilespmem:s6+$0x0]  }
0x2d: {  	[tilespmem:s6+$0xFFFFFF90] =	vst v1;
	v1 =	vmul.f32 $8.000000000e+00, v3;
	v3 =	vld [tilespmem:s6+$0x10]  }
0x2e: {  	[tilespmem:s6+$0xFFFFFFA0] =	vst v0;
	v0 =	vmul.f32 $8.000000000e+00, v4;
	v4 =	vld [tilespmem:s6+$0x20]  }
0x2f: {  	v7 =	vld [tilespmem:s6+$0x30];
	[tilespmem:s6+$0xFFFFFFB0] =	vst v1;
	v1 =	vmul.f32 $8.000000000e+00, v5  }
0x30: {  	v5 =	vmul.f32 $8.000000000e+00, v6;
	[tilespmem:s6+$0xFFFFFFC0] =	vst v0;
	v0 =	vld [tilespmem:s6+$0x40]  }
0x31: {  	[tilespmem:s6+$0xFFFFFFD0] =	vst v1;
	v1 =	vmul.f32 $8.000000000e+00, v2;
	v2 =	vld [tilespmem:s6+$0x50]  }
0x32: {  	[tilespmem:s6+$0xFFFFFFE0] =	vst v5;
	v6 =	vmul.f32 $8.000000000e+00, v3;
	v3 =	vld [tilespmem:s6+$0x60]  }
0x33: {  	[tilespmem:s6+$0x0] =	vst v1;
	v5 =	vmul.f32 $8.000000000e+00, v4;
	v4 =	vld [tilespmem:s6+$0x70]  }
0x34: {  	s8 =	simm.s32 $0x0;
	s10 =	simm.s32 $0x6580;
	s0 =	sshll.u32 s1, $0x3;
	v1 =	vld [tilespmem:s6+$0xFFFFFFF0];
	[tilespmem:s6+$0x10] =	vst v6;
	v6 =	vmul.f32 $8.000000000e+00, v7  }
.LBB2_3:
0x35: {  	v7 =	vld [tilespmem:s10+$0xFFFFFF80];
	[tilespmem:s6+$0x20] =	vst v5;
	v0 =	vmul.f32 $8.000000000e+00, v0  }
0x36: {  	v5 =	vld [tilespmem:s10+$0xFFFFFF90];
	[tilespmem:s6+$0x30] =	vst v6;
	v2 =	vmul.f32 $8.000000000e+00, v2  }
0x37: {  	v6 =	vld [tilespmem:s10+$0xFFFFFFA0];
	[tilespmem:s6+$0x40] =	vst v0;
	v0 =	vmul.f32 $8.000000000e+00, v3  }
0x38: {  	v3 =	vld [tilespmem:s10+$0xFFFFFFB0];
	[tilespmem:s6+$0x50] =	vst v2;
	v2 =	vmul.f32 $8.000000000e+00, v4  }
0x39: {  	v4 =	vld [tilespmem:s10+$0xFFFFFFC0];
	v1 =	vmul.f32 $8.000000000e+00, v1;
	[tilespmem:s6+$0x60] =	vst v0  }
0x3a: {  	v0 =	vmul.f32 $8.000000000e+00, v7;
	v7 =	vld [tilespmem:s10+$0xFFFFFFD0];
	[tilespmem:s6+$0x70] =	vst v2  }
0x3b: {  	v2 =	vmul.f32 $8.000000000e+00, v5;
	v5 =	vld [tilespmem:s10+$0xFFFFFFE0];
	[tilespmem:s6+$0xFFFFFFF0] =	vst v1;
	s6 =	smov.u32 s10  }
0x3c: {  	[tilespmem:s10+$0xFFFFFF80] =	vst v0;
	v0 =	vmul.f32 $8.000000000e+00, v6;
	v1 =	vld [tilespmem:s10+$0x0]  }
0x3d: {  	[tilespmem:s10+$0xFFFFFF90] =	vst v2;
	v2 =	vmul.f32 $8.000000000e+00, v3;
	v3 =	vld [tilespmem:s10+$0x10]  }
0x3e: {  	s8 =	sadd.s32 $0x4, s8;
	[tilespmem:s10+$0xFFFFFFA0] =	vst v0;
	v0 =	vmul.f32 $8.000000000e+00, v4;
	v4 =	vld [tilespmem:s10+$0x20]  }
0x3f: {  	p1 =	slt.u32 s8, $0x64;
	[tilespmem:s10+$0xFFFFFFB0] =	vst v2;
	v2 =	vmul.f32 $8.000000000e+00, v7;
	v6 =	vld [tilespmem:s10+$0x30]  }
.Ltmp0:
0x40: {  	[tilespmem:s10+$0xFFFFFFC0] =	vst v0;
	v5 =	vmul.f32 $8.000000000e+00, v5;
	v0 =	vld [tilespmem:s10+$0x40];
	(pc) =	sbr.rel @p1 .LBB2_3-.Ltmp0, $4  }
0x41: {  	[tilespmem:s10+$0xFFFFFFD0] =	vst v2;
	v1 =	vmul.f32 $8.000000000e+00, v1;
	v2 =	vld [tilespmem:s10+$0x50]  }
0x42: {  	[tilespmem:s10+$0xFFFFFFE0] =	vst v5;
	v7 =	vmul.f32 $8.000000000e+00, v3;
	v3 =	vld [tilespmem:s10+$0x60]  }
0x43: {  	[tilespmem:s10+$0x0] =	vst v1;
	v5 =	vmul.f32 $8.000000000e+00, v4;
	v4 =	vld [tilespmem:s10+$0x70]  }
0x44: {  	s10 =	sadd.s32 $0x100, s10;
	v1 =	vld [tilespmem:s6+$0xFFFFFFF0];
	[tilespmem:s6+$0x10] =	vst v7;
	v6 =	vmul.f32 $8.000000000e+00, v6  }
0x45: {  	[tilespmem:s6+$0x20] =	vst v5;
	v0 =	vmul.f32 $8.000000000e+00, v0  }
0x46: {  	[tilespmem:s6+$0x30] =	vst v6;
	v2 =	vmul.f32 $8.000000000e+00, v2  }
0x47: {  	[tilespmem:s6+$0x40] =	vst v0;
	v0 =	vmul.f32 $8.000000000e+00, v3  }
0x48: {  	s10 =	sor.u32 s3, s13;
	[tilespmem:s6+$0x50] =	vst v2;
	v2 =	vmul.f32 $8.000000000e+00, v4  }
0x49: {  	s8 =	smul.u32 $0x640, s10;
	v1 =	vmul.f32 $8.000000000e+00, v1;
	[tilespmem:s6+$0x60] =	vst v0  }
0x4a: {  	s15 =	simm.s32 $0x6400;
	[tilespmem:s6+$0x70] =	vst v2  }
0x4b: {  	s14 =	sadd.s32 s2, s8;
	s8 =	simm.s32 @!p0 $0xD;
	[tilespmem:s6+$0xFFFFFFF0] =	vst v1;
	s6 =	sor.u32 $0x2, s13  }
0x4c: {  	[hbm4b:s14+s4] =	stream.linear.scatter [tilespmem:s15], [sflag:$0x9], $0x1A00, $0x38;
	[tilespmem:$0x12C00] =	vst v63  }
0x4d: {  	s12 =	smul.u32 $0x320, s6;
	_ =	swait.ge @!p0 [sflag:s8], $0x1A00  }
0x4e: {  	[sflag:s8] =	ssyncset.done @!p0 $0x0  }
0x4f: {  	[sflag:s8] =	ssyncadd.s32 @!p0 $0xFFFFE600;
	s8 =	sshra.s32 s12, $0x2  }
0x50: {  	[tilespmem:s17], [sflag:$0x5] =	stream.indirect.gather [hbm4b:s5+s9], $0x40, s8, s9, $0xb8;
	[tilespmem:$0x12C00] =	vst v63  }
0x51: {  	_ =	swait.ge [sflag:s18], $0x1800  }
0x52: {  	[sflag:s18] =	ssyncset.done $0x0  }
0x53: {  	s12 =	simm.s32 $0x7E80;
	[sflag:s18] =	ssyncadd.s32 $0xFFFFE800  }
0x54: {  	v0 =	vld [tilespmem:s12+$0xFFFFFF80]  }
0x55: {  	v1 =	vld [tilespmem:s12+$0xFFFFFF90]  }
0x56: {  	v2 =	vld [tilespmem:s12+$0xFFFFFFA0]  }
0x57: {  	v3 =	vld [tilespmem:s12+$0xFFFFFFB0]  }
0x58: {  	v4 =	vld [tilespmem:s12+$0xFFFFFFC0]  }
0x59: {  	v5 =	vld [tilespmem:s12+$0xFFFFFFD0];
	v0 =	vmul.f32 $8.000000000e+00, v0  }
0x5a: {  	v6 =	vld [tilespmem:s12+$0xFFFFFFE0];
	v1 =	vmul.f32 $8.000000000e+00, v1  }
0x5b: {  	[tilespmem:s12+$0xFFFFFF80] =	vst v0;
	v0 =	vmul.f32 $8.000000000e+00, v2;
	v2 =	vld [tilespmem:s12+$0x0]  }
0x5c: {  	[tilespmem:s12+$0xFFFFFF90] =	vst v1;
	v1 =	vmul.f32 $8.000000000e+00, v3;
	v3 =	vld [tilespmem:s12+$0x10]  }
0x5d: {  	[tilespmem:s12+$0xFFFFFFA0] =	vst v0;
	v0 =	vmul.f32 $8.000000000e+00, v4;
	v4 =	vld [tilespmem:s12+$0x20]  }
0x5e: {  	v7 =	vld [tilespmem:s12+$0x30];
	[tilespmem:s12+$0xFFFFFFB0] =	vst v1;
	v1 =	vmul.f32 $8.000000000e+00, v5  }
0x5f: {  	v5 =	vmul.f32 $8.000000000e+00, v6;
	[tilespmem:s12+$0xFFFFFFC0] =	vst v0;
	v0 =	vld [tilespmem:s12+$0x40]  }
0x60: {  	[tilespmem:s12+$0xFFFFFFD0] =	vst v1;
	v1 =	vmul.f32 $8.000000000e+00, v2;
	v2 =	vld [tilespmem:s12+$0x50]  }
0x61: {  	[tilespmem:s12+$0xFFFFFFE0] =	vst v5;
	v6 =	vmul.f32 $8.000000000e+00, v3;
	v3 =	vld [tilespmem:s12+$0x60]  }
0x62: {  	[tilespmem:s12+$0x0] =	vst v1;
	v5 =	vmul.f32 $8.000000000e+00, v4;
	v4 =	vld [tilespmem:s12+$0x70]  }
0x63: {  	s14 =	simm.s32 $0x0;
	s15 =	simm.s32 $0x7F80;
	v1 =	vld [tilespmem:s12+$0xFFFFFFF0];
	[tilespmem:s12+$0x10] =	vst v6;
	v6 =	vmul.f32 $8.000000000e+00, v7  }
.LBB2_5:
0x64: {  	v7 =	vld [tilespmem:s15+$0xFFFFFF80];
	[tilespmem:s12+$0x20] =	vst v5;
	v0 =	vmul.f32 $8.000000000e+00, v0  }
0x65: {  	v5 =	vld [tilespmem:s15+$0xFFFFFF90];
	[tilespmem:s12+$0x30] =	vst v6;
	v2 =	vmul.f32 $8.000000000e+00, v2  }
0x66: {  	v6 =	vld [tilespmem:s15+$0xFFFFFFA0];
	[tilespmem:s12+$0x40] =	vst v0;
	v0 =	vmul.f32 $8.000000000e+00, v3  }
0x67: {  	v3 =	vld [tilespmem:s15+$0xFFFFFFB0];
	[tilespmem:s12+$0x50] =	vst v2;
	v2 =	vmul.f32 $8.000000000e+00, v4  }
0x68: {  	v4 =	vld [tilespmem:s15+$0xFFFFFFC0];
	v1 =	vmul.f32 $8.000000000e+00, v1;
	[tilespmem:s12+$0x60] =	vst v0  }
0x69: {  	v0 =	vmul.f32 $8.000000000e+00, v7;
	v7 =	vld [tilespmem:s15+$0xFFFFFFD0];
	[tilespmem:s12+$0x70] =	vst v2  }
0x6a: {  	v2 =	vmul.f32 $8.000000000e+00, v5;
	v5 =	vld [tilespmem:s15+$0xFFFFFFE0];
	[tilespmem:s12+$0xFFFFFFF0] =	vst v1;
	s12 =	smov.u32 s15  }
0x6b: {  	[tilespmem:s15+$0xFFFFFF80] =	vst v0;
	v0 =	vmul.f32 $8.000000000e+00, v6;
	v1 =	vld [tilespmem:s15+$0x0]  }
0x6c: {  	[tilespmem:s15+$0xFFFFFF90] =	vst v2;
	v2 =	vmul.f32 $8.000000000e+00, v3;
	v3 =	vld [tilespmem:s15+$0x10]  }
0x6d: {  	s14 =	sadd.s32 $0x4, s14;
	[tilespmem:s15+$0xFFFFFFA0] =	vst v0;
	v0 =	vmul.f32 $8.000000000e+00, v4;
	v4 =	vld [tilespmem:s15+$0x20]  }
0x6e: {  	p1 =	slt.u32 s14, $0x5C;
	[tilespmem:s15+$0xFFFFFFB0] =	vst v2;
	v2 =	vmul.f32 $8.000000000e+00, v7;
	v6 =	vld [tilespmem:s15+$0x30]  }
.Ltmp1:
0x6f: {  	[tilespmem:s15+$0xFFFFFFC0] =	vst v0;
	v5 =	vmul.f32 $8.000000000e+00, v5;
	v0 =	vld [tilespmem:s15+$0x40];
	(pc) =	sbr.rel @p1 .LBB2_5-.Ltmp1, $4  }
0x70: {  	[tilespmem:s15+$0xFFFFFFD0] =	vst v2;
	v1 =	vmul.f32 $8.000000000e+00, v1;
	v2 =	vld [tilespmem:s15+$0x50]  }
0x71: {  	[tilespmem:s15+$0xFFFFFFE0] =	vst v5;
	v7 =	vmul.f32 $8.000000000e+00, v3;
	v3 =	vld [tilespmem:s15+$0x60]  }
0x72: {  	[tilespmem:s15+$0x0] =	vst v1;
	v5 =	vmul.f32 $8.000000000e+00, v4;
	v4 =	vld [tilespmem:s15+$0x70]  }
0x73: {  	s15 =	sadd.s32 $0x100, s15;
	v1 =	vld [tilespmem:s12+$0xFFFFFFF0];
	[tilespmem:s12+$0x10] =	vst v7;
	v6 =	vmul.f32 $8.000000000e+00, v6  }
0x74: {  	[tilespmem:s12+$0x20] =	vst v5;
	v0 =	vmul.f32 $8.000000000e+00, v0  }
0x75: {  	[tilespmem:s12+$0x30] =	vst v6;
	v2 =	vmul.f32 $8.000000000e+00, v2  }
0x76: {  	s10 =	smul.u32 $0x3200, s10;
	[tilespmem:s12+$0x40] =	vst v0;
	v0 =	vmul.f32 $8.000000000e+00, v3  }
0x77: {  	[tilespmem:s12+$0x50] =	vst v2;
	v2 =	vmul.f32 $8.000000000e+00, v4  }
0x78: {  	s10 =	sshrl.u32 s10, $0x3;
	v1 =	vmul.f32 $8.000000000e+00, v1;
	[tilespmem:s12+$0x60] =	vst v0  }
0x79: {  	s10 =	sadd.s32 s2, s10;
	[tilespmem:s12+$0x70] =	vst v2  }
0x7a: {  	s15 =	simm.s32 $0x7E00;
	s10 =	sadd.s32 $0x340, s10;
	[tilespmem:s12+$0xFFFFFFF0] =	vst v1  }
0x7b: {  	[hbm4b:s10+s4] =	stream.linear.scatter [tilespmem:s15], [sflag:$0xA], $0x1800, $0x38;
	[tilespmem:$0x12C00] =	vst v63  }
0x7c: {  	s10 =	simm.s32 @!p0 $0xE  }
0x7d: {  	_ =	swait.ge @!p0 [sflag:s10], $0x1800  }
0x7e: {  	[sflag:s10] =	ssyncset.done @!p0 $0x0  }
0x7f: {  	s8 =	sadd.s32 $0x68, s8;
	[sflag:s10] =	ssyncadd.s32 @!p0 $0xFFFFE800  }
0x80: {  	[tilespmem:s19], [sflag:$0x6] =	stream.indirect.gather [hbm4b:s5+s11], $0x40, s8, s11, $0xb8;
	[tilespmem:$0x12C00] =	vst v63  }
0x81: {  	_ =	swait.ge [sflag:s20], $0x1A00  }
0x82: {  	[sflag:s20] =	ssyncset.done $0x0  }
0x83: {  	s10 =	simm.s32 $0x9680;
	[sflag:s20] =	ssyncadd.s32 $0xFFFFE600  }
0x84: {  	v0 =	vld [tilespmem:s10+$0xFFFFFF80]  }
0x85: {  	v1 =	vld [tilespmem:s10+$0xFFFFFF90]  }
0x86: {  	v2 =	vld [tilespmem:s10+$0xFFFFFFA0]  }
0x87: {  	v3 =	vld [tilespmem:s10+$0xFFFFFFB0]  }
0x88: {  	v4 =	vld [tilespmem:s10+$0xFFFFFFC0]  }
0x89: {  	v5 =	vld [tilespmem:s10+$0xFFFFFFD0];
	v0 =	vmul.f32 $8.000000000e+00, v0  }
0x8a: {  	v6 =	vld [tilespmem:s10+$0xFFFFFFE0];
	v1 =	vmul.f32 $8.000000000e+00, v1  }
0x8b: {  	[tilespmem:s10+$0xFFFFFF80] =	vst v0;
	v0 =	vmul.f32 $8.000000000e+00, v2;
	v2 =	vld [tilespmem:s10+$0x0]  }
0x8c: {  	[tilespmem:s10+$0xFFFFFF90] =	vst v1;
	v1 =	vmul.f32 $8.000000000e+00, v3;
	v3 =	vld [tilespmem:s10+$0x10]  }
0x8d: {  	[tilespmem:s10+$0xFFFFFFA0] =	vst v0;
	v0 =	vmul.f32 $8.000000000e+00, v4;
	v4 =	vld [tilespmem:s10+$0x20]  }
0x8e: {  	v7 =	vld [tilespmem:s10+$0x30];
	[tilespmem:s10+$0xFFFFFFB0] =	vst v1;
	v1 =	vmul.f32 $8.000000000e+00, v5  }
0x8f: {  	v5 =	vmul.f32 $8.000000000e+00, v6;
	[tilespmem:s10+$0xFFFFFFC0] =	vst v0;
	v0 =	vld [tilespmem:s10+$0x40]  }
0x90: {  	[tilespmem:s10+$0xFFFFFFD0] =	vst v1;
	v1 =	vmul.f32 $8.000000000e+00, v2;
	v2 =	vld [tilespmem:s10+$0x50]  }
0x91: {  	[tilespmem:s10+$0xFFFFFFE0] =	vst v5;
	v6 =	vmul.f32 $8.000000000e+00, v3;
	v3 =	vld [tilespmem:s10+$0x60]  }
0x92: {  	[tilespmem:s10+$0x0] =	vst v1;
	v5 =	vmul.f32 $8.000000000e+00, v4;
	v4 =	vld [tilespmem:s10+$0x70]  }
0x93: {  	s12 =	simm.s32 $0x9780;
	s8 =	simm.s32 $0x0;
	v1 =	vld [tilespmem:s10+$0xFFFFFFF0];
	[tilespmem:s10+$0x10] =	vst v6;
	v6 =	vmul.f32 $8.000000000e+00, v7  }
.LBB2_7:
0x94: {  	v7 =	vld [tilespmem:s12+$0xFFFFFF80];
	[tilespmem:s10+$0x20] =	vst v5;
	v0 =	vmul.f32 $8.000000000e+00, v0  }
0x95: {  	v5 =	vld [tilespmem:s12+$0xFFFFFF90];
	[tilespmem:s10+$0x30] =	vst v6;
	v2 =	vmul.f32 $8.000000000e+00, v2  }
0x96: {  	v6 =	vld [tilespmem:s12+$0xFFFFFFA0];
	[tilespmem:s10+$0x40] =	vst v0;
	v0 =	vmul.f32 $8.000000000e+00, v3  }
0x97: {  	v3 =	vld [tilespmem:s12+$0xFFFFFFB0];
	[tilespmem:s10+$0x50] =	vst v2;
	v2 =	vmul.f32 $8.000000000e+00, v4  }
0x98: {  	v4 =	vld [tilespmem:s12+$0xFFFFFFC0];
	v1 =	vmul.f32 $8.000000000e+00, v1;
	[tilespmem:s10+$0x60] =	vst v0  }
0x99: {  	v0 =	vmul.f32 $8.000000000e+00, v7;
	v7 =	vld [tilespmem:s12+$0xFFFFFFD0];
	[tilespmem:s10+$0x70] =	vst v2  }
0x9a: {  	v2 =	vmul.f32 $8.000000000e+00, v5;
	v5 =	vld [tilespmem:s12+$0xFFFFFFE0];
	[tilespmem:s10+$0xFFFFFFF0] =	vst v1;
	s10 =	smov.u32 s12  }
0x9b: {  	[tilespmem:s12+$0xFFFFFF80] =	vst v0;
	v0 =	vmul.f32 $8.000000000e+00, v6;
	v1 =	vld [tilespmem:s12+$0x0]  }
0x9c: {  	[tilespmem:s12+$0xFFFFFF90] =	vst v2;
	v2 =	vmul.f32 $8.000000000e+00, v3;
	v3 =	vld [tilespmem:s12+$0x10]  }
0x9d: {  	s8 =	sadd.s32 $0x4, s8;
	[tilespmem:s12+$0xFFFFFFA0] =	vst v0;
	v0 =	vmul.f32 $8.000000000e+00, v4;
	v4 =	vld [tilespmem:s12+$0x20]  }
0x9e: {  	p1 =	slt.u32 s8, $0x64;
	[tilespmem:s12+$0xFFFFFFB0] =	vst v2;
	v2 =	vmul.f32 $8.000000000e+00, v7;
	v6 =	vld [tilespmem:s12+$0x30]  }
.Ltmp2:
0x9f: {  	[tilespmem:s12+$0xFFFFFFC0] =	vst v0;
	v5 =	vmul.f32 $8.000000000e+00, v5;
	v0 =	vld [tilespmem:s12+$0x40];
	(pc) =	sbr.rel @p1 .LBB2_7-.Ltmp2, $4  }
0xa0: {  	[tilespmem:s12+$0xFFFFFFD0] =	vst v2;
	v1 =	vmul.f32 $8.000000000e+00, v1;
	v2 =	vld [tilespmem:s12+$0x50]  }
0xa1: {  	[tilespmem:s12+$0xFFFFFFE0] =	vst v5;
	v7 =	vmul.f32 $8.000000000e+00, v3;
	v3 =	vld [tilespmem:s12+$0x60]  }
0xa2: {  	[tilespmem:s12+$0x0] =	vst v1;
	v5 =	vmul.f32 $8.000000000e+00, v4;
	v4 =	vld [tilespmem:s12+$0x70]  }
0xa3: {  	s12 =	sadd.s32 $0x100, s12;
	v1 =	vld [tilespmem:s10+$0xFFFFFFF0];
	[tilespmem:s10+$0x10] =	vst v7;
	v6 =	vmul.f32 $8.000000000e+00, v6  }
0xa4: {  	[tilespmem:s10+$0x20] =	vst v5;
	v0 =	vmul.f32 $8.000000000e+00, v0  }
0xa5: {  	[tilespmem:s10+$0x30] =	vst v6;
	v2 =	vmul.f32 $8.000000000e+00, v2  }
0xa6: {  	[tilespmem:s10+$0x40] =	vst v0;
	v0 =	vmul.f32 $8.000000000e+00, v3  }
0xa7: {  	s8 =	sadd.s32 s3, s7;
	[tilespmem:s10+$0x50] =	vst v2;
	v2 =	vmul.f32 $8.000000000e+00, v4  }
0xa8: {  	s7 =	smul.u32 $0x640, s8;
	v1 =	vmul.f32 $8.000000000e+00, v1;
	[tilespmem:s10+$0x60] =	vst v0  }
0xa9: {  	[tilespmem:s10+$0x70] =	vst v2  }
0xaa: {  	s14 =	simm.s32 $0x9600;
	s7 =	sadd.s32 s2, s7;
	[tilespmem:s10+$0xFFFFFFF0] =	vst v1  }
0xab: {  	[hbm4b:s7+s4] =	stream.linear.scatter [tilespmem:s14], [sflag:$0xB], $0x1A00, $0x38;
	[tilespmem:$0x12C00] =	vst v63  }
0xac: {  	s13 =	sor.u32 $0x3, s13;
	s7 =	simm.s32 @!p0 $0xF  }
0xad: {  	s15 =	smul.u32 $0x320, s13;
	_ =	swait.ge @!p0 [sflag:s7], $0x1A00  }
0xae: {  	[sflag:s7] =	ssyncset.done @!p0 $0x0  }
0xaf: {  	[sflag:s7] =	ssyncadd.s32 @!p0 $0xFFFFE600;
	s7 =	sshra.s32 s15, $0x2  }
0xb0: {  	[tilespmem:s21], [sflag:$0x7] =	stream.indirect.gather [hbm4b:s5+s9], $0x40, s7, s9, $0xb8;
	[tilespmem:$0x12C00] =	vst v63  }
0xb1: {  	_ =	swait.ge [sflag:s22], $0x1800  }
0xb2: {  	[sflag:s22] =	ssyncset.done $0x0  }
0xb3: {  	s10 =	simm.s32 $0xB080;
	[sflag:s22] =	ssyncadd.s32 $0xFFFFE800  }
0xb4: {  	v0 =	vld [tilespmem:s10+$0xFFFFFF80]  }
0xb5: {  	v1 =	vld [tilespmem:s10+$0xFFFFFF90]  }
0xb6: {  	v2 =	vld [tilespmem:s10+$0xFFFFFFA0]  }
0xb7: {  	v3 =	vld [tilespmem:s10+$0xFFFFFFB0]  }
0xb8: {  	v4 =	vld [tilespmem:s10+$0xFFFFFFC0]  }
0xb9: {  	v5 =	vld [tilespmem:s10+$0xFFFFFFD0];
	v0 =	vmul.f32 $8.000000000e+00, v0  }
0xba: {  	v6 =	vld [tilespmem:s10+$0xFFFFFFE0];
	v1 =	vmul.f32 $8.000000000e+00, v1  }
0xbb: {  	[tilespmem:s10+$0xFFFFFF80] =	vst v0;
	v0 =	vmul.f32 $8.000000000e+00, v2;
	v2 =	vld [tilespmem:s10+$0x0]  }
0xbc: {  	[tilespmem:s10+$0xFFFFFF90] =	vst v1;
	v1 =	vmul.f32 $8.000000000e+00, v3;
	v3 =	vld [tilespmem:s10+$0x10]  }
0xbd: {  	[tilespmem:s10+$0xFFFFFFA0] =	vst v0;
	v0 =	vmul.f32 $8.000000000e+00, v4;
	v4 =	vld [tilespmem:s10+$0x20]  }
0xbe: {  	v7 =	vld [tilespmem:s10+$0x30];
	[tilespmem:s10+$0xFFFFFFB0] =	vst v1;
	v1 =	vmul.f32 $8.000000000e+00, v5  }
0xbf: {  	v5 =	vmul.f32 $8.000000000e+00, v6;
	[tilespmem:s10+$0xFFFFFFC0] =	vst v0;
	v0 =	vld [tilespmem:s10+$0x40]  }
0xc0: {  	[tilespmem:s10+$0xFFFFFFD0] =	vst v1;
	v1 =	vmul.f32 $8.000000000e+00, v2;
	v2 =	vld [tilespmem:s10+$0x50]  }
0xc1: {  	[tilespmem:s10+$0xFFFFFFE0] =	vst v5;
	v6 =	vmul.f32 $8.000000000e+00, v3;
	v3 =	vld [tilespmem:s10+$0x60]  }
0xc2: {  	[tilespmem:s10+$0x0] =	vst v1;
	v5 =	vmul.f32 $8.000000000e+00, v4;
	v4 =	vld [tilespmem:s10+$0x70]  }
0xc3: {  	s12 =	simm.s32 $0x0;
	s14 =	simm.s32 $0xB180;
	v1 =	vld [tilespmem:s10+$0xFFFFFFF0];
	[tilespmem:s10+$0x10] =	vst v6;
	v6 =	vmul.f32 $8.000000000e+00, v7  }
.LBB2_9:
0xc4: {  	v7 =	vld [tilespmem:s14+$0xFFFFFF80];
	[tilespmem:s10+$0x20] =	vst v5;
	v0 =	vmul.f32 $8.000000000e+00, v0  }
0xc5: {  	v5 =	vld [tilespmem:s14+$0xFFFFFF90];
	[tilespmem:s10+$0x30] =	vst v6;
	v2 =	vmul.f32 $8.000000000e+00, v2  }
0xc6: {  	v6 =	vld [tilespmem:s14+$0xFFFFFFA0];
	[tilespmem:s10+$0x40] =	vst v0;
	v0 =	vmul.f32 $8.000000000e+00, v3  }
0xc7: {  	v3 =	vld [tilespmem:s14+$0xFFFFFFB0];
	[tilespmem:s10+$0x50] =	vst v2;
	v2 =	vmul.f32 $8.000000000e+00, v4  }
0xc8: {  	v4 =	vld [tilespmem:s14+$0xFFFFFFC0];
	v1 =	vmul.f32 $8.000000000e+00, v1;
	[tilespmem:s10+$0x60] =	vst v0  }
0xc9: {  	v0 =	vmul.f32 $8.000000000e+00, v7;
	v7 =	vld [tilespmem:s14+$0xFFFFFFD0];
	[tilespmem:s10+$0x70] =	vst v2  }
0xca: {  	v2 =	vmul.f32 $8.000000000e+00, v5;
	v5 =	vld [tilespmem:s14+$0xFFFFFFE0];
	[tilespmem:s10+$0xFFFFFFF0] =	vst v1;
	s10 =	smov.u32 s14  }
0xcb: {  	[tilespmem:s14+$0xFFFFFF80] =	vst v0;
	v0 =	vmul.f32 $8.000000000e+00, v6;
	v1 =	vld [tilespmem:s14+$0x0]  }
0xcc: {  	[tilespmem:s14+$0xFFFFFF90] =	vst v2;
	v2 =	vmul.f32 $8.000000000e+00, v3;
	v3 =	vld [tilespmem:s14+$0x10]  }
0xcd: {  	s12 =	sadd.s32 $0x4, s12;
	[tilespmem:s14+$0xFFFFFFA0] =	vst v0;
	v0 =	vmul.f32 $8.000000000e+00, v4;
	v4 =	vld [tilespmem:s14+$0x20]  }
0xce: {  	p1 =	slt.u32 s12, $0x5C;
	[tilespmem:s14+$0xFFFFFFB0] =	vst v2;
	v2 =	vmul.f32 $8.000000000e+00, v7;
	v6 =	vld [tilespmem:s14+$0x30]  }
.Ltmp3:
0xcf: {  	[tilespmem:s14+$0xFFFFFFC0] =	vst v0;
	v5 =	vmul.f32 $8.000000000e+00, v5;
	v0 =	vld [tilespmem:s14+$0x40];
	(pc) =	sbr.rel @p1 .LBB2_9-.Ltmp3, $4  }
0xd0: {  	[tilespmem:s14+$0xFFFFFFD0] =	vst v2;
	v1 =	vmul.f32 $8.000000000e+00, v1;
	v2 =	vld [tilespmem:s14+$0x50]  }
0xd1: {  	[tilespmem:s14+$0xFFFFFFE0] =	vst v5;
	v7 =	vmul.f32 $8.000000000e+00, v3;
	v3 =	vld [tilespmem:s14+$0x60]  }
0xd2: {  	[tilespmem:s14+$0x0] =	vst v1;
	v5 =	vmul.f32 $8.000000000e+00, v4;
	v4 =	vld [tilespmem:s14+$0x70]  }
0xd3: {  	s14 =	sadd.s32 $0x100, s14;
	v1 =	vld [tilespmem:s10+$0xFFFFFFF0];
	[tilespmem:s10+$0x10] =	vst v7;
	v6 =	vmul.f32 $8.000000000e+00, v6  }
0xd4: {  	[tilespmem:s10+$0x20] =	vst v5;
	v0 =	vmul.f32 $8.000000000e+00, v0  }
0xd5: {  	[tilespmem:s10+$0x30] =	vst v6;
	v2 =	vmul.f32 $8.000000000e+00, v2  }
0xd6: {  	s8 =	smul.u32 $0x3200, s8;
	[tilespmem:s10+$0x40] =	vst v0;
	v0 =	vmul.f32 $8.000000000e+00, v3  }
0xd7: {  	[tilespmem:s10+$0x50] =	vst v2;
	v2 =	vmul.f32 $8.000000000e+00, v4  }
0xd8: {  	s8 =	sshrl.u32 s8, $0x3;
	v1 =	vmul.f32 $8.000000000e+00, v1;
	[tilespmem:s10+$0x60] =	vst v0  }
0xd9: {  	s8 =	sadd.s32 s2, s8;
	[tilespmem:s10+$0x70] =	vst v2  }
0xda: {  	s14 =	simm.s32 $0xB000;
	s8 =	sadd.s32 $0x340, s8;
	[tilespmem:s10+$0xFFFFFFF0] =	vst v1  }
0xdb: {  	[hbm4b:s8+s4] =	stream.linear.scatter [tilespmem:s14], [sflag:$0xC], $0x1800, $0x38;
	[tilespmem:$0x12C00] =	vst v63  }
0xdc: {  	s8 =	simm.s32 @!p0 $0x10  }
0xdd: {  	_ =	swait.ge @!p0 [sflag:s8], $0x1800  }
0xde: {  	[sflag:s8] =	ssyncset.done @!p0 $0x0  }
0xdf: {  	s7 =	sadd.s32 $0x68, s7;
	[sflag:s8] =	ssyncadd.s32 @!p0 $0xFFFFE800  }
0xe0: {  	[tilespmem:s23], [sflag:$0x8] =	stream.indirect.gather [hbm4b:s5+s11], $0x40, s7, s11, $0xb8;
	[tilespmem:$0x12C00] =	vst v63  }
0xe1: {  	_ =	swait.ge [sflag:s24], $0x1A00  }
0xe2: {  	[sflag:s24] =	ssyncset.done $0x0  }
0xe3: {  	s7 =	simm.s32 $0xC880;
	[sflag:s24] =	ssyncadd.s32 $0xFFFFE600  }
0xe4: {  	v0 =	vld [tilespmem:s7+$0xFFFFFF80]  }
0xe5: {  	v1 =	vld [tilespmem:s7+$0xFFFFFF90]  }
0xe6: {  	v2 =	vld [tilespmem:s7+$0xFFFFFFA0]  }
0xe7: {  	v3 =	vld [tilespmem:s7+$0xFFFFFFB0]  }
0xe8: {  	v4 =	vld [tilespmem:s7+$0xFFFFFFC0]  }
0xe9: {  	v5 =	vld [tilespmem:s7+$0xFFFFFFD0];
	v0 =	vmul.f32 $8.000000000e+00, v0  }
0xea: {  	v6 =	vld [tilespmem:s7+$0xFFFFFFE0];
	v1 =	vmul.f32 $8.000000000e+00, v1  }
0xeb: {  	[tilespmem:s7+$0xFFFFFF80] =	vst v0;
	v0 =	vmul.f32 $8.000000000e+00, v2;
	v2 =	vld [tilespmem:s7+$0x0]  }
0xec: {  	[tilespmem:s7+$0xFFFFFF90] =	vst v1;
	v1 =	vmul.f32 $8.000000000e+00, v3;
	v3 =	vld [tilespmem:s7+$0x10]  }
0xed: {  	[tilespmem:s7+$0xFFFFFFA0] =	vst v0;
	v0 =	vmul.f32 $8.000000000e+00, v4;
	v4 =	vld [tilespmem:s7+$0x20]  }
0xee: {  	v7 =	vld [tilespmem:s7+$0x30];
	[tilespmem:s7+$0xFFFFFFB0] =	vst v1;
	v1 =	vmul.f32 $8.000000000e+00, v5  }
0xef: {  	v5 =	vmul.f32 $8.000000000e+00, v6;
	[tilespmem:s7+$0xFFFFFFC0] =	vst v0;
	v0 =	vld [tilespmem:s7+$0x40]  }
0xf0: {  	[tilespmem:s7+$0xFFFFFFD0] =	vst v1;
	v1 =	vmul.f32 $8.000000000e+00, v2;
	v2 =	vld [tilespmem:s7+$0x50]  }
0xf1: {  	[tilespmem:s7+$0xFFFFFFE0] =	vst v5;
	v6 =	vmul.f32 $8.000000000e+00, v3;
	v3 =	vld [tilespmem:s7+$0x60]  }
0xf2: {  	[tilespmem:s7+$0x0] =	vst v1;
	v5 =	vmul.f32 $8.000000000e+00, v4;
	v4 =	vld [tilespmem:s7+$0x70]  }
0xf3: {  	s10 =	simm.s32 $0xC980;
	s8 =	simm.s32 $0x0;
	v1 =	vld [tilespmem:s7+$0xFFFFFFF0];
	[tilespmem:s7+$0x10] =	vst v6;
	v6 =	vmul.f32 $8.000000000e+00, v7  }
.LBB2_11:
0xf4: {  	v7 =	vld [tilespmem:s10+$0xFFFFFF80];
	[tilespmem:s7+$0x20] =	vst v5;
	v0 =	vmul.f32 $8.000000000e+00, v0  }
0xf5: {  	v5 =	vld [tilespmem:s10+$0xFFFFFF90];
	[tilespmem:s7+$0x30] =	vst v6;
	v2 =	vmul.f32 $8.000000000e+00, v2  }
0xf6: {  	v6 =	vld [tilespmem:s10+$0xFFFFFFA0];
	[tilespmem:s7+$0x40] =	vst v0;
	v0 =	vmul.f32 $8.000000000e+00, v3  }
0xf7: {  	v3 =	vld [tilespmem:s10+$0xFFFFFFB0];
	[tilespmem:s7+$0x50] =	vst v2;
	v2 =	vmul.f32 $8.000000000e+00, v4  }
0xf8: {  	v4 =	vld [tilespmem:s10+$0xFFFFFFC0];
	v1 =	vmul.f32 $8.000000000e+00, v1;
	[tilespmem:s7+$0x60] =	vst v0  }
0xf9: {  	v0 =	vmul.f32 $8.000000000e+00, v7;
	v7 =	vld [tilespmem:s10+$0xFFFFFFD0];
	[tilespmem:s7+$0x70] =	vst v2  }
0xfa: {  	v2 =	vmul.f32 $8.000000000e+00, v5;
	v5 =	vld [tilespmem:s10+$0xFFFFFFE0];
	[tilespmem:s7+$0xFFFFFFF0] =	vst v1;
	s7 =	smov.u32 s10  }
0xfb: {  	[tilespmem:s10+$0xFFFFFF80] =	vst v0;
	v0 =	vmul.f32 $8.000000000e+00, v6;
	v1 =	vld [tilespmem:s10+$0x0]  }
0xfc: {  	[tilespmem:s10+$0xFFFFFF90] =	vst v2;
	v2 =	vmul.f32 $8.000000000e+00, v3;
	v3 =	vld [tilespmem:s10+$0x10]  }
0xfd: {  	s8 =	sadd.s32 $0x4, s8;
	[tilespmem:s10+$0xFFFFFFA0] =	vst v0;
	v0 =	vmul.f32 $8.000000000e+00, v4;
	v4 =	vld [tilespmem:s10+$0x20]  }
0xfe: {  	p0 =	slt.u32 s8, $0x64;
	[tilespmem:s10+$0xFFFFFFB0] =	vst v2;
	v2 =	vmul.f32 $8.000000000e+00, v7;
	v6 =	vld [tilespmem:s10+$0x30]  }
.Ltmp4:
0xff: {  	[tilespmem:s10+$0xFFFFFFC0] =	vst v0;
	v5 =	vmul.f32 $8.000000000e+00, v5;
	v0 =	vld [tilespmem:s10+$0x40];
	(pc) =	sbr.rel @p0 .LBB2_11-.Ltmp4, $4  }
0x100: {  	[tilespmem:s10+$0xFFFFFFD0] =	vst v2;
	v1 =	vmul.f32 $8.000000000e+00, v1;
	v2 =	vld [tilespmem:s10+$0x50]  }
0x101: {  	[tilespmem:s10+$0xFFFFFFE0] =	vst v5;
	v7 =	vmul.f32 $8.000000000e+00, v3;
	v3 =	vld [tilespmem:s10+$0x60]  }
0x102: {  	[tilespmem:s10+$0x0] =	vst v1;
	v5 =	vmul.f32 $8.000000000e+00, v4;
	v4 =	vld [tilespmem:s10+$0x70]  }
0x103: {  	s10 =	sadd.s32 $0x100, s10;
	v1 =	vld [tilespmem:s7+$0xFFFFFFF0];
	[tilespmem:s7+$0x10] =	vst v7;
	v6 =	vmul.f32 $8.000000000e+00, v6  }
0x104: {  	[tilespmem:s7+$0x20] =	vst v5;
	v0 =	vmul.f32 $8.000000000e+00, v0  }
0x105: {  	[tilespmem:s7+$0x30] =	vst v6;
	v2 =	vmul.f32 $8.000000000e+00, v2  }
0x106: {  	[tilespmem:s7+$0x40] =	vst v0;
	v0 =	vmul.f32 $8.000000000e+00, v3  }
0x107: {  	s6 =	sadd.s32 s3, s6;
	[tilespmem:s7+$0x50] =	vst v2;
	v2 =	vmul.f32 $8.000000000e+00, v4  }
0x108: {  	s8 =	smul.u32 $0x640, s6;
	v1 =	vmul.f32 $8.000000000e+00, v1;
	[tilespmem:s7+$0x60] =	vst v0  }
0x109: {  	[tilespmem:s7+$0x70] =	vst v2  }
0x10a: {  	p0 =	seq.s32 s1, $0x1F;
	s15 =	sadd.s32 s2, s8;
	[tilespmem:s7+$0xFFFFFFF0] =	vst v1;
	s7 =	sadd.s32 $0x8, s0  }
0x10b: {  	[hbm4b:s15+s4] =	stream.linear.scatter [tilespmem:s17], [sflag:$0xD], $0x1A00, $0x38;
	[tilespmem:$0x12C00] =	vst v63  }
0x10c: {  	s7 =	sshrl.u32 @!p0 s7, $0x1  }
0x10d: {  	_ =	swait.ge [sflag:s25], $0x1A00;
	s7 =	smul.u32 @!p0 $0x320, s7  }
0x10e: {  	s10 =	simm.s32 @!p0 $0x6400;
	[sflag:s25] =	ssyncset.done $0x0  }
0x10f: {  	s8 =	simm.s32 @!p0 $0x68;
	[sflag:s25] =	ssyncadd.s32 $0xFFFFE600;
	s7 =	sshra.s32 @!p0 s7, $0x2  }
0x110: {  	[tilespmem:s10], [sflag:$0x1] =	stream.indirect.gather @!p0 [hbm4b:s5+s8], $0x40, s7, s8, $0xb8;
	[tilespmem:$0x12C00] =	vst v63  }
0x111: {  	_ =	swait.ge [sflag:s26], $0x1800  }
0x112: {  	[sflag:s26] =	ssyncset.done $0x0  }
0x113: {  	s8 =	simm.s32 $0xE280;
	[sflag:s26] =	ssyncadd.s32 $0xFFFFE800  }
0x114: {  	v0 =	vld [tilespmem:s8+$0xFFFFFF80]  }
0x115: {  	v1 =	vld [tilespmem:s8+$0xFFFFFF90]  }
0x116: {  	v2 =	vld [tilespmem:s8+$0xFFFFFFA0]  }
0x117: {  	v3 =	vld [tilespmem:s8+$0xFFFFFFB0]  }
0x118: {  	v4 =	vld [tilespmem:s8+$0xFFFFFFC0]  }
0x119: {  	v5 =	vld [tilespmem:s8+$0xFFFFFFD0];
	v0 =	vmul.f32 $8.000000000e+00, v0  }
0x11a: {  	v6 =	vld [tilespmem:s8+$0xFFFFFFE0];
	v1 =	vmul.f32 $8.000000000e+00, v1  }
0x11b: {  	[tilespmem:s8+$0xFFFFFF80] =	vst v0;
	v0 =	vmul.f32 $8.000000000e+00, v2;
	v2 =	vld [tilespmem:s8+$0x0]  }
0x11c: {  	[tilespmem:s8+$0xFFFFFF90] =	vst v1;
	v1 =	vmul.f32 $8.000000000e+00, v3;
	v3 =	vld [tilespmem:s8+$0x10]  }
0x11d: {  	[tilespmem:s8+$0xFFFFFFA0] =	vst v0;
	v0 =	vmul.f32 $8.000000000e+00, v4;
	v4 =	vld [tilespmem:s8+$0x20]  }
0x11e: {  	v7 =	vld [tilespmem:s8+$0x30];
	[tilespmem:s8+$0xFFFFFFB0] =	vst v1;
	v1 =	vmul.f32 $8.000000000e+00, v5  }
0x11f: {  	v5 =	vmul.f32 $8.000000000e+00, v6;
	[tilespmem:s8+$0xFFFFFFC0] =	vst v0;
	v0 =	vld [tilespmem:s8+$0x40]  }
0x120: {  	[tilespmem:s8+$0xFFFFFFD0] =	vst v1;
	v1 =	vmul.f32 $8.000000000e+00, v2;
	v2 =	vld [tilespmem:s8+$0x50]  }
0x121: {  	[tilespmem:s8+$0xFFFFFFE0] =	vst v5;
	v6 =	vmul.f32 $8.000000000e+00, v3;
	v3 =	vld [tilespmem:s8+$0x60]  }
0x122: {  	[tilespmem:s8+$0x0] =	vst v1;
	v5 =	vmul.f32 $8.000000000e+00, v4;
	v4 =	vld [tilespmem:s8+$0x70]  }
0x123: {  	s12 =	simm.s32 $0xE380;
	s10 =	simm.s32 $0x0;
	v1 =	vld [tilespmem:s8+$0xFFFFFFF0];
	[tilespmem:s8+$0x10] =	vst v6;
	v6 =	vmul.f32 $8.000000000e+00, v7  }
.LBB2_13:
0x124: {  	v7 =	vld [tilespmem:s12+$0xFFFFFF80];
	[tilespmem:s8+$0x20] =	vst v5;
	v0 =	vmul.f32 $8.000000000e+00, v0  }
0x125: {  	v5 =	vld [tilespmem:s12+$0xFFFFFF90];
	[tilespmem:s8+$0x30] =	vst v6;
	v2 =	vmul.f32 $8.000000000e+00, v2  }
0x126: {  	v6 =	vld [tilespmem:s12+$0xFFFFFFA0];
	[tilespmem:s8+$0x40] =	vst v0;
	v0 =	vmul.f32 $8.000000000e+00, v3  }
0x127: {  	v3 =	vld [tilespmem:s12+$0xFFFFFFB0];
	[tilespmem:s8+$0x50] =	vst v2;
	v2 =	vmul.f32 $8.000000000e+00, v4  }
0x128: {  	v4 =	vld [tilespmem:s12+$0xFFFFFFC0];
	v1 =	vmul.f32 $8.000000000e+00, v1;
	[tilespmem:s8+$0x60] =	vst v0  }
0x129: {  	v0 =	vmul.f32 $8.000000000e+00, v7;
	v7 =	vld [tilespmem:s12+$0xFFFFFFD0];
	[tilespmem:s8+$0x70] =	vst v2  }
0x12a: {  	v2 =	vmul.f32 $8.000000000e+00, v5;
	v5 =	vld [tilespmem:s12+$0xFFFFFFE0];
	[tilespmem:s8+$0xFFFFFFF0] =	vst v1;
	s8 =	smov.u32 s12  }
0x12b: {  	[tilespmem:s12+$0xFFFFFF80] =	vst v0;
	v0 =	vmul.f32 $8.000000000e+00, v6;
	v1 =	vld [tilespmem:s12+$0x0]  }
0x12c: {  	[tilespmem:s12+$0xFFFFFF90] =	vst v2;
	v2 =	vmul.f32 $8.000000000e+00, v3;
	v3 =	vld [tilespmem:s12+$0x10]  }
0x12d: {  	s10 =	sadd.s32 $0x4, s10;
	[tilespmem:s12+$0xFFFFFFA0] =	vst v0;
	v0 =	vmul.f32 $8.000000000e+00, v4;
	v4 =	vld [tilespmem:s12+$0x20]  }
0x12e: {  	p1 =	slt.u32 s10, $0x5C;
	[tilespmem:s12+$0xFFFFFFB0] =	vst v2;
	v2 =	vmul.f32 $8.000000000e+00, v7;
	v6 =	vld [tilespmem:s12+$0x30]  }
.Ltmp5:
0x12f: {  	[tilespmem:s12+$0xFFFFFFC0] =	vst v0;
	v5 =	vmul.f32 $8.000000000e+00, v5;
	v0 =	vld [tilespmem:s12+$0x40];
	(pc) =	sbr.rel @p1 .LBB2_13-.Ltmp5, $4  }
0x130: {  	[tilespmem:s12+$0xFFFFFFD0] =	vst v2;
	v1 =	vmul.f32 $8.000000000e+00, v1;
	v2 =	vld [tilespmem:s12+$0x50]  }
0x131: {  	[tilespmem:s12+$0xFFFFFFE0] =	vst v5;
	v7 =	vmul.f32 $8.000000000e+00, v3;
	v3 =	vld [tilespmem:s12+$0x60]  }
0x132: {  	[tilespmem:s12+$0x0] =	vst v1;
	v5 =	vmul.f32 $8.000000000e+00, v4;
	v4 =	vld [tilespmem:s12+$0x70]  }
0x133: {  	s12 =	sadd.s32 $0x100, s12;
	v1 =	vld [tilespmem:s8+$0xFFFFFFF0];
	[tilespmem:s8+$0x10] =	vst v7;
	v6 =	vmul.f32 $8.000000000e+00, v6  }
0x134: {  	[tilespmem:s8+$0x20] =	vst v5;
	v0 =	vmul.f32 $8.000000000e+00, v0  }
0x135: {  	[tilespmem:s8+$0x30] =	vst v6;
	v2 =	vmul.f32 $8.000000000e+00, v2  }
0x136: {  	s6 =	smul.u32 $0x3200, s6;
	[tilespmem:s8+$0x40] =	vst v0;
	v0 =	vmul.f32 $8.000000000e+00, v3  }
0x137: {  	[tilespmem:s8+$0x50] =	vst v2;
	v2 =	vmul.f32 $8.000000000e+00, v4  }
0x138: {  	s6 =	sshrl.u32 s6, $0x3;
	v1 =	vmul.f32 $8.000000000e+00, v1;
	[tilespmem:s8+$0x60] =	vst v0  }
0x139: {  	s6 =	sadd.s32 s2, s6;
	[tilespmem:s8+$0x70] =	vst v2  }
0x13a: {  	s6 =	sadd.s32 $0x340, s6;
	[tilespmem:s8+$0xFFFFFFF0] =	vst v1  }
0x13b: {  	[hbm4b:s6+s4] =	stream.linear.scatter [tilespmem:s19], [sflag:$0xE], $0x1800, $0x38;
	[tilespmem:$0x12C00] =	vst v63  }
0x13c: {  	_ =	swait.ge [sflag:s28], $0x1800  }
0x13d: {  	s8 =	simm.s32 @!p0 $0x7E00;
	[sflag:s28] =	ssyncset.done $0x0  }
0x13e: {  	s6 =	sadd.s32 @!p0 $0x68, s7;
	s7 =	simm.s32 @!p0 $0x60;
	[sflag:s28] =	ssyncadd.s32 $0xFFFFE800  }
0x13f: {  	[tilespmem:s8], [sflag:$0x2] =	stream.indirect.gather @!p0 [hbm4b:s5+s7], $0x40, s6, s7, $0xb8;
	[tilespmem:$0x12C00] =	vst v63  }
0x140: {  	_ =	swait.ge [sflag:s29], $0x1A00  }
0x141: {  	[sflag:s29] =	ssyncset.done $0x0  }
0x142: {  	s7 =	simm.s32 $0xFA80;
	[sflag:s29] =	ssyncadd.s32 $0xFFFFE600  }
0x143: {  	v0 =	vld [tilespmem:s7+$0xFFFFFF80]  }
0x144: {  	v1 =	vld [tilespmem:s7+$0xFFFFFF90]  }
0x145: {  	v2 =	vld [tilespmem:s7+$0xFFFFFFA0]  }
0x146: {  	v3 =	vld [tilespmem:s7+$0xFFFFFFB0]  }
0x147: {  	v4 =	vld [tilespmem:s7+$0xFFFFFFC0]  }
0x148: {  	v5 =	vld [tilespmem:s7+$0xFFFFFFD0];
	v0 =	vmul.f32 $8.000000000e+00, v0  }
0x149: {  	v6 =	vld [tilespmem:s7+$0xFFFFFFE0];
	v1 =	vmul.f32 $8.000000000e+00, v1  }
0x14a: {  	[tilespmem:s7+$0xFFFFFF80] =	vst v0;
	v0 =	vmul.f32 $8.000000000e+00, v2;
	v2 =	vld [tilespmem:s7+$0x0]  }
0x14b: {  	[tilespmem:s7+$0xFFFFFF90] =	vst v1;
	v1 =	vmul.f32 $8.000000000e+00, v3;
	v3 =	vld [tilespmem:s7+$0x10]  }
0x14c: {  	[tilespmem:s7+$0xFFFFFFA0] =	vst v0;
	v0 =	vmul.f32 $8.000000000e+00, v4;
	v4 =	vld [tilespmem:s7+$0x20]  }
0x14d: {  	v7 =	vld [tilespmem:s7+$0x30];
	[tilespmem:s7+$0xFFFFFFB0] =	vst v1;
	v1 =	vmul.f32 $8.000000000e+00, v5  }
0x14e: {  	v5 =	vmul.f32 $8.000000000e+00, v6;
	[tilespmem:s7+$0xFFFFFFC0] =	vst v0;
	v0 =	vld [tilespmem:s7+$0x40]  }
0x14f: {  	[tilespmem:s7+$0xFFFFFFD0] =	vst v1;
	v1 =	vmul.f32 $8.000000000e+00, v2;
	v2 =	vld [tilespmem:s7+$0x50]  }
0x150: {  	[tilespmem:s7+$0xFFFFFFE0] =	vst v5;
	v6 =	vmul.f32 $8.000000000e+00, v3;
	v3 =	vld [tilespmem:s7+$0x60]  }
0x151: {  	[tilespmem:s7+$0x0] =	vst v1;
	v5 =	vmul.f32 $8.000000000e+00, v4;
	v4 =	vld [tilespmem:s7+$0x70]  }
0x152: {  	s6 =	simm.s32 $0x0;
	s8 =	simm.s32 $0xFB80;
	v1 =	vld [tilespmem:s7+$0xFFFFFFF0];
	[tilespmem:s7+$0x10] =	vst v6;
	v6 =	vmul.f32 $8.000000000e+00, v7  }
.LBB2_15:
0x153: {  	v7 =	vld [tilespmem:s8+$0xFFFFFF80];
	[tilespmem:s7+$0x20] =	vst v5;
	v0 =	vmul.f32 $8.000000000e+00, v0  }
0x154: {  	v5 =	vld [tilespmem:s8+$0xFFFFFF90];
	[tilespmem:s7+$0x30] =	vst v6;
	v2 =	vmul.f32 $8.000000000e+00, v2  }
0x155: {  	v6 =	vld [tilespmem:s8+$0xFFFFFFA0];
	[tilespmem:s7+$0x40] =	vst v0;
	v0 =	vmul.f32 $8.000000000e+00, v3  }
0x156: {  	v3 =	vld [tilespmem:s8+$0xFFFFFFB0];
	[tilespmem:s7+$0x50] =	vst v2;
	v2 =	vmul.f32 $8.000000000e+00, v4  }
0x157: {  	v4 =	vld [tilespmem:s8+$0xFFFFFFC0];
	v1 =	vmul.f32 $8.000000000e+00, v1;
	[tilespmem:s7+$0x60] =	vst v0  }
0x158: {  	v0 =	vmul.f32 $8.000000000e+00, v7;
	v7 =	vld [tilespmem:s8+$0xFFFFFFD0];
	[tilespmem:s7+$0x70] =	vst v2  }
0x159: {  	v2 =	vmul.f32 $8.000000000e+00, v5;
	v5 =	vld [tilespmem:s8+$0xFFFFFFE0];
	[tilespmem:s7+$0xFFFFFFF0] =	vst v1;
	s7 =	smov.u32 s8  }
0x15a: {  	[tilespmem:s8+$0xFFFFFF80] =	vst v0;
	v0 =	vmul.f32 $8.000000000e+00, v6;
	v1 =	vld [tilespmem:s8+$0x0]  }
0x15b: {  	[tilespmem:s8+$0xFFFFFF90] =	vst v2;
	v2 =	vmul.f32 $8.000000000e+00, v3;
	v3 =	vld [tilespmem:s8+$0x10]  }
0x15c: {  	s6 =	sadd.s32 $0x4, s6;
	[tilespmem:s8+$0xFFFFFFA0] =	vst v0;
	v0 =	vmul.f32 $8.000000000e+00, v4;
	v4 =	vld [tilespmem:s8+$0x20]  }
0x15d: {  	p1 =	slt.u32 s6, $0x64;
	[tilespmem:s8+$0xFFFFFFB0] =	vst v2;
	v2 =	vmul.f32 $8.000000000e+00, v7;
	v6 =	vld [tilespmem:s8+$0x30]  }
.Ltmp6:
0x15e: {  	[tilespmem:s8+$0xFFFFFFC0] =	vst v0;
	v5 =	vmul.f32 $8.000000000e+00, v5;
	v0 =	vld [tilespmem:s8+$0x40];
	(pc) =	sbr.rel @p1 .LBB2_15-.Ltmp6, $4  }
0x15f: {  	[tilespmem:s8+$0xFFFFFFD0] =	vst v2;
	v1 =	vmul.f32 $8.000000000e+00, v1;
	v2 =	vld [tilespmem:s8+$0x50]  }
0x160: {  	[tilespmem:s8+$0xFFFFFFE0] =	vst v5;
	v7 =	vmul.f32 $8.000000000e+00, v3;
	v3 =	vld [tilespmem:s8+$0x60]  }
0x161: {  	[tilespmem:s8+$0x0] =	vst v1;
	v5 =	vmul.f32 $8.000000000e+00, v4;
	v4 =	vld [tilespmem:s8+$0x70]  }
0x162: {  	s8 =	sadd.s32 $0x100, s8;
	v1 =	vld [tilespmem:s7+$0xFFFFFFF0];
	[tilespmem:s7+$0x10] =	vst v7;
	v6 =	vmul.f32 $8.000000000e+00, v6  }
0x163: {  	[tilespmem:s7+$0x20] =	vst v5;
	v0 =	vmul.f32 $8.000000000e+00, v0  }
0x164: {  	[tilespmem:s7+$0x30] =	vst v6;
	v2 =	vmul.f32 $8.000000000e+00, v2  }
0x165: {  	[tilespmem:s7+$0x40] =	vst v0;
	v0 =	vmul.f32 $8.000000000e+00, v3  }
0x166: {  	s6 =	sadd.s32 s3, s13;
	[tilespmem:s7+$0x50] =	vst v2;
	v2 =	vmul.f32 $8.000000000e+00, v4  }
0x167: {  	s8 =	smul.u32 $0x640, s6;
	v1 =	vmul.f32 $8.000000000e+00, v1;
	[tilespmem:s7+$0x60] =	vst v0  }
0x168: {  	s0 =	sadd.s32 @!p0 $0xA, s0;
	[tilespmem:s7+$0x70] =	vst v2  }
0x169: {  	s0 =	sshrl.u32 @!p0 s0, $0x1;
	s15 =	sadd.s32 s2, s8;
	[tilespmem:s7+$0xFFFFFFF0] =	vst v1  }
0x16a: {  	[hbm4b:s15+s4] =	stream.linear.scatter [tilespmem:s21], [sflag:$0xF], $0x1A00, $0x38;
	[tilespmem:$0x12C00] =	vst v63  }
0x16b: {  	s0 =	smul.u32 @!p0 $0x320, s0;
	_ =	swait.ge [sflag:s30], $0x1A00  }
0x16c: {  	s8 =	simm.s32 @!p0 $0x9600;
	[sflag:s30] =	ssyncset.done $0x0  }
0x16d: {  	s0 =	sshra.s32 @!p0 s0, $0x2;
	s7 =	simm.s32 @!p0 $0x68;
	[sflag:s30] =	ssyncadd.s32 $0xFFFFE600  }
0x16e: {  	[tilespmem:s8], [sflag:$0x3] =	stream.indirect.gather @!p0 [hbm4b:s5+s7], $0x40, s0, s7, $0xb8;
	[tilespmem:$0x12C00] =	vst v63  }
0x16f: {  	_ =	swait.ge [sflag:s31], $0x1800  }
0x170: {  	[sflag:s31] =	ssyncset.done $0x0  }
0x171: {  	s0 =	simm.s32 $0x11480;
	[sflag:s31] =	ssyncadd.s32 $0xFFFFE800  }
0x172: {  	v0 =	vld [tilespmem:s0+$0xFFFFFF80]  }
0x173: {  	v1 =	vld [tilespmem:s0+$0xFFFFFF90]  }
0x174: {  	v2 =	vld [tilespmem:s0+$0xFFFFFFA0]  }
0x175: {  	v3 =	vld [tilespmem:s0+$0xFFFFFFB0]  }
0x176: {  	v4 =	vld [tilespmem:s0+$0xFFFFFFC0]  }
0x177: {  	v5 =	vld [tilespmem:s0+$0xFFFFFFD0];
	v0 =	vmul.f32 $8.000000000e+00, v0  }
0x178: {  	v6 =	vld [tilespmem:s0+$0xFFFFFFE0];
	v1 =	vmul.f32 $8.000000000e+00, v1  }
0x179: {  	[tilespmem:s0+$0xFFFFFF80] =	vst v0;
	v0 =	vmul.f32 $8.000000000e+00, v2;
	v2 =	vld [tilespmem:s0+$0x0]  }
0x17a: {  	[tilespmem:s0+$0xFFFFFF90] =	vst v1;
	v1 =	vmul.f32 $8.000000000e+00, v3;
	v3 =	vld [tilespmem:s0+$0x10]  }
0x17b: {  	[tilespmem:s0+$0xFFFFFFA0] =	vst v0;
	v0 =	vmul.f32 $8.000000000e+00, v4;
	v4 =	vld [tilespmem:s0+$0x20]  }
0x17c: {  	v7 =	vld [tilespmem:s0+$0x30];
	[tilespmem:s0+$0xFFFFFFB0] =	vst v1;
	v1 =	vmul.f32 $8.000000000e+00, v5  }
0x17d: {  	v5 =	vmul.f32 $8.000000000e+00, v6;
	[tilespmem:s0+$0xFFFFFFC0] =	vst v0;
	v0 =	vld [tilespmem:s0+$0x40]  }
0x17e: {  	[tilespmem:s0+$0xFFFFFFD0] =	vst v1;
	v1 =	vmul.f32 $8.000000000e+00, v2;
	v2 =	vld [tilespmem:s0+$0x50]  }
0x17f: {  	[tilespmem:s0+$0xFFFFFFE0] =	vst v5;
	v6 =	vmul.f32 $8.000000000e+00, v3;
	v3 =	vld [tilespmem:s0+$0x60]  }
0x180: {  	[tilespmem:s0+$0x0] =	vst v1;
	v5 =	vmul.f32 $8.000000000e+00, v4;
	v4 =	vld [tilespmem:s0+$0x70]  }
0x181: {  	s7 =	simm.s32 $0x0;
	s8 =	simm.s32 $0x11580;
	v1 =	vld [tilespmem:s0+$0xFFFFFFF0];
	[tilespmem:s0+$0x10] =	vst v6;
	v6 =	vmul.f32 $8.000000000e+00, v7  }
.LBB2_17:
0x182: {  	v7 =	vld [tilespmem:s8+$0xFFFFFF80];
	[tilespmem:s0+$0x20] =	vst v5;
	v0 =	vmul.f32 $8.000000000e+00, v0  }
0x183: {  	v5 =	vld [tilespmem:s8+$0xFFFFFF90];
	[tilespmem:s0+$0x30] =	vst v6;
	v2 =	vmul.f32 $8.000000000e+00, v2  }
0x184: {  	v6 =	vld [tilespmem:s8+$0xFFFFFFA0];
	[tilespmem:s0+$0x40] =	vst v0;
	v0 =	vmul.f32 $8.000000000e+00, v3  }
0x185: {  	v3 =	vld [tilespmem:s8+$0xFFFFFFB0];
	[tilespmem:s0+$0x50] =	vst v2;
	v2 =	vmul.f32 $8.000000000e+00, v4  }
0x186: {  	v4 =	vld [tilespmem:s8+$0xFFFFFFC0];
	v1 =	vmul.f32 $8.000000000e+00, v1;
	[tilespmem:s0+$0x60] =	vst v0  }
0x187: {  	v0 =	vmul.f32 $8.000000000e+00, v7;
	v7 =	vld [tilespmem:s8+$0xFFFFFFD0];
	[tilespmem:s0+$0x70] =	vst v2  }
0x188: {  	v2 =	vmul.f32 $8.000000000e+00, v5;
	v5 =	vld [tilespmem:s8+$0xFFFFFFE0];
	[tilespmem:s0+$0xFFFFFFF0] =	vst v1;
	s0 =	smov.u32 s8  }
0x189: {  	[tilespmem:s8+$0xFFFFFF80] =	vst v0;
	v0 =	vmul.f32 $8.000000000e+00, v6;
	v1 =	vld [tilespmem:s8+$0x0]  }
0x18a: {  	[tilespmem:s8+$0xFFFFFF90] =	vst v2;
	v2 =	vmul.f32 $8.000000000e+00, v3;
	v3 =	vld [tilespmem:s8+$0x10]  }
0x18b: {  	s7 =	sadd.s32 $0x4, s7;
	[tilespmem:s8+$0xFFFFFFA0] =	vst v0;
	v0 =	vmul.f32 $8.000000000e+00, v4;
	v4 =	vld [tilespmem:s8+$0x20]  }
0x18c: {  	p0 =	slt.u32 s7, $0x5C;
	[tilespmem:s8+$0xFFFFFFB0] =	vst v2;
	v2 =	vmul.f32 $8.000000000e+00, v7;
	v6 =	vld [tilespmem:s8+$0x30]  }
.Ltmp7:
0x18d: {  	[tilespmem:s8+$0xFFFFFFC0] =	vst v0;
	v5 =	vmul.f32 $8.000000000e+00, v5;
	v0 =	vld [tilespmem:s8+$0x40];
	(pc) =	sbr.rel @p0 .LBB2_17-.Ltmp7, $4  }
0x18e: {  	[tilespmem:s8+$0xFFFFFFD0] =	vst v2;
	v1 =	vmul.f32 $8.000000000e+00, v1;
	v2 =	vld [tilespmem:s8+$0x50]  }
0x18f: {  	[tilespmem:s8+$0xFFFFFFE0] =	vst v5;
	v7 =	vmul.f32 $8.000000000e+00, v3;
	v3 =	vld [tilespmem:s8+$0x60]  }
0x190: {  	[tilespmem:s8+$0x0] =	vst v1;
	v5 =	vmul.f32 $8.000000000e+00, v4;
	v4 =	vld [tilespmem:s8+$0x70]  }
0x191: {  	s8 =	sadd.s32 $0x100, s8;
	v1 =	vld [tilespmem:s0+$0xFFFFFFF0];
	[tilespmem:s0+$0x10] =	vst v7;
	v6 =	vmul.f32 $8.000000000e+00, v6  }
0x192: {  	[tilespmem:s0+$0x20] =	vst v5;
	v0 =	vmul.f32 $8.000000000e+00, v0  }
0x193: {  	s1 =	sadd.s32 $0x1, s1;
	[tilespmem:s0+$0x30] =	vst v6;
	v2 =	vmul.f32 $8.000000000e+00, v2  }
0x194: {  	s6 =	smul.u32 $0x3200, s6;
	p0 =	sne.s32 s1, $0x20;
	[tilespmem:s0+$0x40] =	vst v0;
	v62 =	vmul.f32 $8.000000000e+00, v3  }
.Ltmp8:
0x195: {  	[tilespmem:s0+$0x50] =	vst v2;
	v63 =	vmul.f32 $8.000000000e+00, v4;
	(pc) =	sbr.rel @p0 .LBB2_2-.Ltmp8, $4  }
0x196: {  	s6 =	sshrl.u32 s6, $0x3;
	v1 =	vmul.f32 $8.000000000e+00, v1;
	[tilespmem:s0+$0x60] =	vst v62  }
0x197: {  	s6 =	sadd.s32 s2, s6;
	[tilespmem:s0+$0x70] =	vst v63  }
0x198: {  	s15 =	sadd.s32 $0x340, s6;
	[tilespmem:s0+$0xFFFFFFF0] =	vst v1  }
0x199: {  	[hbm4b:s15+s4] =	stream.linear.scatter [tilespmem:s23], [sflag:$0x10], $0x1800, $0x38;
	[tilespmem:$0x12C00] =	vst v63  }
0x19a: {  	s0 =	simm.s32 $0xC  }
0x19b: {  	_ =	swait.ge [sflag:s0], $0x1800  }
0x19c: {  	[sflag:s0] =	ssyncset.done $0x0  }
0x19d: {  	s10 =	simm.s32 $0xD;
	[sflag:s0] =	ssyncadd.s32 $0xFFFFE800  }
0x19e: {  	_ =	swait.ge [sflag:s10], $0x1A00  }
0x19f: {  	[sflag:s10] =	ssyncset.done $0x0  }
0x1a0: {  	s12 =	simm.s32 $0xE;
	[sflag:s10] =	ssyncadd.s32 $0xFFFFE600  }
0x1a1: {  	_ =	swait.ge [sflag:s12], $0x1800  }
0x1a2: {  	[sflag:s12] =	ssyncset.done $0x0  }
0x1a3: {  	s13 =	simm.s32 $0xF;
	[sflag:s12] =	ssyncadd.s32 $0xFFFFE800  }
0x1a4: {  	_ =	swait.ge [sflag:s13], $0x1A00  }
0x1a5: {  	[sflag:s13] =	ssyncset.done $0x0  }
0x1a6: {  	s1 =	simm.s32 $0x10;
	[sflag:s13] =	ssyncadd.s32 $0xFFFFE600  }
0x1a7: {  	_ =	swait.ge [sflag:s1], $0x1800  }
0x1a8: {  	s6 =	rddreg [dreg:$0x5]  }
0x1a9: {  	s15 =	rddreg [dreg:$0x4];
	s6 =	sadd.s32 $0x1, s6  }
0x1aa: {  	p0 =	sne.s32 s6, s15  }
.Ltmp9:
0x1ab: {  	_ = 	snop;
	(pc) =	sbr.rel @p0 .LBB2_1-.Ltmp9, $3  }
0x1ac: {  	_ =	sdelay $0x1  }
0x1ad: {  	[sflag:s1] =	ssyncset.done $0x0  }
0x1ae: {  	[sflag:s1] =	ssyncadd.s32 $0xFFFFE800  }
0x1af: {  	_ =	sfence.sel $0x180000  }
0x1b0: {  	[bflag:$0x0] =	sbarrier.arrive $0xFFFF  }
0x1b1: {  	_ =	strace $0x90000047  }
0x1b2: {  	s0 =	stileid.u32;
	[bflag:$0x2] =	sbarrier.arrive $0xFFFF  }
0x1b3: {  	p0 =	sne.s32 s0, $0x0;
	s0 =	rddreg [dreg:$0x2]  }
0x1b4: {  	s0 =	sadd.s32 @!p0 $0x100000, s0  }
0x1b5: {  	[sflag:s0] =	ssyncadd.tile.s32 @!p0 $0x1;
	_ =	shalt  }
.Lfunc_end2:
_tile_overlayer_lowered:
.L_overlay_start_2:
0x1b6: {  	(tag) =	ssettag $0x2  }
0x1b7: {  	s0 =	rddreg [dreg:$0x0];
	s2 =	stileid.u32  }
0x1b8: {  	s1 =	rddreg [dreg:$0x1];
	p0 =	sne.s32 s2, $0x0  }
0x1b9: {  	s3 =	rddreg [dreg:$0x2];
	[bflag:$0x3] =	sbarrier.arrive $0xFFFF;
	s2 =	simm.s32 @!p0 $0x1C11  }
0x1ba: {  	[timem:s3], [sflag:s2] =	dma.local @!p0 [hbm:s0], s1  }
0x1bb: {  	s0 =	simm.s32 @!p0 $0x11  }
0x1bc: {  	_ =	swait.ge @!p0 [sflag:s0], s1  }
0x1bd: {  	s1 =	ssub.s32 @!p0 $0x0, s1;
	[sflag:s0] =	ssyncset.done @!p0 $0x0  }
0x1be: {  	[sflag:s0] =	ssyncadd.s32 @!p0 s1  }
0x1bf: {  	[bflag:$0x3] =	sbarrier.arrive $0xFFFF  }
0x1c0: {  	_ =	shalt  }

// kernel: sparse-core-data-format-call.cloned.1.call-start
scs
called_computation_lowered:
.L_overlay_start_0:
0x0: {  	s2 =	sld [smem:$0x3FD9]  }
0x1: {  	s3 =	sld [smem:$0x3FFE];
	_ =	sdelay $0x1  }
0x2: {  	s1 =	srdreg.scid  }
0x3: {  	s0 =	sand.u32 $0x1, s1  }
0x4: {  	s18 =	sshll.u32 s0, $0xA;
	s2 =	sadd.s32 s3, s2  }
0x5: {  	s2 =	sadd.s32 s2, s18  }
0x6: {  	[smem:$0x3FC6] =	sst s2  }
0x7: {  	_ = 	snop  }
0x8: {  	s2 =	sld [smem:$0x3FD0];
	(tm) =	ssettm $0x1  }
0x9: {  	s19 =	sld [smem:$0x3FFB];
	_ =	sdelay $0x3  }
0xa: {  	_ =	strace s19  }
0xb: {  	s3 =	sld [smem:$0x3FFC];
	_ =	sdelay $0x3  }
0xc: {  	_ =	strace s3  }
0xd: {  	s3 =	sld [smem:$0x3FFD];
	_ =	sdelay $0x3  }
0xe: {  	_ =	strace s3  }
0xf: {  	_ =	strace $0x8FFFFFFF  }
0x10: {  	s20 =	sld [smem:$0x3FDB];
	_ =	sdelay $0x1  }
0x11: {  	s4 =	simm.s32 $_scs_section_size  }
0x12: {  	s5 =	simm.s32 $_size__tile_overlayer_lowered;
	s6 =	simm.s32 $_tile_overlayer_lowered  }
0x13: {  	s23 =	simm.s32 $0x1BFF;
	s22 =	sshll.u32 s6, $0x1;
	s3 =	sadd.s32 s4, s20  }
0x14: {  	s7 =	simm.s32 $0x0;
	s21 =	sshll.u32 s5, $0x1;
	s5 =	sadd.s32 s22, s3  }
0x15: {  	[timem:s7], [sflag:s23] =	dma.local [hbm:s5], s21  }
0x16: {  	_ =	swait.ge [sflag:s23], s21  }
0x17: {  	s4 =	ssub.s32 $0x0, s21;
	[sflag:s23] =	ssyncset.done $0x0  }
0x18: {  	[sflag:s23] =	ssyncadd.s32 s4;
	_ =	sdelay $0x1  }
0x19: {  	s24 =	simm.s32 $0x1B8B  }
0x1a: {  	_ =	swait.ge [sflag:s24], $0x1  }
0x1b: {  	[sflag:s24] =	ssyncset.done $0x0  }
0x1c: {  	s26 =	simm.s32 $0x1B8E;
	s25 =	sld [smem:$0x3FFE];
	[sflag:s24] =	ssyncadd.s32 $0xFFFFFFFF  }
0x1d: {  	s27 =	simm.s32 $execute0_lowered;
	[smem:$0x3FD2] =	sst s26  }
0x1e: {  	s5 =	sshll.u32 s27, $0x1;
	_ =	strace $0x80000049;
	[dreg:$0x1] =	wrdreg $0xFFFFFFFF  }
0x1f: {  	s28 =	simm.s32 $_size_execute0_lowered;
	s3 =	sadd.s32 s3, s5;
	[dreg:$0x0] =	wrdreg $0x0  }
0x20: {  	s5 =	sshll.u32 s28, $0x1;
	[dreg:$0x2] =	wrdreg s3  }
0x21: {  	[dreg:$0x3] =	wrdreg s5  }
0x22: {  	[dreg:$0x4] =	wrdreg $0xC0  }
0x23: {  	_ =	task [dreg:s7], $0x5FFFF  }
0x24: {  	[dreg:$0x1] =	wrdreg $0xFFFFFFFF  }
0x25: {  	[dreg:$0x0] =	wrdreg $0x60  }
0x26: {  	[dreg:$0x2] =	wrdreg s25  }
0x27: {  	[dreg:$0x3] =	wrdreg s2  }
0x28: {  	[dreg:$0x4] =	wrdreg $0x9  }
0x29: {  	_ =	task.clear_ibuf [dreg:s7], $0x5FFFF;
	_ =	strace $0x90000049  }
0x2a: {  	s29 =	simm.s32 $0x9;
	_ =	strace $0x8000004B  }
0x2b: {  	_ =	swait.ge [sflag:s29], $0x1  }
0x2c: {  	[sflag:s29] =	ssyncadd.s32 $0xFFFFFFFF  }
0x2d: {  	_ =	strace $0x9000004B  }
0x2e: {  	_ =	sfence  }
0x2f: {  	s30 =	sld [smem:$0x0];
	_ =	sdelay $0x2  }
0x30: {  	s31 =	sshll.u32 s1, $0xD;
	s1 =	sshrl.u32 s1, $0x2  }
0x31: {  	s3 =	sand.u32 $0x4000, s31;
	s1 =	sadd.s32 s1, s30  }
0x32: {  	s0 =	sor.u32 s3, s0;
	s1 =	sshll.u32 s1, $0x11  }
0x33: {  	s0 =	sor.u32 s1, s0  }
0x34: {  	s0 =	sadd.s32 $0x8F2B, s0  }
0x35: {  	[sflag:s0] =	ssyncadd.remote.s32 $0x1  }
0x36: {  	_ =	sfence.sel $0xFFFF  }
0x37: {  	[dreg:$0x0] =	wrdreg $0xFFFFFFFF;
	(pc) =	sbr.abs _section_cstart, $3  }
0x38: {  	[dreg:$0x1] =	wrdreg $0xFFFFFFFF  }
0x39: {  	_ =	task.clear_ibuf [dreg:s7], $0x2FFFF;
	_ =	strace $0x9FFFFFFF  }
0x3a: {  	(tm) =	ssettm $0x7FFFFFFF  }
0x3b: {  	_ =	shalt  }
tec
execute0_lowered:
.L_overlay_start_1:
0x0: {  	(tag) =	ssettag $0x1  }
0x1: {  	s0 =	srdreg.scid  }
0x2: {  	s1 =	sshll.u32 s0, $0x4  }
0x3: {  	s0 =	stileid.u32;
	s1 =	sand.u32 $0x10, s1  }
0x4: {  	s1 =	sor.u32 s0, s1  }
0x5: {  	s6 =	rddreg [dreg:$0x0];
	s4 =	simm.s32 $0x1;
	s2 =	sshll.u32 s1, $0x7  }
0x6: {  	s7 =	simm.s32 $0x2;
	s12 =	simm.s32 $0x0;
	s1 =	ssub.s32 $0x1000, s2  }
0x7: {  	s8 =	simm.s32 $0x8000;
	s13 =	simm.s32 $0x0;
	s3 =	sand.u32 $0xF80, s1  }
0x8: {  	s9 =	simm.s32 $0x0;
	s5 =	sshrl.u32 s1, $0xC;
	p0 =	sne.s32 s3, $0x0  }
.Ltmp0:
0x9: {  	s1 =	rddreg [dreg:$0x2];
	s4 =	simm.s32 @!p0 $0x0;
	(pc) =	sbr.rel .LBB1_1-.Ltmp0, $4  }
0xa: {  	s11 =	simm.s32 $0x0;
	s3 =	rddreg [dreg:$0x1];
	s5 =	sadd.s32 s4, s5  }
0xb: {  	_ =	strace $0x8000004A;
	s4 =	simm.s32 $0x1;
	s5 =	smul.u32 $0xC8, s5  }
0xc: {  	s6 =	sadd.s32 $0xA00, s6;
	s10 =	smov.u32 s2;
	[sflag:s4] =	ssyncpa.u1 $0x0  }
0xd: {  	p0 =	por $0x0, $0x0;
	[sflag:s7] =	ssyncpa.u1 $0x0;
	s7 =	sor.u32 $0x1, s5  }
.LBB1_4:
0xe: {  	s16 =	sshll.u32 s13, $0x3;
	s17 =	sand.u32 $0x78, s13  }
0xf: {  	s30 =	sand.u32 $0x7E00, s13;
	s12 =	sshll.u32 s12, $0xF;
	s16 =	sand.u32 $0xC00, s16  }
0x10: {  	[tilespmem:s15+$0x810 ss:$0x81] =	vst.msk $0xffff, v2;
	s31 =	sand.u32 $0x7, s13;
	s16 =	sor.u32 s17, s16;
	s17 =	sadd.s32 s3, s30  }
0x11: {  	[tilespmem:s15+$0x1020 ss:$0x81] =	vst.msk $0xffff, v0;
	s13 =	sshll.u32 s31, $0x12;
	s12 =	sadd.s32 s12, s17;
	s16 =	sshrl.u32 s16, $0x3  }
0x12: {  	[tilespmem:s15+$0x0 ss:$0x81] =	vst.msk $0xffff, v1;
	s13 =	sor.u32 $0x400, s13;
	s12 =	sadd.s32 s16, s12  }
0x13: {  	[hbm4b:s12+s13] =	stream.strided.scatter [tilespmem:s14], [sflag:$0x2], $0x2000, s8, s13, $0x20;
	[tilespmem:$0x8080] =	vst v63  }
.LBB1_5:
0x14: {  	s14 =	sadd.s32 $0x1, s9  }
0x15: {  	s12 =	sadd.s32 $0x1000, s10;
	s16 =	smov.u32 s10;
	p2 =	sgt.s32 s14, $0xC7  }
0x16: {  	s16 =	smov.u32 @p2 s12  }
0x17: {  	s14 =	simm.s32 @p2 $0x0;
	p2 =	sgt.s32 s16, $0xFFF  }
0x18: {  	s16 =	smov.u32 @p2 s2;
	p2 =	sne.s32 s11, s7  }
.Ltmp1:
0x19: {  	p1 =	slt.u32 s11, $0x2;
	(pc) =	sbr.rel @!p2 .LBB1_6-.Ltmp1, $4  }
0x1a: {  	s15 =	simm.s32 @!p1 $0x2  }
0x1b: {  	s13 =	smov.u32 s10;
	p0 =	por !p0, !p0;
	_ =	swait.ge @!p1 [sflag:s15], $0x2000  }
0x1c: {  	s12 =	smov.u32 s9;
	[sflag:s15] =	ssyncset.done @!p1 $0x0;
	s9 =	smov.u32 s14  }
0x1d: {  	s11 =	sadd.s32 $0x1, s11;
	[sflag:s15] =	ssyncadd.s32 @!p1 $0xFFFFE000;
	s10 =	smov.u32 s16  }
.LBB1_1:
0x1e: {  	p1 =	sge.u32 s11, s5  }
0x1f: {  	s14 =	sand.u32 @!p1 $0x1FFFFFF, s9  }
0x20: {  	s15 =	smulhi.u32 @!p1 $0x147AE15, s14;
	_ =	sdelay $0x1  }
0x21: {  	s15 =	smul.u32 @!p1 $0xC8, s15  }
0x22: {  	s16 =	sxor.u32 @!p1 $0xFFFFFFFF, s11;
	s17 =	smul.u32 @!p1 $0xC80, s10  }
0x23: {  	s31 =	sadd.s32 $0xFFFFFFFF, s11;
	s16 =	sshll.u32 @!p1 s16, $0xD;
	s14 =	ssub.s32 @!p1 s14, s15  }
0x24: {  	s15 =	sand.u32 @!p1 $0x2000, s16;
	s16 =	sadd.s32 @!p1 s6, s17;
	s14 =	sshll.u32 @!p1 s14, $0x4  }
0x25: {  	s17 =	simm.s32 @!p1 $0x6400;
	s14 =	sadd.s32 @!p1 s14, s16;
	s16 =	simm.s32 @!p1 $0x40  }
0x26: {  	[tilespmem:s15], [sflag:$0x1] =	stream.strided.gather @!p1 [hbm4b:s14+s16], $0x2000, s17, s16, $0x38;
	[tilespmem:$0x8080] =	vst v63  }
0x27: {  	p1 =	sge.u32 s31, s5  }
.Ltmp2:
0x28: {  	_ = 	snop;
	(pc) =	sbr.rel @p1 .LBB1_5-.Ltmp2, $1  }
0x29: {  	_ =	sdelay $0x3  }
0x2a: {  	s14 =	simm.s32 $0x1  }
0x2b: {  	_ =	swait.ge [sflag:s4], $0x2000;
	s14 =	simm.s32 @!p0 $0x0  }
0x2c: {  	[sflag:s4] =	ssyncset.done $0x0;
	s15 =	sshll.u32 s14, $0xD  }
0x2d: {  	[sflag:s4] =	ssyncadd.s32 $0xFFFFE000;
	s18 =	sor.u32 $0x20, s15  }
0x2e: {  	s14 =	smul.u32 $0x8100, s14;
	v3 =	vld [tilespmem:s18+$0x10]  }
0x2f: {  	s30 =	sand.u32 $0x1, s11;
	v2 =	vld [tilespmem:s18+$0xFFFFFFF0]  }
0x30: {  	s15 =	smul.u32 $0x8100, s30;
	s14 =	sshrl.u32 s14, $0x2;
	v0 =	vld [tilespmem:s18+$0x0]  }
0x31: {  	v1 =	vld [tilespmem:s18+$0xFFFFFFE0];
	s16 =	sor.u32 $0x4000, s14  }
0x32: {  	s31 =	sshrl.u32 s15, $0x2;
	s15 =	sadd.s32 $0x0, s16  }
0x33: {  	s17 =	simm.s32 $0x4;
	s18 =	sadd.s32 $0x40, s18;
	s14 =	sor.u32 $0x4000, s31;
	[tilespmem:s15+$0x1830 ss:$0x81] =	vst.msk $0xffff, v3  }
.LBB1_3:
0x34: {  	v3 =	vld [tilespmem:s18+$0x10];
	p1 =	sne.s32 s17, $0x1FC;
	[tilespmem:s15+$0x810 ss:$0x81] =	vst.msk $0xffff, v2;
	s19 =	smov.u32 s17;
	s17 =	sadd.s32 $0x4, s17  }
.Ltmp3:
0x35: {  	v2 =	vld [tilespmem:s18+$0xFFFFFFF0];
	[tilespmem:s15+$0x1020 ss:$0x81] =	vst.msk $0xffff, v0;
	(pc) =	sbr.rel @p1 .LBB1_3-.Ltmp3, $4  }
0x36: {  	v0 =	vld [tilespmem:s18+$0x0];
	[tilespmem:s15+$0x0 ss:$0x81] =	vst.msk $0xffff, v1  }
0x37: {  	s15 =	sshra.s32 s19, $0x2;
	v1 =	vld [tilespmem:s18+$0xFFFFFFE0]  }
0x38: {  	s15 =	sadd.s32 s15, s16  }
0x39: {  	s18 =	sadd.s32 $0x40, s18;
	[tilespmem:s15+$0x1830 ss:$0x81] =	vst.msk $0xffff, v3  }
.Ltmp4:
0x3a: {  	_ = 	snop;
	(pc) =	sbr.rel .LBB1_4-.Ltmp4, $1  }
0x3b: {  	_ =	sdelay $0x3  }
.LBB1_6:
0x3c: {  	_ =	sfence.sel $0x180000  }
0x3d: {  	s2 =	simm.s32 $0x1;
	[bflag:$0x0] =	sbarrier.arrive $0xFFFF  }
0x3e: {  	s31 =	simm.s32 $0x2;
	[sflag:s2] =	ssyncpa.u1 $0x1  }
0x3f: {  	[sflag:s31] =	ssyncpa.u1 $0x1  }
0x40: {  	p0 =	sne.s32 s0, $0x0;
	_ =	strace $0x9000004A  }
0x41: {  	s0 =	sadd.s32 @!p0 $0x100000, s1;
	[bflag:$0x2] =	sbarrier.arrive $0xFFFF  }
0x42: {  	[sflag:s0] =	ssyncadd.tile.s32 @!p0 $0x1;
	_ =	shalt  }
.Lfunc_end1:
_tile_overlayer_lowered:
.L_overlay_start_2:
0x43: {  	(tag) =	ssettag $0x2  }
0x44: {  	s0 =	rddreg [dreg:$0x0];
	s2 =	stileid.u32  }
0x45: {  	s1 =	rddreg [dreg:$0x1];
	p0 =	sne.s32 s2, $0x0  }
0x46: {  	s3 =	rddreg [dreg:$0x2];
	[bflag:$0x3] =	sbarrier.arrive $0xFFFF;
	s2 =	simm.s32 @!p0 $0x1C01  }
0x47: {  	[timem:s3], [sflag:s2] =	dma.local @!p0 [hbm:s0], s1  }
0x48: {  	s0 =	simm.s32 @!p0 $0x1  }
0x49: {  	_ =	swait.ge @!p0 [sflag:s0], s1  }
0x4a: {  	s1 =	ssub.s32 @!p0 $0x0, s1;
	[sflag:s0] =	ssyncset.done @!p0 $0x0  }
0x4b: {  	[sflag:s0] =	ssyncadd.s32 @!p0 s1  }
0x4c: {  	[bflag:$0x3] =	sbarrier.arrive $0xFFFF  }
0x4d: {  	_ =	shalt  }

</sc_bundles>
